<compile_context>
chip_gen: v7x
topology: tpu7x:2x2x1
jax: 0.10.2.dev20260603
libtpu: 0.0.44.dev20260713+nightly
codegen_flags: <defaults>
</compile_context>

<pallas_src>
import functools

import jax
import jax.numpy as jnp
from jax import lax
from jax.experimental import pallas as pl
from jax.experimental.pallas import tpu as pltpu
from jax.experimental.pallas import tpu_sc as plsc

N = 10000
E = 320000
DN = 128
DE = 16
HID = 128
NC = 2
NS = 16
NW = NC * NS
NPT = 624

CH1 = 80
NCH1 = (E // NW) // CH1
CH = 128
NCHF = 78
SPT = NCHF * CH
EXTRA0 = NW * SPT
NEX = (E - EXTRA0) // CH
NLO = N // CH
LOTAIL = N - NLO * CH

_mesh = plsc.VectorSubcoreMesh(core_axis_name="c", subcore_axis_name="s")
_f32 = jnp.float32


def _fill_ones(ref, rows):
    def body(r, _):
        ref[r, pl.ds(0, 16)] = jnp.ones((16,), _f32)
        return 0
    lax.fori_loop(0, rows, body, 0)


def _tile_rows(s, fn):
    fn(s * NPT, NPT)

    @pl.when(s == NS - 1)
    def _():
        fn(NS * NPT, N - NS * NPT)


@functools.partial(
    pl.kernel, mesh=_mesh,
    compiler_params=pltpu.CompilerParams(use_tc_tiling_on_sc=False),
    out_type=[
        jax.ShapeDtypeStruct((NC, N, DN), _f32),
        jax.ShapeDtypeStruct((NC, N, 2 * DE), _f32),
    ],
    scratch_types=[
        pltpu.VMEM((3, CH1), jnp.int32),
        pltpu.VMEM((3, CH1), jnp.int32),
        pltpu.VMEM((2, CH1, DN), _f32),
        pltpu.VMEM((2, CH1, 2 * DE), _f32),
        pltpu.VMEM_SHARED((N, DN), _f32),
        pltpu.VMEM_SHARED((N, 2 * DE), _f32),
        pltpu.SemaphoreType.DMA,
        pltpu.SemaphoreType.DMA,
        pltpu.SemaphoreType.DMA,
    ],
)
def _p1(ei, x, dis, z128, z32,
        accx_o, sdc_o,
        rowb, colb, xrows, comb, accx_s, sdc_s,
        sem_l, sem_g, sem_s):
    c = lax.axis_index("c")
    s = lax.axis_index("s")
    wid = s * NC + c
    base = wid * NCH1 * CH1
    def fill(r, _):
        comb[0, r, pl.ds(DE, 16)] = jnp.ones((16,), _f32)
        comb[1, r, pl.ds(DE, 16)] = jnp.ones((16,), _f32)
        return 0
    lax.fori_loop(0, CH1, fill, 0)

    def init(o, n):
        pltpu.sync_copy(z128.at[pl.ds(o, n)], accx_s.at[pl.ds(o, n)])
        pltpu.sync_copy(z32.at[pl.ds(o, n)], sdc_s.at[pl.ds(o, n)])

    _tile_rows(s, init)
    plsc.subcore_barrier()

    def ld(slot, st):
        pltpu.async_copy(ei.at[0, pl.ds(st, CH1)], rowb.at[slot], sem_l)
        pltpu.async_copy(ei.at[1, pl.ds(st, CH1)], colb.at[slot], sem_l)

    def ldw(slot):
        pltpu.make_async_copy(ei.at[0, pl.ds(0, CH1)], rowb.at[slot],
                              sem_l).wait()
        pltpu.make_async_copy(ei.at[1, pl.ds(0, CH1)], colb.at[slot],
                              sem_l).wait()

    def sc_start(islot, dslot):
        pltpu.async_copy(xrows.at[dslot], accx_s.at[colb.at[islot]], sem_s,
                         add=True)
        pltpu.async_copy(comb.at[dslot], sdc_s.at[colb.at[islot]], sem_s,
                         add=True)

    def sc_wait(islot, dslot):
        pltpu.make_async_copy(xrows.at[dslot], accx_s.at[colb.at[islot]],
                              sem_s).wait()
        pltpu.make_async_copy(comb.at[dslot], sdc_s.at[colb.at[islot]],
                              sem_s).wait()

    def gst(islot, dslot, st):
        pltpu.async_copy(x.at[rowb.at[islot]], xrows.at[dslot], sem_g)
        pltpu.async_copy(dis.at[pl.ds(st, CH1)],
                         comb.at[dslot, pl.ds(0, CH1), pl.ds(0, DE)], sem_g)

    def gwt(islot, dslot):
        pltpu.make_async_copy(x.at[rowb.at[islot]], xrows.at[dslot],
                              sem_g).wait()
        pltpu.make_async_copy(dis.at[pl.ds(0, CH1)],
                              comb.at[dslot, pl.ds(0, CH1), pl.ds(0, DE)],
                              sem_g).wait()

    ld(0, base)
    ldw(0)
    gst(0, 0, base)
    ld(1, base + CH1)

    def body(j, _):
        sj = lax.rem(j, 3)
        sn = lax.rem(j + 1, 3)
        sp = lax.rem(j + 2, 3)
        dj = lax.rem(j, 2)
        dn = 1 - dj

        @pl.when(j > 0)
        def _():
            sc_wait(sp, dn)

        gwt(sj, dj)

        @pl.when(j + 1 < NCH1)
        def _():
            ldw(sn)
            gst(sn, dn, base + (j + 1) * CH1)

        @pl.when(j + 2 < NCH1)
        def _():
            ld(sp, base + (j + 2) * CH1)

        sc_start(sj, dj)
        return 0

    lax.fori_loop(0, NCH1, body, 0)
    sc_wait(lax.rem(NCH1 - 1, 3), lax.rem(NCH1 - 1, 2))
    plsc.subcore_barrier()

    def writeout(o, n):
        pltpu.sync_copy(accx_s.at[pl.ds(o, n)], accx_o.at[c, pl.ds(o, n)])
        pltpu.sync_copy(sdc_s.at[pl.ds(o, n)], sdc_o.at[c, pl.ds(o, n)])

    _tile_rows(s, writeout)


@functools.partial(
    pl.kernel, mesh=_mesh,
    compiler_params=pltpu.CompilerParams(use_tc_tiling_on_sc=False),
    out_type=[
        jax.ShapeDtypeStruct((NC, N, HID), _f32),
        jax.ShapeDtypeStruct((NC, N, HID), _f32),
    ],
    scratch_types=[
        pltpu.VMEM((3, CH), jnp.int32),
        pltpu.VMEM((3, CH), jnp.int32),
        pltpu.VMEM((2, CH, HID), _f32),
        pltpu.VMEM((LOTAIL,), jnp.int32),
        pltpu.VMEM((LOTAIL, HID), _f32),
        pltpu.VMEM_SHARED((N, HID), _f32),
        pltpu.SemaphoreType.DMA,
        pltpu.SemaphoreType.DMA,
        pltpu.SemaphoreType.DMA,
    ],
)
def _p3(ei, h1, dn1m, z128, acch_o, accd_o,
        rowb, colb, hrows, colb16, drows16, acc_s, sem_l, sem_g, sem_s):
    c = lax.axis_index("c")
    s = lax.axis_index("s")
    wid = s * NC + c
    ebase = wid * SPT

    def zero_table(o, n):
        pltpu.sync_copy(z128.at[pl.ds(o, n)], acc_s.at[pl.ds(o, n)])

    _tile_rows(s, zero_table)
    plsc.subcore_barrier()

    def ld(slot, st):
        pltpu.async_copy(ei.at[0, pl.ds(st, CH)], rowb.at[slot], sem_l)
        pltpu.async_copy(ei.at[1, pl.ds(st, CH)], colb.at[slot], sem_l)

    def ldw(slot):
        pltpu.make_async_copy(ei.at[0, pl.ds(0, CH)], rowb.at[slot],
                              sem_l).wait()
        pltpu.make_async_copy(ei.at[1, pl.ds(0, CH)], colb.at[slot],
                              sem_l).wait()

    ld(0, ebase)
    ldw(0)
    pltpu.async_copy(h1.at[rowb.at[0]], hrows.at[0], sem_g)
    ld(1, ebase + CH)

    def body(j, _):
        sj = lax.rem(j, 3)
        sn = lax.rem(j + 1, 3)
        sp = lax.rem(j + 2, 3)
        dj = lax.rem(j, 2)
        dn = 1 - dj

        @pl.when(j > 0)
        def _():
            pltpu.make_async_copy(hrows.at[dn], acc_s.at[colb.at[sp]],
                                  sem_s).wait()

        pltpu.make_async_copy(h1.at[rowb.at[sj]], hrows.at[dj], sem_g).wait()

        @pl.when(j + 1 < NCHF)
        def _():
            ldw(sn)
            pltpu.async_copy(h1.at[rowb.at[sn]], hrows.at[dn], sem_g)

        @pl.when(j + 2 < NCHF)
        def _():
            ld(sp, ebase + (j + 2) * CH)

        pltpu.async_copy(hrows.at[dj], acc_s.at[colb.at[sj]], sem_s,
                         add=True)
        return 0

    lax.fori_loop(0, NCHF, body, 0)
    pltpu.make_async_copy(hrows.at[lax.rem(NCHF - 1, 2)],
                          acc_s.at[colb.at[lax.rem(NCHF - 1, 3)]],
                          sem_s).wait()

    @pl.when(wid < NEX)
    def _():
        st = EXTRA0 + wid * CH
        ld(0, st)
        ldw(0)
        pltpu.async_copy(h1.at[rowb.at[0]], hrows.at[0], sem_g)
        pltpu.make_async_copy(h1.at[rowb.at[0]], hrows.at[0], sem_g).wait()
        pltpu.async_copy(hrows.at[0], acc_s.at[colb.at[0]], sem_s, add=True)
        pltpu.make_async_copy(hrows.at[0], acc_s.at[colb.at[0]],
                              sem_s).wait()

    plsc.subcore_barrier()

    def wr_acch(o, n):
        pltpu.sync_copy(acc_s.at[pl.ds(o, n)], acch_o.at[c, pl.ds(o, n)])
        pltpu.sync_copy(z128.at[pl.ds(o, n)], acc_s.at[pl.ds(o, n)])

    _tile_rows(s, wr_acch)
    plsc.subcore_barrier()

    for t in range((NLO + NW - 1) // NW):
        cid = wid + NW * t

        @pl.when(cid < NLO)
        def _():
            st = cid * CH
            pltpu.sync_copy(ei.at[1, pl.ds(st, CH)], colb.at[0])
            pltpu.sync_copy(dn1m.at[pl.ds(st, CH)], hrows.at[0])
            pltpu.async_copy(hrows.at[0], acc_s.at[colb.at[0]], sem_s,
                             add=True)
            pltpu.make_async_copy(hrows.at[0], acc_s.at[colb.at[0]],
                                  sem_s).wait()

    @pl.when(wid == NW - 1)
    def _():
        st = NLO * CH
        pltpu.sync_copy(ei.at[1, pl.ds(st, LOTAIL)], colb16)
        pltpu.sync_copy(dn1m.at[pl.ds(st, LOTAIL)], drows16)
        pltpu.async_copy(drows16, acc_s.at[colb16], sem_s, add=True)
        pltpu.make_async_copy(drows16, acc_s.at[colb16], sem_s).wait()

    plsc.subcore_barrier()
    _tile_rows(s, lambda o, n: pltpu.sync_copy(
        acc_s.at[pl.ds(o, n)], accd_o.at[c, pl.ds(o, n)]))


@functools.partial(
    pl.kernel, mesh=_mesh,
    out_type=jax.ShapeDtypeStruct((E,), _f32),
    compiler_params=pltpu.CompilerParams(use_tc_tiling_on_sc=False),
    scratch_types=[
        pltpu.VMEM((3, CH), jnp.int32),
        pltpu.VMEM((3, CH), jnp.int32),
        pltpu.VMEM((3, CH, 64), _f32),
        pltpu.VMEM((3, CH, 64), _f32),
        pltpu.VMEM((3, CH), _f32),
        pltpu.VMEM((3, CH), _f32),
        pltpu.VMEM((16,), _f32),
        pltpu.SemaphoreType.DMA,
        pltpu.SemaphoreType.DMA,
        pltpu.SemaphoreType.DMA,
    ],
)
def _p5(ei, h2w, h2, ddp, c2v, out,
        rowb, colb, rbuf, cbuf, ddb, ob, c2b, sem_l, sem_g, sem_o):
    c = lax.axis_index("c")
    s = lax.axis_index("s")
    wid = s * NC + c
    ebase = wid * SPT
    pltpu.sync_copy(c2v, c2b)
    vc2 = c2b[pl.ds(0, 16)]

    def ld(slot, st):
        pltpu.async_copy(ei.at[0, pl.ds(st, CH)], rowb.at[slot], sem_l)
        pltpu.async_copy(ei.at[1, pl.ds(st, CH)], colb.at[slot], sem_l)

        @pl.when(st < N)
        def _():
            pltpu.async_copy(ddp.at[pl.ds(st, CH)], ddb.at[slot], sem_l)

    def ldw(slot, st):
        pltpu.make_async_copy(ei.at[0, pl.ds(0, CH)], rowb.at[slot],
                              sem_l).wait()
        pltpu.make_async_copy(ei.at[1, pl.ds(0, CH)], colb.at[slot],
                              sem_l).wait()

        @pl.when(st < N)
        def _():
            pltpu.make_async_copy(ddp.at[pl.ds(0, CH)], ddb.at[slot],
                                  sem_l).wait()

    def gst(slot):
        pltpu.async_copy(h2w.at[rowb.at[slot]], rbuf.at[slot], sem_g)
        pltpu.async_copy(h2.at[colb.at[slot]], cbuf.at[slot], sem_g)

    def gw(slot):
        pltpu.make_async_copy(h2w.at[rowb.at[slot]], rbuf.at[slot],
                              sem_g).wait()
        pltpu.make_async_copy(h2.at[colb.at[slot]], cbuf.at[slot],
                              sem_g).wait()

    lane = lax.iota(jnp.int32, 16)
    p8 = lane ^ 8
    p4 = lane ^ 4
    p2 = lane ^ 2
    p1 = lane ^ 1

    def compute(sj, st):
        def group(g, _):
            def edot(e16, accv):
                e = g * 16 + e16
                v = rbuf[sj, e, pl.ds(0, 16)] * cbuf[sj, e, pl.ds(0, 16)]
                v = v + rbuf[sj, e, pl.ds(16, 16)] * cbuf[sj, e, pl.ds(16, 16)]
                v = v + rbuf[sj, e, pl.ds(32, 16)] * cbuf[sj, e, pl.ds(32, 16)]
                v = v + rbuf[sj, e, pl.ds(48, 16)] * cbuf[sj, e, pl.ds(48, 16)]
                v = v + v[p8]
                v = v + v[p4]
                v = v + v[p2]
                v = v + v[p1]
                return jnp.where(lane == e16, v, accv)

            accv = lax.fori_loop(0, 16, edot, jnp.zeros((16,), _f32))
            eid = st + g * 16 + lane
            ddv = jnp.where(eid < N, ddb[sj, pl.ds(g * 16, 16)], vc2)
            ob[sj, pl.ds(g * 16, 16)] = accv + ddv
            return 0

        lax.fori_loop(0, CH // 16, group, 0)

    ld(0, ebase)
    ldw(0, ebase)
    gst(0)
    ld(1, ebase + CH)

    def body(j, _):
        sj = lax.rem(j, 3)
        sn = lax.rem(j + 1, 3)
        sp = lax.rem(j + 2, 3)

        @pl.when(j > 0)
        def _():
            pltpu.make_async_copy(
                ob.at[sp], out.at[pl.ds(ebase + (j - 1) * CH, CH)],
                sem_o).wait()

        gw(sj)

        @pl.when(j + 1 < NCHF)
        def _():
            ldw(sn, ebase + (j + 1) * CH)
            gst(sn)

        @pl.when(j + 2 < NCHF)
        def _():
            ld(sp, ebase + (j + 2) * CH)

        compute(sj, ebase + j * CH)
        pltpu.async_copy(ob.at[sj], out.at[pl.ds(ebase + j * CH, CH)], sem_o)
        return 0

    lax.fori_loop(0, NCHF, body, 0)
    sl = lax.rem(NCHF - 1, 3)
    pltpu.make_async_copy(ob.at[sl],
                          out.at[pl.ds(ebase + (NCHF - 1) * CH, CH)],
                          sem_o).wait()

    @pl.when(wid < NEX)
    def _():
        st = EXTRA0 + wid * CH
        ld(0, st)
        ldw(0, st)
        gst(0)
        gw(0)
        compute(0, st)
        pltpu.async_copy(ob.at[0], out.at[pl.ds(st, CH)], sem_o)
        pltpu.make_async_copy(ob.at[0], out.at[pl.ds(st, CH)], sem_o).wait()


def _mmT(a, w):
    return lax.dot_general(a, w, (((1,), (1,)), ((), ())),
                           preferred_element_type=_f32)


def _leaky(v):
    return jnp.where(v >= 0, v, 0.01 * v)


def _tc2_body(accx2, sdc2, x, c1, Wl1, bl1, Wr1, eW1a, eb1a, eW1b,
              eb1b, h1_o, dn1m_o):
    cnt = sdc2[0, :, DE:DE + 1] + sdc2[1, :, DE:DE + 1]
    accx = accx2[0] + accx2[1]
    invm = 1.0 / jnp.maximum(cnt, 1.0)
    inv = 1.0 / (cnt + 1.0)
    v = _mmT(accx * invm, Wl1[...]) + bl1[...][None, :] + _mmT(x[...], Wr1[...])
    h1_o[...] = _leaky(v)
    sdis = sdc2[0, :, 0:DE] + sdc2[1, :, 0:DE]
    t = _mmT(sdis, eW1a[...]) * inv + eb1a[...][None, :]
    u = _mmT(t, eW1b[...]) + eb1b[...][None, :]
    dn1m_o[...] = _leaky(u) - c1[...]


def _tc4_body(acch2, accd2, sdc2, h1, c1, Wl2, bl2, Wr2,
              eW2a, eb2a, eW2b, eb2b, Wfc, bfc,
              h2w_o, h2_o, ddn_o):
    cnt = sdc2[0, :, DE:DE + 1] + sdc2[1, :, DE:DE + 1]
    invm = 1.0 / jnp.maximum(cnt, 1.0)
    inv = 1.0 / (cnt + 1.0)
    acch = acch2[0] + acch2[1]
    v = _mmT(acch * invm, Wl2[...]) + bl2[...][None, :] + _mmT(h1[...], Wr2[...])
    h2 = _leaky(v)
    S = accd2[0] + accd2[1] + cnt * c1[...]
    t = _mmT(S, eW2a[...]) * inv + eb2a[...][None, :]
    u = _mmT(t, eW2b[...]) + eb2b[...][None, :]
    dn2 = _leaky(u)
    wA = Wfc[0, 0:64][None, :]
    wB = Wfc[0, 64:128][None, :]
    h2_o[...] = h2
    h2w_o[...] = h2 * wA
    ddn_o[...] = jnp.sum(dn2 * wB, axis=1, keepdims=True) + bfc[0]


def kernel(x, edge_index, dis, Wl1, bl1, Wr1, Wl2, bl2, Wr2,
           eW1a, eb1a, eW1b, eb1b, eW2a, eb2a, eW2b, eb2b, Wfc, bfc):
    ei = edge_index.astype(jnp.int32)
    z128 = jnp.zeros((N, DN), _f32)
    z16 = jnp.zeros((N, DE), _f32)
    z32 = jnp.zeros((N, 2 * DE), _f32)

    c1 = _leaky(eb1a @ eW1b.T + eb1b)[None, :]
    c2 = _leaky(eb2a @ eW2b.T + eb2b)
    c2s = c2 @ Wfc[0, 64:128] + bfc[0]

    accx2, sdc2 = _p1(ei, x, dis, z128, z32)

    NB = 2000
    grid = N // NB

    def _nblk(shape):
        nd = len(shape)
        blk = shape[:-2] + (NB, shape[-1])
        idx = lambda i: (0,) * (nd - 2) + (i, 0)
        return pl.BlockSpec(blk, idx)

    def _full(shape):
        return pl.BlockSpec(shape, lambda i: (0,) * len(shape))

    h1, dn1m = pl.pallas_call(
        _tc2_body,
        grid=(grid,),
        in_specs=[_nblk((NC, N, DN)), _nblk((NC, N, 2 * DE)),
                  _nblk((N, DN)), _full(c1.shape), _full(Wl1.shape),
                  _full(bl1.shape), _full(Wr1.shape), _full(eW1a.shape),
                  _full(eb1a.shape), _full(eW1b.shape), _full(eb1b.shape)],
        out_specs=[_nblk((N, HID)), _nblk((N, HID))],
        out_shape=[jax.ShapeDtypeStruct((N, HID), _f32),
                   jax.ShapeDtypeStruct((N, HID), _f32)],
    )(accx2, sdc2, x, c1, Wl1, bl1, Wr1, eW1a, eb1a, eW1b, eb1b)

    acch2, accd2 = _p3(ei, h1, dn1m, z128)

    h2w, h2, ddn = pl.pallas_call(
        _tc4_body,
        grid=(grid,),
        in_specs=[_nblk((NC, N, HID)), _nblk((NC, N, HID)),
                  _nblk((NC, N, 2 * DE)), _nblk((N, HID)), _full(c1.shape),
                  _full(Wl2.shape), _full(bl2.shape), _full(Wr2.shape),
                  _full(eW2a.shape), _full(eb2a.shape), _full(eW2b.shape),
                  _full(eb2b.shape), _full(Wfc.shape), _full(bfc.shape)],
        out_specs=[_nblk((N, 64)), _nblk((N, 64)),
                   pl.BlockSpec((NB, 1), lambda i: (i, 0))],
        out_shape=[jax.ShapeDtypeStruct((N, 64), _f32),
                   jax.ShapeDtypeStruct((N, 64), _f32),
                   jax.ShapeDtypeStruct(((NLO + 1) * CH, 1), _f32)],
    )(acch2, accd2, sdc2, h1, c1, Wl2, bl2, Wr2,
      eW2a, eb2a, eW2b, eb2b, Wfc, bfc)

    c2v = jnp.full((16,), c2s, _f32)
    out = _p5(ei, h2w, h2, ddn[:, 0], c2v)
    return out[:, None]

# --- scband reference (transcript-rebuilt; emitter-appended) ---
"""Pipeline reference for scband-graph-sage-gravity-15779709845832 (READ-ONLY COPY).

The authoritative reference and input builder live on the scoring server;
editing this copy changes nothing except your own understanding.
"""

import jax, jax.numpy as jnp
import numpy as np

N = 10000
E = 320000
D_NODE = 128
D_EDGE = 16
HID = 128
OUT = 1


def setup_inputs(seed: int = 0):
    key = jax.random.key(seed)
    ks = jax.random.split(key, 20)
    s = 0.05
    inp = {}
    inp["x"] = jax.random.normal(ks[0], (N, D_NODE), dtype=jnp.float32)
    inp["edge_index"] = jax.random.randint(ks[1], (2, E), 0, N)
    inp["dis"] = jax.random.normal(ks[2], (E, D_EDGE), dtype=jnp.float32)
    # SAGEConv layer 1: in=128 -> out=128 (lin_l with bias, lin_r no bias)
    inp["Wl1"] = jax.random.normal(ks[3], (HID, D_NODE), dtype=jnp.float32) * s
    inp["bl1"] = jnp.zeros((HID,), dtype=jnp.float32)
    inp["Wr1"] = jax.random.normal(ks[4], (HID, D_NODE), dtype=jnp.float32) * s
    # SAGEConv layer 2: in=128 -> out=64
    inp["Wl2"] = jax.random.normal(ks[5], (HID // 2, HID), dtype=jnp.float32) * s
    inp["bl2"] = jnp.zeros((HID // 2,), dtype=jnp.float32)
    inp["Wr2"] = jax.random.normal(ks[6], (HID // 2, HID), dtype=jnp.float32) * s
    # EdgeOnlyConv layer 1: lin 16->256, lin_update 256->128
    inp["eW1a"] = jax.random.normal(ks[7], (2 * HID, D_EDGE), dtype=jnp.float32) * s
    inp["eb1a"] = jnp.zeros((2 * HID,), dtype=jnp.float32)
    inp["eW1b"] = jax.random.normal(ks[8], (HID, 2 * HID), dtype=jnp.float32) * s
    inp["eb1b"] = jnp.zeros((HID,), dtype=jnp.float32)
    # EdgeOnlyConv layer 2: lin 128->128, lin_update 128->64
    inp["eW2a"] = jax.random.normal(ks[9], (HID, HID), dtype=jnp.float32) * s
    inp["eb2a"] = jnp.zeros((HID,), dtype=jnp.float32)
    inp["eW2b"] = jax.random.normal(ks[10], (HID // 2, HID), dtype=jnp.float32) * s
    inp["eb2b"] = jnp.zeros((HID // 2,), dtype=jnp.float32)
    # final fc: 128 -> 1
    inp["Wfc"] = jax.random.normal(ks[11], (OUT, HID), dtype=jnp.float32) * s
    inp["bfc"] = jnp.zeros((OUT,), dtype=jnp.float32)
    return inp


def _segment_mean(data, seg, num):
    s = jax.ops.segment_sum(data, seg, num_segments=num)
    c = jax.ops.segment_sum(jnp.ones((data.shape[0], 1), dtype=data.dtype), seg, num_segments=num)
    return s / jnp.maximum(c, 1.0)


def _sage(x, ei, Wl, bl, Wr):
    # PyG SAGEConv(aggr='mean'): lin_l(mean_{j->i} x_j) + lin_r(x_i)
    agg = _segment_mean(x[ei[0]], ei[1], x.shape[0])
    return agg @ Wl.T + bl + x @ Wr.T


def _edge_conv(ei, ea, W1, b1, W2, b2):
    # add_self_loops with num_nodes = edge_attr.size(0); fill_value = 0.0
    n = ea.shape[0]
    loops = jnp.arange(n, dtype=ei.dtype)
    ei2 = jnp.concatenate([ei, jnp.stack([loops, loops])], axis=1)
    ea2 = jnp.concatenate([ea, jnp.zeros((n, ea.shape[1]), dtype=ea.dtype)], axis=0)
    msg = ea2 @ W1.T + b1
    # dim_size = max index + 1 = n (self loops reach n-1 and n > N)
    agg = _segment_mean(msg, ei2[1], n)
    return agg @ W2.T + b2


def _leaky(v):
    return jax.nn.leaky_relu(v, negative_slope=0.01)


def reference(x, edge_index, dis, Wl1, bl1, Wr1, Wl2, bl2, Wr2, eW1a, eb1a, eW1b, eb1b, eW2a, eb2a, eW2b, eb2b, Wfc, bfc):
    h = _leaky(_sage(x, edge_index, Wl1, bl1, Wr1))
    h = _leaky(_sage(h, edge_index, Wl2, bl2, Wr2))
    d = _leaky(_edge_conv(edge_index, dis, eW1a, eb1a, eW1b, eb1b))
    d = _leaky(_edge_conv(edge_index, d, eW2a, eb2a, eW2b, eb2b))
    row, col = edge_index[0], edge_index[1]
    xe = h[row] * h[col]
    feats = jnp.concatenate([xe, d], axis=1)
    # dropout is identity in eval mode
    return feats @ Wfc.T + bfc

if __name__ == "__main__":
    import jax
    _d = setup_inputs()
    print(jax.jit(kernel)(*tuple(_d.values())))

</pallas_src>

<mosaic_0001>
#map = affine_map<(d0, d1) -> (0, 0)>
#map1 = affine_map<(d0, d1) -> (0)>
module attributes {stable_mosaic.version = 14 : i64} {
  func.func @_p5(%arg0: i32, %arg1: i32, %arg2: memref<2x320000xi32, #tpu.memory_space<hbm>>, %arg3: memref<10000x64xf32, #tpu.memory_space<hbm>>, %arg4: memref<10000x64xf32, #tpu.memory_space<hbm>>, %arg5: memref<10112xf32, #tpu.memory_space<hbm>>, %arg6: memref<16xf32, #tpu.memory_space<hbm>>, %arg7: memref<320000xf32, #tpu.memory_space<hbm>>, %arg8: memref<3x128xi32, #tpu.memory_space<vmem>>, %arg9: memref<3x128xi32, #tpu.memory_space<vmem>>, %arg10: memref<3x128x64xf32, #tpu.memory_space<vmem>>, %arg11: memref<3x128x64xf32, #tpu.memory_space<vmem>>, %arg12: memref<3x128xf32, #tpu.memory_space<vmem>>, %arg13: memref<3x128xf32, #tpu.memory_space<vmem>>, %arg14: memref<16xf32, #tpu.memory_space<vmem>>, %arg15: memref<!tpu.dma_semaphore, #tpu.memory_space<semaphore_mem>>, %arg16: memref<!tpu.dma_semaphore, #tpu.memory_space<semaphore_mem>>, %arg17: memref<!tpu.dma_semaphore, #tpu.memory_space<semaphore_mem>>) attributes {dimension_semantics = [#tpu.dimension_semantics<core_parallel>, #tpu.dimension_semantics<subcore_parallel>], iteration_bounds = array<i64: 2, 16>, scalar_prefetch = 0 : i64, scratch_operands = 10 : i64, tpu.core_type = #tpu.core_type<sc_vector_subcore>, window_params = [{transform_indices = #map}, {transform_indices = #map}, {transform_indices = #map}, {transform_indices = #map1}, {transform_indices = #map1}, {transform_indices = #map1}]} {
    %mul3A = arith.constant 2 : i32
    %mul3A_0 = arith.muli %arg1, %mul3A : i32
    %add3A = arith.addi %mul3A_0, %arg0 : i32
    %mul3A_1 = arith.constant 9984 : i32
    %mul3A_2 = arith.muli %add3A, %mul3A_1 : i32
    "tpu.region"() ({
      %run_scoped3A = tpu.sem_alloc : memref<!tpu.dma_semaphore, #tpu.memory_space<semaphore_mem>>
      tpu.enqueue_dma source(%arg6 : memref<16xf32, #tpu.memory_space<hbm>>) target(%arg14 : memref<16xf32, #tpu.memory_space<vmem>>) target_semaphore(%run_scoped3A : memref<!tpu.dma_semaphore, #tpu.memory_space<semaphore_mem>>)
      tpu.wait_dma2 semaphore(%run_scoped3A : memref<!tpu.dma_semaphore, #tpu.memory_space<semaphore_mem>>) src(%arg6 : memref<16xf32, #tpu.memory_space<hbm>>) dst(%arg14 : memref<16xf32, #tpu.memory_space<vmem>>)
      tpu.yield
    }) : () -> ()
    %get3A = arith.constant 0 : index
    %get3A_3 = tpu.vector_load %arg14[%get3A] {strides = array<i32>} : memref<16xf32, #tpu.memory_space<vmem>>, vector<16xf32>,
    %get3A_4 = vector.shape_cast %get3A_3 : vector<16xf32> to vector<16xf32>
    %iota3A = tpu.iota {dimensions = array<i32: 0>} : vector<16xi32>
    %xor3A = arith.constant 8 : i32
    %xor3A_5 = vector.broadcast %xor3A : i32 to vector<16xi32>
    %xor3A_6 = arith.xori %iota3A, %xor3A_5 : vector<16xi32>
    %xor3A_7 = arith.constant 4 : i32
    %xor3A_8 = vector.broadcast %xor3A_7 : i32 to vector<16xi32>
    %xor3A_9 = arith.xori %iota3A, %xor3A_8 : vector<16xi32>
    %xor3A_10 = arith.constant 2 : i32
    %xor3A_11 = vector.broadcast %xor3A_10 : i32 to vector<16xi32>
    %xor3A_12 = arith.xori %iota3A, %xor3A_11 : vector<16xi32>
    %xor3A_13 = arith.constant 1 : i32
    %xor3A_14 = vector.broadcast %xor3A_13 : i32 to vector<16xi32>
    %xor3A_15 = arith.xori %iota3A, %xor3A_14 : vector<16xi32>
    %dma_start3A = arith.constant 0 : i32
    %dma_start3A_16 = arith.constant 0 : i32
    %dma_start3A_17 = arith.constant 0 : i32
    %dma_start3A_18 = tpu.memref_slice %arg8[%dma_start3A_16, %dma_start3A_17] : memref<3x128xi32, #tpu.memory_space<vmem>> -> memref<1x128xi32, #tpu.memory_space<vmem>>
    %dma_start3A_19 = tpu.memref_squeeze %dma_start3A_18 : memref<1x128xi32, #tpu.memory_space<vmem>> -> memref<128xi32, #tpu.memory_space<vmem>>
    %dma_start3A_20 = tpu.memref_slice %arg2[%dma_start3A, %mul3A_2] : memref<2x320000xi32, #tpu.memory_space<hbm>> -> memref<1x128xi32, #tpu.memory_space<hbm>>
    %dma_start3A_21 = tpu.memref_squeeze %dma_start3A_20 : memref<1x128xi32, #tpu.memory_space<hbm>> -> memref<128xi32, #tpu.memory_space<hbm>>
    %dma_start3A_22 = arith.constant 0 : i32
    %dma_start3A_23 = tpu.memref_slice %arg8[%dma_start3A_16, %dma_start3A_22] : memref<3x128xi32, #tpu.memory_space<vmem>> -> memref<1x128xi32, #tpu.memory_space<vmem>>
    %dma_start3A_24 = tpu.memref_squeeze %dma_start3A_23 : memref<1x128xi32, #tpu.memory_space<vmem>> -> memref<128xi32, #tpu.memory_space<vmem>>
    %dma_start3A_25 = tpu.memref_slice %arg2[%dma_start3A, %mul3A_2] : memref<2x320000xi32, #tpu.memory_space<hbm>> -> memref<1x128xi32, #tpu.memory_space<hbm>>
    %dma_start3A_26 = tpu.memref_squeeze %dma_start3A_25 : memref<1x128xi32, #tpu.memory_space<hbm>> -> memref<128xi32, #tpu.memory_space<hbm>>
    tpu.enqueue_dma source(%dma_start3A_26 : memref<128xi32, #tpu.memory_space<hbm>>) target(%dma_start3A_24 : memref<128xi32, #tpu.memory_space<vmem>>) target_semaphore(%arg15 : memref<!tpu.dma_semaphore, #tpu.memory_space<semaphore_mem>>)
    %dma_start3A_27 = arith.constant 1 : i32
    %dma_start3A_28 = arith.constant 0 : i32
    %dma_start3A_29 = arith.constant 0 : i32
    %dma_start3A_30 = tpu.memref_slice %arg9[%dma_start3A_28, %dma_start3A_29] : memref<3x128xi32, #tpu.memory_space<vmem>> -> memref<1x128xi32, #tpu.memory_space<vmem>>
    %dma_start3A_31 = tpu.memref_squeeze %dma_start3A_30 : memref<1x128xi32, #tpu.memory_space<vmem>> -> memref<128xi32, #tpu.memory_space<vmem>>
    %dma_start3A_32 = tpu.memref_slice %arg2[%dma_start3A_27, %mul3A_2] : memref<2x320000xi32, #tpu.memory_space<hbm>> -> memref<1x128xi32, #tpu.memory_space<hbm>>
    %dma_start3A_33 = tpu.memref_squeeze %dma_start3A_32 : memref<1x128xi32, #tpu.memory_space<hbm>> -> memref<128xi32, #tpu.memory_space<hbm>>
    %dma_start3A_34 = arith.constant 0 : i32
    %dma_start3A_35 = tpu.memref_slice %arg9[%dma_start3A_28, %dma_start3A_34] : memref<3x128xi32, #tpu.memory_space<vmem>> -> memref<1x128xi32, #tpu.memory_space<vmem>>
    %dma_start3A_36 = tpu.memref_squeeze %dma_start3A_35 : memref<1x128xi32, #tpu.memory_space<vmem>> -> memref<128xi32, #tpu.memory_space<vmem>>
    %dma_start3A_37 = tpu.memref_slice %arg2[%dma_start3A_27, %mul3A_2] : memref<2x320000xi32, #tpu.memory_space<hbm>> -> memref<1x128xi32, #tpu.memory_space<hbm>>
    %dma_start3A_38 = tpu.memref_squeeze %dma_start3A_37 : memref<1x128xi32, #tpu.memory_space<hbm>> -> memref<128xi32, #tpu.memory_space<hbm>>
    tpu.enqueue_dma source(%dma_start3A_38 : memref<128xi32, #tpu.memory_space<hbm>>) target(%dma_start3A_36 : memref<128xi32, #tpu.memory_space<vmem>>) target_semaphore(%arg15 : memref<!tpu.dma_semaphore, #tpu.memory_space<semaphore_mem>>)
    %lt3A = arith.constant 10000 : i32
    %lt3A_39 = arith.cmpi slt, %mul3A_2, %lt3A : i32
    %convert_element_type3A = arith.extui %lt3A_39 : i1 to i32
    %cond3A = arith.constant 0 : i32
    %cond3A_40 = arith.cmpi ne, %convert_element_type3A, %cond3A : i32
    scf.if %cond3A_40 {
      %dma_start3A_151 = arith.constant 0 : i32
      %dma_start3A_152 = arith.constant 0 : i32
      %dma_start3A_153 = tpu.memref_slice %arg12[%dma_start3A_151, %dma_start3A_152] : memref<3x128xf32, #tpu.memory_space<vmem>> -> memref<1x128xf32, #tpu.memory_space<vmem>>
      %dma_start3A_154 = tpu.memref_squeeze %dma_start3A_153 : memref<1x128xf32, #tpu.memory_space<vmem>> -> memref<128xf32, #tpu.memory_space<vmem>>
      %dma_start3A_155 = tpu.memref_slice %arg5[%mul3A_2] : memref<10112xf32, #tpu.memory_space<hbm>> -> memref<128xf32, #tpu.memory_space<hbm>>
      %dma_start3A_156 = arith.constant 0 : i32
      %dma_start3A_157 = tpu.memref_slice %arg12[%dma_start3A_151, %dma_start3A_156] : memref<3x128xf32, #tpu.memory_space<vmem>> -> memref<1x128xf32, #tpu.memory_space<vmem>>
      %dma_start3A_158 = tpu.memref_squeeze %dma_start3A_157 : memref<1x128xf32, #tpu.memory_space<vmem>> -> memref<128xf32, #tpu.memory_space<vmem>>
      %dma_start3A_159 = tpu.memref_slice %arg5[%mul3A_2] : memref<10112xf32, #tpu.memory_space<hbm>> -> memref<128xf32, #tpu.memory_space<hbm>>
      tpu.enqueue_dma source(%dma_start3A_159 : memref<128xf32, #tpu.memory_space<hbm>>) target(%dma_start3A_158 : memref<128xf32, #tpu.memory_space<vmem>>) target_semaphore(%arg15 : memref<!tpu.dma_semaphore, #tpu.memory_space<semaphore_mem>>)
    } else {
    }
    %dma_wait3A = arith.constant 0 : i32
    %dma_wait3A_41 = arith.constant 0 : i32
    %dma_wait3A_42 = arith.constant 0 : i32
    %dma_wait3A_43 = tpu.memref_slice %arg8[%dma_wait3A_41, %dma_wait3A_42] : memref<3x128xi32, #tpu.memory_space<vmem>> -> memref<1x128xi32, #tpu.memory_space<vmem>>
    %dma_wait3A_44 = tpu.memref_squeeze %dma_wait3A_43 : memref<1x128xi32, #tpu.memory_space<vmem>> -> memref<128xi32, #tpu.memory_space<vmem>>
    %dma_wait3A_45 = arith.constant 0 : i32
    %dma_wait3A_46 = tpu.memref_slice %arg2[%dma_wait3A, %dma_wait3A_45] : memref<2x320000xi32, #tpu.memory_space<hbm>> -> memref<1x128xi32, #tpu.memory_space<hbm>>
    %dma_wait3A_47 = tpu.memref_squeeze %dma_wait3A_46 : memref<1x128xi32, #tpu.memory_space<hbm>> -> memref<128xi32, #tpu.memory_space<hbm>>
    %dma_wait3A_48 = arith.constant 0 : i32
    %dma_wait3A_49 = tpu.memref_slice %arg8[%dma_wait3A_41, %dma_wait3A_48] : memref<3x128xi32, #tpu.memory_space<vmem>> -> memref<1x128xi32, #tpu.memory_space<vmem>>
    %dma_wait3A_50 = tpu.memref_squeeze %dma_wait3A_49 : memref<1x128xi32, #tpu.memory_space<vmem>> -> memref<128xi32, #tpu.memory_space<vmem>>
    %dma_wait3A_51 = arith.constant 0 : i32
    %dma_wait3A_52 = tpu.memref_slice %arg2[%dma_wait3A, %dma_wait3A_51] : memref<2x320000xi32, #tpu.memory_space<hbm>> -> memref<1x128xi32, #tpu.memory_space<hbm>>
    %dma_wait3A_53 = tpu.memref_squeeze %dma_wait3A_52 : memref<1x128xi32, #tpu.memory_space<hbm>> -> memref<128xi32, #tpu.memory_space<hbm>>
    tpu.wait_dma2 semaphore(%arg15 : memref<!tpu.dma_semaphore, #tpu.memory_space<semaphore_mem>>) src(%dma_wait3A_53 : memref<128xi32, #tpu.memory_space<hbm>>) dst(%dma_wait3A_50 : memref<128xi32, #tpu.memory_space<vmem>>)
    %dma_wait3A_54 = arith.constant 1 : i32
    %dma_wait3A_55 = arith.constant 0 : i32
    %dma_wait3A_56 = arith.constant 0 : i32
    %dma_wait3A_57 = tpu.memref_slice %arg9[%dma_wait3A_55, %dma_wait3A_56] : memref<3x128xi32, #tpu.memory_space<vmem>> -> memref<1x128xi32, #tpu.memory_space<vmem>>
    %dma_wait3A_58 = tpu.memref_squeeze %dma_wait3A_57 : memref<1x128xi32, #tpu.memory_space<vmem>> -> memref<128xi32, #tpu.memory_space<vmem>>
    %dma_wait3A_59 = arith.constant 0 : i32
    %dma_wait3A_60 = tpu.memref_slice %arg2[%dma_wait3A_54, %dma_wait3A_59] : memref<2x320000xi32, #tpu.memory_space<hbm>> -> memref<1x128xi32, #tpu.memory_space<hbm>>
    %dma_wait3A_61 = tpu.memref_squeeze %dma_wait3A_60 : memref<1x128xi32, #tpu.memory_space<hbm>> -> memref<128xi32, #tpu.memory_space<hbm>>
    %dma_wait3A_62 = arith.constant 0 : i32
    %dma_wait3A_63 = tpu.memref_slice %arg9[%dma_wait3A_55, %dma_wait3A_62] : memref<3x128xi32, #tpu.memory_space<vmem>> -> memref<1x128xi32, #tpu.memory_space<vmem>>
    %dma_wait3A_64 = tpu.memref_squeeze %dma_wait3A_63 : memref<1x128xi32, #tpu.memory_space<vmem>> -> memref<128xi32, #tpu.memory_space<vmem>>
    %dma_wait3A_65 = arith.constant 0 : i32
    %dma_wait3A_66 = tpu.memref_slice %arg2[%dma_wait3A_54, %dma_wait3A_65] : memref<2x320000xi32, #tpu.memory_space<hbm>> -> memref<1x128xi32, #tpu.memory_space<hbm>>
    %dma_wait3A_67 = tpu.memref_squeeze %dma_wait3A_66 : memref<1x128xi32, #tpu.memory_space<hbm>> -> memref<128xi32, #tpu.memory_space<hbm>>
    tpu.wait_dma2 semaphore(%arg15 : memref<!tpu.dma_semaphore, #tpu.memory_space<semaphore_mem>>) src(%dma_wait3A_67 : memref<128xi32, #tpu.memory_space<hbm>>) dst(%dma_wait3A_64 : memref<128xi32, #tpu.memory_space<vmem>>)
    %lt3A_68 = arith.constant 10000 : i32
    %lt3A_69 = arith.cmpi slt, %mul3A_2, %lt3A_68 : i32
    %convert_element_type3A_70 = arith.extui %lt3A_69 : i1 to i32
    %cond3A_71 = arith.constant 0 : i32
    %cond3A_72 = arith.cmpi ne, %convert_element_type3A_70, %cond3A_71 : i32
    scf.if %cond3A_72 {
      %dma_wait3A_151 = arith.constant 0 : i32
      %dma_wait3A_152 = arith.constant 0 : i32
      %dma_wait3A_153 = tpu.memref_slice %arg12[%dma_wait3A_151, %dma_wait3A_152] : memref<3x128xf32, #tpu.memory_space<vmem>> -> memref<1x128xf32, #tpu.memory_space<vmem>>
      %dma_wait3A_154 = tpu.memref_squeeze %dma_wait3A_153 : memref<1x128xf32, #tpu.memory_space<vmem>> -> memref<128xf32, #tpu.memory_space<vmem>>
      %dma_wait3A_155 = arith.constant 0 : i32
      %dma_wait3A_156 = tpu.memref_slice %arg5[%dma_wait3A_155] : memref<10112xf32, #tpu.memory_space<hbm>> -> memref<128xf32, #tpu.memory_space<hbm>>
      %dma_wait3A_157 = arith.constant 0 : i32
      %dma_wait3A_158 = tpu.memref_slice %arg12[%dma_wait3A_151, %dma_wait3A_157] : memref<3x128xf32, #tpu.memory_space<vmem>> -> memref<1x128xf32, #tpu.memory_space<vmem>>
      %dma_wait3A_159 = tpu.memref_squeeze %dma_wait3A_158 : memref<1x128xf32, #tpu.memory_space<vmem>> -> memref<128xf32, #tpu.memory_space<vmem>>
      %dma_wait3A_160 = arith.constant 0 : i32
      %dma_wait3A_161 = tpu.memref_slice %arg5[%dma_wait3A_160] : memref<10112xf32, #tpu.memory_space<hbm>> -> memref<128xf32, #tpu.memory_space<hbm>>
      tpu.wait_dma2 semaphore(%arg15 : memref<!tpu.dma_semaphore, #tpu.memory_space<semaphore_mem>>) src(%dma_wait3A_161 : memref<128xf32, #tpu.memory_space<hbm>>) dst(%dma_wait3A_159 : memref<128xf32, #tpu.memory_space<vmem>>)
    } else {
    }
    %dma_start3A_73 = arith.constant 0 : i32
    %dma_start3A_74 = arith.constant 0 : i32
    %dma_start3A_75 = arith.constant 0 : i32
    %dma_start3A_76 = arith.constant 0 : i32
    %dma_start3A_77 = tpu.memref_slice %arg10[%dma_start3A_74, %dma_start3A_75, %dma_start3A_76] : memref<3x128x64xf32, #tpu.memory_space<vmem>> -> memref<1x128x64xf32, #tpu.memory_space<vmem>>
    %dma_start3A_78 = tpu.memref_squeeze %dma_start3A_77 : memref<1x128x64xf32, #tpu.memory_space<vmem>> -> memref<128x64xf32, #tpu.memory_space<vmem>>
    %dma_start3A_79 = arith.constant 0 : i32
    %dma_start3A_80 = tpu.memref_slice %arg8[%dma_start3A_73, %dma_start3A_79] : memref<3x128xi32, #tpu.memory_space<vmem>> -> memref<1x128xi32, #tpu.memory_space<vmem>>
    %dma_start3A_81 = tpu.memref_squeeze %dma_start3A_80 : memref<1x128xi32, #tpu.memory_space<vmem>> -> memref<128xi32, #tpu.memory_space<vmem>>
    %dma_start3A_82 = arith.constant 0 : i32
    %dma_start3A_83 = arith.constant 0 : i32
    %dma_start3A_84 = tpu.memref_slice %arg3[%dma_start3A_82, %dma_start3A_83] : memref<10000x64xf32, #tpu.memory_space<hbm>> -> memref<10000x64xf32, #tpu.memory_space<hbm>>
    tpu.enqueue_indirect_dma source(%dma_start3A_84 : memref<10000x64xf32, #tpu.memory_space<hbm>>) target(%dma_start3A_78 : memref<128x64xf32, #tpu.memory_space<vmem>>) offsets(%dma_start3A_81 : memref<128xi32, #tpu.memory_space<vmem>>) semaphore(%arg16 : memref<!tpu.dma_semaphore, #tpu.memory_space<semaphore_mem>>)
    %dma_start3A_85 = arith.constant 0 : i32
    %dma_start3A_86 = arith.constant 0 : i32
    %dma_start3A_87 = arith.constant 0 : i32
    %dma_start3A_88 = arith.constant 0 : i32
    %dma_start3A_89 = tpu.memref_slice %arg11[%dma_start3A_86, %dma_start3A_87, %dma_start3A_88] : memref<3x128x64xf32, #tpu.memory_space<vmem>> -> memref<1x128x64xf32, #tpu.memory_space<vmem>>
    %dma_start3A_90 = tpu.memref_squeeze %dma_start3A_89 : memref<1x128x64xf32, #tpu.memory_space<vmem>> -> memref<128x64xf32, #tpu.memory_space<vmem>>
    %dma_start3A_91 = arith.constant 0 : i32
    %dma_start3A_92 = tpu.memref_slice %arg9[%dma_start3A_85, %dma_start3A_91] : memref<3x128xi32, #tpu.memory_space<vmem>> -> memref<1x128xi32, #tpu.memory_space<vmem>>
    %dma_start3A_93 = tpu.memref_squeeze %dma_start3A_92 : memref<1x128xi32, #tpu.memory_space<vmem>> -> memref<128xi32, #tpu.memory_space<vmem>>
    %dma_start3A_94 = arith.constant 0 : i32
    %dma_start3A_95 = arith.constant 0 : i32
    %dma_start3A_96 = tpu.memref_slice %arg4[%dma_start3A_94, %dma_start3A_95] : memref<10000x64xf32, #tpu.memory_space<hbm>> -> memref<10000x64xf32, #tpu.memory_space<hbm>>
    tpu.enqueue_indirect_dma source(%dma_start3A_96 : memref<10000x64xf32, #tpu.memory_space<hbm>>) target(%dma_start3A_90 : memref<128x64xf32, #tpu.memory_space<vmem>>) offsets(%dma_start3A_93 : memref<128xi32, #tpu.memory_space<vmem>>) semaphore(%arg16 : memref<!tpu.dma_semaphore, #tpu.memory_space<semaphore_mem>>)
    %add3A_97 = arith.constant 128 : i32
    %add3A_98 = arith.addi %mul3A_2, %add3A_97 : i32
    %dma_start3A_99 = arith.constant 0 : i32
    %dma_start3A_100 = arith.constant 1 : i32
    %dma_start3A_101 = arith.constant 0 : i32
    %dma_start3A_102 = tpu.memref_slice %arg8[%dma_start3A_100, %dma_start3A_101] : memref<3x128xi32, #tpu.memory_space<vmem>> -> memref<1x128xi32, #tpu.memory_space<vmem>>
    %dma_start3A_103 = tpu.memref_squeeze %dma_start3A_102 : memref<1x128xi32, #tpu.memory_space<vmem>> -> memref<128xi32, #tpu.memory_space<vmem>>
    %dma_start3A_104 = tpu.memref_slice %arg2[%dma_start3A_99, %add3A_98] : memref<2x320000xi32, #tpu.memory_space<hbm>> -> memref<1x128xi32, #tpu.memory_space<hbm>>
    %dma_start3A_105 = tpu.memref_squeeze %dma_start3A_104 : memref<1x128xi32, #tpu.memory_space<hbm>> -> memref<128xi32, #tpu.memory_space<hbm>>
    %dma_start3A_106 = arith.constant 0 : i32
    %dma_start3A_107 = tpu.memref_slice %arg8[%dma_start3A_100, %dma_start3A_106] : memref<3x128xi32, #tpu.memory_space<vmem>> -> memref<1x128xi32, #tpu.memory_space<vmem>>
    %dma_start3A_108 = tpu.memref_squeeze %dma_start3A_107 : memref<1x128xi32, #tpu.memory_space<vmem>> -> memref<128xi32, #tpu.memory_space<vmem>>
    %dma_start3A_109 = tpu.memref_slice %arg2[%dma_start3A_99, %add3A_98] : memref<2x320000xi32, #tpu.memory_space<hbm>> -> memref<1x128xi32, #tpu.memory_space<hbm>>
    %dma_start3A_110 = tpu.memref_squeeze %dma_start3A_109 : memref<1x128xi32, #tpu.memory_space<hbm>> -> memref<128xi32, #tpu.memory_space<hbm>>
    tpu.enqueue_dma source(%dma_start3A_110 : memref<128xi32, #tpu.memory_space<hbm>>) target(%dma_start3A_108 : memref<128xi32, #tpu.memory_space<vmem>>) target_semaphore(%arg15 : memref<!tpu.dma_semaphore, #tpu.memory_space<semaphore_mem>>)
    %dma_start3A_111 = arith.constant 1 : i32
    %dma_start3A_112 = arith.constant 1 : i32
    %dma_start3A_113 = arith.constant 0 : i32
    %dma_start3A_114 = tpu.memref_slice %arg9[%dma_start3A_112, %dma_start3A_113] : memref<3x128xi32, #tpu.memory_space<vmem>> -> memref<1x128xi32, #tpu.memory_space<vmem>>
    %dma_start3A_115 = tpu.memref_squeeze %dma_start3A_114 : memref<1x128xi32, #tpu.memory_space<vmem>> -> memref<128xi32, #tpu.memory_space<vmem>>
    %dma_start3A_116 = tpu.memref_slice %arg2[%dma_start3A_111, %add3A_98] : memref<2x320000xi32, #tpu.memory_space<hbm>> -> memref<1x128xi32, #tpu.memory_space<hbm>>
    %dma_start3A_117 = tpu.memref_squeeze %dma_start3A_116 : memref<1x128xi32, #tpu.memory_space<hbm>> -> memref<128xi32, #tpu.memory_space<hbm>>
    %dma_start3A_118 = arith.constant 0 : i32
    %dma_start3A_119 = tpu.memref_slice %arg9[%dma_start3A_112, %dma_start3A_118] : memref<3x128xi32, #tpu.memory_space<vmem>> -> memref<1x128xi32, #tpu.memory_space<vmem>>
    %dma_start3A_120 = tpu.memref_squeeze %dma_start3A_119 : memref<1x128xi32, #tpu.memory_space<vmem>> -> memref<128xi32, #tpu.memory_space<vmem>>
    %dma_start3A_121 = tpu.memref_slice %arg2[%dma_start3A_111, %add3A_98] : memref<2x320000xi32, #tpu.memory_space<hbm>> -> memref<1x128xi32, #tpu.memory_space<hbm>>
    %dma_start3A_122 = tpu.memref_squeeze %dma_start3A_121 : memref<1x128xi32, #tpu.memory_space<hbm>> -> memref<128xi32, #tpu.memory_space<hbm>>
    tpu.enqueue_dma source(%dma_start3A_122 : memref<128xi32, #tpu.memory_space<hbm>>) target(%dma_start3A_120 : memref<128xi32, #tpu.memory_space<vmem>>) target_semaphore(%arg15 : memref<!tpu.dma_semaphore, #tpu.memory_space<semaphore_mem>>)
    %lt3A_123 = arith.constant 10000 : i32
    %lt3A_124 = arith.cmpi slt, %add3A_98, %lt3A_123 : i32
    %convert_element_type3A_125 = arith.extui %lt3A_124 : i1 to i32
    %cond3A_126 = arith.constant 0 : i32
    %cond3A_127 = arith.cmpi ne, %convert_element_type3A_125, %cond3A_126 : i32
    scf.if %cond3A_127 {
      %dma_start3A_151 = arith.constant 1 : i32
      %dma_start3A_152 = arith.constant 0 : i32
      %dma_start3A_153 = tpu.memref_slice %arg12[%dma_start3A_151, %dma_start3A_152] : memref<3x128xf32, #tpu.memory_space<vmem>> -> memref<1x128xf32, #tpu.memory_space<vmem>>
      %dma_start3A_154 = tpu.memref_squeeze %dma_start3A_153 : memref<1x128xf32, #tpu.memory_space<vmem>> -> memref<128xf32, #tpu.memory_space<vmem>>
      %dma_start3A_155 = tpu.memref_slice %arg5[%add3A_98] : memref<10112xf32, #tpu.memory_space<hbm>> -> memref<128xf32, #tpu.memory_space<hbm>>
      %dma_start3A_156 = arith.constant 0 : i32
      %dma_start3A_157 = tpu.memref_slice %arg12[%dma_start3A_151, %dma_start3A_156] : memref<3x128xf32, #tpu.memory_space<vmem>> -> memref<1x128xf32, #tpu.memory_space<vmem>>
      %dma_start3A_158 = tpu.memref_squeeze %dma_start3A_157 : memref<1x128xf32, #tpu.memory_space<vmem>> -> memref<128xf32, #tpu.memory_space<vmem>>
      %dma_start3A_159 = tpu.memref_slice %arg5[%add3A_98] : memref<10112xf32, #tpu.memory_space<hbm>> -> memref<128xf32, #tpu.memory_space<hbm>>
      tpu.enqueue_dma source(%dma_start3A_159 : memref<128xf32, #tpu.memory_space<hbm>>) target(%dma_start3A_158 : memref<128xf32, #tpu.memory_space<vmem>>) target_semaphore(%arg15 : memref<!tpu.dma_semaphore, #tpu.memory_space<semaphore_mem>>)
    } else {
    }
    %scan3A = arith.constant 0 : i32
    %scan3A_128 = arith.constant 0 : i32
    %scan3A_129 = arith.constant 78 : i32
    %scan3A_130 = arith.addi %scan3A_128, %scan3A_129 : i32
    %scan3A_131 = arith.constant 1 : i32
    %scan3A_132 = scf.for %scan3A_151 = %scan3A_128 to %scan3A_130 step %scan3A_131 iter_args(%scan3A_152 = %scan3A) -> (i32)  : i32 {
      %rem3A_153 = arith.constant 3 : i32
      %rem3A_154 = arith.remsi %scan3A_151, %rem3A_153 : i32
      %add3A_155 = arith.constant 1 : i32
      %add3A_156 = arith.addi %scan3A_151, %add3A_155 : i32
      %rem3A_157 = arith.constant 3 : i32
      %rem3A_158 = arith.remsi %add3A_156, %rem3A_157 : i32
      %add3A_159 = arith.constant 2 : i32
      %add3A_160 = arith.addi %scan3A_151, %add3A_159 : i32
      %rem3A_161 = arith.constant 3 : i32
      %rem3A_162 = arith.remsi %add3A_160, %rem3A_161 : i32
      %gt3A = arith.constant 0 : i32
      %gt3A_163 = arith.cmpi sgt, %scan3A_151, %gt3A : i32
      %convert_element_type3A_164 = arith.extui %gt3A_163 : i1 to i32
      %cond3A_165 = arith.constant 0 : i32
      %cond3A_166 = arith.cmpi ne, %convert_element_type3A_164, %cond3A_165 : i32
      scf.if %cond3A_166 {
        %sub3A = arith.constant 1 : i32
        %sub3A_223 = arith.subi %scan3A_151, %sub3A : i32
        %mul3A_224 = arith.constant 128 : i32
        %mul3A_225 = arith.muli %sub3A_223, %mul3A_224 : i32
        %add3A_226 = arith.addi %mul3A_2, %mul3A_225 : i32
        %dma_wait3A_227 = arith.constant 0 : i32
        %dma_wait3A_228 = tpu.memref_slice %arg13[%rem3A_162, %dma_wait3A_227] : memref<3x128xf32, #tpu.memory_space<vmem>> -> memref<1x128xf32, #tpu.memory_space<vmem>>
        %dma_wait3A_229 = tpu.memref_squeeze %dma_wait3A_228 : memref<1x128xf32, #tpu.memory_space<vmem>> -> memref<128xf32, #tpu.memory_space<vmem>>
        %dma_wait3A_230 = tpu.memref_slice %arg7[%add3A_226] : memref<320000xf32, #tpu.memory_space<hbm>> -> memref<128xf32, #tpu.memory_space<hbm>>
        %dma_wait3A_231 = tpu.memref_slice %arg7[%add3A_226] : memref<320000xf32, #tpu.memory_space<hbm>> -> memref<128xf32, #tpu.memory_space<hbm>>
        %dma_wait3A_232 = arith.constant 0 : i32
        %dma_wait3A_233 = tpu.memref_slice %arg13[%rem3A_162, %dma_wait3A_232] : memref<3x128xf32, #tpu.memory_space<vmem>> -> memref<1x128xf32, #tpu.memory_space<vmem>>
        %dma_wait3A_234 = tpu.memref_squeeze %dma_wait3A_233 : memref<1x128xf32, #tpu.memory_space<vmem>> -> memref<128xf32, #tpu.memory_space<vmem>>
        tpu.wait_dma2 semaphore(%arg17 : memref<!tpu.dma_semaphore, #tpu.memory_space<semaphore_mem>>) src(%dma_wait3A_234 : memref<128xf32, #tpu.memory_space<vmem>>) dst(%dma_wait3A_231 : memref<128xf32, #tpu.memory_space<hbm>>)
      } else {
      }
      %dma_wait3A_167 = arith.constant 0 : i32
      %dma_wait3A_168 = arith.constant 0 : i32
      %dma_wait3A_169 = tpu.memref_slice %arg10[%rem3A_154, %dma_wait3A_167, %dma_wait3A_168] : memref<3x128x64xf32, #tpu.memory_space<vmem>> -> memref<1x128x64xf32, #tpu.memory_space<vmem>>
      %dma_wait3A_170 = tpu.memref_squeeze %dma_wait3A_169 : memref<1x128x64xf32, #tpu.memory_space<vmem>> -> memref<128x64xf32, #tpu.memory_space<vmem>>
      %dma_wait3A_171 = arith.constant 0 : i32
      %dma_wait3A_172 = tpu.memref_slice %arg8[%rem3A_154, %dma_wait3A_171] : memref<3x128xi32, #tpu.memory_space<vmem>> -> memref<1x128xi32, #tpu.memory_space<vmem>>
      %dma_wait3A_173 = tpu.memref_squeeze %dma_wait3A_172 : memref<1x128xi32, #tpu.memory_space<vmem>> -> memref<128xi32, #tpu.memory_space<vmem>>
      %dma_wait3A_174 = arith.constant 0 : i32
      %dma_wait3A_175 = arith.constant 0 : i32
      %dma_wait3A_176 = tpu.memref_slice %arg3[%dma_wait3A_174, %dma_wait3A_175] : memref<10000x64xf32, #tpu.memory_space<hbm>> -> memref<10000x64xf32, #tpu.memory_space<hbm>>
      tpu.wait_indirect_dma semaphore(%arg16 : memref<!tpu.dma_semaphore, #tpu.memory_space<semaphore_mem>>) src(%dma_wait3A_176 : memref<10000x64xf32, #tpu.memory_space<hbm>>) dst(%dma_wait3A_170 : memref<128x64xf32, #tpu.memory_space<vmem>>)
      %dma_wait3A_177 = arith.constant 0 : i32
      %dma_wait3A_178 = arith.constant 0 : i32
      %dma_wait3A_179 = tpu.memref_slice %arg11[%rem3A_154, %dma_wait3A_177, %dma_wait3A_178] : memref<3x128x64xf32, #tpu.memory_space<vmem>> -> memref<1x128x64xf32, #tpu.memory_space<vmem>>
      %dma_wait3A_180 = tpu.memref_squeeze %dma_wait3A_179 : memref<1x128x64xf32, #tpu.memory_space<vmem>> -> memref<128x64xf32, #tpu.memory_space<vmem>>
      %dma_wait3A_181 = arith.constant 0 : i32
      %dma_wait3A_182 = tpu.memref_slice %arg9[%rem3A_154, %dma_wait3A_181] : memref<3x128xi32, #tpu.memory_space<vmem>> -> memref<1x128xi32, #tpu.memory_space<vmem>>
      %dma_wait3A_183 = tpu.memref_squeeze %dma_wait3A_182 : memref<1x128xi32, #tpu.memory_space<vmem>> -> memref<128xi32, #tpu.memory_space<vmem>>
      %dma_wait3A_184 = arith.constant 0 : i32
      %dma_wait3A_185 = arith.constant 0 : i32
      %dma_wait3A_186 = tpu.memref_slice %arg4[%dma_wait3A_184, %dma_wait3A_185] : memref<10000x64xf32, #tpu.memory_space<hbm>> -> memref<10000x64xf32, #tpu.memory_space<hbm>>
      tpu.wait_indirect_dma semaphore(%arg16 : memref<!tpu.dma_semaphore, #tpu.memory_space<semaphore_mem>>) src(%dma_wait3A_186 : memref<10000x64xf32, #tpu.memory_space<hbm>>) dst(%dma_wait3A_180 : memref<128x64xf32, #tpu.memory_space<vmem>>)
      %add3A_187 = arith.constant 1 : i32
      %add3A_188 = arith.addi %scan3A_151, %add3A_187 : i32
      %lt3A_189 = arith.constant 78 : i32
      %lt3A_190 = arith.cmpi slt, %add3A_188, %lt3A_189 : i32
      %convert_element_type3A_191 = arith.extui %lt3A_190 : i1 to i32
      %cond3A_192 = arith.constant 0 : i32
      %cond3A_193 = arith.cmpi ne, %convert_element_type3A_191, %cond3A_192 : i32
      scf.if %cond3A_193 {
        %add3A_223 = arith.constant 1 : i32
        %add3A_224 = arith.addi %scan3A_151, %add3A_223 : i32
        %mul3A_225 = arith.constant 128 : i32
        %mul3A_226 = arith.muli %add3A_224, %mul3A_225 : i32
        %add3A_227 = arith.addi %mul3A_2, %mul3A_226 : i32
        %dma_wait3A_228 = arith.constant 0 : i32
        %dma_wait3A_229 = arith.constant 0 : i32
        %dma_wait3A_230 = tpu.memref_slice %arg8[%rem3A_158, %dma_wait3A_229] : memref<3x128xi32, #tpu.memory_space<vmem>> -> memref<1x128xi32, #tpu.memory_space<vmem>>
        %dma_wait3A_231 = tpu.memref_squeeze %dma_wait3A_230 : memref<1x128xi32, #tpu.memory_space<vmem>> -> memref<128xi32, #tpu.memory_space<vmem>>
        %dma_wait3A_232 = arith.constant 0 : i32
        %dma_wait3A_233 = tpu.memref_slice %arg2[%dma_wait3A_228, %dma_wait3A_232] : memref<2x320000xi32, #tpu.memory_space<hbm>> -> memref<1x128xi32, #tpu.memory_space<hbm>>
        %dma_wait3A_234 = tpu.memref_squeeze %dma_wait3A_233 : memref<1x128xi32, #tpu.memory_space<hbm>> -> memref<128xi32, #tpu.memory_space<hbm>>
        %dma_wait3A_235 = arith.constant 0 : i32
        %dma_wait3A_236 = tpu.memref_slice %arg8[%rem3A_158, %dma_wait3A_235] : memref<3x128xi32, #tpu.memory_space<vmem>> -> memref<1x128xi32, #tpu.memory_space<vmem>>
        %dma_wait3A_237 = tpu.memref_squeeze %dma_wait3A_236 : memref<1x128xi32, #tpu.memory_space<vmem>> -> memref<128xi32, #tpu.memory_space<vmem>>
        %dma_wait3A_238 = arith.constant 0 : i32
        %dma_wait3A_239 = tpu.memref_slice %arg2[%dma_wait3A_228, %dma_wait3A_238] : memref<2x320000xi32, #tpu.memory_space<hbm>> -> memref<1x128xi32, #tpu.memory_space<hbm>>
        %dma_wait3A_240 = tpu.memref_squeeze %dma_wait3A_239 : memref<1x128xi32, #tpu.memory_space<hbm>> -> memref<128xi32, #tpu.memory_space<hbm>>
        tpu.wait_dma2 semaphore(%arg15 : memref<!tpu.dma_semaphore, #tpu.memory_space<semaphore_mem>>) src(%dma_wait3A_240 : memref<128xi32, #tpu.memory_space<hbm>>) dst(%dma_wait3A_237 : memref<128xi32, #tpu.memory_space<vmem>>)
        %dma_wait3A_241 = arith.constant 1 : i32
        %dma_wait3A_242 = arith.constant 0 : i32
        %dma_wait3A_243 = tpu.memref_slice %arg9[%rem3A_158, %dma_wait3A_242] : memref<3x128xi32, #tpu.memory_space<vmem>> -> memref<1x128xi32, #tpu.memory_space<vmem>>
        %dma_wait3A_244 = tpu.memref_squeeze %dma_wait3A_243 : memref<1x128xi32, #tpu.memory_space<vmem>> -> memref<128xi32, #tpu.memory_space<vmem>>
        %dma_wait3A_245 = arith.constant 0 : i32
        %dma_wait3A_246 = tpu.memref_slice %arg2[%dma_wait3A_241, %dma_wait3A_245] : memref<2x320000xi32, #tpu.memory_space<hbm>> -> memref<1x128xi32, #tpu.memory_space<hbm>>
        %dma_wait3A_247 = tpu.memref_squeeze %dma_wait3A_246 : memref<1x128xi32, #tpu.memory_space<hbm>> -> memref<128xi32, #tpu.memory_space<hbm>>
        %dma_wait3A_248 = arith.constant 0 : i32
        %dma_wait3A_249 = tpu.memref_slice %arg9[%rem3A_158, %dma_wait3A_248] : memref<3x128xi32, #tpu.memory_space<vmem>> -> memref<1x128xi32, #tpu.memory_space<vmem>>
        %dma_wait3A_250 = tpu.memref_squeeze %dma_wait3A_249 : memref<1x128xi32, #tpu.memory_space<vmem>> -> memref<128xi32, #tpu.memory_space<vmem>>
        %dma_wait3A_251 = arith.constant 0 : i32
        %dma_wait3A_252 = tpu.memref_slice %arg2[%dma_wait3A_241, %dma_wait3A_251] : memref<2x320000xi32, #tpu.memory_space<hbm>> -> memref<1x128xi32, #tpu.memory_space<hbm>>
        %dma_wait3A_253 = tpu.memref_squeeze %dma_wait3A_252 : memref<1x128xi32, #tpu.memory_space<hbm>> -> memref<128xi32, #tpu.memory_space<hbm>>
        tpu.wait_dma2 semaphore(%arg15 : memref<!tpu.dma_semaphore, #tpu.memory_space<semaphore_mem>>) src(%dma_wait3A_253 : memref<128xi32, #tpu.memory_space<hbm>>) dst(%dma_wait3A_250 : memref<128xi32, #tpu.memory_space<vmem>>)
        %lt3A_254 = arith.constant 10000 : i32
        %lt3A_255 = arith.cmpi slt, %add3A_227, %lt3A_254 : i32
        %convert_element_type3A_256 = arith.extui %lt3A_255 : i1 to i32
        %cond3A_257 = arith.constant 0 : i32
        %cond3A_258 = arith.cmpi ne, %convert_element_type3A_256, %cond3A_257 : i32
        scf.if %cond3A_258 {
          %dma_wait3A_279 = arith.constant 0 : i32
          %dma_wait3A_280 = tpu.memref_slice %arg12[%rem3A_158, %dma_wait3A_279] : memref<3x128xf32, #tpu.memory_space<vmem>> -> memref<1x128xf32, #tpu.memory_space<vmem>>
          %dma_wait3A_281 = tpu.memref_squeeze %dma_wait3A_280 : memref<1x128xf32, #tpu.memory_space<vmem>> -> memref<128xf32, #tpu.memory_space<vmem>>
          %dma_wait3A_282 = arith.constant 0 : i32
          %dma_wait3A_283 = tpu.memref_slice %arg5[%dma_wait3A_282] : memref<10112xf32, #tpu.memory_space<hbm>> -> memref<128xf32, #tpu.memory_space<hbm>>
          %dma_wait3A_284 = arith.constant 0 : i32
          %dma_wait3A_285 = tpu.memref_slice %arg12[%rem3A_158, %dma_wait3A_284] : memref<3x128xf32, #tpu.memory_space<vmem>> -> memref<1x128xf32, #tpu.memory_space<vmem>>
          %dma_wait3A_286 = tpu.memref_squeeze %dma_wait3A_285 : memref<1x128xf32, #tpu.memory_space<vmem>> -> memref<128xf32, #tpu.memory_space<vmem>>
          %dma_wait3A_287 = arith.constant 0 : i32
          %dma_wait3A_288 = tpu.memref_slice %arg5[%dma_wait3A_287] : memref<10112xf32, #tpu.memory_space<hbm>> -> memref<128xf32, #tpu.memory_space<hbm>>
          tpu.wait_dma2 semaphore(%arg15 : memref<!tpu.dma_semaphore, #tpu.memory_space<semaphore_mem>>) src(%dma_wait3A_288 : memref<128xf32, #tpu.memory_space<hbm>>) dst(%dma_wait3A_286 : memref<128xf32, #tpu.memory_space<vmem>>)
        } else {
        }
        %dma_start3A_259 = arith.constant 0 : i32
        %dma_start3A_260 = arith.constant 0 : i32
        %dma_start3A_261 = tpu.memref_slice %arg10[%rem3A_158, %dma_start3A_259, %dma_start3A_260] : memref<3x128x64xf32, #tpu.memory_space<vmem>> -> memref<1x128x64xf32, #tpu.memory_space<vmem>>
        %dma_start3A_262 = tpu.memref_squeeze %dma_start3A_261 : memref<1x128x64xf32, #tpu.memory_space<vmem>> -> memref<128x64xf32, #tpu.memory_space<vmem>>
        %dma_start3A_263 = arith.constant 0 : i32
        %dma_start3A_264 = tpu.memref_slice %arg8[%rem3A_158, %dma_start3A_263] : memref<3x128xi32, #tpu.memory_space<vmem>> -> memref<1x128xi32, #tpu.memory_space<vmem>>
        %dma_start3A_265 = tpu.memref_squeeze %dma_start3A_264 : memref<1x128xi32, #tpu.memory_space<vmem>> -> memref<128xi32, #tpu.memory_space<vmem>>
        %dma_start3A_266 = arith.constant 0 : i32
        %dma_start3A_267 = arith.constant 0 : i32
        %dma_start3A_268 = tpu.memref_slice %arg3[%dma_start3A_266, %dma_start3A_267] : memref<10000x64xf32, #tpu.memory_space<hbm>> -> memref<10000x64xf32, #tpu.memory_space<hbm>>
        tpu.enqueue_indirect_dma source(%dma_start3A_268 : memref<10000x64xf32, #tpu.memory_space<hbm>>) target(%dma_start3A_262 : memref<128x64xf32, #tpu.memory_space<vmem>>) offsets(%dma_start3A_265 : memref<128xi32, #tpu.memory_space<vmem>>) semaphore(%arg16 : memref<!tpu.dma_semaphore, #tpu.memory_space<semaphore_mem>>)
        %dma_start3A_269 = arith.constant 0 : i32
        %dma_start3A_270 = arith.constant 0 : i32
        %dma_start3A_271 = tpu.memref_slice %arg11[%rem3A_158, %dma_start3A_269, %dma_start3A_270] : memref<3x128x64xf32, #tpu.memory_space<vmem>> -> memref<1x128x64xf32, #tpu.memory_space<vmem>>
        %dma_start3A_272 = tpu.memref_squeeze %dma_start3A_271 : memref<1x128x64xf32, #tpu.memory_space<vmem>> -> memref<128x64xf32, #tpu.memory_space<vmem>>
        %dma_start3A_273 = arith.constant 0 : i32
        %dma_start3A_274 = tpu.memref_slice %arg9[%rem3A_158, %dma_start3A_273] : memref<3x128xi32, #tpu.memory_space<vmem>> -> memref<1x128xi32, #tpu.memory_space<vmem>>
        %dma_start3A_275 = tpu.memref_squeeze %dma_start3A_274 : memref<1x128xi32, #tpu.memory_space<vmem>> -> memref<128xi32, #tpu.memory_space<vmem>>
        %dma_start3A_276 = arith.constant 0 : i32
        %dma_start3A_277 = arith.constant 0 : i32
        %dma_start3A_278 = tpu.memref_slice %arg4[%dma_start3A_276, %dma_start3A_277] : memref<10000x64xf32, #tpu.memory_space<hbm>> -> memref<10000x64xf32, #tpu.memory_space<hbm>>
        tpu.enqueue_indirect_dma source(%dma_start3A_278 : memref<10000x64xf32, #tpu.memory_space<hbm>>) target(%dma_start3A_272 : memref<128x64xf32, #tpu.memory_space<vmem>>) offsets(%dma_start3A_275 : memref<128xi32, #tpu.memory_space<vmem>>) semaphore(%arg16 : memref<!tpu.dma_semaphore, #tpu.memory_space<semaphore_mem>>)
      } else {
      }
      %add3A_194 = arith.constant 2 : i32
      %add3A_195 = arith.addi %scan3A_151, %add3A_194 : i32
      %lt3A_196 = arith.constant 78 : i32
      %lt3A_197 = arith.cmpi slt, %add3A_195, %lt3A_196 : i32
      %convert_element_type3A_198 = arith.extui %lt3A_197 : i1 to i32
      %cond3A_199 = arith.constant 0 : i32
      %cond3A_200 = arith.cmpi ne, %convert_element_type3A_198, %cond3A_199 : i32
      scf.if %cond3A_200 {
        %add3A_223 = arith.constant 2 : i32
        %add3A_224 = arith.addi %scan3A_151, %add3A_223 : i32
        %mul3A_225 = arith.constant 128 : i32
        %mul3A_226 = arith.muli %add3A_224, %mul3A_225 : i32
        %add3A_227 = arith.addi %mul3A_2, %mul3A_226 : i32
        %dma_start3A_228 = arith.constant 0 : i32
        %dma_start3A_229 = arith.constant 0 : i32
        %dma_start3A_230 = tpu.memref_slice %arg8[%rem3A_162, %dma_start3A_229] : memref<3x128xi32, #tpu.memory_space<vmem>> -> memref<1x128xi32, #tpu.memory_space<vmem>>
        %dma_start3A_231 = tpu.memref_squeeze %dma_start3A_230 : memref<1x128xi32, #tpu.memory_space<vmem>> -> memref<128xi32, #tpu.memory_space<vmem>>
        %dma_start3A_232 = tpu.memref_slice %arg2[%dma_start3A_228, %add3A_227] : memref<2x320000xi32, #tpu.memory_space<hbm>> -> memref<1x128xi32, #tpu.memory_space<hbm>>
        %dma_start3A_233 = tpu.memref_squeeze %dma_start3A_232 : memref<1x128xi32, #tpu.memory_space<hbm>> -> memref<128xi32, #tpu.memory_space<hbm>>
        %dma_start3A_234 = arith.constant 0 : i32
        %dma_start3A_235 = tpu.memref_slice %arg8[%rem3A_162, %dma_start3A_234] : memref<3x128xi32, #tpu.memory_space<vmem>> -> memref<1x128xi32, #tpu.memory_space<vmem>>
        %dma_start3A_236 = tpu.memref_squeeze %dma_start3A_235 : memref<1x128xi32, #tpu.memory_space<vmem>> -> memref<128xi32, #tpu.memory_space<vmem>>
        %dma_start3A_237 = tpu.memref_slice %arg2[%dma_start3A_228, %add3A_227] : memref<2x320000xi32, #tpu.memory_space<hbm>> -> memref<1x128xi32, #tpu.memory_space<hbm>>
        %dma_start3A_238 = tpu.memref_squeeze %dma_start3A_237 : memref<1x128xi32, #tpu.memory_space<hbm>> -> memref<128xi32, #tpu.memory_space<hbm>>
        tpu.enqueue_dma source(%dma_start3A_238 : memref<128xi32, #tpu.memory_space<hbm>>) target(%dma_start3A_236 : memref<128xi32, #tpu.memory_space<vmem>>) target_semaphore(%arg15 : memref<!tpu.dma_semaphore, #tpu.memory_space<semaphore_mem>>)
        %dma_start3A_239 = arith.constant 1 : i32
        %dma_start3A_240 = arith.constant 0 : i32
        %dma_start3A_241 = tpu.memref_slice %arg9[%rem3A_162, %dma_start3A_240] : memref<3x128xi32, #tpu.memory_space<vmem>> -> memref<1x128xi32, #tpu.memory_space<vmem>>
        %dma_start3A_242 = tpu.memref_squeeze %dma_start3A_241 : memref<1x128xi32, #tpu.memory_space<vmem>> -> memref<128xi32, #tpu.memory_space<vmem>>
        %dma_start3A_243 = tpu.memref_slice %arg2[%dma_start3A_239, %add3A_227] : memref<2x320000xi32, #tpu.memory_space<hbm>> -> memref<1x128xi32, #tpu.memory_space<hbm>>
        %dma_start3A_244 = tpu.memref_squeeze %dma_start3A_243 : memref<1x128xi32, #tpu.memory_space<hbm>> -> memref<128xi32, #tpu.memory_space<hbm>>
        %dma_start3A_245 = arith.constant 0 : i32
        %dma_start3A_246 = tpu.memref_slice %arg9[%rem3A_162, %dma_start3A_245] : memref<3x128xi32, #tpu.memory_space<vmem>> -> memref<1x128xi32, #tpu.memory_space<vmem>>
        %dma_start3A_247 = tpu.memref_squeeze %dma_start3A_246 : memref<1x128xi32, #tpu.memory_space<vmem>> -> memref<128xi32, #tpu.memory_space<vmem>>
        %dma_start3A_248 = tpu.memref_slice %arg2[%dma_start3A_239, %add3A_227] : memref<2x320000xi32, #tpu.memory_space<hbm>> -> memref<1x128xi32, #tpu.memory_space<hbm>>
        %dma_start3A_249 = tpu.memref_squeeze %dma_start3A_248 : memref<1x128xi32, #tpu.memory_space<hbm>> -> memref<128xi32, #tpu.memory_space<hbm>>
        tpu.enqueue_dma source(%dma_start3A_249 : memref<128xi32, #tpu.memory_space<hbm>>) target(%dma_start3A_247 : memref<128xi32, #tpu.memory_space<vmem>>) target_semaphore(%arg15 : memref<!tpu.dma_semaphore, #tpu.memory_space<semaphore_mem>>)
        %lt3A_250 = arith.constant 10000 : i32
        %lt3A_251 = arith.cmpi slt, %add3A_227, %lt3A_250 : i32
        %convert_element_type3A_252 = arith.extui %lt3A_251 : i1 to i32
        %cond3A_253 = arith.constant 0 : i32
        %cond3A_254 = arith.cmpi ne, %convert_element_type3A_252, %cond3A_253 : i32
        scf.if %cond3A_254 {
          %dma_start3A_255 = arith.constant 0 : i32
          %dma_start3A_256 = tpu.memref_slice %arg12[%rem3A_162, %dma_start3A_255] : memref<3x128xf32, #tpu.memory_space<vmem>> -> memref<1x128xf32, #tpu.memory_space<vmem>>
          %dma_start3A_257 = tpu.memref_squeeze %dma_start3A_256 : memref<1x128xf32, #tpu.memory_space<vmem>> -> memref<128xf32, #tpu.memory_space<vmem>>
          %dma_start3A_258 = tpu.memref_slice %arg5[%add3A_227] : memref<10112xf32, #tpu.memory_space<hbm>> -> memref<128xf32, #tpu.memory_space<hbm>>
          %dma_start3A_259 = arith.constant 0 : i32
          %dma_start3A_260 = tpu.memref_slice %arg12[%rem3A_162, %dma_start3A_259] : memref<3x128xf32, #tpu.memory_space<vmem>> -> memref<1x128xf32, #tpu.memory_space<vmem>>
          %dma_start3A_261 = tpu.memref_squeeze %dma_start3A_260 : memref<1x128xf32, #tpu.memory_space<vmem>> -> memref<128xf32, #tpu.memory_space<vmem>>
          %dma_start3A_262 = tpu.memref_slice %arg5[%add3A_227] : memref<10112xf32, #tpu.memory_space<hbm>> -> memref<128xf32, #tpu.memory_space<hbm>>
          tpu.enqueue_dma source(%dma_start3A_262 : memref<128xf32, #tpu.memory_space<hbm>>) target(%dma_start3A_261 : memref<128xf32, #tpu.memory_space<vmem>>) target_semaphore(%arg15 : memref<!tpu.dma_semaphore, #tpu.memory_space<semaphore_mem>>)
        } else {
        }
      } else {
      }
      %mul3A_201 = arith.constant 128 : i32
      %mul3A_202 = arith.muli %scan3A_151, %mul3A_201 : i32
      %add3A_203 = arith.addi %mul3A_2, %mul3A_202 : i32
      %scan3A_204 = arith.constant 0 : i32
      %scan3A_205 = arith.constant 0 : i32
      %scan3A_206 = arith.constant 8 : i32
      %scan3A_207 = arith.addi %scan3A_205, %scan3A_206 : i32
      %scan3A_208 = arith.constant 1 : i32
      %scan3A_209 = scf.for %scan3A_223 = %scan3A_205 to %scan3A_207 step %scan3A_208 iter_args(%scan3A_224 = %scan3A_204) -> (i32)  : i32 {
        %broadcast_in_dim3A = arith.constant 0.000000e+00 : f32
        %broadcast_in_dim3A_225 = vector.broadcast %broadcast_in_dim3A : f32 to vector<16xf32>
        %scan3A_226 = arith.constant 0 : i32
        %scan3A_227 = arith.constant 16 : i32
        %scan3A_228 = arith.addi %scan3A_226, %scan3A_227 : i32
        %scan3A_229 = arith.constant 1 : i32
        %scan3A_230 = scf.for %scan3A_254 = %scan3A_226 to %scan3A_228 step %scan3A_229 iter_args(%scan3A_255 = %broadcast_in_dim3A_225) -> (vector<16xf32>)  : i32 {
          %mul3A_256 = arith.constant 16 : i32
          %mul3A_257 = arith.muli %scan3A_223, %mul3A_256 : i32
          %add3A_258 = arith.addi %mul3A_257, %scan3A_254 : i32
          %get3A_259 = arith.index_cast %rem3A_154 : i32 to index
          %get3A_260 = arith.index_cast %add3A_258 : i32 to index
          %get3A_261 = arith.constant 0 : index
          %get3A_262 = tpu.vector_load %arg10[%get3A_259, %get3A_260, %get3A_261] {strides = array<i32>} : memref<3x128x64xf32, #tpu.memory_space<vmem>>, vector<1x1x16xf32>,
          %get3A_263 = vector.shape_cast %get3A_262 : vector<1x1x16xf32> to vector<16xf32>
          %get3A_264 = arith.index_cast %rem3A_154 : i32 to index
          %get3A_265 = arith.index_cast %add3A_258 : i32 to index
          %get3A_266 = arith.constant 0 : index
          %get3A_267 = tpu.vector_load %arg11[%get3A_264, %get3A_265, %get3A_266] {strides = array<i32>} : memref<3x128x64xf32, #tpu.memory_space<vmem>>, vector<1x1x16xf32>,
          %get3A_268 = vector.shape_cast %get3A_267 : vector<1x1x16xf32> to vector<16xf32>
          %mul3A_269 = arith.mulf %get3A_263, %get3A_268 : vector<16xf32>
          %get3A_270 = arith.index_cast %rem3A_154 : i32 to index
          %get3A_271 = arith.index_cast %add3A_258 : i32 to index
          %get3A_272 = arith.constant 16 : index
          %get3A_273 = tpu.vector_load %arg10[%get3A_270, %get3A_271, %get3A_272] {strides = array<i32>} : memref<3x128x64xf32, #tpu.memory_space<vmem>>, vector<1x1x16xf32>,
          %get3A_274 = vector.shape_cast %get3A_273 : vector<1x1x16xf32> to vector<16xf32>
          %get3A_275 = arith.index_cast %rem3A_154 : i32 to index
          %get3A_276 = arith.index_cast %add3A_258 : i32 to index
          %get3A_277 = arith.constant 16 : index
          %get3A_278 = tpu.vector_load %arg11[%get3A_275, %get3A_276, %get3A_277] {strides = array<i32>} : memref<3x128x64xf32, #tpu.memory_space<vmem>>, vector<1x1x16xf32>,
          %get3A_279 = vector.shape_cast %get3A_278 : vector<1x1x16xf32> to vector<16xf32>
          %mul3A_280 = arith.mulf %get3A_274, %get3A_279 : vector<16xf32>
          %add3A_281 = arith.addf %mul3A_269, %mul3A_280 : vector<16xf32>
          %get3A_282 = arith.index_cast %rem3A_154 : i32 to index
          %get3A_283 = arith.index_cast %add3A_258 : i32 to index
          %get3A_284 = arith.constant 32 : index
          %get3A_285 = tpu.vector_load %arg10[%get3A_282, %get3A_283, %get3A_284] {strides = array<i32>} : memref<3x128x64xf32, #tpu.memory_space<vmem>>, vector<1x1x16xf32>,
          %get3A_286 = vector.shape_cast %get3A_285 : vector<1x1x16xf32> to vector<16xf32>
          %get3A_287 = arith.index_cast %rem3A_154 : i32 to index
          %get3A_288 = arith.index_cast %add3A_258 : i32 to index
          %get3A_289 = arith.constant 32 : index
          %get3A_290 = tpu.vector_load %arg11[%get3A_287, %get3A_288, %get3A_289] {strides = array<i32>} : memref<3x128x64xf32, #tpu.memory_space<vmem>>, vector<1x1x16xf32>,
          %get3A_291 = vector.shape_cast %get3A_290 : vector<1x1x16xf32> to vector<16xf32>
          %mul3A_292 = arith.mulf %get3A_286, %get3A_291 : vector<16xf32>
          %add3A_293 = arith.addf %add3A_281, %mul3A_292 : vector<16xf32>
          %get3A_294 = arith.index_cast %rem3A_154 : i32 to index
          %get3A_295 = arith.index_cast %add3A_258 : i32 to index
          %get3A_296 = arith.constant 48 : index
          %get3A_297 = tpu.vector_load %arg10[%get3A_294, %get3A_295, %get3A_296] {strides = array<i32>} : memref<3x128x64xf32, #tpu.memory_space<vmem>>, vector<1x1x16xf32>,
          %get3A_298 = vector.shape_cast %get3A_297 : vector<1x1x16xf32> to vector<16xf32>
          %get3A_299 = arith.index_cast %rem3A_154 : i32 to index
          %get3A_300 = arith.index_cast %add3A_258 : i32 to index
          %get3A_301 = arith.constant 48 : index
          %get3A_302 = tpu.vector_load %arg11[%get3A_299, %get3A_300, %get3A_301] {strides = array<i32>} : memref<3x128x64xf32, #tpu.memory_space<vmem>>, vector<1x1x16xf32>,
          %get3A_303 = vector.shape_cast %get3A_302 : vector<1x1x16xf32> to vector<16xf32>
          %mul3A_304 = arith.mulf %get3A_298, %get3A_303 : vector<16xf32>
          %add3A_305 = arith.addf %add3A_293, %mul3A_304 : vector<16xf32>
          %lt3A_306 = arith.constant 0 : i32
          %lt3A_307 = vector.broadcast %lt3A_306 : i32 to vector<16xi32>
          %lt3A_308 = arith.cmpi slt, %xor3A_6, %lt3A_307 : vector<16xi32>
          %add3A_309 = arith.constant 16 : i32
          %add3A_310 = vector.broadcast %add3A_309 : i32 to vector<16xi32>
          %add3A_311 = arith.addi %xor3A_6, %add3A_310 : vector<16xi32>
          %select_n3A_312 = arith.select %lt3A_308, %add3A_311, %xor3A_6 : vector<16xi1>, vector<16xi32>
          %broadcast_in_dim3A_313 = vector.shape_cast %select_n3A_312 : vector<16xi32> to vector<16x1xi32>
          %gather3A = vector.shape_cast %broadcast_in_dim3A_313 : vector<16x1xi32> to vector<16xi32>
          %gather3A_314 = tpu.dynamic_gather %add3A_305[%gather3A] in [0] : vector<16xf32>, vector<16xi32> -> vector<16xf32>
          %add3A_315 = arith.addf %add3A_305, %gather3A_314 : vector<16xf32>
          %lt3A_316 = arith.constant 0 : i32
          %lt3A_317 = vector.broadcast %lt3A_316 : i32 to vector<16xi32>
          %lt3A_318 = arith.cmpi slt, %xor3A_9, %lt3A_317 : vector<16xi32>
          %add3A_319 = arith.constant 16 : i32
          %add3A_320 = vector.broadcast %add3A_319 : i32 to vector<16xi32>
          %add3A_321 = arith.addi %xor3A_9, %add3A_320 : vector<16xi32>
          %select_n3A_322 = arith.select %lt3A_318, %add3A_321, %xor3A_9 : vector<16xi1>, vector<16xi32>
          %broadcast_in_dim3A_323 = vector.shape_cast %select_n3A_322 : vector<16xi32> to vector<16x1xi32>
          %gather3A_324 = vector.shape_cast %broadcast_in_dim3A_323 : vector<16x1xi32> to vector<16xi32>
          %gather3A_325 = tpu.dynamic_gather %add3A_315[%gather3A_324] in [0] : vector<16xf32>, vector<16xi32> -> vector<16xf32>
          %add3A_326 = arith.addf %add3A_315, %gather3A_325 : vector<16xf32>
          %lt3A_327 = arith.constant 0 : i32
          %lt3A_328 = vector.broadcast %lt3A_327 : i32 to vector<16xi32>
          %lt3A_329 = arith.cmpi slt, %xor3A_12, %lt3A_328 : vector<16xi32>
          %add3A_330 = arith.constant 16 : i32
          %add3A_331 = vector.broadcast %add3A_330 : i32 to vector<16xi32>
          %add3A_332 = arith.addi %xor3A_12, %add3A_331 : vector<16xi32>
          %select_n3A_333 = arith.select %lt3A_329, %add3A_332, %xor3A_12 : vector<16xi1>, vector<16xi32>
          %broadcast_in_dim3A_334 = vector.shape_cast %select_n3A_333 : vector<16xi32> to vector<16x1xi32>
          %gather3A_335 = vector.shape_cast %broadcast_in_dim3A_334 : vector<16x1xi32> to vector<16xi32>
          %gather3A_336 = tpu.dynamic_gather %add3A_326[%gather3A_335] in [0] : vector<16xf32>, vector<16xi32> -> vector<16xf32>
          %add3A_337 = arith.addf %add3A_326, %gather3A_336 : vector<16xf32>
          %lt3A_338 = arith.constant 0 : i32
          %lt3A_339 = vector.broadcast %lt3A_338 : i32 to vector<16xi32>
          %lt3A_340 = arith.cmpi slt, %xor3A_15, %lt3A_339 : vector<16xi32>
          %add3A_341 = arith.constant 16 : i32
          %add3A_342 = vector.broadcast %add3A_341 : i32 to vector<16xi32>
          %add3A_343 = arith.addi %xor3A_15, %add3A_342 : vector<16xi32>
          %select_n3A_344 = arith.select %lt3A_340, %add3A_343, %xor3A_15 : vector<16xi1>, vector<16xi32>
          %broadcast_in_dim3A_345 = vector.shape_cast %select_n3A_344 : vector<16xi32> to vector<16x1xi32>
          %gather3A_346 = vector.shape_cast %broadcast_in_dim3A_345 : vector<16x1xi32> to vector<16xi32>
          %gather3A_347 = tpu.dynamic_gather %add3A_337[%gather3A_346] in [0] : vector<16xf32>, vector<16xi32> -> vector<16xf32>
          %add3A_348 = arith.addf %add3A_337, %gather3A_347 : vector<16xf32>
          %eq3A = vector.broadcast %scan3A_254 : i32 to vector<16xi32>
          %eq3A_349 = arith.cmpi eq, %iota3A, %eq3A : vector<16xi32>
          %select_n3A_350 = arith.select %eq3A_349, %add3A_348, %scan3A_255 : vector<16xi1>, vector<16xf32>
          scf.yield %select_n3A_350 : vector<16xf32>
        }
        %scan3A_231 = arith.constant 16 : i32
        %mul3A_232 = arith.constant 16 : i32
        %mul3A_233 = arith.muli %scan3A_223, %mul3A_232 : i32
        %add3A_234 = arith.addi %add3A_203, %mul3A_233 : i32
        %add3A_235 = vector.broadcast %add3A_234 : i32 to vector<16xi32>
        %add3A_236 = arith.addi %add3A_235, %iota3A : vector<16xi32>
        %lt3A_237 = arith.constant 10000 : i32
        %lt3A_238 = vector.broadcast %lt3A_237 : i32 to vector<16xi32>
        %lt3A_239 = arith.cmpi slt, %add3A_236, %lt3A_238 : vector<16xi32>
        %mul3A_240 = arith.constant 16 : i32
        %mul3A_241 = arith.muli %scan3A_223, %mul3A_240 : i32
        %get3A_242 = arith.index_cast %rem3A_154 : i32 to index
        %get3A_243 = arith.index_cast %mul3A_241 : i32 to index
        %get3A_244 = tpu.vector_load %arg12[%get3A_242, %get3A_243] {strides = array<i32>} : memref<3x128xf32, #tpu.memory_space<vmem>>, vector<1x16xf32>,
        %get3A_245 = vector.shape_cast %get3A_244 : vector<1x16xf32> to vector<16xf32>
        %select_n3A = arith.select %lt3A_239, %get3A_245, %get3A_4 : vector<16xi1>, vector<16xf32>
        %add3A_246 = arith.addf %scan3A_230, %select_n3A : vector<16xf32>
        %mul3A_247 = arith.constant 16 : i32
        %mul3A_248 = arith.muli %scan3A_223, %mul3A_247 : i32
        %swap3A = arith.index_cast %rem3A_154 : i32 to index
        %swap3A_249 = arith.index_cast %mul3A_248 : i32 to index
        %swap3A_250 = tpu.vector_load %arg13[%swap3A, %swap3A_249] {strides = array<i32>} : memref<3x128xf32, #tpu.memory_space<vmem>>, vector<1x16xf32>,
        %swap3A_251 = vector.shape_cast %swap3A_250 : vector<1x16xf32> to vector<16xf32>
        %swap3A_252 = vector.shape_cast %add3A_246 : vector<16xf32> to vector<1x16xf32>
        tpu.vector_store %arg13[%swap3A, %swap3A_249], %swap3A_252 {strides = array<i32>} : memref<3x128xf32, #tpu.memory_space<vmem>>, vector<1x16xf32>,
        %scan3A_253 = arith.constant 0 : i32
        scf.yield %scan3A_253 : i32
      }
      %scan3A_210 = arith.constant 8 : i32
      %mul3A_211 = arith.constant 128 : i32
      %mul3A_212 = arith.muli %scan3A_151, %mul3A_211 : i32
      %add3A_213 = arith.addi %mul3A_2, %mul3A_212 : i32
      %dma_start3A_214 = arith.constant 0 : i32
      %dma_start3A_215 = tpu.memref_slice %arg13[%rem3A_154, %dma_start3A_214] : memref<3x128xf32, #tpu.memory_space<vmem>> -> memref<1x128xf32, #tpu.memory_space<vmem>>
      %dma_start3A_216 = tpu.memref_squeeze %dma_start3A_215 : memref<1x128xf32, #tpu.memory_space<vmem>> -> memref<128xf32, #tpu.memory_space<vmem>>
      %dma_start3A_217 = tpu.memref_slice %arg7[%add3A_213] : memref<320000xf32, #tpu.memory_space<hbm>> -> memref<128xf32, #tpu.memory_space<hbm>>
      %dma_start3A_218 = tpu.memref_slice %arg7[%add3A_213] : memref<320000xf32, #tpu.memory_space<hbm>> -> memref<128xf32, #tpu.memory_space<hbm>>
      %dma_start3A_219 = arith.constant 0 : i32
      %dma_start3A_220 = tpu.memref_slice %arg13[%rem3A_154, %dma_start3A_219] : memref<3x128xf32, #tpu.memory_space<vmem>> -> memref<1x128xf32, #tpu.memory_space<vmem>>
      %dma_start3A_221 = tpu.memref_squeeze %dma_start3A_220 : memref<1x128xf32, #tpu.memory_space<vmem>> -> memref<128xf32, #tpu.memory_space<vmem>>
      tpu.enqueue_dma source(%dma_start3A_221 : memref<128xf32, #tpu.memory_space<vmem>>) target(%dma_start3A_218 : memref<128xf32, #tpu.memory_space<hbm>>) target_semaphore(%arg17 : memref<!tpu.dma_semaphore, #tpu.memory_space<semaphore_mem>>)
      %scan3A_222 = arith.constant 0 : i32
      scf.yield %scan3A_222 : i32
    }
    %scan3A_133 = arith.constant 78 : i32
    %rem3A = arith.constant 77 : i32
    %rem3A_134 = arith.constant 3 : i32
    %rem3A_135 = arith.remsi %rem3A, %rem3A_134 : i32
    %add3A_136 = arith.constant 9856 : i32
    %add3A_137 = arith.addi %mul3A_2, %add3A_136 : i32
    %dma_wait3A_138 = arith.constant 0 : i32
    %dma_wait3A_139 = tpu.memref_slice %arg13[%rem3A_135, %dma_wait3A_138] : memref<3x128xf32, #tpu.memory_space<vmem>> -> memref<1x128xf32, #tpu.memory_space<vmem>>
    %dma_wait3A_140 = tpu.memref_squeeze %dma_wait3A_139 : memref<1x128xf32, #tpu.memory_space<vmem>> -> memref<128xf32, #tpu.memory_space<vmem>>
    %dma_wait3A_141 = tpu.memref_slice %arg7[%add3A_137] : memref<320000xf32, #tpu.memory_space<hbm>> -> memref<128xf32, #tpu.memory_space<hbm>>
    %dma_wait3A_142 = tpu.memref_slice %arg7[%add3A_137] : memref<320000xf32, #tpu.memory_space<hbm>> -> memref<128xf32, #tpu.memory_space<hbm>>
    %dma_wait3A_143 = arith.constant 0 : i32
    %dma_wait3A_144 = tpu.memref_slice %arg13[%rem3A_135, %dma_wait3A_143] : memref<3x128xf32, #tpu.memory_space<vmem>> -> memref<1x128xf32, #tpu.memory_space<vmem>>
    %dma_wait3A_145 = tpu.memref_squeeze %dma_wait3A_144 : memref<1x128xf32, #tpu.memory_space<vmem>> -> memref<128xf32, #tpu.memory_space<vmem>>
    tpu.wait_dma2 semaphore(%arg17 : memref<!tpu.dma_semaphore, #tpu.memory_space<semaphore_mem>>) src(%dma_wait3A_145 : memref<128xf32, #tpu.memory_space<vmem>>) dst(%dma_wait3A_142 : memref<128xf32, #tpu.memory_space<hbm>>)
    %lt3A_146 = arith.constant 4 : i32
    %lt3A_147 = arith.cmpi slt, %add3A, %lt3A_146 : i32
    %convert_element_type3A_148 = arith.extui %lt3A_147 : i1 to i32
    %cond3A_149 = arith.constant 0 : i32
    %cond3A_150 = arith.cmpi ne, %convert_element_type3A_148, %cond3A_149 : i32
    scf.if %cond3A_150 {
      %mul3A_151 = arith.constant 128 : i32
      %mul3A_152 = arith.muli %add3A, %mul3A_151 : i32
      %add3A_153 = arith.constant 319488 : i32
      %add3A_154 = arith.addi %add3A_153, %mul3A_152 : i32
      %dma_start3A_155 = arith.constant 0 : i32
      %dma_start3A_156 = arith.constant 0 : i32
      %dma_start3A_157 = arith.constant 0 : i32
      %dma_start3A_158 = tpu.memref_slice %arg8[%dma_start3A_156, %dma_start3A_157] : memref<3x128xi32, #tpu.memory_space<vmem>> -> memref<1x128xi32, #tpu.memory_space<vmem>>
      %dma_start3A_159 = tpu.memref_squeeze %dma_start3A_158 : memref<1x128xi32, #tpu.memory_space<vmem>> -> memref<128xi32, #tpu.memory_space<vmem>>
      %dma_start3A_160 = tpu.memref_slice %arg2[%dma_start3A_155, %add3A_154] : memref<2x320000xi32, #tpu.memory_space<hbm>> -> memref<1x128xi32, #tpu.memory_space<hbm>>
      %dma_start3A_161 = tpu.memref_squeeze %dma_start3A_160 : memref<1x128xi32, #tpu.memory_space<hbm>> -> memref<128xi32, #tpu.memory_space<hbm>>
      %dma_start3A_162 = arith.constant 0 : i32
      %dma_start3A_163 = tpu.memref_slice %arg8[%dma_start3A_156, %dma_start3A_162] : memref<3x128xi32, #tpu.memory_space<vmem>> -> memref<1x128xi32, #tpu.memory_space<vmem>>
      %dma_start3A_164 = tpu.memref_squeeze %dma_start3A_163 : memref<1x128xi32, #tpu.memory_space<vmem>> -> memref<128xi32, #tpu.memory_space<vmem>>
      %dma_start3A_165 = tpu.memref_slice %arg2[%dma_start3A_155, %add3A_154] : memref<2x320000xi32, #tpu.memory_space<hbm>> -> memref<1x128xi32, #tpu.memory_space<hbm>>
      %dma_start3A_166 = tpu.memref_squeeze %dma_start3A_165 : memref<1x128xi32, #tpu.memory_space<hbm>> -> memref<128xi32, #tpu.memory_space<hbm>>
      tpu.enqueue_dma source(%dma_start3A_166 : memref<128xi32, #tpu.memory_space<hbm>>) target(%dma_start3A_164 : memref<128xi32, #tpu.memory_space<vmem>>) target_semaphore(%arg15 : memref<!tpu.dma_semaphore, #tpu.memory_space<semaphore_mem>>)
      %dma_start3A_167 = arith.constant 1 : i32
      %dma_start3A_168 = arith.constant 0 : i32
      %dma_start3A_169 = arith.constant 0 : i32
      %dma_start3A_170 = tpu.memref_slice %arg9[%dma_start3A_168, %dma_start3A_169] : memref<3x128xi32, #tpu.memory_space<vmem>> -> memref<1x128xi32, #tpu.memory_space<vmem>>
      %dma_start3A_171 = tpu.memref_squeeze %dma_start3A_170 : memref<1x128xi32, #tpu.memory_space<vmem>> -> memref<128xi32, #tpu.memory_space<vmem>>
      %dma_start3A_172 = tpu.memref_slice %arg2[%dma_start3A_167, %add3A_154] : memref<2x320000xi32, #tpu.memory_space<hbm>> -> memref<1x128xi32, #tpu.memory_space<hbm>>
      %dma_start3A_173 = tpu.memref_squeeze %dma_start3A_172 : memref<1x128xi32, #tpu.memory_space<hbm>> -> memref<128xi32, #tpu.memory_space<hbm>>
      %dma_start3A_174 = arith.constant 0 : i32
      %dma_start3A_175 = tpu.memref_slice %arg9[%dma_start3A_168, %dma_start3A_174] : memref<3x128xi32, #tpu.memory_space<vmem>> -> memref<1x128xi32, #tpu.memory_space<vmem>>
      %dma_start3A_176 = tpu.memref_squeeze %dma_start3A_175 : memref<1x128xi32, #tpu.memory_space<vmem>> -> memref<128xi32, #tpu.memory_space<vmem>>
      %dma_start3A_177 = tpu.memref_slice %arg2[%dma_start3A_167, %add3A_154] : memref<2x320000xi32, #tpu.memory_space<hbm>> -> memref<1x128xi32, #tpu.memory_space<hbm>>
      %dma_start3A_178 = tpu.memref_squeeze %dma_start3A_177 : memref<1x128xi32, #tpu.memory_space<hbm>> -> memref<128xi32, #tpu.memory_space<hbm>>
      tpu.enqueue_dma source(%dma_start3A_178 : memref<128xi32, #tpu.memory_space<hbm>>) target(%dma_start3A_176 : memref<128xi32, #tpu.memory_space<vmem>>) target_semaphore(%arg15 : memref<!tpu.dma_semaphore, #tpu.memory_space<semaphore_mem>>)
      %lt3A_179 = arith.constant 10000 : i32
      %lt3A_180 = arith.cmpi slt, %add3A_154, %lt3A_179 : i32
      %convert_element_type3A_181 = arith.extui %lt3A_180 : i1 to i32
      %cond3A_182 = arith.constant 0 : i32
      %cond3A_183 = arith.cmpi ne, %convert_element_type3A_181, %cond3A_182 : i32
      scf.if %cond3A_183 {
        %dma_start3A_290 = arith.constant 0 : i32
        %dma_start3A_291 = arith.constant 0 : i32
        %dma_start3A_292 = tpu.memref_slice %arg12[%dma_start3A_290, %dma_start3A_291] : memref<3x128xf32, #tpu.memory_space<vmem>> -> memref<1x128xf32, #tpu.memory_space<vmem>>
        %dma_start3A_293 = tpu.memref_squeeze %dma_start3A_292 : memref<1x128xf32, #tpu.memory_space<vmem>> -> memref<128xf32, #tpu.memory_space<vmem>>
        %dma_start3A_294 = tpu.memref_slice %arg5[%add3A_154] : memref<10112xf32, #tpu.memory_space<hbm>> -> memref<128xf32, #tpu.memory_space<hbm>>
        %dma_start3A_295 = arith.constant 0 : i32
        %dma_start3A_296 = tpu.memref_slice %arg12[%dma_start3A_290, %dma_start3A_295] : memref<3x128xf32, #tpu.memory_space<vmem>> -> memref<1x128xf32, #tpu.memory_space<vmem>>
        %dma_start3A_297 = tpu.memref_squeeze %dma_start3A_296 : memref<1x128xf32, #tpu.memory_space<vmem>> -> memref<128xf32, #tpu.memory_space<vmem>>
        %dma_start3A_298 = tpu.memref_slice %arg5[%add3A_154] : memref<10112xf32, #tpu.memory_space<hbm>> -> memref<128xf32, #tpu.memory_space<hbm>>
        tpu.enqueue_dma source(%dma_start3A_298 : memref<128xf32, #tpu.memory_space<hbm>>) target(%dma_start3A_297 : memref<128xf32, #tpu.memory_space<vmem>>) target_semaphore(%arg15 : memref<!tpu.dma_semaphore, #tpu.memory_space<semaphore_mem>>)
      } else {
      }
      %dma_wait3A_184 = arith.constant 0 : i32
      %dma_wait3A_185 = arith.constant 0 : i32
      %dma_wait3A_186 = arith.constant 0 : i32
      %dma_wait3A_187 = tpu.memref_slice %arg8[%dma_wait3A_185, %dma_wait3A_186] : memref<3x128xi32, #tpu.memory_space<vmem>> -> memref<1x128xi32, #tpu.memory_space<vmem>>
      %dma_wait3A_188 = tpu.memref_squeeze %dma_wait3A_187 : memref<1x128xi32, #tpu.memory_space<vmem>> -> memref<128xi32, #tpu.memory_space<vmem>>
      %dma_wait3A_189 = arith.constant 0 : i32
      %dma_wait3A_190 = tpu.memref_slice %arg2[%dma_wait3A_184, %dma_wait3A_189] : memref<2x320000xi32, #tpu.memory_space<hbm>> -> memref<1x128xi32, #tpu.memory_space<hbm>>
      %dma_wait3A_191 = tpu.memref_squeeze %dma_wait3A_190 : memref<1x128xi32, #tpu.memory_space<hbm>> -> memref<128xi32, #tpu.memory_space<hbm>>
      %dma_wait3A_192 = arith.constant 0 : i32
      %dma_wait3A_193 = tpu.memref_slice %arg8[%dma_wait3A_185, %dma_wait3A_192] : memref<3x128xi32, #tpu.memory_space<vmem>> -> memref<1x128xi32, #tpu.memory_space<vmem>>
      %dma_wait3A_194 = tpu.memref_squeeze %dma_wait3A_193 : memref<1x128xi32, #tpu.memory_space<vmem>> -> memref<128xi32, #tpu.memory_space<vmem>>
      %dma_wait3A_195 = arith.constant 0 : i32
      %dma_wait3A_196 = tpu.memref_slice %arg2[%dma_wait3A_184, %dma_wait3A_195] : memref<2x320000xi32, #tpu.memory_space<hbm>> -> memref<1x128xi32, #tpu.memory_space<hbm>>
      %dma_wait3A_197 = tpu.memref_squeeze %dma_wait3A_196 : memref<1x128xi32, #tpu.memory_space<hbm>> -> memref<128xi32, #tpu.memory_space<hbm>>
      tpu.wait_dma2 semaphore(%arg15 : memref<!tpu.dma_semaphore, #tpu.memory_space<semaphore_mem>>) src(%dma_wait3A_197 : memref<128xi32, #tpu.memory_space<hbm>>) dst(%dma_wait3A_194 : memref<128xi32, #tpu.memory_space<vmem>>)
      %dma_wait3A_198 = arith.constant 1 : i32
      %dma_wait3A_199 = arith.constant 0 : i32
      %dma_wait3A_200 = arith.constant 0 : i32
      %dma_wait3A_201 = tpu.memref_slice %arg9[%dma_wait3A_199, %dma_wait3A_200] : memref<3x128xi32, #tpu.memory_space<vmem>> -> memref<1x128xi32, #tpu.memory_space<vmem>>
      %dma_wait3A_202 = tpu.memref_squeeze %dma_wait3A_201 : memref<1x128xi32, #tpu.memory_space<vmem>> -> memref<128xi32, #tpu.memory_space<vmem>>
      %dma_wait3A_203 = arith.constant 0 : i32
      %dma_wait3A_204 = tpu.memref_slice %arg2[%dma_wait3A_198, %dma_wait3A_203] : memref<2x320000xi32, #tpu.memory_space<hbm>> -> memref<1x128xi32, #tpu.memory_space<hbm>>
      %dma_wait3A_205 = tpu.memref_squeeze %dma_wait3A_204 : memref<1x128xi32, #tpu.memory_space<hbm>> -> memref<128xi32, #tpu.memory_space<hbm>>
      %dma_wait3A_206 = arith.constant 0 : i32
      %dma_wait3A_207 = tpu.memref_slice %arg9[%dma_wait3A_199, %dma_wait3A_206] : memref<3x128xi32, #tpu.memory_space<vmem>> -> memref<1x128xi32, #tpu.memory_space<vmem>>
      %dma_wait3A_208 = tpu.memref_squeeze %dma_wait3A_207 : memref<1x128xi32, #tpu.memory_space<vmem>> -> memref<128xi32, #tpu.memory_space<vmem>>
      %dma_wait3A_209 = arith.constant 0 : i32
      %dma_wait3A_210 = tpu.memref_slice %arg2[%dma_wait3A_198, %dma_wait3A_209] : memref<2x320000xi32, #tpu.memory_space<hbm>> -> memref<1x128xi32, #tpu.memory_space<hbm>>
      %dma_wait3A_211 = tpu.memref_squeeze %dma_wait3A_210 : memref<1x128xi32, #tpu.memory_space<hbm>> -> memref<128xi32, #tpu.memory_space<hbm>>
      tpu.wait_dma2 semaphore(%arg15 : memref<!tpu.dma_semaphore, #tpu.memory_space<semaphore_mem>>) src(%dma_wait3A_211 : memref<128xi32, #tpu.memory_space<hbm>>) dst(%dma_wait3A_208 : memref<128xi32, #tpu.memory_space<vmem>>)
      %lt3A_212 = arith.constant 10000 : i32
      %lt3A_213 = arith.cmpi slt, %add3A_154, %lt3A_212 : i32
      %convert_element_type3A_214 = arith.extui %lt3A_213 : i1 to i32
      %cond3A_215 = arith.constant 0 : i32
      %cond3A_216 = arith.cmpi ne, %convert_element_type3A_214, %cond3A_215 : i32
      scf.if %cond3A_216 {
        %dma_wait3A_290 = arith.constant 0 : i32
        %dma_wait3A_291 = arith.constant 0 : i32
        %dma_wait3A_292 = tpu.memref_slice %arg12[%dma_wait3A_290, %dma_wait3A_291] : memref<3x128xf32, #tpu.memory_space<vmem>> -> memref<1x128xf32, #tpu.memory_space<vmem>>
        %dma_wait3A_293 = tpu.memref_squeeze %dma_wait3A_292 : memref<1x128xf32, #tpu.memory_space<vmem>> -> memref<128xf32, #tpu.memory_space<vmem>>
        %dma_wait3A_294 = arith.constant 0 : i32
        %dma_wait3A_295 = tpu.memref_slice %arg5[%dma_wait3A_294] : memref<10112xf32, #tpu.memory_space<hbm>> -> memref<128xf32, #tpu.memory_space<hbm>>
        %dma_wait3A_296 = arith.constant 0 : i32
        %dma_wait3A_297 = tpu.memref_slice %arg12[%dma_wait3A_290, %dma_wait3A_296] : memref<3x128xf32, #tpu.memory_space<vmem>> -> memref<1x128xf32, #tpu.memory_space<vmem>>
        %dma_wait3A_298 = tpu.memref_squeeze %dma_wait3A_297 : memref<1x128xf32, #tpu.memory_space<vmem>> -> memref<128xf32, #tpu.memory_space<vmem>>
        %dma_wait3A_299 = arith.constant 0 : i32
        %dma_wait3A_300 = tpu.memref_slice %arg5[%dma_wait3A_299] : memref<10112xf32, #tpu.memory_space<hbm>> -> memref<128xf32, #tpu.memory_space<hbm>>
        tpu.wait_dma2 semaphore(%arg15 : memref<!tpu.dma_semaphore, #tpu.memory_space<semaphore_mem>>) src(%dma_wait3A_300 : memref<128xf32, #tpu.memory_space<hbm>>) dst(%dma_wait3A_298 : memref<128xf32, #tpu.memory_space<vmem>>)
      } else {
      }
      %dma_start3A_217 = arith.constant 0 : i32
      %dma_start3A_218 = arith.constant 0 : i32
      %dma_start3A_219 = arith.constant 0 : i32
      %dma_start3A_220 = arith.constant 0 : i32
      %dma_start3A_221 = tpu.memref_slice %arg10[%dma_start3A_218, %dma_start3A_219, %dma_start3A_220] : memref<3x128x64xf32, #tpu.memory_space<vmem>> -> memref<1x128x64xf32, #tpu.memory_space<vmem>>
      %dma_start3A_222 = tpu.memref_squeeze %dma_start3A_221 : memref<1x128x64xf32, #tpu.memory_space<vmem>> -> memref<128x64xf32, #tpu.memory_space<vmem>>
      %dma_start3A_223 = arith.constant 0 : i32
      %dma_start3A_224 = tpu.memref_slice %arg8[%dma_start3A_217, %dma_start3A_223] : memref<3x128xi32, #tpu.memory_space<vmem>> -> memref<1x128xi32, #tpu.memory_space<vmem>>
      %dma_start3A_225 = tpu.memref_squeeze %dma_start3A_224 : memref<1x128xi32, #tpu.memory_space<vmem>> -> memref<128xi32, #tpu.memory_space<vmem>>
      %dma_start3A_226 = arith.constant 0 : i32
      %dma_start3A_227 = arith.constant 0 : i32
      %dma_start3A_228 = tpu.memref_slice %arg3[%dma_start3A_226, %dma_start3A_227] : memref<10000x64xf32, #tpu.memory_space<hbm>> -> memref<10000x64xf32, #tpu.memory_space<hbm>>
      tpu.enqueue_indirect_dma source(%dma_start3A_228 : memref<10000x64xf32, #tpu.memory_space<hbm>>) target(%dma_start3A_222 : memref<128x64xf32, #tpu.memory_space<vmem>>) offsets(%dma_start3A_225 : memref<128xi32, #tpu.memory_space<vmem>>) semaphore(%arg16 : memref<!tpu.dma_semaphore, #tpu.memory_space<semaphore_mem>>)
      %dma_start3A_229 = arith.constant 0 : i32
      %dma_start3A_230 = arith.constant 0 : i32
      %dma_start3A_231 = arith.constant 0 : i32
      %dma_start3A_232 = arith.constant 0 : i32
      %dma_start3A_233 = tpu.memref_slice %arg11[%dma_start3A_230, %dma_start3A_231, %dma_start3A_232] : memref<3x128x64xf32, #tpu.memory_space<vmem>> -> memref<1x128x64xf32, #tpu.memory_space<vmem>>
      %dma_start3A_234 = tpu.memref_squeeze %dma_start3A_233 : memref<1x128x64xf32, #tpu.memory_space<vmem>> -> memref<128x64xf32, #tpu.memory_space<vmem>>
      %dma_start3A_235 = arith.constant 0 : i32
      %dma_start3A_236 = tpu.memref_slice %arg9[%dma_start3A_229, %dma_start3A_235] : memref<3x128xi32, #tpu.memory_space<vmem>> -> memref<1x128xi32, #tpu.memory_space<vmem>>
      %dma_start3A_237 = tpu.memref_squeeze %dma_start3A_236 : memref<1x128xi32, #tpu.memory_space<vmem>> -> memref<128xi32, #tpu.memory_space<vmem>>
      %dma_start3A_238 = arith.constant 0 : i32
      %dma_start3A_239 = arith.constant 0 : i32
      %dma_start3A_240 = tpu.memref_slice %arg4[%dma_start3A_238, %dma_start3A_239] : memref<10000x64xf32, #tpu.memory_space<hbm>> -> memref<10000x64xf32, #tpu.memory_space<hbm>>
      tpu.enqueue_indirect_dma source(%dma_start3A_240 : memref<10000x64xf32, #tpu.memory_space<hbm>>) target(%dma_start3A_234 : memref<128x64xf32, #tpu.memory_space<vmem>>) offsets(%dma_start3A_237 : memref<128xi32, #tpu.memory_space<vmem>>) semaphore(%arg16 : memref<!tpu.dma_semaphore, #tpu.memory_space<semaphore_mem>>)
      %dma_wait3A_241 = arith.constant 0 : i32
      %dma_wait3A_242 = arith.constant 0 : i32
      %dma_wait3A_243 = arith.constant 0 : i32
      %dma_wait3A_244 = arith.constant 0 : i32
      %dma_wait3A_245 = tpu.memref_slice %arg10[%dma_wait3A_242, %dma_wait3A_243, %dma_wait3A_244] : memref<3x128x64xf32, #tpu.memory_space<vmem>> -> memref<1x128x64xf32, #tpu.memory_space<vmem>>
      %dma_wait3A_246 = tpu.memref_squeeze %dma_wait3A_245 : memref<1x128x64xf32, #tpu.memory_space<vmem>> -> memref<128x64xf32, #tpu.memory_space<vmem>>
      %dma_wait3A_247 = arith.constant 0 : i32
      %dma_wait3A_248 = tpu.memref_slice %arg8[%dma_wait3A_241, %dma_wait3A_247] : memref<3x128xi32, #tpu.memory_space<vmem>> -> memref<1x128xi32, #tpu.memory_space<vmem>>
      %dma_wait3A_249 = tpu.memref_squeeze %dma_wait3A_248 : memref<1x128xi32, #tpu.memory_space<vmem>> -> memref<128xi32, #tpu.memory_space<vmem>>
      %dma_wait3A_250 = arith.constant 0 : i32
      %dma_wait3A_251 = arith.constant 0 : i32
      %dma_wait3A_252 = tpu.memref_slice %arg3[%dma_wait3A_250, %dma_wait3A_251] : memref<10000x64xf32, #tpu.memory_space<hbm>> -> memref<10000x64xf32, #tpu.memory_space<hbm>>
      tpu.wait_indirect_dma semaphore(%arg16 : memref<!tpu.dma_semaphore, #tpu.memory_space<semaphore_mem>>) src(%dma_wait3A_252 : memref<10000x64xf32, #tpu.memory_space<hbm>>) dst(%dma_wait3A_246 : memref<128x64xf32, #tpu.memory_space<vmem>>)
      %dma_wait3A_253 = arith.constant 0 : i32
      %dma_wait3A_254 = arith.constant 0 : i32
      %dma_wait3A_255 = arith.constant 0 : i32
      %dma_wait3A_256 = arith.constant 0 : i32
      %dma_wait3A_257 = tpu.memref_slice %arg11[%dma_wait3A_254, %dma_wait3A_255, %dma_wait3A_256] : memref<3x128x64xf32, #tpu.memory_space<vmem>> -> memref<1x128x64xf32, #tpu.memory_space<vmem>>
      %dma_wait3A_258 = tpu.memref_squeeze %dma_wait3A_257 : memref<1x128x64xf32, #tpu.memory_space<vmem>> -> memref<128x64xf32, #tpu.memory_space<vmem>>
      %dma_wait3A_259 = arith.constant 0 : i32
      %dma_wait3A_260 = tpu.memref_slice %arg9[%dma_wait3A_253, %dma_wait3A_259] : memref<3x128xi32, #tpu.memory_space<vmem>> -> memref<1x128xi32, #tpu.memory_space<vmem>>
      %dma_wait3A_261 = tpu.memref_squeeze %dma_wait3A_260 : memref<1x128xi32, #tpu.memory_space<vmem>> -> memref<128xi32, #tpu.memory_space<vmem>>
      %dma_wait3A_262 = arith.constant 0 : i32
      %dma_wait3A_263 = arith.constant 0 : i32
      %dma_wait3A_264 = tpu.memref_slice %arg4[%dma_wait3A_262, %dma_wait3A_263] : memref<10000x64xf32, #tpu.memory_space<hbm>> -> memref<10000x64xf32, #tpu.memory_space<hbm>>
      tpu.wait_indirect_dma semaphore(%arg16 : memref<!tpu.dma_semaphore, #tpu.memory_space<semaphore_mem>>) src(%dma_wait3A_264 : memref<10000x64xf32, #tpu.memory_space<hbm>>) dst(%dma_wait3A_258 : memref<128x64xf32, #tpu.memory_space<vmem>>)
      %scan3A_265 = arith.constant 0 : i32
      %scan3A_266 = arith.constant 0 : i32
      %scan3A_267 = arith.constant 8 : i32
      %scan3A_268 = arith.addi %scan3A_266, %scan3A_267 : i32
      %scan3A_269 = arith.constant 1 : i32
      %scan3A_270 = scf.for %scan3A_290 = %scan3A_266 to %scan3A_268 step %scan3A_269 iter_args(%scan3A_291 = %scan3A_265) -> (i32)  : i32 {
        %broadcast_in_dim3A = arith.constant 0.000000e+00 : f32
        %broadcast_in_dim3A_292 = vector.broadcast %broadcast_in_dim3A : f32 to vector<16xf32>
        %scan3A_293 = arith.constant 0 : i32
        %scan3A_294 = arith.constant 16 : i32
        %scan3A_295 = arith.addi %scan3A_293, %scan3A_294 : i32
        %scan3A_296 = arith.constant 1 : i32
        %scan3A_297 = scf.for %scan3A_323 = %scan3A_293 to %scan3A_295 step %scan3A_296 iter_args(%scan3A_324 = %broadcast_in_dim3A_292) -> (vector<16xf32>)  : i32 {
          %mul3A_325 = arith.constant 16 : i32
          %mul3A_326 = arith.muli %scan3A_290, %mul3A_325 : i32
          %add3A_327 = arith.addi %mul3A_326, %scan3A_323 : i32
          %get3A_328 = arith.constant 0 : i32
          %get3A_329 = arith.index_cast %get3A_328 : i32 to index
          %get3A_330 = arith.index_cast %add3A_327 : i32 to index
          %get3A_331 = arith.constant 0 : index
          %get3A_332 = tpu.vector_load %arg10[%get3A_329, %get3A_330, %get3A_331] {strides = array<i32>} : memref<3x128x64xf32, #tpu.memory_space<vmem>>, vector<1x1x16xf32>,
          %get3A_333 = vector.shape_cast %get3A_332 : vector<1x1x16xf32> to vector<16xf32>
          %get3A_334 = arith.constant 0 : i32
          %get3A_335 = arith.index_cast %get3A_334 : i32 to index
          %get3A_336 = arith.index_cast %add3A_327 : i32 to index
          %get3A_337 = arith.constant 0 : index
          %get3A_338 = tpu.vector_load %arg11[%get3A_335, %get3A_336, %get3A_337] {strides = array<i32>} : memref<3x128x64xf32, #tpu.memory_space<vmem>>, vector<1x1x16xf32>,
          %get3A_339 = vector.shape_cast %get3A_338 : vector<1x1x16xf32> to vector<16xf32>
          %mul3A_340 = arith.mulf %get3A_333, %get3A_339 : vector<16xf32>
          %get3A_341 = arith.constant 0 : i32
          %get3A_342 = arith.index_cast %get3A_341 : i32 to index
          %get3A_343 = arith.index_cast %add3A_327 : i32 to index
          %get3A_344 = arith.constant 16 : index
          %get3A_345 = tpu.vector_load %arg10[%get3A_342, %get3A_343, %get3A_344] {strides = array<i32>} : memref<3x128x64xf32, #tpu.memory_space<vmem>>, vector<1x1x16xf32>,
          %get3A_346 = vector.shape_cast %get3A_345 : vector<1x1x16xf32> to vector<16xf32>
          %get3A_347 = arith.constant 0 : i32
          %get3A_348 = arith.index_cast %get3A_347 : i32 to index
          %get3A_349 = arith.index_cast %add3A_327 : i32 to index
          %get3A_350 = arith.constant 16 : index
          %get3A_351 = tpu.vector_load %arg11[%get3A_348, %get3A_349, %get3A_350] {strides = array<i32>} : memref<3x128x64xf32, #tpu.memory_space<vmem>>, vector<1x1x16xf32>,
          %get3A_352 = vector.shape_cast %get3A_351 : vector<1x1x16xf32> to vector<16xf32>
          %mul3A_353 = arith.mulf %get3A_346, %get3A_352 : vector<16xf32>
          %add3A_354 = arith.addf %mul3A_340, %mul3A_353 : vector<16xf32>
          %get3A_355 = arith.constant 0 : i32
          %get3A_356 = arith.index_cast %get3A_355 : i32 to index
          %get3A_357 = arith.index_cast %add3A_327 : i32 to index
          %get3A_358 = arith.constant 32 : index
          %get3A_359 = tpu.vector_load %arg10[%get3A_356, %get3A_357, %get3A_358] {strides = array<i32>} : memref<3x128x64xf32, #tpu.memory_space<vmem>>, vector<1x1x16xf32>,
          %get3A_360 = vector.shape_cast %get3A_359 : vector<1x1x16xf32> to vector<16xf32>
          %get3A_361 = arith.constant 0 : i32
          %get3A_362 = arith.index_cast %get3A_361 : i32 to index
          %get3A_363 = arith.index_cast %add3A_327 : i32 to index
          %get3A_364 = arith.constant 32 : index
          %get3A_365 = tpu.vector_load %arg11[%get3A_362, %get3A_363, %get3A_364] {strides = array<i32>} : memref<3x128x64xf32, #tpu.memory_space<vmem>>, vector<1x1x16xf32>,
          %get3A_366 = vector.shape_cast %get3A_365 : vector<1x1x16xf32> to vector<16xf32>
          %mul3A_367 = arith.mulf %get3A_360, %get3A_366 : vector<16xf32>
          %add3A_368 = arith.addf %add3A_354, %mul3A_367 : vector<16xf32>
          %get3A_369 = arith.constant 0 : i32
          %get3A_370 = arith.index_cast %get3A_369 : i32 to index
          %get3A_371 = arith.index_cast %add3A_327 : i32 to index
          %get3A_372 = arith.constant 48 : index
          %get3A_373 = tpu.vector_load %arg10[%get3A_370, %get3A_371, %get3A_372] {strides = array<i32>} : memref<3x128x64xf32, #tpu.memory_space<vmem>>, vector<1x1x16xf32>,
          %get3A_374 = vector.shape_cast %get3A_373 : vector<1x1x16xf32> to vector<16xf32>
          %get3A_375 = arith.constant 0 : i32
          %get3A_376 = arith.index_cast %get3A_375 : i32 to index
          %get3A_377 = arith.index_cast %add3A_327 : i32 to index
          %get3A_378 = arith.constant 48 : index
          %get3A_379 = tpu.vector_load %arg11[%get3A_376, %get3A_377, %get3A_378] {strides = array<i32>} : memref<3x128x64xf32, #tpu.memory_space<vmem>>, vector<1x1x16xf32>,
          %get3A_380 = vector.shape_cast %get3A_379 : vector<1x1x16xf32> to vector<16xf32>
          %mul3A_381 = arith.mulf %get3A_374, %get3A_380 : vector<16xf32>
          %add3A_382 = arith.addf %add3A_368, %mul3A_381 : vector<16xf32>
          %lt3A_383 = arith.constant 0 : i32
          %lt3A_384 = vector.broadcast %lt3A_383 : i32 to vector<16xi32>
          %lt3A_385 = arith.cmpi slt, %xor3A_6, %lt3A_384 : vector<16xi32>
          %add3A_386 = arith.constant 16 : i32
          %add3A_387 = vector.broadcast %add3A_386 : i32 to vector<16xi32>
          %add3A_388 = arith.addi %xor3A_6, %add3A_387 : vector<16xi32>
          %select_n3A_389 = arith.select %lt3A_385, %add3A_388, %xor3A_6 : vector<16xi1>, vector<16xi32>
          %broadcast_in_dim3A_390 = vector.shape_cast %select_n3A_389 : vector<16xi32> to vector<16x1xi32>
          %gather3A = vector.shape_cast %broadcast_in_dim3A_390 : vector<16x1xi32> to vector<16xi32>
          %gather3A_391 = tpu.dynamic_gather %add3A_382[%gather3A] in [0] : vector<16xf32>, vector<16xi32> -> vector<16xf32>
          %add3A_392 = arith.addf %add3A_382, %gather3A_391 : vector<16xf32>
          %lt3A_393 = arith.constant 0 : i32
          %lt3A_394 = vector.broadcast %lt3A_393 : i32 to vector<16xi32>
          %lt3A_395 = arith.cmpi slt, %xor3A_9, %lt3A_394 : vector<16xi32>
          %add3A_396 = arith.constant 16 : i32
          %add3A_397 = vector.broadcast %add3A_396 : i32 to vector<16xi32>
          %add3A_398 = arith.addi %xor3A_9, %add3A_397 : vector<16xi32>
          %select_n3A_399 = arith.select %lt3A_395, %add3A_398, %xor3A_9 : vector<16xi1>, vector<16xi32>
          %broadcast_in_dim3A_400 = vector.shape_cast %select_n3A_399 : vector<16xi32> to vector<16x1xi32>
          %gather3A_401 = vector.shape_cast %broadcast_in_dim3A_400 : vector<16x1xi32> to vector<16xi32>
          %gather3A_402 = tpu.dynamic_gather %add3A_392[%gather3A_401] in [0] : vector<16xf32>, vector<16xi32> -> vector<16xf32>
          %add3A_403 = arith.addf %add3A_392, %gather3A_402 : vector<16xf32>
          %lt3A_404 = arith.constant 0 : i32
          %lt3A_405 = vector.broadcast %lt3A_404 : i32 to vector<16xi32>
          %lt3A_406 = arith.cmpi slt, %xor3A_12, %lt3A_405 : vector<16xi32>
          %add3A_407 = arith.constant 16 : i32
          %add3A_408 = vector.broadcast %add3A_407 : i32 to vector<16xi32>
          %add3A_409 = arith.addi %xor3A_12, %add3A_408 : vector<16xi32>
          %select_n3A_410 = arith.select %lt3A_406, %add3A_409, %xor3A_12 : vector<16xi1>, vector<16xi32>
          %broadcast_in_dim3A_411 = vector.shape_cast %select_n3A_410 : vector<16xi32> to vector<16x1xi32>
          %gather3A_412 = vector.shape_cast %broadcast_in_dim3A_411 : vector<16x1xi32> to vector<16xi32>
          %gather3A_413 = tpu.dynamic_gather %add3A_403[%gather3A_412] in [0] : vector<16xf32>, vector<16xi32> -> vector<16xf32>
          %add3A_414 = arith.addf %add3A_403, %gather3A_413 : vector<16xf32>
          %lt3A_415 = arith.constant 0 : i32
          %lt3A_416 = vector.broadcast %lt3A_415 : i32 to vector<16xi32>
          %lt3A_417 = arith.cmpi slt, %xor3A_15, %lt3A_416 : vector<16xi32>
          %add3A_418 = arith.constant 16 : i32
          %add3A_419 = vector.broadcast %add3A_418 : i32 to vector<16xi32>
          %add3A_420 = arith.addi %xor3A_15, %add3A_419 : vector<16xi32>
          %select_n3A_421 = arith.select %lt3A_417, %add3A_420, %xor3A_15 : vector<16xi1>, vector<16xi32>
          %broadcast_in_dim3A_422 = vector.shape_cast %select_n3A_421 : vector<16xi32> to vector<16x1xi32>
          %gather3A_423 = vector.shape_cast %broadcast_in_dim3A_422 : vector<16x1xi32> to vector<16xi32>
          %gather3A_424 = tpu.dynamic_gather %add3A_414[%gather3A_423] in [0] : vector<16xf32>, vector<16xi32> -> vector<16xf32>
          %add3A_425 = arith.addf %add3A_414, %gather3A_424 : vector<16xf32>
          %eq3A = vector.broadcast %scan3A_323 : i32 to vector<16xi32>
          %eq3A_426 = arith.cmpi eq, %iota3A, %eq3A : vector<16xi32>
          %select_n3A_427 = arith.select %eq3A_426, %add3A_425, %scan3A_324 : vector<16xi1>, vector<16xf32>
          scf.yield %select_n3A_427 : vector<16xf32>
        }
        %scan3A_298 = arith.constant 16 : i32
        %mul3A_299 = arith.constant 16 : i32
        %mul3A_300 = arith.muli %scan3A_290, %mul3A_299 : i32
        %add3A_301 = arith.addi %add3A_154, %mul3A_300 : i32
        %add3A_302 = vector.broadcast %add3A_301 : i32 to vector<16xi32>
        %add3A_303 = arith.addi %add3A_302, %iota3A : vector<16xi32>
        %lt3A_304 = arith.constant 10000 : i32
        %lt3A_305 = vector.broadcast %lt3A_304 : i32 to vector<16xi32>
        %lt3A_306 = arith.cmpi slt, %add3A_303, %lt3A_305 : vector<16xi32>
        %mul3A_307 = arith.constant 16 : i32
        %mul3A_308 = arith.muli %scan3A_290, %mul3A_307 : i32
        %get3A_309 = arith.constant 0 : i32
        %get3A_310 = arith.index_cast %get3A_309 : i32 to index
        %get3A_311 = arith.index_cast %mul3A_308 : i32 to index
        %get3A_312 = tpu.vector_load %arg12[%get3A_310, %get3A_311] {strides = array<i32>} : memref<3x128xf32, #tpu.memory_space<vmem>>, vector<1x16xf32>,
        %get3A_313 = vector.shape_cast %get3A_312 : vector<1x16xf32> to vector<16xf32>
        %select_n3A = arith.select %lt3A_306, %get3A_313, %get3A_4 : vector<16xi1>, vector<16xf32>
        %add3A_314 = arith.addf %scan3A_297, %select_n3A : vector<16xf32>
        %mul3A_315 = arith.constant 16 : i32
        %mul3A_316 = arith.muli %scan3A_290, %mul3A_315 : i32
        %swap3A = arith.constant 0 : i32
        %swap3A_317 = arith.index_cast %swap3A : i32 to index
        %swap3A_318 = arith.index_cast %mul3A_316 : i32 to index
        %swap3A_319 = tpu.vector_load %arg13[%swap3A_317, %swap3A_318] {strides = array<i32>} : memref<3x128xf32, #tpu.memory_space<vmem>>, vector<1x16xf32>,
        %swap3A_320 = vector.shape_cast %swap3A_319 : vector<1x16xf32> to vector<16xf32>
        %swap3A_321 = vector.shape_cast %add3A_314 : vector<16xf32> to vector<1x16xf32>
        tpu.vector_store %arg13[%swap3A_317, %swap3A_318], %swap3A_321 {strides = array<i32>} : memref<3x128xf32, #tpu.memory_space<vmem>>, vector<1x16xf32>,
        %scan3A_322 = arith.constant 0 : i32
        scf.yield %scan3A_322 : i32
      }
      %scan3A_271 = arith.constant 8 : i32
      %dma_start3A_272 = arith.constant 0 : i32
      %dma_start3A_273 = arith.constant 0 : i32
      %dma_start3A_274 = tpu.memref_slice %arg13[%dma_start3A_272, %dma_start3A_273] : memref<3x128xf32, #tpu.memory_space<vmem>> -> memref<1x128xf32, #tpu.memory_space<vmem>>
      %dma_start3A_275 = tpu.memref_squeeze %dma_start3A_274 : memref<1x128xf32, #tpu.memory_space<vmem>> -> memref<128xf32, #tpu.memory_space<vmem>>
      %dma_start3A_276 = tpu.memref_slice %arg7[%add3A_154] : memref<320000xf32, #tpu.memory_space<hbm>> -> memref<128xf32, #tpu.memory_space<hbm>>
      %dma_start3A_277 = tpu.memref_slice %arg7[%add3A_154] : memref<320000xf32, #tpu.memory_space<hbm>> -> memref<128xf32, #tpu.memory_space<hbm>>
      %dma_start3A_278 = arith.constant 0 : i32
      %dma_start3A_279 = tpu.memref_slice %arg13[%dma_start3A_272, %dma_start3A_278] : memref<3x128xf32, #tpu.memory_space<vmem>> -> memref<1x128xf32, #tpu.memory_space<vmem>>
      %dma_start3A_280 = tpu.memref_squeeze %dma_start3A_279 : memref<1x128xf32, #tpu.memory_space<vmem>> -> memref<128xf32, #tpu.memory_space<vmem>>
      tpu.enqueue_dma source(%dma_start3A_280 : memref<128xf32, #tpu.memory_space<vmem>>) target(%dma_start3A_277 : memref<128xf32, #tpu.memory_space<hbm>>) target_semaphore(%arg17 : memref<!tpu.dma_semaphore, #tpu.memory_space<semaphore_mem>>)
      %dma_wait3A_281 = arith.constant 0 : i32
      %dma_wait3A_282 = arith.constant 0 : i32
      %dma_wait3A_283 = tpu.memref_slice %arg13[%dma_wait3A_281, %dma_wait3A_282] : memref<3x128xf32, #tpu.memory_space<vmem>> -> memref<1x128xf32, #tpu.memory_space<vmem>>
      %dma_wait3A_284 = tpu.memref_squeeze %dma_wait3A_283 : memref<1x128xf32, #tpu.memory_space<vmem>> -> memref<128xf32, #tpu.memory_space<vmem>>
      %dma_wait3A_285 = tpu.memref_slice %arg7[%add3A_154] : memref<320000xf32, #tpu.memory_space<hbm>> -> memref<128xf32, #tpu.memory_space<hbm>>
      %dma_wait3A_286 = tpu.memref_slice %arg7[%add3A_154] : memref<320000xf32, #tpu.memory_space<hbm>> -> memref<128xf32, #tpu.memory_space<hbm>>
      %dma_wait3A_287 = arith.constant 0 : i32
      %dma_wait3A_288 = tpu.memref_slice %arg13[%dma_wait3A_281, %dma_wait3A_287] : memref<3x128xf32, #tpu.memory_space<vmem>> -> memref<1x128xf32, #tpu.memory_space<vmem>>
      %dma_wait3A_289 = tpu.memref_squeeze %dma_wait3A_288 : memref<1x128xf32, #tpu.memory_space<vmem>> -> memref<128xf32, #tpu.memory_space<vmem>>
      tpu.wait_dma2 semaphore(%arg17 : memref<!tpu.dma_semaphore, #tpu.memory_space<semaphore_mem>>) src(%dma_wait3A_289 : memref<128xf32, #tpu.memory_space<vmem>>) dst(%dma_wait3A_286 : memref<128xf32, #tpu.memory_space<hbm>>)
    } else {
    }
    return
  }
}

#map = affine_map<(d0, d1) -> (0, 0)>
#map1 = affine_map<(d0, d1) -> (0, 0, 0)>
module attributes {stable_mosaic.version = 14 : i64} {
  func.func @_p3(%arg0: i32, %arg1: i32, %arg2: memref<2x320000xi32, #tpu.memory_space<hbm>>, %arg3: memref<10000x128xf32, #tpu.memory_space<hbm>>, %arg4: memref<10000x128xf32, #tpu.memory_space<hbm>>, %arg5: memref<10000x128xf32, #tpu.memory_space<hbm>>, %arg6: memref<2x10000x128xf32, #tpu.memory_space<hbm>>, %arg7: memref<2x10000x128xf32, #tpu.memory_space<hbm>>, %arg8: memref<3x128xi32, #tpu.memory_space<vmem>>, %arg9: memref<3x128xi32, #tpu.memory_space<vmem>>, %arg10: memref<2x128x128xf32, #tpu.memory_space<vmem>>, %arg11: memref<16xi32, #tpu.memory_space<vmem>>, %arg12: memref<16x128xf32, #tpu.memory_space<vmem>>, %arg13: memref<10000x128xf32, #tpu.memory_space<vmem_shared>>, %arg14: memref<!tpu.dma_semaphore, #tpu.memory_space<semaphore_mem>>, %arg15: memref<!tpu.dma_semaphore, #tpu.memory_space<semaphore_mem>>, %arg16: memref<!tpu.dma_semaphore, #tpu.memory_space<semaphore_mem>>) attributes {dimension_semantics = [#tpu.dimension_semantics<core_parallel>, #tpu.dimension_semantics<subcore_parallel>], iteration_bounds = array<i64: 2, 16>, scalar_prefetch = 0 : i64, scratch_operands = 9 : i64, tpu.core_type = #tpu.core_type<sc_vector_subcore>, window_params = [{transform_indices = #map}, {transform_indices = #map}, {transform_indices = #map}, {transform_indices = #map}, {transform_indices = #map1}, {transform_indices = #map1}]} {
    %mul3A = arith.constant 2 : i32
    %mul3A_0 = arith.muli %arg1, %mul3A : i32
    %add3A = arith.addi %mul3A_0, %arg0 : i32
    %mul3A_1 = arith.constant 9984 : i32
    %mul3A_2 = arith.muli %add3A, %mul3A_1 : i32
    %mul3A_3 = arith.constant 624 : i32
    %mul3A_4 = arith.muli %arg1, %mul3A_3 : i32
    "tpu.region"() ({
      %run_scoped3A = tpu.sem_alloc : memref<!tpu.dma_semaphore, #tpu.memory_space<semaphore_mem>>
      %dma_start3A_163 = arith.constant 0 : i32
      %dma_start3A_164 = tpu.memref_slice %arg13[%mul3A_4, %dma_start3A_163] : memref<10000x128xf32, #tpu.memory_space<vmem_shared>> -> memref<624x128xf32, #tpu.memory_space<vmem_shared>>
      %dma_start3A_165 = arith.constant 0 : i32
      %dma_start3A_166 = tpu.memref_slice %arg5[%mul3A_4, %dma_start3A_165] : memref<10000x128xf32, #tpu.memory_space<hbm>> -> memref<624x128xf32, #tpu.memory_space<hbm>>
      tpu.enqueue_dma source(%dma_start3A_166 : memref<624x128xf32, #tpu.memory_space<hbm>>) target(%dma_start3A_164 : memref<624x128xf32, #tpu.memory_space<vmem_shared>>) target_semaphore(%run_scoped3A : memref<!tpu.dma_semaphore, #tpu.memory_space<semaphore_mem>>)
      %dma_wait3A_167 = arith.constant 0 : i32
      %dma_wait3A_168 = tpu.memref_slice %arg13[%mul3A_4, %dma_wait3A_167] : memref<10000x128xf32, #tpu.memory_space<vmem_shared>> -> memref<624x128xf32, #tpu.memory_space<vmem_shared>>
      %dma_wait3A_169 = arith.constant 0 : i32
      %dma_wait3A_170 = tpu.memref_slice %arg5[%mul3A_4, %dma_wait3A_169] : memref<10000x128xf32, #tpu.memory_space<hbm>> -> memref<624x128xf32, #tpu.memory_space<hbm>>
      tpu.wait_dma2 semaphore(%run_scoped3A : memref<!tpu.dma_semaphore, #tpu.memory_space<semaphore_mem>>) src(%dma_wait3A_170 : memref<624x128xf32, #tpu.memory_space<hbm>>) dst(%dma_wait3A_168 : memref<624x128xf32, #tpu.memory_space<vmem_shared>>)
      tpu.yield
    }) : () -> ()
    %eq3A = arith.constant 15 : i32
    %eq3A_5 = arith.cmpi eq, %arg1, %eq3A : i32
    %convert_element_type3A = arith.extui %eq3A_5 : i1 to i32
    %cond3A = arith.constant 0 : i32
    %cond3A_6 = arith.cmpi ne, %convert_element_type3A, %cond3A : i32
    scf.if %cond3A_6 {
      "tpu.region"() ({
        %run_scoped3A = tpu.sem_alloc : memref<!tpu.dma_semaphore, #tpu.memory_space<semaphore_mem>>
        %dma_start3A_163 = arith.constant 9984 : i32
        %dma_start3A_164 = arith.constant 0 : i32
        %dma_start3A_165 = tpu.memref_slice %arg13[%dma_start3A_163, %dma_start3A_164] : memref<10000x128xf32, #tpu.memory_space<vmem_shared>> -> memref<16x128xf32, #tpu.memory_space<vmem_shared>>
        %dma_start3A_166 = arith.constant 9984 : i32
        %dma_start3A_167 = arith.constant 0 : i32
        %dma_start3A_168 = tpu.memref_slice %arg5[%dma_start3A_166, %dma_start3A_167] : memref<10000x128xf32, #tpu.memory_space<hbm>> -> memref<16x128xf32, #tpu.memory_space<hbm>>
        tpu.enqueue_dma source(%dma_start3A_168 : memref<16x128xf32, #tpu.memory_space<hbm>>) target(%dma_start3A_165 : memref<16x128xf32, #tpu.memory_space<vmem_shared>>) target_semaphore(%run_scoped3A : memref<!tpu.dma_semaphore, #tpu.memory_space<semaphore_mem>>)
        %dma_wait3A_169 = arith.constant 9984 : i32
        %dma_wait3A_170 = arith.constant 0 : i32
        %dma_wait3A_171 = tpu.memref_slice %arg13[%dma_wait3A_169, %dma_wait3A_170] : memref<10000x128xf32, #tpu.memory_space<vmem_shared>> -> memref<16x128xf32, #tpu.memory_space<vmem_shared>>
        %dma_wait3A_172 = arith.constant 9984 : i32
        %dma_wait3A_173 = arith.constant 0 : i32
        %dma_wait3A_174 = tpu.memref_slice %arg5[%dma_wait3A_172, %dma_wait3A_173] : memref<10000x128xf32, #tpu.memory_space<hbm>> -> memref<16x128xf32, #tpu.memory_space<hbm>>
        tpu.wait_dma2 semaphore(%run_scoped3A : memref<!tpu.dma_semaphore, #tpu.memory_space<semaphore_mem>>) src(%dma_wait3A_174 : memref<16x128xf32, #tpu.memory_space<hbm>>) dst(%dma_wait3A_171 : memref<16x128xf32, #tpu.memory_space<vmem_shared>>)
        tpu.yield
      }) : () -> ()
    } else {
    }
    %barrier3A = arith.constant 0 : index
    tpu.barrier barrier_id(%barrier3A)
    %dma_start3A = arith.constant 0 : i32
    %dma_start3A_7 = arith.constant 0 : i32
    %dma_start3A_8 = arith.constant 0 : i32
    %dma_start3A_9 = tpu.memref_slice %arg8[%dma_start3A_7, %dma_start3A_8] : memref<3x128xi32, #tpu.memory_space<vmem>> -> memref<1x128xi32, #tpu.memory_space<vmem>>
    %dma_start3A_10 = tpu.memref_squeeze %dma_start3A_9 : memref<1x128xi32, #tpu.memory_space<vmem>> -> memref<128xi32, #tpu.memory_space<vmem>>
    %dma_start3A_11 = tpu.memref_slice %arg2[%dma_start3A, %mul3A_2] : memref<2x320000xi32, #tpu.memory_space<hbm>> -> memref<1x128xi32, #tpu.memory_space<hbm>>
    %dma_start3A_12 = tpu.memref_squeeze %dma_start3A_11 : memref<1x128xi32, #tpu.memory_space<hbm>> -> memref<128xi32, #tpu.memory_space<hbm>>
    %dma_start3A_13 = arith.constant 0 : i32
    %dma_start3A_14 = tpu.memref_slice %arg8[%dma_start3A_7, %dma_start3A_13] : memref<3x128xi32, #tpu.memory_space<vmem>> -> memref<1x128xi32, #tpu.memory_space<vmem>>
    %dma_start3A_15 = tpu.memref_squeeze %dma_start3A_14 : memref<1x128xi32, #tpu.memory_space<vmem>> -> memref<128xi32, #tpu.memory_space<vmem>>
    %dma_start3A_16 = tpu.memref_slice %arg2[%dma_start3A, %mul3A_2] : memref<2x320000xi32, #tpu.memory_space<hbm>> -> memref<1x128xi32, #tpu.memory_space<hbm>>
    %dma_start3A_17 = tpu.memref_squeeze %dma_start3A_16 : memref<1x128xi32, #tpu.memory_space<hbm>> -> memref<128xi32, #tpu.memory_space<hbm>>
    tpu.enqueue_dma source(%dma_start3A_17 : memref<128xi32, #tpu.memory_space<hbm>>) target(%dma_start3A_15 : memref<128xi32, #tpu.memory_space<vmem>>) target_semaphore(%arg14 : memref<!tpu.dma_semaphore, #tpu.memory_space<semaphore_mem>>)
    %dma_start3A_18 = arith.constant 1 : i32
    %dma_start3A_19 = arith.constant 0 : i32
    %dma_start3A_20 = arith.constant 0 : i32
    %dma_start3A_21 = tpu.memref_slice %arg9[%dma_start3A_19, %dma_start3A_20] : memref<3x128xi32, #tpu.memory_space<vmem>> -> memref<1x128xi32, #tpu.memory_space<vmem>>
    %dma_start3A_22 = tpu.memref_squeeze %dma_start3A_21 : memref<1x128xi32, #tpu.memory_space<vmem>> -> memref<128xi32, #tpu.memory_space<vmem>>
    %dma_start3A_23 = tpu.memref_slice %arg2[%dma_start3A_18, %mul3A_2] : memref<2x320000xi32, #tpu.memory_space<hbm>> -> memref<1x128xi32, #tpu.memory_space<hbm>>
    %dma_start3A_24 = tpu.memref_squeeze %dma_start3A_23 : memref<1x128xi32, #tpu.memory_space<hbm>> -> memref<128xi32, #tpu.memory_space<hbm>>
    %dma_start3A_25 = arith.constant 0 : i32
    %dma_start3A_26 = tpu.memref_slice %arg9[%dma_start3A_19, %dma_start3A_25] : memref<3x128xi32, #tpu.memory_space<vmem>> -> memref<1x128xi32, #tpu.memory_space<vmem>>
    %dma_start3A_27 = tpu.memref_squeeze %dma_start3A_26 : memref<1x128xi32, #tpu.memory_space<vmem>> -> memref<128xi32, #tpu.memory_space<vmem>>
    %dma_start3A_28 = tpu.memref_slice %arg2[%dma_start3A_18, %mul3A_2] : memref<2x320000xi32, #tpu.memory_space<hbm>> -> memref<1x128xi32, #tpu.memory_space<hbm>>
    %dma_start3A_29 = tpu.memref_squeeze %dma_start3A_28 : memref<1x128xi32, #tpu.memory_space<hbm>> -> memref<128xi32, #tpu.memory_space<hbm>>
    tpu.enqueue_dma source(%dma_start3A_29 : memref<128xi32, #tpu.memory_space<hbm>>) target(%dma_start3A_27 : memref<128xi32, #tpu.memory_space<vmem>>) target_semaphore(%arg14 : memref<!tpu.dma_semaphore, #tpu.memory_space<semaphore_mem>>)
    %dma_wait3A = arith.constant 0 : i32
    %dma_wait3A_30 = arith.constant 0 : i32
    %dma_wait3A_31 = arith.constant 0 : i32
    %dma_wait3A_32 = tpu.memref_slice %arg8[%dma_wait3A_30, %dma_wait3A_31] : memref<3x128xi32, #tpu.memory_space<vmem>> -> memref<1x128xi32, #tpu.memory_space<vmem>>
    %dma_wait3A_33 = tpu.memref_squeeze %dma_wait3A_32 : memref<1x128xi32, #tpu.memory_space<vmem>> -> memref<128xi32, #tpu.memory_space<vmem>>
    %dma_wait3A_34 = arith.constant 0 : i32
    %dma_wait3A_35 = tpu.memref_slice %arg2[%dma_wait3A, %dma_wait3A_34] : memref<2x320000xi32, #tpu.memory_space<hbm>> -> memref<1x128xi32, #tpu.memory_space<hbm>>
    %dma_wait3A_36 = tpu.memref_squeeze %dma_wait3A_35 : memref<1x128xi32, #tpu.memory_space<hbm>> -> memref<128xi32, #tpu.memory_space<hbm>>
    %dma_wait3A_37 = arith.constant 0 : i32
    %dma_wait3A_38 = tpu.memref_slice %arg8[%dma_wait3A_30, %dma_wait3A_37] : memref<3x128xi32, #tpu.memory_space<vmem>> -> memref<1x128xi32, #tpu.memory_space<vmem>>
    %dma_wait3A_39 = tpu.memref_squeeze %dma_wait3A_38 : memref<1x128xi32, #tpu.memory_space<vmem>> -> memref<128xi32, #tpu.memory_space<vmem>>
    %dma_wait3A_40 = arith.constant 0 : i32
    %dma_wait3A_41 = tpu.memref_slice %arg2[%dma_wait3A, %dma_wait3A_40] : memref<2x320000xi32, #tpu.memory_space<hbm>> -> memref<1x128xi32, #tpu.memory_space<hbm>>
    %dma_wait3A_42 = tpu.memref_squeeze %dma_wait3A_41 : memref<1x128xi32, #tpu.memory_space<hbm>> -> memref<128xi32, #tpu.memory_space<hbm>>
    tpu.wait_dma2 semaphore(%arg14 : memref<!tpu.dma_semaphore, #tpu.memory_space<semaphore_mem>>) src(%dma_wait3A_42 : memref<128xi32, #tpu.memory_space<hbm>>) dst(%dma_wait3A_39 : memref<128xi32, #tpu.memory_space<vmem>>)
    %dma_wait3A_43 = arith.constant 1 : i32
    %dma_wait3A_44 = arith.constant 0 : i32
    %dma_wait3A_45 = arith.constant 0 : i32
    %dma_wait3A_46 = tpu.memref_slice %arg9[%dma_wait3A_44, %dma_wait3A_45] : memref<3x128xi32, #tpu.memory_space<vmem>> -> memref<1x128xi32, #tpu.memory_space<vmem>>
    %dma_wait3A_47 = tpu.memref_squeeze %dma_wait3A_46 : memref<1x128xi32, #tpu.memory_space<vmem>> -> memref<128xi32, #tpu.memory_space<vmem>>
    %dma_wait3A_48 = arith.constant 0 : i32
    %dma_wait3A_49 = tpu.memref_slice %arg2[%dma_wait3A_43, %dma_wait3A_48] : memref<2x320000xi32, #tpu.memory_space<hbm>> -> memref<1x128xi32, #tpu.memory_space<hbm>>
    %dma_wait3A_50 = tpu.memref_squeeze %dma_wait3A_49 : memref<1x128xi32, #tpu.memory_space<hbm>> -> memref<128xi32, #tpu.memory_space<hbm>>
    %dma_wait3A_51 = arith.constant 0 : i32
    %dma_wait3A_52 = tpu.memref_slice %arg9[%dma_wait3A_44, %dma_wait3A_51] : memref<3x128xi32, #tpu.memory_space<vmem>> -> memref<1x128xi32, #tpu.memory_space<vmem>>
    %dma_wait3A_53 = tpu.memref_squeeze %dma_wait3A_52 : memref<1x128xi32, #tpu.memory_space<vmem>> -> memref<128xi32, #tpu.memory_space<vmem>>
    %dma_wait3A_54 = arith.constant 0 : i32
    %dma_wait3A_55 = tpu.memref_slice %arg2[%dma_wait3A_43, %dma_wait3A_54] : memref<2x320000xi32, #tpu.memory_space<hbm>> -> memref<1x128xi32, #tpu.memory_space<hbm>>
    %dma_wait3A_56 = tpu.memref_squeeze %dma_wait3A_55 : memref<1x128xi32, #tpu.memory_space<hbm>> -> memref<128xi32, #tpu.memory_space<hbm>>
    tpu.wait_dma2 semaphore(%arg14 : memref<!tpu.dma_semaphore, #tpu.memory_space<semaphore_mem>>) src(%dma_wait3A_56 : memref<128xi32, #tpu.memory_space<hbm>>) dst(%dma_wait3A_53 : memref<128xi32, #tpu.memory_space<vmem>>)
    %dma_start3A_57 = arith.constant 0 : i32
    %dma_start3A_58 = arith.constant 0 : i32
    %dma_start3A_59 = arith.constant 0 : i32
    %dma_start3A_60 = arith.constant 0 : i32
    %dma_start3A_61 = tpu.memref_slice %arg10[%dma_start3A_58, %dma_start3A_59, %dma_start3A_60] : memref<2x128x128xf32, #tpu.memory_space<vmem>> -> memref<1x128x128xf32, #tpu.memory_space<vmem>>
    %dma_start3A_62 = tpu.memref_squeeze %dma_start3A_61 : memref<1x128x128xf32, #tpu.memory_space<vmem>> -> memref<128x128xf32, #tpu.memory_space<vmem>>
    %dma_start3A_63 = arith.constant 0 : i32
    %dma_start3A_64 = tpu.memref_slice %arg8[%dma_start3A_57, %dma_start3A_63] : memref<3x128xi32, #tpu.memory_space<vmem>> -> memref<1x128xi32, #tpu.memory_space<vmem>>
    %dma_start3A_65 = tpu.memref_squeeze %dma_start3A_64 : memref<1x128xi32, #tpu.memory_space<vmem>> -> memref<128xi32, #tpu.memory_space<vmem>>
    %dma_start3A_66 = arith.constant 0 : i32
    %dma_start3A_67 = arith.constant 0 : i32
    %dma_start3A_68 = tpu.memref_slice %arg3[%dma_start3A_66, %dma_start3A_67] : memref<10000x128xf32, #tpu.memory_space<hbm>> -> memref<10000x128xf32, #tpu.memory_space<hbm>>
    tpu.enqueue_indirect_dma source(%dma_start3A_68 : memref<10000x128xf32, #tpu.memory_space<hbm>>) target(%dma_start3A_62 : memref<128x128xf32, #tpu.memory_space<vmem>>) offsets(%dma_start3A_65 : memref<128xi32, #tpu.memory_space<vmem>>) semaphore(%arg15 : memref<!tpu.dma_semaphore, #tpu.memory_space<semaphore_mem>>)
    %add3A_69 = arith.constant 128 : i32
    %add3A_70 = arith.addi %mul3A_2, %add3A_69 : i32
    %dma_start3A_71 = arith.constant 0 : i32
    %dma_start3A_72 = arith.constant 1 : i32
    %dma_start3A_73 = arith.constant 0 : i32
    %dma_start3A_74 = tpu.memref_slice %arg8[%dma_start3A_72, %dma_start3A_73] : memref<3x128xi32, #tpu.memory_space<vmem>> -> memref<1x128xi32, #tpu.memory_space<vmem>>
    %dma_start3A_75 = tpu.memref_squeeze %dma_start3A_74 : memref<1x128xi32, #tpu.memory_space<vmem>> -> memref<128xi32, #tpu.memory_space<vmem>>
    %dma_start3A_76 = tpu.memref_slice %arg2[%dma_start3A_71, %add3A_70] : memref<2x320000xi32, #tpu.memory_space<hbm>> -> memref<1x128xi32, #tpu.memory_space<hbm>>
    %dma_start3A_77 = tpu.memref_squeeze %dma_start3A_76 : memref<1x128xi32, #tpu.memory_space<hbm>> -> memref<128xi32, #tpu.memory_space<hbm>>
    %dma_start3A_78 = arith.constant 0 : i32
    %dma_start3A_79 = tpu.memref_slice %arg8[%dma_start3A_72, %dma_start3A_78] : memref<3x128xi32, #tpu.memory_space<vmem>> -> memref<1x128xi32, #tpu.memory_space<vmem>>
    %dma_start3A_80 = tpu.memref_squeeze %dma_start3A_79 : memref<1x128xi32, #tpu.memory_space<vmem>> -> memref<128xi32, #tpu.memory_space<vmem>>
    %dma_start3A_81 = tpu.memref_slice %arg2[%dma_start3A_71, %add3A_70] : memref<2x320000xi32, #tpu.memory_space<hbm>> -> memref<1x128xi32, #tpu.memory_space<hbm>>
    %dma_start3A_82 = tpu.memref_squeeze %dma_start3A_81 : memref<1x128xi32, #tpu.memory_space<hbm>> -> memref<128xi32, #tpu.memory_space<hbm>>
    tpu.enqueue_dma source(%dma_start3A_82 : memref<128xi32, #tpu.memory_space<hbm>>) target(%dma_start3A_80 : memref<128xi32, #tpu.memory_space<vmem>>) target_semaphore(%arg14 : memref<!tpu.dma_semaphore, #tpu.memory_space<semaphore_mem>>)
    %dma_start3A_83 = arith.constant 1 : i32
    %dma_start3A_84 = arith.constant 1 : i32
    %dma_start3A_85 = arith.constant 0 : i32
    %dma_start3A_86 = tpu.memref_slice %arg9[%dma_start3A_84, %dma_start3A_85] : memref<3x128xi32, #tpu.memory_space<vmem>> -> memref<1x128xi32, #tpu.memory_space<vmem>>
    %dma_start3A_87 = tpu.memref_squeeze %dma_start3A_86 : memref<1x128xi32, #tpu.memory_space<vmem>> -> memref<128xi32, #tpu.memory_space<vmem>>
    %dma_start3A_88 = tpu.memref_slice %arg2[%dma_start3A_83, %add3A_70] : memref<2x320000xi32, #tpu.memory_space<hbm>> -> memref<1x128xi32, #tpu.memory_space<hbm>>
    %dma_start3A_89 = tpu.memref_squeeze %dma_start3A_88 : memref<1x128xi32, #tpu.memory_space<hbm>> -> memref<128xi32, #tpu.memory_space<hbm>>
    %dma_start3A_90 = arith.constant 0 : i32
    %dma_start3A_91 = tpu.memref_slice %arg9[%dma_start3A_84, %dma_start3A_90] : memref<3x128xi32, #tpu.memory_space<vmem>> -> memref<1x128xi32, #tpu.memory_space<vmem>>
    %dma_start3A_92 = tpu.memref_squeeze %dma_start3A_91 : memref<1x128xi32, #tpu.memory_space<vmem>> -> memref<128xi32, #tpu.memory_space<vmem>>
    %dma_start3A_93 = tpu.memref_slice %arg2[%dma_start3A_83, %add3A_70] : memref<2x320000xi32, #tpu.memory_space<hbm>> -> memref<1x128xi32, #tpu.memory_space<hbm>>
    %dma_start3A_94 = tpu.memref_squeeze %dma_start3A_93 : memref<1x128xi32, #tpu.memory_space<hbm>> -> memref<128xi32, #tpu.memory_space<hbm>>
    tpu.enqueue_dma source(%dma_start3A_94 : memref<128xi32, #tpu.memory_space<hbm>>) target(%dma_start3A_92 : memref<128xi32, #tpu.memory_space<vmem>>) target_semaphore(%arg14 : memref<!tpu.dma_semaphore, #tpu.memory_space<semaphore_mem>>)
    %scan3A = arith.constant 0 : i32
    %scan3A_95 = arith.constant 0 : i32
    %scan3A_96 = arith.constant 78 : i32
    %scan3A_97 = arith.addi %scan3A_95, %scan3A_96 : i32
    %scan3A_98 = arith.constant 1 : i32
    %scan3A_99 = scf.for %scan3A_163 = %scan3A_95 to %scan3A_97 step %scan3A_98 iter_args(%scan3A_164 = %scan3A) -> (i32)  : i32 {
      %rem3A_165 = arith.constant 3 : i32
      %rem3A_166 = arith.remsi %scan3A_163, %rem3A_165 : i32
      %add3A_167 = arith.constant 1 : i32
      %add3A_168 = arith.addi %scan3A_163, %add3A_167 : i32
      %rem3A_169 = arith.constant 3 : i32
      %rem3A_170 = arith.remsi %add3A_168, %rem3A_169 : i32
      %add3A_171 = arith.constant 2 : i32
      %add3A_172 = arith.addi %scan3A_163, %add3A_171 : i32
      %rem3A_173 = arith.constant 3 : i32
      %rem3A_174 = arith.remsi %add3A_172, %rem3A_173 : i32
      %rem3A_175 = arith.constant 2 : i32
      %rem3A_176 = arith.remsi %scan3A_163, %rem3A_175 : i32
      %sub3A = arith.constant 1 : i32
      %sub3A_177 = arith.subi %sub3A, %rem3A_176 : i32
      %gt3A = arith.constant 0 : i32
      %gt3A_178 = arith.cmpi sgt, %scan3A_163, %gt3A : i32
      %convert_element_type3A_179 = arith.extui %gt3A_178 : i1 to i32
      %cond3A_180 = arith.constant 0 : i32
      %cond3A_181 = arith.cmpi ne, %convert_element_type3A_179, %cond3A_180 : i32
      scf.if %cond3A_181 {
        %dma_wait3A_217 = arith.constant 0 : i32
        %dma_wait3A_218 = arith.constant 0 : i32
        %dma_wait3A_219 = tpu.memref_slice %arg10[%sub3A_177, %dma_wait3A_217, %dma_wait3A_218] : memref<2x128x128xf32, #tpu.memory_space<vmem>> -> memref<1x128x128xf32, #tpu.memory_space<vmem>>
        %dma_wait3A_220 = tpu.memref_squeeze %dma_wait3A_219 : memref<1x128x128xf32, #tpu.memory_space<vmem>> -> memref<128x128xf32, #tpu.memory_space<vmem>>
        %dma_wait3A_221 = arith.constant 0 : i32
        %dma_wait3A_222 = tpu.memref_slice %arg9[%rem3A_174, %dma_wait3A_221] : memref<3x128xi32, #tpu.memory_space<vmem>> -> memref<1x128xi32, #tpu.memory_space<vmem>>
        %dma_wait3A_223 = tpu.memref_squeeze %dma_wait3A_222 : memref<1x128xi32, #tpu.memory_space<vmem>> -> memref<128xi32, #tpu.memory_space<vmem>>
        %dma_wait3A_224 = arith.constant 0 : i32
        %dma_wait3A_225 = arith.constant 0 : i32
        %dma_wait3A_226 = tpu.memref_slice %arg13[%dma_wait3A_224, %dma_wait3A_225] : memref<10000x128xf32, #tpu.memory_space<vmem_shared>> -> memref<10000x128xf32, #tpu.memory_space<vmem_shared>>
        tpu.wait_indirect_dma semaphore(%arg16 : memref<!tpu.dma_semaphore, #tpu.memory_space<semaphore_mem>>) src(%dma_wait3A_220 : memref<128x128xf32, #tpu.memory_space<vmem>>) dst(%dma_wait3A_226 : memref<10000x128xf32, #tpu.memory_space<vmem_shared>>)
      } else {
      }
      %dma_wait3A_182 = arith.constant 0 : i32
      %dma_wait3A_183 = arith.constant 0 : i32
      %dma_wait3A_184 = tpu.memref_slice %arg10[%rem3A_176, %dma_wait3A_182, %dma_wait3A_183] : memref<2x128x128xf32, #tpu.memory_space<vmem>> -> memref<1x128x128xf32, #tpu.memory_space<vmem>>
      %dma_wait3A_185 = tpu.memref_squeeze %dma_wait3A_184 : memref<1x128x128xf32, #tpu.memory_space<vmem>> -> memref<128x128xf32, #tpu.memory_space<vmem>>
      %dma_wait3A_186 = arith.constant 0 : i32
      %dma_wait3A_187 = tpu.memref_slice %arg8[%rem3A_166, %dma_wait3A_186] : memref<3x128xi32, #tpu.memory_space<vmem>> -> memref<1x128xi32, #tpu.memory_space<vmem>>
      %dma_wait3A_188 = tpu.memref_squeeze %dma_wait3A_187 : memref<1x128xi32, #tpu.memory_space<vmem>> -> memref<128xi32, #tpu.memory_space<vmem>>
      %dma_wait3A_189 = arith.constant 0 : i32
      %dma_wait3A_190 = arith.constant 0 : i32
      %dma_wait3A_191 = tpu.memref_slice %arg3[%dma_wait3A_189, %dma_wait3A_190] : memref<10000x128xf32, #tpu.memory_space<hbm>> -> memref<10000x128xf32, #tpu.memory_space<hbm>>
      tpu.wait_indirect_dma semaphore(%arg15 : memref<!tpu.dma_semaphore, #tpu.memory_space<semaphore_mem>>) src(%dma_wait3A_191 : memref<10000x128xf32, #tpu.memory_space<hbm>>) dst(%dma_wait3A_185 : memref<128x128xf32, #tpu.memory_space<vmem>>)
      %add3A_192 = arith.constant 1 : i32
      %add3A_193 = arith.addi %scan3A_163, %add3A_192 : i32
      %lt3A_194 = arith.constant 78 : i32
      %lt3A_195 = arith.cmpi slt, %add3A_193, %lt3A_194 : i32
      %convert_element_type3A_196 = arith.extui %lt3A_195 : i1 to i32
      %cond3A_197 = arith.constant 0 : i32
      %cond3A_198 = arith.cmpi ne, %convert_element_type3A_196, %cond3A_197 : i32
      scf.if %cond3A_198 {
        %dma_wait3A_217 = arith.constant 0 : i32
        %dma_wait3A_218 = arith.constant 0 : i32
        %dma_wait3A_219 = tpu.memref_slice %arg8[%rem3A_170, %dma_wait3A_218] : memref<3x128xi32, #tpu.memory_space<vmem>> -> memref<1x128xi32, #tpu.memory_space<vmem>>
        %dma_wait3A_220 = tpu.memref_squeeze %dma_wait3A_219 : memref<1x128xi32, #tpu.memory_space<vmem>> -> memref<128xi32, #tpu.memory_space<vmem>>
        %dma_wait3A_221 = arith.constant 0 : i32
        %dma_wait3A_222 = tpu.memref_slice %arg2[%dma_wait3A_217, %dma_wait3A_221] : memref<2x320000xi32, #tpu.memory_space<hbm>> -> memref<1x128xi32, #tpu.memory_space<hbm>>
        %dma_wait3A_223 = tpu.memref_squeeze %dma_wait3A_222 : memref<1x128xi32, #tpu.memory_space<hbm>> -> memref<128xi32, #tpu.memory_space<hbm>>
        %dma_wait3A_224 = arith.constant 0 : i32
        %dma_wait3A_225 = tpu.memref_slice %arg8[%rem3A_170, %dma_wait3A_224] : memref<3x128xi32, #tpu.memory_space<vmem>> -> memref<1x128xi32, #tpu.memory_space<vmem>>
        %dma_wait3A_226 = tpu.memref_squeeze %dma_wait3A_225 : memref<1x128xi32, #tpu.memory_space<vmem>> -> memref<128xi32, #tpu.memory_space<vmem>>
        %dma_wait3A_227 = arith.constant 0 : i32
        %dma_wait3A_228 = tpu.memref_slice %arg2[%dma_wait3A_217, %dma_wait3A_227] : memref<2x320000xi32, #tpu.memory_space<hbm>> -> memref<1x128xi32, #tpu.memory_space<hbm>>
        %dma_wait3A_229 = tpu.memref_squeeze %dma_wait3A_228 : memref<1x128xi32, #tpu.memory_space<hbm>> -> memref<128xi32, #tpu.memory_space<hbm>>
        tpu.wait_dma2 semaphore(%arg14 : memref<!tpu.dma_semaphore, #tpu.memory_space<semaphore_mem>>) src(%dma_wait3A_229 : memref<128xi32, #tpu.memory_space<hbm>>) dst(%dma_wait3A_226 : memref<128xi32, #tpu.memory_space<vmem>>)
        %dma_wait3A_230 = arith.constant 1 : i32
        %dma_wait3A_231 = arith.constant 0 : i32
        %dma_wait3A_232 = tpu.memref_slice %arg9[%rem3A_170, %dma_wait3A_231] : memref<3x128xi32, #tpu.memory_space<vmem>> -> memref<1x128xi32, #tpu.memory_space<vmem>>
        %dma_wait3A_233 = tpu.memref_squeeze %dma_wait3A_232 : memref<1x128xi32, #tpu.memory_space<vmem>> -> memref<128xi32, #tpu.memory_space<vmem>>
        %dma_wait3A_234 = arith.constant 0 : i32
        %dma_wait3A_235 = tpu.memref_slice %arg2[%dma_wait3A_230, %dma_wait3A_234] : memref<2x320000xi32, #tpu.memory_space<hbm>> -> memref<1x128xi32, #tpu.memory_space<hbm>>
        %dma_wait3A_236 = tpu.memref_squeeze %dma_wait3A_235 : memref<1x128xi32, #tpu.memory_space<hbm>> -> memref<128xi32, #tpu.memory_space<hbm>>
        %dma_wait3A_237 = arith.constant 0 : i32
        %dma_wait3A_238 = tpu.memref_slice %arg9[%rem3A_170, %dma_wait3A_237] : memref<3x128xi32, #tpu.memory_space<vmem>> -> memref<1x128xi32, #tpu.memory_space<vmem>>
        %dma_wait3A_239 = tpu.memref_squeeze %dma_wait3A_238 : memref<1x128xi32, #tpu.memory_space<vmem>> -> memref<128xi32, #tpu.memory_space<vmem>>
        %dma_wait3A_240 = arith.constant 0 : i32
        %dma_wait3A_241 = tpu.memref_slice %arg2[%dma_wait3A_230, %dma_wait3A_240] : memref<2x320000xi32, #tpu.memory_space<hbm>> -> memref<1x128xi32, #tpu.memory_space<hbm>>
        %dma_wait3A_242 = tpu.memref_squeeze %dma_wait3A_241 : memref<1x128xi32, #tpu.memory_space<hbm>> -> memref<128xi32, #tpu.memory_space<hbm>>
        tpu.wait_dma2 semaphore(%arg14 : memref<!tpu.dma_semaphore, #tpu.memory_space<semaphore_mem>>) src(%dma_wait3A_242 : memref<128xi32, #tpu.memory_space<hbm>>) dst(%dma_wait3A_239 : memref<128xi32, #tpu.memory_space<vmem>>)
        %dma_start3A_243 = arith.constant 0 : i32
        %dma_start3A_244 = arith.constant 0 : i32
        %dma_start3A_245 = tpu.memref_slice %arg10[%sub3A_177, %dma_start3A_243, %dma_start3A_244] : memref<2x128x128xf32, #tpu.memory_space<vmem>> -> memref<1x128x128xf32, #tpu.memory_space<vmem>>
        %dma_start3A_246 = tpu.memref_squeeze %dma_start3A_245 : memref<1x128x128xf32, #tpu.memory_space<vmem>> -> memref<128x128xf32, #tpu.memory_space<vmem>>
        %dma_start3A_247 = arith.constant 0 : i32
        %dma_start3A_248 = tpu.memref_slice %arg8[%rem3A_170, %dma_start3A_247] : memref<3x128xi32, #tpu.memory_space<vmem>> -> memref<1x128xi32, #tpu.memory_space<vmem>>
        %dma_start3A_249 = tpu.memref_squeeze %dma_start3A_248 : memref<1x128xi32, #tpu.memory_space<vmem>> -> memref<128xi32, #tpu.memory_space<vmem>>
        %dma_start3A_250 = arith.constant 0 : i32
        %dma_start3A_251 = arith.constant 0 : i32
        %dma_start3A_252 = tpu.memref_slice %arg3[%dma_start3A_250, %dma_start3A_251] : memref<10000x128xf32, #tpu.memory_space<hbm>> -> memref<10000x128xf32, #tpu.memory_space<hbm>>
        tpu.enqueue_indirect_dma source(%dma_start3A_252 : memref<10000x128xf32, #tpu.memory_space<hbm>>) target(%dma_start3A_246 : memref<128x128xf32, #tpu.memory_space<vmem>>) offsets(%dma_start3A_249 : memref<128xi32, #tpu.memory_space<vmem>>) semaphore(%arg15 : memref<!tpu.dma_semaphore, #tpu.memory_space<semaphore_mem>>)
      } else {
      }
      %add3A_199 = arith.constant 2 : i32
      %add3A_200 = arith.addi %scan3A_163, %add3A_199 : i32
      %lt3A_201 = arith.constant 78 : i32
      %lt3A_202 = arith.cmpi slt, %add3A_200, %lt3A_201 : i32
      %convert_element_type3A_203 = arith.extui %lt3A_202 : i1 to i32
      %cond3A_204 = arith.constant 0 : i32
      %cond3A_205 = arith.cmpi ne, %convert_element_type3A_203, %cond3A_204 : i32
      scf.if %cond3A_205 {
        %add3A_217 = arith.constant 2 : i32
        %add3A_218 = arith.addi %scan3A_163, %add3A_217 : i32
        %mul3A_219 = arith.constant 128 : i32
        %mul3A_220 = arith.muli %add3A_218, %mul3A_219 : i32
        %add3A_221 = arith.addi %mul3A_2, %mul3A_220 : i32
        %dma_start3A_222 = arith.constant 0 : i32
        %dma_start3A_223 = arith.constant 0 : i32
        %dma_start3A_224 = tpu.memref_slice %arg8[%rem3A_174, %dma_start3A_223] : memref<3x128xi32, #tpu.memory_space<vmem>> -> memref<1x128xi32, #tpu.memory_space<vmem>>
        %dma_start3A_225 = tpu.memref_squeeze %dma_start3A_224 : memref<1x128xi32, #tpu.memory_space<vmem>> -> memref<128xi32, #tpu.memory_space<vmem>>
        %dma_start3A_226 = tpu.memref_slice %arg2[%dma_start3A_222, %add3A_221] : memref<2x320000xi32, #tpu.memory_space<hbm>> -> memref<1x128xi32, #tpu.memory_space<hbm>>
        %dma_start3A_227 = tpu.memref_squeeze %dma_start3A_226 : memref<1x128xi32, #tpu.memory_space<hbm>> -> memref<128xi32, #tpu.memory_space<hbm>>
        %dma_start3A_228 = arith.constant 0 : i32
        %dma_start3A_229 = tpu.memref_slice %arg8[%rem3A_174, %dma_start3A_228] : memref<3x128xi32, #tpu.memory_space<vmem>> -> memref<1x128xi32, #tpu.memory_space<vmem>>
        %dma_start3A_230 = tpu.memref_squeeze %dma_start3A_229 : memref<1x128xi32, #tpu.memory_space<vmem>> -> memref<128xi32, #tpu.memory_space<vmem>>
        %dma_start3A_231 = tpu.memref_slice %arg2[%dma_start3A_222, %add3A_221] : memref<2x320000xi32, #tpu.memory_space<hbm>> -> memref<1x128xi32, #tpu.memory_space<hbm>>
        %dma_start3A_232 = tpu.memref_squeeze %dma_start3A_231 : memref<1x128xi32, #tpu.memory_space<hbm>> -> memref<128xi32, #tpu.memory_space<hbm>>
        tpu.enqueue_dma source(%dma_start3A_232 : memref<128xi32, #tpu.memory_space<hbm>>) target(%dma_start3A_230 : memref<128xi32, #tpu.memory_space<vmem>>) target_semaphore(%arg14 : memref<!tpu.dma_semaphore, #tpu.memory_space<semaphore_mem>>)
        %dma_start3A_233 = arith.constant 1 : i32
        %dma_start3A_234 = arith.constant 0 : i32
        %dma_start3A_235 = tpu.memref_slice %arg9[%rem3A_174, %dma_start3A_234] : memref<3x128xi32, #tpu.memory_space<vmem>> -> memref<1x128xi32, #tpu.memory_space<vmem>>
        %dma_start3A_236 = tpu.memref_squeeze %dma_start3A_235 : memref<1x128xi32, #tpu.memory_space<vmem>> -> memref<128xi32, #tpu.memory_space<vmem>>
        %dma_start3A_237 = tpu.memref_slice %arg2[%dma_start3A_233, %add3A_221] : memref<2x320000xi32, #tpu.memory_space<hbm>> -> memref<1x128xi32, #tpu.memory_space<hbm>>
        %dma_start3A_238 = tpu.memref_squeeze %dma_start3A_237 : memref<1x128xi32, #tpu.memory_space<hbm>> -> memref<128xi32, #tpu.memory_space<hbm>>
        %dma_start3A_239 = arith.constant 0 : i32
        %dma_start3A_240 = tpu.memref_slice %arg9[%rem3A_174, %dma_start3A_239] : memref<3x128xi32, #tpu.memory_space<vmem>> -> memref<1x128xi32, #tpu.memory_space<vmem>>
        %dma_start3A_241 = tpu.memref_squeeze %dma_start3A_240 : memref<1x128xi32, #tpu.memory_space<vmem>> -> memref<128xi32, #tpu.memory_space<vmem>>
        %dma_start3A_242 = tpu.memref_slice %arg2[%dma_start3A_233, %add3A_221] : memref<2x320000xi32, #tpu.memory_space<hbm>> -> memref<1x128xi32, #tpu.memory_space<hbm>>
        %dma_start3A_243 = tpu.memref_squeeze %dma_start3A_242 : memref<1x128xi32, #tpu.memory_space<hbm>> -> memref<128xi32, #tpu.memory_space<hbm>>
        tpu.enqueue_dma source(%dma_start3A_243 : memref<128xi32, #tpu.memory_space<hbm>>) target(%dma_start3A_241 : memref<128xi32, #tpu.memory_space<vmem>>) target_semaphore(%arg14 : memref<!tpu.dma_semaphore, #tpu.memory_space<semaphore_mem>>)
      } else {
      }
      %dma_start3A_206 = arith.constant 0 : i32
      %dma_start3A_207 = arith.constant 0 : i32
      %dma_start3A_208 = tpu.memref_slice %arg10[%rem3A_176, %dma_start3A_206, %dma_start3A_207] : memref<2x128x128xf32, #tpu.memory_space<vmem>> -> memref<1x128x128xf32, #tpu.memory_space<vmem>>
      %dma_start3A_209 = tpu.memref_squeeze %dma_start3A_208 : memref<1x128x128xf32, #tpu.memory_space<vmem>> -> memref<128x128xf32, #tpu.memory_space<vmem>>
      %dma_start3A_210 = arith.constant 0 : i32
      %dma_start3A_211 = tpu.memref_slice %arg9[%rem3A_166, %dma_start3A_210] : memref<3x128xi32, #tpu.memory_space<vmem>> -> memref<1x128xi32, #tpu.memory_space<vmem>>
      %dma_start3A_212 = tpu.memref_squeeze %dma_start3A_211 : memref<1x128xi32, #tpu.memory_space<vmem>> -> memref<128xi32, #tpu.memory_space<vmem>>
      %dma_start3A_213 = arith.constant 0 : i32
      %dma_start3A_214 = arith.constant 0 : i32
      %dma_start3A_215 = tpu.memref_slice %arg13[%dma_start3A_213, %dma_start3A_214] : memref<10000x128xf32, #tpu.memory_space<vmem_shared>> -> memref<10000x128xf32, #tpu.memory_space<vmem_shared>>
      tpu.enqueue_indirect_dma source(%dma_start3A_209 : memref<128x128xf32, #tpu.memory_space<vmem>>) target(%dma_start3A_215 : memref<10000x128xf32, #tpu.memory_space<vmem_shared>>) offsets(%dma_start3A_212 : memref<128xi32, #tpu.memory_space<vmem>>) semaphore(%arg16 : memref<!tpu.dma_semaphore, #tpu.memory_space<semaphore_mem>>) {add = true}
      %scan3A_216 = arith.constant 0 : i32
      scf.yield %scan3A_216 : i32
    }
    %scan3A_100 = arith.constant 78 : i32
    %rem3A = arith.constant 77 : i32
    %rem3A_101 = arith.constant 2 : i32
    %rem3A_102 = arith.remsi %rem3A, %rem3A_101 : i32
    %rem3A_103 = arith.constant 77 : i32
    %rem3A_104 = arith.constant 3 : i32
    %rem3A_105 = arith.remsi %rem3A_103, %rem3A_104 : i32
    %dma_wait3A_106 = arith.constant 0 : i32
    %dma_wait3A_107 = arith.constant 0 : i32
    %dma_wait3A_108 = tpu.memref_slice %arg10[%rem3A_102, %dma_wait3A_106, %dma_wait3A_107] : memref<2x128x128xf32, #tpu.memory_space<vmem>> -> memref<1x128x128xf32, #tpu.memory_space<vmem>>
    %dma_wait3A_109 = tpu.memref_squeeze %dma_wait3A_108 : memref<1x128x128xf32, #tpu.memory_space<vmem>> -> memref<128x128xf32, #tpu.memory_space<vmem>>
    %dma_wait3A_110 = arith.constant 0 : i32
    %dma_wait3A_111 = tpu.memref_slice %arg9[%rem3A_105, %dma_wait3A_110] : memref<3x128xi32, #tpu.memory_space<vmem>> -> memref<1x128xi32, #tpu.memory_space<vmem>>
    %dma_wait3A_112 = tpu.memref_squeeze %dma_wait3A_111 : memref<1x128xi32, #tpu.memory_space<vmem>> -> memref<128xi32, #tpu.memory_space<vmem>>
    %dma_wait3A_113 = arith.constant 0 : i32
    %dma_wait3A_114 = arith.constant 0 : i32
    %dma_wait3A_115 = tpu.memref_slice %arg13[%dma_wait3A_113, %dma_wait3A_114] : memref<10000x128xf32, #tpu.memory_space<vmem_shared>> -> memref<10000x128xf32, #tpu.memory_space<vmem_shared>>
    tpu.wait_indirect_dma semaphore(%arg16 : memref<!tpu.dma_semaphore, #tpu.memory_space<semaphore_mem>>) src(%dma_wait3A_109 : memref<128x128xf32, #tpu.memory_space<vmem>>) dst(%dma_wait3A_115 : memref<10000x128xf32, #tpu.memory_space<vmem_shared>>)
    %lt3A = arith.constant 4 : i32
    %lt3A_116 = arith.cmpi slt, %add3A, %lt3A : i32
    %convert_element_type3A_117 = arith.extui %lt3A_116 : i1 to i32
    %cond3A_118 = arith.constant 0 : i32
    %cond3A_119 = arith.cmpi ne, %convert_element_type3A_117, %cond3A_118 : i32
    scf.if %cond3A_119 {
      %mul3A_163 = arith.constant 128 : i32
      %mul3A_164 = arith.muli %add3A, %mul3A_163 : i32
      %add3A_165 = arith.constant 319488 : i32
      %add3A_166 = arith.addi %add3A_165, %mul3A_164 : i32
      %dma_start3A_167 = arith.constant 0 : i32
      %dma_start3A_168 = arith.constant 0 : i32
      %dma_start3A_169 = arith.constant 0 : i32
      %dma_start3A_170 = tpu.memref_slice %arg8[%dma_start3A_168, %dma_start3A_169] : memref<3x128xi32, #tpu.memory_space<vmem>> -> memref<1x128xi32, #tpu.memory_space<vmem>>
      %dma_start3A_171 = tpu.memref_squeeze %dma_start3A_170 : memref<1x128xi32, #tpu.memory_space<vmem>> -> memref<128xi32, #tpu.memory_space<vmem>>
      %dma_start3A_172 = tpu.memref_slice %arg2[%dma_start3A_167, %add3A_166] : memref<2x320000xi32, #tpu.memory_space<hbm>> -> memref<1x128xi32, #tpu.memory_space<hbm>>
      %dma_start3A_173 = tpu.memref_squeeze %dma_start3A_172 : memref<1x128xi32, #tpu.memory_space<hbm>> -> memref<128xi32, #tpu.memory_space<hbm>>
      %dma_start3A_174 = arith.constant 0 : i32
      %dma_start3A_175 = tpu.memref_slice %arg8[%dma_start3A_168, %dma_start3A_174] : memref<3x128xi32, #tpu.memory_space<vmem>> -> memref<1x128xi32, #tpu.memory_space<vmem>>
      %dma_start3A_176 = tpu.memref_squeeze %dma_start3A_175 : memref<1x128xi32, #tpu.memory_space<vmem>> -> memref<128xi32, #tpu.memory_space<vmem>>
      %dma_start3A_177 = tpu.memref_slice %arg2[%dma_start3A_167, %add3A_166] : memref<2x320000xi32, #tpu.memory_space<hbm>> -> memref<1x128xi32, #tpu.memory_space<hbm>>
      %dma_start3A_178 = tpu.memref_squeeze %dma_start3A_177 : memref<1x128xi32, #tpu.memory_space<hbm>> -> memref<128xi32, #tpu.memory_space<hbm>>
      tpu.enqueue_dma source(%dma_start3A_178 : memref<128xi32, #tpu.memory_space<hbm>>) target(%dma_start3A_176 : memref<128xi32, #tpu.memory_space<vmem>>) target_semaphore(%arg14 : memref<!tpu.dma_semaphore, #tpu.memory_space<semaphore_mem>>)
      %dma_start3A_179 = arith.constant 1 : i32
      %dma_start3A_180 = arith.constant 0 : i32
      %dma_start3A_181 = arith.constant 0 : i32
      %dma_start3A_182 = tpu.memref_slice %arg9[%dma_start3A_180, %dma_start3A_181] : memref<3x128xi32, #tpu.memory_space<vmem>> -> memref<1x128xi32, #tpu.memory_space<vmem>>
      %dma_start3A_183 = tpu.memref_squeeze %dma_start3A_182 : memref<1x128xi32, #tpu.memory_space<vmem>> -> memref<128xi32, #tpu.memory_space<vmem>>
      %dma_start3A_184 = tpu.memref_slice %arg2[%dma_start3A_179, %add3A_166] : memref<2x320000xi32, #tpu.memory_space<hbm>> -> memref<1x128xi32, #tpu.memory_space<hbm>>
      %dma_start3A_185 = tpu.memref_squeeze %dma_start3A_184 : memref<1x128xi32, #tpu.memory_space<hbm>> -> memref<128xi32, #tpu.memory_space<hbm>>
      %dma_start3A_186 = arith.constant 0 : i32
      %dma_start3A_187 = tpu.memref_slice %arg9[%dma_start3A_180, %dma_start3A_186] : memref<3x128xi32, #tpu.memory_space<vmem>> -> memref<1x128xi32, #tpu.memory_space<vmem>>
      %dma_start3A_188 = tpu.memref_squeeze %dma_start3A_187 : memref<1x128xi32, #tpu.memory_space<vmem>> -> memref<128xi32, #tpu.memory_space<vmem>>
      %dma_start3A_189 = tpu.memref_slice %arg2[%dma_start3A_179, %add3A_166] : memref<2x320000xi32, #tpu.memory_space<hbm>> -> memref<1x128xi32, #tpu.memory_space<hbm>>
      %dma_start3A_190 = tpu.memref_squeeze %dma_start3A_189 : memref<1x128xi32, #tpu.memory_space<hbm>> -> memref<128xi32, #tpu.memory_space<hbm>>
      tpu.enqueue_dma source(%dma_start3A_190 : memref<128xi32, #tpu.memory_space<hbm>>) target(%dma_start3A_188 : memref<128xi32, #tpu.memory_space<vmem>>) target_semaphore(%arg14 : memref<!tpu.dma_semaphore, #tpu.memory_space<semaphore_mem>>)
      %dma_wait3A_191 = arith.constant 0 : i32
      %dma_wait3A_192 = arith.constant 0 : i32
      %dma_wait3A_193 = arith.constant 0 : i32
      %dma_wait3A_194 = tpu.memref_slice %arg8[%dma_wait3A_192, %dma_wait3A_193] : memref<3x128xi32, #tpu.memory_space<vmem>> -> memref<1x128xi32, #tpu.memory_space<vmem>>
      %dma_wait3A_195 = tpu.memref_squeeze %dma_wait3A_194 : memref<1x128xi32, #tpu.memory_space<vmem>> -> memref<128xi32, #tpu.memory_space<vmem>>
      %dma_wait3A_196 = arith.constant 0 : i32
      %dma_wait3A_197 = tpu.memref_slice %arg2[%dma_wait3A_191, %dma_wait3A_196] : memref<2x320000xi32, #tpu.memory_space<hbm>> -> memref<1x128xi32, #tpu.memory_space<hbm>>
      %dma_wait3A_198 = tpu.memref_squeeze %dma_wait3A_197 : memref<1x128xi32, #tpu.memory_space<hbm>> -> memref<128xi32, #tpu.memory_space<hbm>>
      %dma_wait3A_199 = arith.constant 0 : i32
      %dma_wait3A_200 = tpu.memref_slice %arg8[%dma_wait3A_192, %dma_wait3A_199] : memref<3x128xi32, #tpu.memory_space<vmem>> -> memref<1x128xi32, #tpu.memory_space<vmem>>
      %dma_wait3A_201 = tpu.memref_squeeze %dma_wait3A_200 : memref<1x128xi32, #tpu.memory_space<vmem>> -> memref<128xi32, #tpu.memory_space<vmem>>
      %dma_wait3A_202 = arith.constant 0 : i32
      %dma_wait3A_203 = tpu.memref_slice %arg2[%dma_wait3A_191, %dma_wait3A_202] : memref<2x320000xi32, #tpu.memory_space<hbm>> -> memref<1x128xi32, #tpu.memory_space<hbm>>
      %dma_wait3A_204 = tpu.memref_squeeze %dma_wait3A_203 : memref<1x128xi32, #tpu.memory_space<hbm>> -> memref<128xi32, #tpu.memory_space<hbm>>
      tpu.wait_dma2 semaphore(%arg14 : memref<!tpu.dma_semaphore, #tpu.memory_space<semaphore_mem>>) src(%dma_wait3A_204 : memref<128xi32, #tpu.memory_space<hbm>>) dst(%dma_wait3A_201 : memref<128xi32, #tpu.memory_space<vmem>>)
      %dma_wait3A_205 = arith.constant 1 : i32
      %dma_wait3A_206 = arith.constant 0 : i32
      %dma_wait3A_207 = arith.constant 0 : i32
      %dma_wait3A_208 = tpu.memref_slice %arg9[%dma_wait3A_206, %dma_wait3A_207] : memref<3x128xi32, #tpu.memory_space<vmem>> -> memref<1x128xi32, #tpu.memory_space<vmem>>
      %dma_wait3A_209 = tpu.memref_squeeze %dma_wait3A_208 : memref<1x128xi32, #tpu.memory_space<vmem>> -> memref<128xi32, #tpu.memory_space<vmem>>
      %dma_wait3A_210 = arith.constant 0 : i32
      %dma_wait3A_211 = tpu.memref_slice %arg2[%dma_wait3A_205, %dma_wait3A_210] : memref<2x320000xi32, #tpu.memory_space<hbm>> -> memref<1x128xi32, #tpu.memory_space<hbm>>
      %dma_wait3A_212 = tpu.memref_squeeze %dma_wait3A_211 : memref<1x128xi32, #tpu.memory_space<hbm>> -> memref<128xi32, #tpu.memory_space<hbm>>
      %dma_wait3A_213 = arith.constant 0 : i32
      %dma_wait3A_214 = tpu.memref_slice %arg9[%dma_wait3A_206, %dma_wait3A_213] : memref<3x128xi32, #tpu.memory_space<vmem>> -> memref<1x128xi32, #tpu.memory_space<vmem>>
      %dma_wait3A_215 = tpu.memref_squeeze %dma_wait3A_214 : memref<1x128xi32, #tpu.memory_space<vmem>> -> memref<128xi32, #tpu.memory_space<vmem>>
      %dma_wait3A_216 = arith.constant 0 : i32
      %dma_wait3A_217 = tpu.memref_slice %arg2[%dma_wait3A_205, %dma_wait3A_216] : memref<2x320000xi32, #tpu.memory_space<hbm>> -> memref<1x128xi32, #tpu.memory_space<hbm>>
      %dma_wait3A_218 = tpu.memref_squeeze %dma_wait3A_217 : memref<1x128xi32, #tpu.memory_space<hbm>> -> memref<128xi32, #tpu.memory_space<hbm>>
      tpu.wait_dma2 semaphore(%arg14 : memref<!tpu.dma_semaphore, #tpu.memory_space<semaphore_mem>>) src(%dma_wait3A_218 : memref<128xi32, #tpu.memory_space<hbm>>) dst(%dma_wait3A_215 : memref<128xi32, #tpu.memory_space<vmem>>)
      %dma_start3A_219 = arith.constant 0 : i32
      %dma_start3A_220 = arith.constant 0 : i32
      %dma_start3A_221 = arith.constant 0 : i32
      %dma_start3A_222 = arith.constant 0 : i32
      %dma_start3A_223 = tpu.memref_slice %arg10[%dma_start3A_220, %dma_start3A_221, %dma_start3A_222] : memref<2x128x128xf32, #tpu.memory_space<vmem>> -> memref<1x128x128xf32, #tpu.memory_space<vmem>>
      %dma_start3A_224 = tpu.memref_squeeze %dma_start3A_223 : memref<1x128x128xf32, #tpu.memory_space<vmem>> -> memref<128x128xf32, #tpu.memory_space<vmem>>
      %dma_start3A_225 = arith.constant 0 : i32
      %dma_start3A_226 = tpu.memref_slice %arg8[%dma_start3A_219, %dma_start3A_225] : memref<3x128xi32, #tpu.memory_space<vmem>> -> memref<1x128xi32, #tpu.memory_space<vmem>>
      %dma_start3A_227 = tpu.memref_squeeze %dma_start3A_226 : memref<1x128xi32, #tpu.memory_space<vmem>> -> memref<128xi32, #tpu.memory_space<vmem>>
      %dma_start3A_228 = arith.constant 0 : i32
      %dma_start3A_229 = arith.constant 0 : i32
      %dma_start3A_230 = tpu.memref_slice %arg3[%dma_start3A_228, %dma_start3A_229] : memref<10000x128xf32, #tpu.memory_space<hbm>> -> memref<10000x128xf32, #tpu.memory_space<hbm>>
      tpu.enqueue_indirect_dma source(%dma_start3A_230 : memref<10000x128xf32, #tpu.memory_space<hbm>>) target(%dma_start3A_224 : memref<128x128xf32, #tpu.memory_space<vmem>>) offsets(%dma_start3A_227 : memref<128xi32, #tpu.memory_space<vmem>>) semaphore(%arg15 : memref<!tpu.dma_semaphore, #tpu.memory_space<semaphore_mem>>)
      %dma_wait3A_231 = arith.constant 0 : i32
      %dma_wait3A_232 = arith.constant 0 : i32
      %dma_wait3A_233 = arith.constant 0 : i32
      %dma_wait3A_234 = arith.constant 0 : i32
      %dma_wait3A_235 = tpu.memref_slice %arg10[%dma_wait3A_232, %dma_wait3A_233, %dma_wait3A_234] : memref<2x128x128xf32, #tpu.memory_space<vmem>> -> memref<1x128x128xf32, #tpu.memory_space<vmem>>
      %dma_wait3A_236 = tpu.memref_squeeze %dma_wait3A_235 : memref<1x128x128xf32, #tpu.memory_space<vmem>> -> memref<128x128xf32, #tpu.memory_space<vmem>>
      %dma_wait3A_237 = arith.constant 0 : i32
      %dma_wait3A_238 = tpu.memref_slice %arg8[%dma_wait3A_231, %dma_wait3A_237] : memref<3x128xi32, #tpu.memory_space<vmem>> -> memref<1x128xi32, #tpu.memory_space<vmem>>
      %dma_wait3A_239 = tpu.memref_squeeze %dma_wait3A_238 : memref<1x128xi32, #tpu.memory_space<vmem>> -> memref<128xi32, #tpu.memory_space<vmem>>
      %dma_wait3A_240 = arith.constant 0 : i32
      %dma_wait3A_241 = arith.constant 0 : i32
      %dma_wait3A_242 = tpu.memref_slice %arg3[%dma_wait3A_240, %dma_wait3A_241] : memref<10000x128xf32, #tpu.memory_space<hbm>> -> memref<10000x128xf32, #tpu.memory_space<hbm>>
      tpu.wait_indirect_dma semaphore(%arg15 : memref<!tpu.dma_semaphore, #tpu.memory_space<semaphore_mem>>) src(%dma_wait3A_242 : memref<10000x128xf32, #tpu.memory_space<hbm>>) dst(%dma_wait3A_236 : memref<128x128xf32, #tpu.memory_space<vmem>>)
      %dma_start3A_243 = arith.constant 0 : i32
      %dma_start3A_244 = arith.constant 0 : i32
      %dma_start3A_245 = arith.constant 0 : i32
      %dma_start3A_246 = arith.constant 0 : i32
      %dma_start3A_247 = tpu.memref_slice %arg10[%dma_start3A_243, %dma_start3A_245, %dma_start3A_246] : memref<2x128x128xf32, #tpu.memory_space<vmem>> -> memref<1x128x128xf32, #tpu.memory_space<vmem>>
      %dma_start3A_248 = tpu.memref_squeeze %dma_start3A_247 : memref<1x128x128xf32, #tpu.memory_space<vmem>> -> memref<128x128xf32, #tpu.memory_space<vmem>>
      %dma_start3A_249 = arith.constant 0 : i32
      %dma_start3A_250 = tpu.memref_slice %arg9[%dma_start3A_244, %dma_start3A_249] : memref<3x128xi32, #tpu.memory_space<vmem>> -> memref<1x128xi32, #tpu.memory_space<vmem>>
      %dma_start3A_251 = tpu.memref_squeeze %dma_start3A_250 : memref<1x128xi32, #tpu.memory_space<vmem>> -> memref<128xi32, #tpu.memory_space<vmem>>
      %dma_start3A_252 = arith.constant 0 : i32
      %dma_start3A_253 = arith.constant 0 : i32
      %dma_start3A_254 = tpu.memref_slice %arg13[%dma_start3A_252, %dma_start3A_253] : memref<10000x128xf32, #tpu.memory_space<vmem_shared>> -> memref<10000x128xf32, #tpu.memory_space<vmem_shared>>
      tpu.enqueue_indirect_dma source(%dma_start3A_248 : memref<128x128xf32, #tpu.memory_space<vmem>>) target(%dma_start3A_254 : memref<10000x128xf32, #tpu.memory_space<vmem_shared>>) offsets(%dma_start3A_251 : memref<128xi32, #tpu.memory_space<vmem>>) semaphore(%arg16 : memref<!tpu.dma_semaphore, #tpu.memory_space<semaphore_mem>>) {add = true}
      %dma_wait3A_255 = arith.constant 0 : i32
      %dma_wait3A_256 = arith.constant 0 : i32
      %dma_wait3A_257 = arith.constant 0 : i32
      %dma_wait3A_258 = arith.constant 0 : i32
      %dma_wait3A_259 = tpu.memref_slice %arg10[%dma_wait3A_255, %dma_wait3A_257, %dma_wait3A_258] : memref<2x128x128xf32, #tpu.memory_space<vmem>> -> memref<1x128x128xf32, #tpu.memory_space<vmem>>
      %dma_wait3A_260 = tpu.memref_squeeze %dma_wait3A_259 : memref<1x128x128xf32, #tpu.memory_space<vmem>> -> memref<128x128xf32, #tpu.memory_space<vmem>>
      %dma_wait3A_261 = arith.constant 0 : i32
      %dma_wait3A_262 = tpu.memref_slice %arg9[%dma_wait3A_256, %dma_wait3A_261] : memref<3x128xi32, #tpu.memory_space<vmem>> -> memref<1x128xi32, #tpu.memory_space<vmem>>
      %dma_wait3A_263 = tpu.memref_squeeze %dma_wait3A_262 : memref<1x128xi32, #tpu.memory_space<vmem>> -> memref<128xi32, #tpu.memory_space<vmem>>
      %dma_wait3A_264 = arith.constant 0 : i32
      %dma_wait3A_265 = arith.constant 0 : i32
      %dma_wait3A_266 = tpu.memref_slice %arg13[%dma_wait3A_264, %dma_wait3A_265] : memref<10000x128xf32, #tpu.memory_space<vmem_shared>> -> memref<10000x128xf32, #tpu.memory_space<vmem_shared>>
      tpu.wait_indirect_dma semaphore(%arg16 : memref<!tpu.dma_semaphore, #tpu.memory_space<semaphore_mem>>) src(%dma_wait3A_260 : memref<128x128xf32, #tpu.memory_space<vmem>>) dst(%dma_wait3A_266 : memref<10000x128xf32, #tpu.memory_space<vmem_shared>>)
    } else {
    }
    %barrier3A_120 = arith.constant 0 : index
    tpu.barrier barrier_id(%barrier3A_120)
    %mul3A_121 = arith.constant 624 : i32
    %mul3A_122 = arith.muli %arg1, %mul3A_121 : i32
    "tpu.region"() ({
      %run_scoped3A = tpu.sem_alloc : memref<!tpu.dma_semaphore, #tpu.memory_space<semaphore_mem>>
      %dma_start3A_163 = arith.constant 0 : i32
      %dma_start3A_164 = tpu.memref_slice %arg6[%arg0, %mul3A_122, %dma_start3A_163] : memref<2x10000x128xf32, #tpu.memory_space<hbm>> -> memref<1x624x128xf32, #tpu.memory_space<hbm>>
      %dma_start3A_165 = tpu.memref_squeeze %dma_start3A_164 : memref<1x624x128xf32, #tpu.memory_space<hbm>> -> memref<624x128xf32, #tpu.memory_space<hbm>>
      %dma_start3A_166 = arith.constant 0 : i32
      %dma_start3A_167 = tpu.memref_slice %arg13[%mul3A_122, %dma_start3A_166] : memref<10000x128xf32, #tpu.memory_space<vmem_shared>> -> memref<624x128xf32, #tpu.memory_space<vmem_shared>>
      tpu.enqueue_dma source(%dma_start3A_167 : memref<624x128xf32, #tpu.memory_space<vmem_shared>>) target(%dma_start3A_165 : memref<624x128xf32, #tpu.memory_space<hbm>>) target_semaphore(%run_scoped3A : memref<!tpu.dma_semaphore, #tpu.memory_space<semaphore_mem>>)
      %dma_wait3A_168 = arith.constant 0 : i32
      %dma_wait3A_169 = tpu.memref_slice %arg6[%arg0, %mul3A_122, %dma_wait3A_168] : memref<2x10000x128xf32, #tpu.memory_space<hbm>> -> memref<1x624x128xf32, #tpu.memory_space<hbm>>
      %dma_wait3A_170 = tpu.memref_squeeze %dma_wait3A_169 : memref<1x624x128xf32, #tpu.memory_space<hbm>> -> memref<624x128xf32, #tpu.memory_space<hbm>>
      %dma_wait3A_171 = arith.constant 0 : i32
      %dma_wait3A_172 = tpu.memref_slice %arg13[%mul3A_122, %dma_wait3A_171] : memref<10000x128xf32, #tpu.memory_space<vmem_shared>> -> memref<624x128xf32, #tpu.memory_space<vmem_shared>>
      tpu.wait_dma2 semaphore(%run_scoped3A : memref<!tpu.dma_semaphore, #tpu.memory_space<semaphore_mem>>) src(%dma_wait3A_172 : memref<624x128xf32, #tpu.memory_space<vmem_shared>>) dst(%dma_wait3A_170 : memref<624x128xf32, #tpu.memory_space<hbm>>)
      tpu.yield
    }) : () -> ()
    "tpu.region"() ({
      %run_scoped3A = tpu.sem_alloc : memref<!tpu.dma_semaphore, #tpu.memory_space<semaphore_mem>>
      %dma_start3A_163 = arith.constant 0 : i32
      %dma_start3A_164 = tpu.memref_slice %arg13[%mul3A_122, %dma_start3A_163] : memref<10000x128xf32, #tpu.memory_space<vmem_shared>> -> memref<624x128xf32, #tpu.memory_space<vmem_shared>>
      %dma_start3A_165 = arith.constant 0 : i32
      %dma_start3A_166 = tpu.memref_slice %arg5[%mul3A_122, %dma_start3A_165] : memref<10000x128xf32, #tpu.memory_space<hbm>> -> memref<624x128xf32, #tpu.memory_space<hbm>>
      tpu.enqueue_dma source(%dma_start3A_166 : memref<624x128xf32, #tpu.memory_space<hbm>>) target(%dma_start3A_164 : memref<624x128xf32, #tpu.memory_space<vmem_shared>>) target_semaphore(%run_scoped3A : memref<!tpu.dma_semaphore, #tpu.memory_space<semaphore_mem>>)
      %dma_wait3A_167 = arith.constant 0 : i32
      %dma_wait3A_168 = tpu.memref_slice %arg13[%mul3A_122, %dma_wait3A_167] : memref<10000x128xf32, #tpu.memory_space<vmem_shared>> -> memref<624x128xf32, #tpu.memory_space<vmem_shared>>
      %dma_wait3A_169 = arith.constant 0 : i32
      %dma_wait3A_170 = tpu.memref_slice %arg5[%mul3A_122, %dma_wait3A_169] : memref<10000x128xf32, #tpu.memory_space<hbm>> -> memref<624x128xf32, #tpu.memory_space<hbm>>
      tpu.wait_dma2 semaphore(%run_scoped3A : memref<!tpu.dma_semaphore, #tpu.memory_space<semaphore_mem>>) src(%dma_wait3A_170 : memref<624x128xf32, #tpu.memory_space<hbm>>) dst(%dma_wait3A_168 : memref<624x128xf32, #tpu.memory_space<vmem_shared>>)
      tpu.yield
    }) : () -> ()
    %eq3A_123 = arith.constant 15 : i32
    %eq3A_124 = arith.cmpi eq, %arg1, %eq3A_123 : i32
    %convert_element_type3A_125 = arith.extui %eq3A_124 : i1 to i32
    %cond3A_126 = arith.constant 0 : i32
    %cond3A_127 = arith.cmpi ne, %convert_element_type3A_125, %cond3A_126 : i32
    scf.if %cond3A_127 {
      "tpu.region"() ({
        %run_scoped3A = tpu.sem_alloc : memref<!tpu.dma_semaphore, #tpu.memory_space<semaphore_mem>>
        %dma_start3A_163 = arith.constant 9984 : i32
        %dma_start3A_164 = arith.constant 0 : i32
        %dma_start3A_165 = tpu.memref_slice %arg6[%arg0, %dma_start3A_163, %dma_start3A_164] : memref<2x10000x128xf32, #tpu.memory_space<hbm>> -> memref<1x16x128xf32, #tpu.memory_space<hbm>>
        %dma_start3A_166 = tpu.memref_squeeze %dma_start3A_165 : memref<1x16x128xf32, #tpu.memory_space<hbm>> -> memref<16x128xf32, #tpu.memory_space<hbm>>
        %dma_start3A_167 = arith.constant 9984 : i32
        %dma_start3A_168 = arith.constant 0 : i32
        %dma_start3A_169 = tpu.memref_slice %arg13[%dma_start3A_167, %dma_start3A_168] : memref<10000x128xf32, #tpu.memory_space<vmem_shared>> -> memref<16x128xf32, #tpu.memory_space<vmem_shared>>
        tpu.enqueue_dma source(%dma_start3A_169 : memref<16x128xf32, #tpu.memory_space<vmem_shared>>) target(%dma_start3A_166 : memref<16x128xf32, #tpu.memory_space<hbm>>) target_semaphore(%run_scoped3A : memref<!tpu.dma_semaphore, #tpu.memory_space<semaphore_mem>>)
        %dma_wait3A_170 = arith.constant 9984 : i32
        %dma_wait3A_171 = arith.constant 0 : i32
        %dma_wait3A_172 = tpu.memref_slice %arg6[%arg0, %dma_wait3A_170, %dma_wait3A_171] : memref<2x10000x128xf32, #tpu.memory_space<hbm>> -> memref<1x16x128xf32, #tpu.memory_space<hbm>>
        %dma_wait3A_173 = tpu.memref_squeeze %dma_wait3A_172 : memref<1x16x128xf32, #tpu.memory_space<hbm>> -> memref<16x128xf32, #tpu.memory_space<hbm>>
        %dma_wait3A_174 = arith.constant 9984 : i32
        %dma_wait3A_175 = arith.constant 0 : i32
        %dma_wait3A_176 = tpu.memref_slice %arg13[%dma_wait3A_174, %dma_wait3A_175] : memref<10000x128xf32, #tpu.memory_space<vmem_shared>> -> memref<16x128xf32, #tpu.memory_space<vmem_shared>>
        tpu.wait_dma2 semaphore(%run_scoped3A : memref<!tpu.dma_semaphore, #tpu.memory_space<semaphore_mem>>) src(%dma_wait3A_176 : memref<16x128xf32, #tpu.memory_space<vmem_shared>>) dst(%dma_wait3A_173 : memref<16x128xf32, #tpu.memory_space<hbm>>)
        tpu.yield
      }) : () -> ()
      "tpu.region"() ({
        %run_scoped3A = tpu.sem_alloc : memref<!tpu.dma_semaphore, #tpu.memory_space<semaphore_mem>>
        %dma_start3A_163 = arith.constant 9984 : i32
        %dma_start3A_164 = arith.constant 0 : i32
        %dma_start3A_165 = tpu.memref_slice %arg13[%dma_start3A_163, %dma_start3A_164] : memref<10000x128xf32, #tpu.memory_space<vmem_shared>> -> memref<16x128xf32, #tpu.memory_space<vmem_shared>>
        %dma_start3A_166 = arith.constant 9984 : i32
        %dma_start3A_167 = arith.constant 0 : i32
        %dma_start3A_168 = tpu.memref_slice %arg5[%dma_start3A_166, %dma_start3A_167] : memref<10000x128xf32, #tpu.memory_space<hbm>> -> memref<16x128xf32, #tpu.memory_space<hbm>>
        tpu.enqueue_dma source(%dma_start3A_168 : memref<16x128xf32, #tpu.memory_space<hbm>>) target(%dma_start3A_165 : memref<16x128xf32, #tpu.memory_space<vmem_shared>>) target_semaphore(%run_scoped3A : memref<!tpu.dma_semaphore, #tpu.memory_space<semaphore_mem>>)
        %dma_wait3A_169 = arith.constant 9984 : i32
        %dma_wait3A_170 = arith.constant 0 : i32
        %dma_wait3A_171 = tpu.memref_slice %arg13[%dma_wait3A_169, %dma_wait3A_170] : memref<10000x128xf32, #tpu.memory_space<vmem_shared>> -> memref<16x128xf32, #tpu.memory_space<vmem_shared>>
        %dma_wait3A_172 = arith.constant 9984 : i32
        %dma_wait3A_173 = arith.constant 0 : i32
        %dma_wait3A_174 = tpu.memref_slice %arg5[%dma_wait3A_172, %dma_wait3A_173] : memref<10000x128xf32, #tpu.memory_space<hbm>> -> memref<16x128xf32, #tpu.memory_space<hbm>>
        tpu.wait_dma2 semaphore(%run_scoped3A : memref<!tpu.dma_semaphore, #tpu.memory_space<semaphore_mem>>) src(%dma_wait3A_174 : memref<16x128xf32, #tpu.memory_space<hbm>>) dst(%dma_wait3A_171 : memref<16x128xf32, #tpu.memory_space<vmem_shared>>)
        tpu.yield
      }) : () -> ()
    } else {
    }
    %barrier3A_128 = arith.constant 0 : index
    tpu.barrier barrier_id(%barrier3A_128)
    %add3A_129 = arith.constant 0 : i32
    %add3A_130 = arith.addi %add3A, %add3A_129 : i32
    %lt3A_131 = arith.constant 78 : i32
    %lt3A_132 = arith.cmpi slt, %add3A_130, %lt3A_131 : i32
    %convert_element_type3A_133 = arith.extui %lt3A_132 : i1 to i32
    %cond3A_134 = arith.constant 0 : i32
    %cond3A_135 = arith.cmpi ne, %convert_element_type3A_133, %cond3A_134 : i32
    scf.if %cond3A_135 {
      %mul3A_163 = arith.constant 128 : i32
      %mul3A_164 = arith.muli %add3A_130, %mul3A_163 : i32
      %run_scoped3A = arith.constant 1 : i32
      %run_scoped3A_165 = arith.constant 0 : i32
      "tpu.region"() ({
        %run_scoped3A_191 = tpu.sem_alloc : memref<!tpu.dma_semaphore, #tpu.memory_space<semaphore_mem>>
        %dma_start3A_192 = arith.constant 0 : i32
        %dma_start3A_193 = tpu.memref_slice %arg9[%run_scoped3A_165, %dma_start3A_192] : memref<3x128xi32, #tpu.memory_space<vmem>> -> memref<1x128xi32, #tpu.memory_space<vmem>>
        %dma_start3A_194 = tpu.memref_squeeze %dma_start3A_193 : memref<1x128xi32, #tpu.memory_space<vmem>> -> memref<128xi32, #tpu.memory_space<vmem>>
        %dma_start3A_195 = tpu.memref_slice %arg2[%run_scoped3A, %mul3A_164] : memref<2x320000xi32, #tpu.memory_space<hbm>> -> memref<1x128xi32, #tpu.memory_space<hbm>>
        %dma_start3A_196 = tpu.memref_squeeze %dma_start3A_195 : memref<1x128xi32, #tpu.memory_space<hbm>> -> memref<128xi32, #tpu.memory_space<hbm>>
        %dma_start3A_197 = arith.constant 0 : i32
        %dma_start3A_198 = tpu.memref_slice %arg9[%run_scoped3A_165, %dma_start3A_197] : memref<3x128xi32, #tpu.memory_space<vmem>> -> memref<1x128xi32, #tpu.memory_space<vmem>>
        %dma_start3A_199 = tpu.memref_squeeze %dma_start3A_198 : memref<1x128xi32, #tpu.memory_space<vmem>> -> memref<128xi32, #tpu.memory_space<vmem>>
        %dma_start3A_200 = tpu.memref_slice %arg2[%run_scoped3A, %mul3A_164] : memref<2x320000xi32, #tpu.memory_space<hbm>> -> memref<1x128xi32, #tpu.memory_space<hbm>>
        %dma_start3A_201 = tpu.memref_squeeze %dma_start3A_200 : memref<1x128xi32, #tpu.memory_space<hbm>> -> memref<128xi32, #tpu.memory_space<hbm>>
        tpu.enqueue_dma source(%dma_start3A_201 : memref<128xi32, #tpu.memory_space<hbm>>) target(%dma_start3A_199 : memref<128xi32, #tpu.memory_space<vmem>>) target_semaphore(%run_scoped3A_191 : memref<!tpu.dma_semaphore, #tpu.memory_space<semaphore_mem>>)
        %dma_wait3A_202 = arith.constant 0 : i32
        %dma_wait3A_203 = tpu.memref_slice %arg9[%run_scoped3A_165, %dma_wait3A_202] : memref<3x128xi32, #tpu.memory_space<vmem>> -> memref<1x128xi32, #tpu.memory_space<vmem>>
        %dma_wait3A_204 = tpu.memref_squeeze %dma_wait3A_203 : memref<1x128xi32, #tpu.memory_space<vmem>> -> memref<128xi32, #tpu.memory_space<vmem>>
        %dma_wait3A_205 = tpu.memref_slice %arg2[%run_scoped3A, %mul3A_164] : memref<2x320000xi32, #tpu.memory_space<hbm>> -> memref<1x128xi32, #tpu.memory_space<hbm>>
        %dma_wait3A_206 = tpu.memref_squeeze %dma_wait3A_205 : memref<1x128xi32, #tpu.memory_space<hbm>> -> memref<128xi32, #tpu.memory_space<hbm>>
        %dma_wait3A_207 = arith.constant 0 : i32
        %dma_wait3A_208 = tpu.memref_slice %arg9[%run_scoped3A_165, %dma_wait3A_207] : memref<3x128xi32, #tpu.memory_space<vmem>> -> memref<1x128xi32, #tpu.memory_space<vmem>>
        %dma_wait3A_209 = tpu.memref_squeeze %dma_wait3A_208 : memref<1x128xi32, #tpu.memory_space<vmem>> -> memref<128xi32, #tpu.memory_space<vmem>>
        %dma_wait3A_210 = tpu.memref_slice %arg2[%run_scoped3A, %mul3A_164] : memref<2x320000xi32, #tpu.memory_space<hbm>> -> memref<1x128xi32, #tpu.memory_space<hbm>>
        %dma_wait3A_211 = tpu.memref_squeeze %dma_wait3A_210 : memref<1x128xi32, #tpu.memory_space<hbm>> -> memref<128xi32, #tpu.memory_space<hbm>>
        tpu.wait_dma2 semaphore(%run_scoped3A_191 : memref<!tpu.dma_semaphore, #tpu.memory_space<semaphore_mem>>) src(%dma_wait3A_211 : memref<128xi32, #tpu.memory_space<hbm>>) dst(%dma_wait3A_209 : memref<128xi32, #tpu.memory_space<vmem>>)
        tpu.yield
      }) : () -> ()
      %run_scoped3A_166 = arith.constant 0 : i32
      "tpu.region"() ({
        %run_scoped3A_191 = tpu.sem_alloc : memref<!tpu.dma_semaphore, #tpu.memory_space<semaphore_mem>>
        %dma_start3A_192 = arith.constant 0 : i32
        %dma_start3A_193 = arith.constant 0 : i32
        %dma_start3A_194 = tpu.memref_slice %arg10[%run_scoped3A_166, %dma_start3A_192, %dma_start3A_193] : memref<2x128x128xf32, #tpu.memory_space<vmem>> -> memref<1x128x128xf32, #tpu.memory_space<vmem>>
        %dma_start3A_195 = tpu.memref_squeeze %dma_start3A_194 : memref<1x128x128xf32, #tpu.memory_space<vmem>> -> memref<128x128xf32, #tpu.memory_space<vmem>>
        %dma_start3A_196 = arith.constant 0 : i32
        %dma_start3A_197 = tpu.memref_slice %arg4[%mul3A_164, %dma_start3A_196] : memref<10000x128xf32, #tpu.memory_space<hbm>> -> memref<128x128xf32, #tpu.memory_space<hbm>>
        %dma_start3A_198 = arith.constant 0 : i32
        %dma_start3A_199 = arith.constant 0 : i32
        %dma_start3A_200 = tpu.memref_slice %arg10[%run_scoped3A_166, %dma_start3A_198, %dma_start3A_199] : memref<2x128x128xf32, #tpu.memory_space<vmem>> -> memref<1x128x128xf32, #tpu.memory_space<vmem>>
        %dma_start3A_201 = tpu.memref_squeeze %dma_start3A_200 : memref<1x128x128xf32, #tpu.memory_space<vmem>> -> memref<128x128xf32, #tpu.memory_space<vmem>>
        %dma_start3A_202 = arith.constant 0 : i32
        %dma_start3A_203 = tpu.memref_slice %arg4[%mul3A_164, %dma_start3A_202] : memref<10000x128xf32, #tpu.memory_space<hbm>> -> memref<128x128xf32, #tpu.memory_space<hbm>>
        tpu.enqueue_dma source(%dma_start3A_203 : memref<128x128xf32, #tpu.memory_space<hbm>>) target(%dma_start3A_201 : memref<128x128xf32, #tpu.memory_space<vmem>>) target_semaphore(%run_scoped3A_191 : memref<!tpu.dma_semaphore, #tpu.memory_space<semaphore_mem>>)
        %dma_wait3A_204 = arith.constant 0 : i32
        %dma_wait3A_205 = arith.constant 0 : i32
        %dma_wait3A_206 = tpu.memref_slice %arg10[%run_scoped3A_166, %dma_wait3A_204, %dma_wait3A_205] : memref<2x128x128xf32, #tpu.memory_space<vmem>> -> memref<1x128x128xf32, #tpu.memory_space<vmem>>
        %dma_wait3A_207 = tpu.memref_squeeze %dma_wait3A_206 : memref<1x128x128xf32, #tpu.memory_space<vmem>> -> memref<128x128xf32, #tpu.memory_space<vmem>>
        %dma_wait3A_208 = arith.constant 0 : i32
        %dma_wait3A_209 = tpu.memref_slice %arg4[%mul3A_164, %dma_wait3A_208] : memref<10000x128xf32, #tpu.memory_space<hbm>> -> memref<128x128xf32, #tpu.memory_space<hbm>>
        %dma_wait3A_210 = arith.constant 0 : i32
        %dma_wait3A_211 = arith.constant 0 : i32
        %dma_wait3A_212 = tpu.memref_slice %arg10[%run_scoped3A_166, %dma_wait3A_210, %dma_wait3A_211] : memref<2x128x128xf32, #tpu.memory_space<vmem>> -> memref<1x128x128xf32, #tpu.memory_space<vmem>>
        %dma_wait3A_213 = tpu.memref_squeeze %dma_wait3A_212 : memref<1x128x128xf32, #tpu.memory_space<vmem>> -> memref<128x128xf32, #tpu.memory_space<vmem>>
        %dma_wait3A_214 = arith.constant 0 : i32
        %dma_wait3A_215 = tpu.memref_slice %arg4[%mul3A_164, %dma_wait3A_214] : memref<10000x128xf32, #tpu.memory_space<hbm>> -> memref<128x128xf32, #tpu.memory_space<hbm>>
        tpu.wait_dma2 semaphore(%run_scoped3A_191 : memref<!tpu.dma_semaphore, #tpu.memory_space<semaphore_mem>>) src(%dma_wait3A_215 : memref<128x128xf32, #tpu.memory_space<hbm>>) dst(%dma_wait3A_213 : memref<128x128xf32, #tpu.memory_space<vmem>>)
        tpu.yield
      }) : () -> ()
      %dma_start3A_167 = arith.constant 0 : i32
      %dma_start3A_168 = arith.constant 0 : i32
      %dma_start3A_169 = arith.constant 0 : i32
      %dma_start3A_170 = arith.constant 0 : i32
      %dma_start3A_171 = tpu.memref_slice %arg10[%dma_start3A_167, %dma_start3A_169, %dma_start3A_170] : memref<2x128x128xf32, #tpu.memory_space<vmem>> -> memref<1x128x128xf32, #tpu.memory_space<vmem>>
      %dma_start3A_172 = tpu.memref_squeeze %dma_start3A_171 : memref<1x128x128xf32, #tpu.memory_space<vmem>> -> memref<128x128xf32, #tpu.memory_space<vmem>>
      %dma_start3A_173 = arith.constant 0 : i32
      %dma_start3A_174 = tpu.memref_slice %arg9[%dma_start3A_168, %dma_start3A_173] : memref<3x128xi32, #tpu.memory_space<vmem>> -> memref<1x128xi32, #tpu.memory_space<vmem>>
      %dma_start3A_175 = tpu.memref_squeeze %dma_start3A_174 : memref<1x128xi32, #tpu.memory_space<vmem>> -> memref<128xi32, #tpu.memory_space<vmem>>
      %dma_start3A_176 = arith.constant 0 : i32
      %dma_start3A_177 = arith.constant 0 : i32
      %dma_start3A_178 = tpu.memref_slice %arg13[%dma_start3A_176, %dma_start3A_177] : memref<10000x128xf32, #tpu.memory_space<vmem_shared>> -> memref<10000x128xf32, #tpu.memory_space<vmem_shared>>
      tpu.enqueue_indirect_dma source(%dma_start3A_172 : memref<128x128xf32, #tpu.memory_space<vmem>>) target(%dma_start3A_178 : memref<10000x128xf32, #tpu.memory_space<vmem_shared>>) offsets(%dma_start3A_175 : memref<128xi32, #tpu.memory_space<vmem>>) semaphore(%arg16 : memref<!tpu.dma_semaphore, #tpu.memory_space<semaphore_mem>>) {add = true}
      %dma_wait3A_179 = arith.constant 0 : i32
      %dma_wait3A_180 = arith.constant 0 : i32
      %dma_wait3A_181 = arith.constant 0 : i32
      %dma_wait3A_182 = arith.constant 0 : i32
      %dma_wait3A_183 = tpu.memref_slice %arg10[%dma_wait3A_179, %dma_wait3A_181, %dma_wait3A_182] : memref<2x128x128xf32, #tpu.memory_space<vmem>> -> memref<1x128x128xf32, #tpu.memory_space<vmem>>
      %dma_wait3A_184 = tpu.memref_squeeze %dma_wait3A_183 : memref<1x128x128xf32, #tpu.memory_space<vmem>> -> memref<128x128xf32, #tpu.memory_space<vmem>>
      %dma_wait3A_185 = arith.constant 0 : i32
      %dma_wait3A_186 = tpu.memref_slice %arg9[%dma_wait3A_180, %dma_wait3A_185] : memref<3x128xi32, #tpu.memory_space<vmem>> -> memref<1x128xi32, #tpu.memory_space<vmem>>
      %dma_wait3A_187 = tpu.memref_squeeze %dma_wait3A_186 : memref<1x128xi32, #tpu.memory_space<vmem>> -> memref<128xi32, #tpu.memory_space<vmem>>
      %dma_wait3A_188 = arith.constant 0 : i32
      %dma_wait3A_189 = arith.constant 0 : i32
      %dma_wait3A_190 = tpu.memref_slice %arg13[%dma_wait3A_188, %dma_wait3A_189] : memref<10000x128xf32, #tpu.memory_space<vmem_shared>> -> memref<10000x128xf32, #tpu.memory_space<vmem_shared>>
      tpu.wait_indirect_dma semaphore(%arg16 : memref<!tpu.dma_semaphore, #tpu.memory_space<semaphore_mem>>) src(%dma_wait3A_184 : memref<128x128xf32, #tpu.memory_space<vmem>>) dst(%dma_wait3A_190 : memref<10000x128xf32, #tpu.memory_space<vmem_shared>>)
    } else {
    }
    %add3A_136 = arith.constant 32 : i32
    %add3A_137 = arith.addi %add3A, %add3A_136 : i32
    %lt3A_138 = arith.constant 78 : i32
    %lt3A_139 = arith.cmpi slt, %add3A_137, %lt3A_138 : i32
    %convert_element_type3A_140 = arith.extui %lt3A_139 : i1 to i32
    %cond3A_141 = arith.constant 0 : i32
    %cond3A_142 = arith.cmpi ne, %convert_element_type3A_140, %cond3A_141 : i32
    scf.if %cond3A_142 {
      %mul3A_163 = arith.constant 128 : i32
      %mul3A_164 = arith.muli %add3A_137, %mul3A_163 : i32
      %run_scoped3A = arith.constant 1 : i32
      %run_scoped3A_165 = arith.constant 0 : i32
      "tpu.region"() ({
        %run_scoped3A_191 = tpu.sem_alloc : memref<!tpu.dma_semaphore, #tpu.memory_space<semaphore_mem>>
        %dma_start3A_192 = arith.constant 0 : i32
        %dma_start3A_193 = tpu.memref_slice %arg9[%run_scoped3A_165, %dma_start3A_192] : memref<3x128xi32, #tpu.memory_space<vmem>> -> memref<1x128xi32, #tpu.memory_space<vmem>>
        %dma_start3A_194 = tpu.memref_squeeze %dma_start3A_193 : memref<1x128xi32, #tpu.memory_space<vmem>> -> memref<128xi32, #tpu.memory_space<vmem>>
        %dma_start3A_195 = tpu.memref_slice %arg2[%run_scoped3A, %mul3A_164] : memref<2x320000xi32, #tpu.memory_space<hbm>> -> memref<1x128xi32, #tpu.memory_space<hbm>>
        %dma_start3A_196 = tpu.memref_squeeze %dma_start3A_195 : memref<1x128xi32, #tpu.memory_space<hbm>> -> memref<128xi32, #tpu.memory_space<hbm>>
        %dma_start3A_197 = arith.constant 0 : i32
        %dma_start3A_198 = tpu.memref_slice %arg9[%run_scoped3A_165, %dma_start3A_197] : memref<3x128xi32, #tpu.memory_space<vmem>> -> memref<1x128xi32, #tpu.memory_space<vmem>>
        %dma_start3A_199 = tpu.memref_squeeze %dma_start3A_198 : memref<1x128xi32, #tpu.memory_space<vmem>> -> memref<128xi32, #tpu.memory_space<vmem>>
        %dma_start3A_200 = tpu.memref_slice %arg2[%run_scoped3A, %mul3A_164] : memref<2x320000xi32, #tpu.memory_space<hbm>> -> memref<1x128xi32, #tpu.memory_space<hbm>>
        %dma_start3A_201 = tpu.memref_squeeze %dma_start3A_200 : memref<1x128xi32, #tpu.memory_space<hbm>> -> memref<128xi32, #tpu.memory_space<hbm>>
        tpu.enqueue_dma source(%dma_start3A_201 : memref<128xi32, #tpu.memory_space<hbm>>) target(%dma_start3A_199 : memref<128xi32, #tpu.memory_space<vmem>>) target_semaphore(%run_scoped3A_191 : memref<!tpu.dma_semaphore, #tpu.memory_space<semaphore_mem>>)
        %dma_wait3A_202 = arith.constant 0 : i32
        %dma_wait3A_203 = tpu.memref_slice %arg9[%run_scoped3A_165, %dma_wait3A_202] : memref<3x128xi32, #tpu.memory_space<vmem>> -> memref<1x128xi32, #tpu.memory_space<vmem>>
        %dma_wait3A_204 = tpu.memref_squeeze %dma_wait3A_203 : memref<1x128xi32, #tpu.memory_space<vmem>> -> memref<128xi32, #tpu.memory_space<vmem>>
        %dma_wait3A_205 = tpu.memref_slice %arg2[%run_scoped3A, %mul3A_164] : memref<2x320000xi32, #tpu.memory_space<hbm>> -> memref<1x128xi32, #tpu.memory_space<hbm>>
        %dma_wait3A_206 = tpu.memref_squeeze %dma_wait3A_205 : memref<1x128xi32, #tpu.memory_space<hbm>> -> memref<128xi32, #tpu.memory_space<hbm>>
        %dma_wait3A_207 = arith.constant 0 : i32
        %dma_wait3A_208 = tpu.memref_slice %arg9[%run_scoped3A_165, %dma_wait3A_207] : memref<3x128xi32, #tpu.memory_space<vmem>> -> memref<1x128xi32, #tpu.memory_space<vmem>>
        %dma_wait3A_209 = tpu.memref_squeeze %dma_wait3A_208 : memref<1x128xi32, #tpu.memory_space<vmem>> -> memref<128xi32, #tpu.memory_space<vmem>>
        %dma_wait3A_210 = tpu.memref_slice %arg2[%run_scoped3A, %mul3A_164] : memref<2x320000xi32, #tpu.memory_space<hbm>> -> memref<1x128xi32, #tpu.memory_space<hbm>>
        %dma_wait3A_211 = tpu.memref_squeeze %dma_wait3A_210 : memref<1x128xi32, #tpu.memory_space<hbm>> -> memref<128xi32, #tpu.memory_space<hbm>>
        tpu.wait_dma2 semaphore(%run_scoped3A_191 : memref<!tpu.dma_semaphore, #tpu.memory_space<semaphore_mem>>) src(%dma_wait3A_211 : memref<128xi32, #tpu.memory_space<hbm>>) dst(%dma_wait3A_209 : memref<128xi32, #tpu.memory_space<vmem>>)
        tpu.yield
      }) : () -> ()
      %run_scoped3A_166 = arith.constant 0 : i32
      "tpu.region"() ({
        %run_scoped3A_191 = tpu.sem_alloc : memref<!tpu.dma_semaphore, #tpu.memory_space<semaphore_mem>>
        %dma_start3A_192 = arith.constant 0 : i32
        %dma_start3A_193 = arith.constant 0 : i32
        %dma_start3A_194 = tpu.memref_slice %arg10[%run_scoped3A_166, %dma_start3A_192, %dma_start3A_193] : memref<2x128x128xf32, #tpu.memory_space<vmem>> -> memref<1x128x128xf32, #tpu.memory_space<vmem>>
        %dma_start3A_195 = tpu.memref_squeeze %dma_start3A_194 : memref<1x128x128xf32, #tpu.memory_space<vmem>> -> memref<128x128xf32, #tpu.memory_space<vmem>>
        %dma_start3A_196 = arith.constant 0 : i32
        %dma_start3A_197 = tpu.memref_slice %arg4[%mul3A_164, %dma_start3A_196] : memref<10000x128xf32, #tpu.memory_space<hbm>> -> memref<128x128xf32, #tpu.memory_space<hbm>>
        %dma_start3A_198 = arith.constant 0 : i32
        %dma_start3A_199 = arith.constant 0 : i32
        %dma_start3A_200 = tpu.memref_slice %arg10[%run_scoped3A_166, %dma_start3A_198, %dma_start3A_199] : memref<2x128x128xf32, #tpu.memory_space<vmem>> -> memref<1x128x128xf32, #tpu.memory_space<vmem>>
        %dma_start3A_201 = tpu.memref_squeeze %dma_start3A_200 : memref<1x128x128xf32, #tpu.memory_space<vmem>> -> memref<128x128xf32, #tpu.memory_space<vmem>>
        %dma_start3A_202 = arith.constant 0 : i32
        %dma_start3A_203 = tpu.memref_slice %arg4[%mul3A_164, %dma_start3A_202] : memref<10000x128xf32, #tpu.memory_space<hbm>> -> memref<128x128xf32, #tpu.memory_space<hbm>>
        tpu.enqueue_dma source(%dma_start3A_203 : memref<128x128xf32, #tpu.memory_space<hbm>>) target(%dma_start3A_201 : memref<128x128xf32, #tpu.memory_space<vmem>>) target_semaphore(%run_scoped3A_191 : memref<!tpu.dma_semaphore, #tpu.memory_space<semaphore_mem>>)
        %dma_wait3A_204 = arith.constant 0 : i32
        %dma_wait3A_205 = arith.constant 0 : i32
        %dma_wait3A_206 = tpu.memref_slice %arg10[%run_scoped3A_166, %dma_wait3A_204, %dma_wait3A_205] : memref<2x128x128xf32, #tpu.memory_space<vmem>> -> memref<1x128x128xf32, #tpu.memory_space<vmem>>
        %dma_wait3A_207 = tpu.memref_squeeze %dma_wait3A_206 : memref<1x128x128xf32, #tpu.memory_space<vmem>> -> memref<128x128xf32, #tpu.memory_space<vmem>>
        %dma_wait3A_208 = arith.constant 0 : i32
        %dma_wait3A_209 = tpu.memref_slice %arg4[%mul3A_164, %dma_wait3A_208] : memref<10000x128xf32, #tpu.memory_space<hbm>> -> memref<128x128xf32, #tpu.memory_space<hbm>>
        %dma_wait3A_210 = arith.constant 0 : i32
        %dma_wait3A_211 = arith.constant 0 : i32
        %dma_wait3A_212 = tpu.memref_slice %arg10[%run_scoped3A_166, %dma_wait3A_210, %dma_wait3A_211] : memref<2x128x128xf32, #tpu.memory_space<vmem>> -> memref<1x128x128xf32, #tpu.memory_space<vmem>>
        %dma_wait3A_213 = tpu.memref_squeeze %dma_wait3A_212 : memref<1x128x128xf32, #tpu.memory_space<vmem>> -> memref<128x128xf32, #tpu.memory_space<vmem>>
        %dma_wait3A_214 = arith.constant 0 : i32
        %dma_wait3A_215 = tpu.memref_slice %arg4[%mul3A_164, %dma_wait3A_214] : memref<10000x128xf32, #tpu.memory_space<hbm>> -> memref<128x128xf32, #tpu.memory_space<hbm>>
        tpu.wait_dma2 semaphore(%run_scoped3A_191 : memref<!tpu.dma_semaphore, #tpu.memory_space<semaphore_mem>>) src(%dma_wait3A_215 : memref<128x128xf32, #tpu.memory_space<hbm>>) dst(%dma_wait3A_213 : memref<128x128xf32, #tpu.memory_space<vmem>>)
        tpu.yield
      }) : () -> ()
      %dma_start3A_167 = arith.constant 0 : i32
      %dma_start3A_168 = arith.constant 0 : i32
      %dma_start3A_169 = arith.constant 0 : i32
      %dma_start3A_170 = arith.constant 0 : i32
      %dma_start3A_171 = tpu.memref_slice %arg10[%dma_start3A_167, %dma_start3A_169, %dma_start3A_170] : memref<2x128x128xf32, #tpu.memory_space<vmem>> -> memref<1x128x128xf32, #tpu.memory_space<vmem>>
      %dma_start3A_172 = tpu.memref_squeeze %dma_start3A_171 : memref<1x128x128xf32, #tpu.memory_space<vmem>> -> memref<128x128xf32, #tpu.memory_space<vmem>>
      %dma_start3A_173 = arith.constant 0 : i32
      %dma_start3A_174 = tpu.memref_slice %arg9[%dma_start3A_168, %dma_start3A_173] : memref<3x128xi32, #tpu.memory_space<vmem>> -> memref<1x128xi32, #tpu.memory_space<vmem>>
      %dma_start3A_175 = tpu.memref_squeeze %dma_start3A_174 : memref<1x128xi32, #tpu.memory_space<vmem>> -> memref<128xi32, #tpu.memory_space<vmem>>
      %dma_start3A_176 = arith.constant 0 : i32
      %dma_start3A_177 = arith.constant 0 : i32
      %dma_start3A_178 = tpu.memref_slice %arg13[%dma_start3A_176, %dma_start3A_177] : memref<10000x128xf32, #tpu.memory_space<vmem_shared>> -> memref<10000x128xf32, #tpu.memory_space<vmem_shared>>
      tpu.enqueue_indirect_dma source(%dma_start3A_172 : memref<128x128xf32, #tpu.memory_space<vmem>>) target(%dma_start3A_178 : memref<10000x128xf32, #tpu.memory_space<vmem_shared>>) offsets(%dma_start3A_175 : memref<128xi32, #tpu.memory_space<vmem>>) semaphore(%arg16 : memref<!tpu.dma_semaphore, #tpu.memory_space<semaphore_mem>>) {add = true}
      %dma_wait3A_179 = arith.constant 0 : i32
      %dma_wait3A_180 = arith.constant 0 : i32
      %dma_wait3A_181 = arith.constant 0 : i32
      %dma_wait3A_182 = arith.constant 0 : i32
      %dma_wait3A_183 = tpu.memref_slice %arg10[%dma_wait3A_179, %dma_wait3A_181, %dma_wait3A_182] : memref<2x128x128xf32, #tpu.memory_space<vmem>> -> memref<1x128x128xf32, #tpu.memory_space<vmem>>
      %dma_wait3A_184 = tpu.memref_squeeze %dma_wait3A_183 : memref<1x128x128xf32, #tpu.memory_space<vmem>> -> memref<128x128xf32, #tpu.memory_space<vmem>>
      %dma_wait3A_185 = arith.constant 0 : i32
      %dma_wait3A_186 = tpu.memref_slice %arg9[%dma_wait3A_180, %dma_wait3A_185] : memref<3x128xi32, #tpu.memory_space<vmem>> -> memref<1x128xi32, #tpu.memory_space<vmem>>
      %dma_wait3A_187 = tpu.memref_squeeze %dma_wait3A_186 : memref<1x128xi32, #tpu.memory_space<vmem>> -> memref<128xi32, #tpu.memory_space<vmem>>
      %dma_wait3A_188 = arith.constant 0 : i32
      %dma_wait3A_189 = arith.constant 0 : i32
      %dma_wait3A_190 = tpu.memref_slice %arg13[%dma_wait3A_188, %dma_wait3A_189] : memref<10000x128xf32, #tpu.memory_space<vmem_shared>> -> memref<10000x128xf32, #tpu.memory_space<vmem_shared>>
      tpu.wait_indirect_dma semaphore(%arg16 : memref<!tpu.dma_semaphore, #tpu.memory_space<semaphore_mem>>) src(%dma_wait3A_184 : memref<128x128xf32, #tpu.memory_space<vmem>>) dst(%dma_wait3A_190 : memref<10000x128xf32, #tpu.memory_space<vmem_shared>>)
    } else {
    }
    %add3A_143 = arith.constant 64 : i32
    %add3A_144 = arith.addi %add3A, %add3A_143 : i32
    %lt3A_145 = arith.constant 78 : i32
    %lt3A_146 = arith.cmpi slt, %add3A_144, %lt3A_145 : i32
    %convert_element_type3A_147 = arith.extui %lt3A_146 : i1 to i32
    %cond3A_148 = arith.constant 0 : i32
    %cond3A_149 = arith.cmpi ne, %convert_element_type3A_147, %cond3A_148 : i32
    scf.if %cond3A_149 {
      %mul3A_163 = arith.constant 128 : i32
      %mul3A_164 = arith.muli %add3A_144, %mul3A_163 : i32
      %run_scoped3A = arith.constant 1 : i32
      %run_scoped3A_165 = arith.constant 0 : i32
      "tpu.region"() ({
        %run_scoped3A_191 = tpu.sem_alloc : memref<!tpu.dma_semaphore, #tpu.memory_space<semaphore_mem>>
        %dma_start3A_192 = arith.constant 0 : i32
        %dma_start3A_193 = tpu.memref_slice %arg9[%run_scoped3A_165, %dma_start3A_192] : memref<3x128xi32, #tpu.memory_space<vmem>> -> memref<1x128xi32, #tpu.memory_space<vmem>>
        %dma_start3A_194 = tpu.memref_squeeze %dma_start3A_193 : memref<1x128xi32, #tpu.memory_space<vmem>> -> memref<128xi32, #tpu.memory_space<vmem>>
        %dma_start3A_195 = tpu.memref_slice %arg2[%run_scoped3A, %mul3A_164] : memref<2x320000xi32, #tpu.memory_space<hbm>> -> memref<1x128xi32, #tpu.memory_space<hbm>>
        %dma_start3A_196 = tpu.memref_squeeze %dma_start3A_195 : memref<1x128xi32, #tpu.memory_space<hbm>> -> memref<128xi32, #tpu.memory_space<hbm>>
        %dma_start3A_197 = arith.constant 0 : i32
        %dma_start3A_198 = tpu.memref_slice %arg9[%run_scoped3A_165, %dma_start3A_197] : memref<3x128xi32, #tpu.memory_space<vmem>> -> memref<1x128xi32, #tpu.memory_space<vmem>>
        %dma_start3A_199 = tpu.memref_squeeze %dma_start3A_198 : memref<1x128xi32, #tpu.memory_space<vmem>> -> memref<128xi32, #tpu.memory_space<vmem>>
        %dma_start3A_200 = tpu.memref_slice %arg2[%run_scoped3A, %mul3A_164] : memref<2x320000xi32, #tpu.memory_space<hbm>> -> memref<1x128xi32, #tpu.memory_space<hbm>>
        %dma_start3A_201 = tpu.memref_squeeze %dma_start3A_200 : memref<1x128xi32, #tpu.memory_space<hbm>> -> memref<128xi32, #tpu.memory_space<hbm>>
        tpu.enqueue_dma source(%dma_start3A_201 : memref<128xi32, #tpu.memory_space<hbm>>) target(%dma_start3A_199 : memref<128xi32, #tpu.memory_space<vmem>>) target_semaphore(%run_scoped3A_191 : memref<!tpu.dma_semaphore, #tpu.memory_space<semaphore_mem>>)
        %dma_wait3A_202 = arith.constant 0 : i32
        %dma_wait3A_203 = tpu.memref_slice %arg9[%run_scoped3A_165, %dma_wait3A_202] : memref<3x128xi32, #tpu.memory_space<vmem>> -> memref<1x128xi32, #tpu.memory_space<vmem>>
        %dma_wait3A_204 = tpu.memref_squeeze %dma_wait3A_203 : memref<1x128xi32, #tpu.memory_space<vmem>> -> memref<128xi32, #tpu.memory_space<vmem>>
        %dma_wait3A_205 = tpu.memref_slice %arg2[%run_scoped3A, %mul3A_164] : memref<2x320000xi32, #tpu.memory_space<hbm>> -> memref<1x128xi32, #tpu.memory_space<hbm>>
        %dma_wait3A_206 = tpu.memref_squeeze %dma_wait3A_205 : memref<1x128xi32, #tpu.memory_space<hbm>> -> memref<128xi32, #tpu.memory_space<hbm>>
        %dma_wait3A_207 = arith.constant 0 : i32
        %dma_wait3A_208 = tpu.memref_slice %arg9[%run_scoped3A_165, %dma_wait3A_207] : memref<3x128xi32, #tpu.memory_space<vmem>> -> memref<1x128xi32, #tpu.memory_space<vmem>>
        %dma_wait3A_209 = tpu.memref_squeeze %dma_wait3A_208 : memref<1x128xi32, #tpu.memory_space<vmem>> -> memref<128xi32, #tpu.memory_space<vmem>>
        %dma_wait3A_210 = tpu.memref_slice %arg2[%run_scoped3A, %mul3A_164] : memref<2x320000xi32, #tpu.memory_space<hbm>> -> memref<1x128xi32, #tpu.memory_space<hbm>>
        %dma_wait3A_211 = tpu.memref_squeeze %dma_wait3A_210 : memref<1x128xi32, #tpu.memory_space<hbm>> -> memref<128xi32, #tpu.memory_space<hbm>>
        tpu.wait_dma2 semaphore(%run_scoped3A_191 : memref<!tpu.dma_semaphore, #tpu.memory_space<semaphore_mem>>) src(%dma_wait3A_211 : memref<128xi32, #tpu.memory_space<hbm>>) dst(%dma_wait3A_209 : memref<128xi32, #tpu.memory_space<vmem>>)
        tpu.yield
      }) : () -> ()
      %run_scoped3A_166 = arith.constant 0 : i32
      "tpu.region"() ({
        %run_scoped3A_191 = tpu.sem_alloc : memref<!tpu.dma_semaphore, #tpu.memory_space<semaphore_mem>>
        %dma_start3A_192 = arith.constant 0 : i32
        %dma_start3A_193 = arith.constant 0 : i32
        %dma_start3A_194 = tpu.memref_slice %arg10[%run_scoped3A_166, %dma_start3A_192, %dma_start3A_193] : memref<2x128x128xf32, #tpu.memory_space<vmem>> -> memref<1x128x128xf32, #tpu.memory_space<vmem>>
        %dma_start3A_195 = tpu.memref_squeeze %dma_start3A_194 : memref<1x128x128xf32, #tpu.memory_space<vmem>> -> memref<128x128xf32, #tpu.memory_space<vmem>>
        %dma_start3A_196 = arith.constant 0 : i32
        %dma_start3A_197 = tpu.memref_slice %arg4[%mul3A_164, %dma_start3A_196] : memref<10000x128xf32, #tpu.memory_space<hbm>> -> memref<128x128xf32, #tpu.memory_space<hbm>>
        %dma_start3A_198 = arith.constant 0 : i32
        %dma_start3A_199 = arith.constant 0 : i32
        %dma_start3A_200 = tpu.memref_slice %arg10[%run_scoped3A_166, %dma_start3A_198, %dma_start3A_199] : memref<2x128x128xf32, #tpu.memory_space<vmem>> -> memref<1x128x128xf32, #tpu.memory_space<vmem>>
        %dma_start3A_201 = tpu.memref_squeeze %dma_start3A_200 : memref<1x128x128xf32, #tpu.memory_space<vmem>> -> memref<128x128xf32, #tpu.memory_space<vmem>>
        %dma_start3A_202 = arith.constant 0 : i32
        %dma_start3A_203 = tpu.memref_slice %arg4[%mul3A_164, %dma_start3A_202] : memref<10000x128xf32, #tpu.memory_space<hbm>> -> memref<128x128xf32, #tpu.memory_space<hbm>>
        tpu.enqueue_dma source(%dma_start3A_203 : memref<128x128xf32, #tpu.memory_space<hbm>>) target(%dma_start3A_201 : memref<128x128xf32, #tpu.memory_space<vmem>>) target_semaphore(%run_scoped3A_191 : memref<!tpu.dma_semaphore, #tpu.memory_space<semaphore_mem>>)
        %dma_wait3A_204 = arith.constant 0 : i32
        %dma_wait3A_205 = arith.constant 0 : i32
        %dma_wait3A_206 = tpu.memref_slice %arg10[%run_scoped3A_166, %dma_wait3A_204, %dma_wait3A_205] : memref<2x128x128xf32, #tpu.memory_space<vmem>> -> memref<1x128x128xf32, #tpu.memory_space<vmem>>
        %dma_wait3A_207 = tpu.memref_squeeze %dma_wait3A_206 : memref<1x128x128xf32, #tpu.memory_space<vmem>> -> memref<128x128xf32, #tpu.memory_space<vmem>>
        %dma_wait3A_208 = arith.constant 0 : i32
        %dma_wait3A_209 = tpu.memref_slice %arg4[%mul3A_164, %dma_wait3A_208] : memref<10000x128xf32, #tpu.memory_space<hbm>> -> memref<128x128xf32, #tpu.memory_space<hbm>>
        %dma_wait3A_210 = arith.constant 0 : i32
        %dma_wait3A_211 = arith.constant 0 : i32
        %dma_wait3A_212 = tpu.memref_slice %arg10[%run_scoped3A_166, %dma_wait3A_210, %dma_wait3A_211] : memref<2x128x128xf32, #tpu.memory_space<vmem>> -> memref<1x128x128xf32, #tpu.memory_space<vmem>>
        %dma_wait3A_213 = tpu.memref_squeeze %dma_wait3A_212 : memref<1x128x128xf32, #tpu.memory_space<vmem>> -> memref<128x128xf32, #tpu.memory_space<vmem>>
        %dma_wait3A_214 = arith.constant 0 : i32
        %dma_wait3A_215 = tpu.memref_slice %arg4[%mul3A_164, %dma_wait3A_214] : memref<10000x128xf32, #tpu.memory_space<hbm>> -> memref<128x128xf32, #tpu.memory_space<hbm>>
        tpu.wait_dma2 semaphore(%run_scoped3A_191 : memref<!tpu.dma_semaphore, #tpu.memory_space<semaphore_mem>>) src(%dma_wait3A_215 : memref<128x128xf32, #tpu.memory_space<hbm>>) dst(%dma_wait3A_213 : memref<128x128xf32, #tpu.memory_space<vmem>>)
        tpu.yield
      }) : () -> ()
      %dma_start3A_167 = arith.constant 0 : i32
      %dma_start3A_168 = arith.constant 0 : i32
      %dma_start3A_169 = arith.constant 0 : i32
      %dma_start3A_170 = arith.constant 0 : i32
      %dma_start3A_171 = tpu.memref_slice %arg10[%dma_start3A_167, %dma_start3A_169, %dma_start3A_170] : memref<2x128x128xf32, #tpu.memory_space<vmem>> -> memref<1x128x128xf32, #tpu.memory_space<vmem>>
      %dma_start3A_172 = tpu.memref_squeeze %dma_start3A_171 : memref<1x128x128xf32, #tpu.memory_space<vmem>> -> memref<128x128xf32, #tpu.memory_space<vmem>>
      %dma_start3A_173 = arith.constant 0 : i32
      %dma_start3A_174 = tpu.memref_slice %arg9[%dma_start3A_168, %dma_start3A_173] : memref<3x128xi32, #tpu.memory_space<vmem>> -> memref<1x128xi32, #tpu.memory_space<vmem>>
      %dma_start3A_175 = tpu.memref_squeeze %dma_start3A_174 : memref<1x128xi32, #tpu.memory_space<vmem>> -> memref<128xi32, #tpu.memory_space<vmem>>
      %dma_start3A_176 = arith.constant 0 : i32
      %dma_start3A_177 = arith.constant 0 : i32
      %dma_start3A_178 = tpu.memref_slice %arg13[%dma_start3A_176, %dma_start3A_177] : memref<10000x128xf32, #tpu.memory_space<vmem_shared>> -> memref<10000x128xf32, #tpu.memory_space<vmem_shared>>
      tpu.enqueue_indirect_dma source(%dma_start3A_172 : memref<128x128xf32, #tpu.memory_space<vmem>>) target(%dma_start3A_178 : memref<10000x128xf32, #tpu.memory_space<vmem_shared>>) offsets(%dma_start3A_175 : memref<128xi32, #tpu.memory_space<vmem>>) semaphore(%arg16 : memref<!tpu.dma_semaphore, #tpu.memory_space<semaphore_mem>>) {add = true}
      %dma_wait3A_179 = arith.constant 0 : i32
      %dma_wait3A_180 = arith.constant 0 : i32
      %dma_wait3A_181 = arith.constant 0 : i32
      %dma_wait3A_182 = arith.constant 0 : i32
      %dma_wait3A_183 = tpu.memref_slice %arg10[%dma_wait3A_179, %dma_wait3A_181, %dma_wait3A_182] : memref<2x128x128xf32, #tpu.memory_space<vmem>> -> memref<1x128x128xf32, #tpu.memory_space<vmem>>
      %dma_wait3A_184 = tpu.memref_squeeze %dma_wait3A_183 : memref<1x128x128xf32, #tpu.memory_space<vmem>> -> memref<128x128xf32, #tpu.memory_space<vmem>>
      %dma_wait3A_185 = arith.constant 0 : i32
      %dma_wait3A_186 = tpu.memref_slice %arg9[%dma_wait3A_180, %dma_wait3A_185] : memref<3x128xi32, #tpu.memory_space<vmem>> -> memref<1x128xi32, #tpu.memory_space<vmem>>
      %dma_wait3A_187 = tpu.memref_squeeze %dma_wait3A_186 : memref<1x128xi32, #tpu.memory_space<vmem>> -> memref<128xi32, #tpu.memory_space<vmem>>
      %dma_wait3A_188 = arith.constant 0 : i32
      %dma_wait3A_189 = arith.constant 0 : i32
      %dma_wait3A_190 = tpu.memref_slice %arg13[%dma_wait3A_188, %dma_wait3A_189] : memref<10000x128xf32, #tpu.memory_space<vmem_shared>> -> memref<10000x128xf32, #tpu.memory_space<vmem_shared>>
      tpu.wait_indirect_dma semaphore(%arg16 : memref<!tpu.dma_semaphore, #tpu.memory_space<semaphore_mem>>) src(%dma_wait3A_184 : memref<128x128xf32, #tpu.memory_space<vmem>>) dst(%dma_wait3A_190 : memref<10000x128xf32, #tpu.memory_space<vmem_shared>>)
    } else {
    }
    %eq3A_150 = arith.constant 31 : i32
    %eq3A_151 = arith.cmpi eq, %add3A, %eq3A_150 : i32
    %convert_element_type3A_152 = arith.extui %eq3A_151 : i1 to i32
    %cond3A_153 = arith.constant 0 : i32
    %cond3A_154 = arith.cmpi ne, %convert_element_type3A_152, %cond3A_153 : i32
    scf.if %cond3A_154 {
      %run_scoped3A = arith.constant 1 : i32
      "tpu.region"() ({
        %run_scoped3A_169 = tpu.sem_alloc : memref<!tpu.dma_semaphore, #tpu.memory_space<semaphore_mem>>
        %dma_start3A_170 = arith.constant 9984 : i32
        %dma_start3A_171 = tpu.memref_slice %arg2[%run_scoped3A, %dma_start3A_170] : memref<2x320000xi32, #tpu.memory_space<hbm>> -> memref<1x16xi32, #tpu.memory_space<hbm>>
        %dma_start3A_172 = tpu.memref_squeeze %dma_start3A_171 : memref<1x16xi32, #tpu.memory_space<hbm>> -> memref<16xi32, #tpu.memory_space<hbm>>
        %dma_start3A_173 = arith.constant 9984 : i32
        %dma_start3A_174 = tpu.memref_slice %arg2[%run_scoped3A, %dma_start3A_173] : memref<2x320000xi32, #tpu.memory_space<hbm>> -> memref<1x16xi32, #tpu.memory_space<hbm>>
        %dma_start3A_175 = tpu.memref_squeeze %dma_start3A_174 : memref<1x16xi32, #tpu.memory_space<hbm>> -> memref<16xi32, #tpu.memory_space<hbm>>
        tpu.enqueue_dma source(%dma_start3A_175 : memref<16xi32, #tpu.memory_space<hbm>>) target(%arg11 : memref<16xi32, #tpu.memory_space<vmem>>) target_semaphore(%run_scoped3A_169 : memref<!tpu.dma_semaphore, #tpu.memory_space<semaphore_mem>>)
        %dma_wait3A_176 = arith.constant 9984 : i32
        %dma_wait3A_177 = tpu.memref_slice %arg2[%run_scoped3A, %dma_wait3A_176] : memref<2x320000xi32, #tpu.memory_space<hbm>> -> memref<1x16xi32, #tpu.memory_space<hbm>>
        %dma_wait3A_178 = tpu.memref_squeeze %dma_wait3A_177 : memref<1x16xi32, #tpu.memory_space<hbm>> -> memref<16xi32, #tpu.memory_space<hbm>>
        %dma_wait3A_179 = arith.constant 9984 : i32
        %dma_wait3A_180 = tpu.memref_slice %arg2[%run_scoped3A, %dma_wait3A_179] : memref<2x320000xi32, #tpu.memory_space<hbm>> -> memref<1x16xi32, #tpu.memory_space<hbm>>
        %dma_wait3A_181 = tpu.memref_squeeze %dma_wait3A_180 : memref<1x16xi32, #tpu.memory_space<hbm>> -> memref<16xi32, #tpu.memory_space<hbm>>
        tpu.wait_dma2 semaphore(%run_scoped3A_169 : memref<!tpu.dma_semaphore, #tpu.memory_space<semaphore_mem>>) src(%dma_wait3A_181 : memref<16xi32, #tpu.memory_space<hbm>>) dst(%arg11 : memref<16xi32, #tpu.memory_space<vmem>>)
        tpu.yield
      }) : () -> ()
      "tpu.region"() ({
        %run_scoped3A_169 = tpu.sem_alloc : memref<!tpu.dma_semaphore, #tpu.memory_space<semaphore_mem>>
        %dma_start3A_170 = arith.constant 9984 : i32
        %dma_start3A_171 = arith.constant 0 : i32
        %dma_start3A_172 = tpu.memref_slice %arg4[%dma_start3A_170, %dma_start3A_171] : memref<10000x128xf32, #tpu.memory_space<hbm>> -> memref<16x128xf32, #tpu.memory_space<hbm>>
        %dma_start3A_173 = arith.constant 9984 : i32
        %dma_start3A_174 = arith.constant 0 : i32
        %dma_start3A_175 = tpu.memref_slice %arg4[%dma_start3A_173, %dma_start3A_174] : memref<10000x128xf32, #tpu.memory_space<hbm>> -> memref<16x128xf32, #tpu.memory_space<hbm>>
        tpu.enqueue_dma source(%dma_start3A_175 : memref<16x128xf32, #tpu.memory_space<hbm>>) target(%arg12 : memref<16x128xf32, #tpu.memory_space<vmem>>) target_semaphore(%run_scoped3A_169 : memref<!tpu.dma_semaphore, #tpu.memory_space<semaphore_mem>>)
        %dma_wait3A_176 = arith.constant 9984 : i32
        %dma_wait3A_177 = arith.constant 0 : i32
        %dma_wait3A_178 = tpu.memref_slice %arg4[%dma_wait3A_176, %dma_wait3A_177] : memref<10000x128xf32, #tpu.memory_space<hbm>> -> memref<16x128xf32, #tpu.memory_space<hbm>>
        %dma_wait3A_179 = arith.constant 9984 : i32
        %dma_wait3A_180 = arith.constant 0 : i32
        %dma_wait3A_181 = tpu.memref_slice %arg4[%dma_wait3A_179, %dma_wait3A_180] : memref<10000x128xf32, #tpu.memory_space<hbm>> -> memref<16x128xf32, #tpu.memory_space<hbm>>
        tpu.wait_dma2 semaphore(%run_scoped3A_169 : memref<!tpu.dma_semaphore, #tpu.memory_space<semaphore_mem>>) src(%dma_wait3A_181 : memref<16x128xf32, #tpu.memory_space<hbm>>) dst(%arg12 : memref<16x128xf32, #tpu.memory_space<vmem>>)
        tpu.yield
      }) : () -> ()
      %dma_start3A_163 = arith.constant 0 : i32
      %dma_start3A_164 = arith.constant 0 : i32
      %dma_start3A_165 = tpu.memref_slice %arg13[%dma_start3A_163, %dma_start3A_164] : memref<10000x128xf32, #tpu.memory_space<vmem_shared>> -> memref<10000x128xf32, #tpu.memory_space<vmem_shared>>
      tpu.enqueue_indirect_dma source(%arg12 : memref<16x128xf32, #tpu.memory_space<vmem>>) target(%dma_start3A_165 : memref<10000x128xf32, #tpu.memory_space<vmem_shared>>) offsets(%arg11 : memref<16xi32, #tpu.memory_space<vmem>>) semaphore(%arg16 : memref<!tpu.dma_semaphore, #tpu.memory_space<semaphore_mem>>) {add = true}
      %dma_wait3A_166 = arith.constant 0 : i32
      %dma_wait3A_167 = arith.constant 0 : i32
      %dma_wait3A_168 = tpu.memref_slice %arg13[%dma_wait3A_166, %dma_wait3A_167] : memref<10000x128xf32, #tpu.memory_space<vmem_shared>> -> memref<10000x128xf32, #tpu.memory_space<vmem_shared>>
      tpu.wait_indirect_dma semaphore(%arg16 : memref<!tpu.dma_semaphore, #tpu.memory_space<semaphore_mem>>) src(%arg12 : memref<16x128xf32, #tpu.memory_space<vmem>>) dst(%dma_wait3A_168 : memref<10000x128xf32, #tpu.memory_space<vmem_shared>>)
    } else {
    }
    %barrier3A_155 = arith.constant 0 : index
    tpu.barrier barrier_id(%barrier3A_155)
    %mul3A_156 = arith.constant 624 : i32
    %mul3A_157 = arith.muli %arg1, %mul3A_156 : i32
    "tpu.region"() ({
      %run_scoped3A = tpu.sem_alloc : memref<!tpu.dma_semaphore, #tpu.memory_space<semaphore_mem>>
      %dma_start3A_163 = arith.constant 0 : i32
      %dma_start3A_164 = tpu.memref_slice %arg7[%arg0, %mul3A_157, %dma_start3A_163] : memref<2x10000x128xf32, #tpu.memory_space<hbm>> -> memref<1x624x128xf32, #tpu.memory_space<hbm>>
      %dma_start3A_165 = tpu.memref_squeeze %dma_start3A_164 : memref<1x624x128xf32, #tpu.memory_space<hbm>> -> memref<624x128xf32, #tpu.memory_space<hbm>>
      %dma_start3A_166 = arith.constant 0 : i32
      %dma_start3A_167 = tpu.memref_slice %arg13[%mul3A_157, %dma_start3A_166] : memref<10000x128xf32, #tpu.memory_space<vmem_shared>> -> memref<624x128xf32, #tpu.memory_space<vmem_shared>>
      tpu.enqueue_dma source(%dma_start3A_167 : memref<624x128xf32, #tpu.memory_space<vmem_shared>>) target(%dma_start3A_165 : memref<624x128xf32, #tpu.memory_space<hbm>>) target_semaphore(%run_scoped3A : memref<!tpu.dma_semaphore, #tpu.memory_space<semaphore_mem>>)
      %dma_wait3A_168 = arith.constant 0 : i32
      %dma_wait3A_169 = tpu.memref_slice %arg7[%arg0, %mul3A_157, %dma_wait3A_168] : memref<2x10000x128xf32, #tpu.memory_space<hbm>> -> memref<1x624x128xf32, #tpu.memory_space<hbm>>
      %dma_wait3A_170 = tpu.memref_squeeze %dma_wait3A_169 : memref<1x624x128xf32, #tpu.memory_space<hbm>> -> memref<624x128xf32, #tpu.memory_space<hbm>>
      %dma_wait3A_171 = arith.constant 0 : i32
      %dma_wait3A_172 = tpu.memref_slice %arg13[%mul3A_157, %dma_wait3A_171] : memref<10000x128xf32, #tpu.memory_space<vmem_shared>> -> memref<624x128xf32, #tpu.memory_space<vmem_shared>>
      tpu.wait_dma2 semaphore(%run_scoped3A : memref<!tpu.dma_semaphore, #tpu.memory_space<semaphore_mem>>) src(%dma_wait3A_172 : memref<624x128xf32, #tpu.memory_space<vmem_shared>>) dst(%dma_wait3A_170 : memref<624x128xf32, #tpu.memory_space<hbm>>)
      tpu.yield
    }) : () -> ()
    %eq3A_158 = arith.constant 15 : i32
    %eq3A_159 = arith.cmpi eq, %arg1, %eq3A_158 : i32
    %convert_element_type3A_160 = arith.extui %eq3A_159 : i1 to i32
    %cond3A_161 = arith.constant 0 : i32
    %cond3A_162 = arith.cmpi ne, %convert_element_type3A_160, %cond3A_161 : i32
    scf.if %cond3A_162 {
      "tpu.region"() ({
        %run_scoped3A = tpu.sem_alloc : memref<!tpu.dma_semaphore, #tpu.memory_space<semaphore_mem>>
        %dma_start3A_163 = arith.constant 9984 : i32
        %dma_start3A_164 = arith.constant 0 : i32
        %dma_start3A_165 = tpu.memref_slice %arg7[%arg0, %dma_start3A_163, %dma_start3A_164] : memref<2x10000x128xf32, #tpu.memory_space<hbm>> -> memref<1x16x128xf32, #tpu.memory_space<hbm>>
        %dma_start3A_166 = tpu.memref_squeeze %dma_start3A_165 : memref<1x16x128xf32, #tpu.memory_space<hbm>> -> memref<16x128xf32, #tpu.memory_space<hbm>>
        %dma_start3A_167 = arith.constant 9984 : i32
        %dma_start3A_168 = arith.constant 0 : i32
        %dma_start3A_169 = tpu.memref_slice %arg13[%dma_start3A_167, %dma_start3A_168] : memref<10000x128xf32, #tpu.memory_space<vmem_shared>> -> memref<16x128xf32, #tpu.memory_space<vmem_shared>>
        tpu.enqueue_dma source(%dma_start3A_169 : memref<16x128xf32, #tpu.memory_space<vmem_shared>>) target(%dma_start3A_166 : memref<16x128xf32, #tpu.memory_space<hbm>>) target_semaphore(%run_scoped3A : memref<!tpu.dma_semaphore, #tpu.memory_space<semaphore_mem>>)
        %dma_wait3A_170 = arith.constant 9984 : i32
        %dma_wait3A_171 = arith.constant 0 : i32
        %dma_wait3A_172 = tpu.memref_slice %arg7[%arg0, %dma_wait3A_170, %dma_wait3A_171] : memref<2x10000x128xf32, #tpu.memory_space<hbm>> -> memref<1x16x128xf32, #tpu.memory_space<hbm>>
        %dma_wait3A_173 = tpu.memref_squeeze %dma_wait3A_172 : memref<1x16x128xf32, #tpu.memory_space<hbm>> -> memref<16x128xf32, #tpu.memory_space<hbm>>
        %dma_wait3A_174 = arith.constant 9984 : i32
        %dma_wait3A_175 = arith.constant 0 : i32
        %dma_wait3A_176 = tpu.memref_slice %arg13[%dma_wait3A_174, %dma_wait3A_175] : memref<10000x128xf32, #tpu.memory_space<vmem_shared>> -> memref<16x128xf32, #tpu.memory_space<vmem_shared>>
        tpu.wait_dma2 semaphore(%run_scoped3A : memref<!tpu.dma_semaphore, #tpu.memory_space<semaphore_mem>>) src(%dma_wait3A_176 : memref<16x128xf32, #tpu.memory_space<vmem_shared>>) dst(%dma_wait3A_173 : memref<16x128xf32, #tpu.memory_space<hbm>>)
        tpu.yield
      }) : () -> ()
    } else {
    }
    return
  }
}

#map = affine_map<(d0, d1) -> (0, 0)>
#map1 = affine_map<(d0, d1) -> (0, 0, 0)>
module attributes {stable_mosaic.version = 14 : i64} {
  func.func @_p1(%arg0: i32, %arg1: i32, %arg2: memref<2x320000xi32, #tpu.memory_space<hbm>>, %arg3: memref<10000x128xf32, #tpu.memory_space<hbm>>, %arg4: memref<320000x16xf32, #tpu.memory_space<hbm>>, %arg5: memref<10000x128xf32, #tpu.memory_space<hbm>>, %arg6: memref<10000x32xf32, #tpu.memory_space<hbm>>, %arg7: memref<2x10000x128xf32, #tpu.memory_space<hbm>>, %arg8: memref<2x10000x32xf32, #tpu.memory_space<hbm>>, %arg9: memref<3x80xi32, #tpu.memory_space<vmem>>, %arg10: memref<3x80xi32, #tpu.memory_space<vmem>>, %arg11: memref<2x80x128xf32, #tpu.memory_space<vmem>>, %arg12: memref<2x80x32xf32, #tpu.memory_space<vmem>>, %arg13: memref<10000x128xf32, #tpu.memory_space<vmem_shared>>, %arg14: memref<10000x32xf32, #tpu.memory_space<vmem_shared>>, %arg15: memref<!tpu.dma_semaphore, #tpu.memory_space<semaphore_mem>>, %arg16: memref<!tpu.dma_semaphore, #tpu.memory_space<semaphore_mem>>, %arg17: memref<!tpu.dma_semaphore, #tpu.memory_space<semaphore_mem>>) attributes {dimension_semantics = [#tpu.dimension_semantics<core_parallel>, #tpu.dimension_semantics<subcore_parallel>], iteration_bounds = array<i64: 2, 16>, scalar_prefetch = 0 : i64, scratch_operands = 9 : i64, tpu.core_type = #tpu.core_type<sc_vector_subcore>, window_params = [{transform_indices = #map}, {transform_indices = #map}, {transform_indices = #map}, {transform_indices = #map}, {transform_indices = #map}, {transform_indices = #map1}, {transform_indices = #map1}]} {
    %mul3A = arith.constant 2 : i32
    %mul3A_0 = arith.muli %arg1, %mul3A : i32
    %add3A = arith.addi %mul3A_0, %arg0 : i32
    %mul3A_1 = arith.constant 125 : i32
    %mul3A_2 = arith.muli %add3A, %mul3A_1 : i32
    %mul3A_3 = arith.constant 80 : i32
    %mul3A_4 = arith.muli %mul3A_2, %mul3A_3 : i32
    %scan3A = arith.constant 0 : i32
    %scan3A_5 = arith.constant 0 : i32
    %scan3A_6 = arith.constant 80 : i32
    %scan3A_7 = arith.addi %scan3A_5, %scan3A_6 : i32
    %scan3A_8 = arith.constant 1 : i32
    %scan3A_9 = scf.for %scan3A_156 = %scan3A_5 to %scan3A_7 step %scan3A_8 iter_args(%scan3A_157 = %scan3A) -> (i32)  : i32 {
      %broadcast_in_dim3A = arith.constant 1.000000e+00 : f32
      %broadcast_in_dim3A_158 = vector.broadcast %broadcast_in_dim3A : f32 to vector<16xf32>
      %swap3A = arith.constant 0 : i32
      %swap3A_159 = arith.index_cast %swap3A : i32 to index
      %swap3A_160 = arith.index_cast %scan3A_156 : i32 to index
      %swap3A_161 = arith.constant 16 : index
      %swap3A_162 = tpu.vector_load %arg12[%swap3A_159, %swap3A_160, %swap3A_161] {strides = array<i32>} : memref<2x80x32xf32, #tpu.memory_space<vmem>>, vector<1x1x16xf32>,
      %swap3A_163 = vector.shape_cast %swap3A_162 : vector<1x1x16xf32> to vector<16xf32>
      %swap3A_164 = vector.shape_cast %broadcast_in_dim3A_158 : vector<16xf32> to vector<1x1x16xf32>
      tpu.vector_store %arg12[%swap3A_159, %swap3A_160, %swap3A_161], %swap3A_164 {strides = array<i32>} : memref<2x80x32xf32, #tpu.memory_space<vmem>>, vector<1x1x16xf32>,
      %broadcast_in_dim3A_165 = arith.constant 1.000000e+00 : f32
      %broadcast_in_dim3A_166 = vector.broadcast %broadcast_in_dim3A_165 : f32 to vector<16xf32>
      %swap3A_167 = arith.constant 1 : i32
      %swap3A_168 = arith.index_cast %swap3A_167 : i32 to index
      %swap3A_169 = arith.index_cast %scan3A_156 : i32 to index
      %swap3A_170 = arith.constant 16 : index
      %swap3A_171 = tpu.vector_load %arg12[%swap3A_168, %swap3A_169, %swap3A_170] {strides = array<i32>} : memref<2x80x32xf32, #tpu.memory_space<vmem>>, vector<1x1x16xf32>,
      %swap3A_172 = vector.shape_cast %swap3A_171 : vector<1x1x16xf32> to vector<16xf32>
      %swap3A_173 = vector.shape_cast %broadcast_in_dim3A_166 : vector<16xf32> to vector<1x1x16xf32>
      tpu.vector_store %arg12[%swap3A_168, %swap3A_169, %swap3A_170], %swap3A_173 {strides = array<i32>} : memref<2x80x32xf32, #tpu.memory_space<vmem>>, vector<1x1x16xf32>,
      %scan3A_174 = arith.constant 0 : i32
      scf.yield %scan3A_174 : i32
    }
    %scan3A_10 = arith.constant 80 : i32
    %mul3A_11 = arith.constant 624 : i32
    %mul3A_12 = arith.muli %arg1, %mul3A_11 : i32
    "tpu.region"() ({
      %run_scoped3A = tpu.sem_alloc : memref<!tpu.dma_semaphore, #tpu.memory_space<semaphore_mem>>
      %dma_start3A_156 = arith.constant 0 : i32
      %dma_start3A_157 = tpu.memref_slice %arg13[%mul3A_12, %dma_start3A_156] : memref<10000x128xf32, #tpu.memory_space<vmem_shared>> -> memref<624x128xf32, #tpu.memory_space<vmem_shared>>
      %dma_start3A_158 = arith.constant 0 : i32
      %dma_start3A_159 = tpu.memref_slice %arg5[%mul3A_12, %dma_start3A_158] : memref<10000x128xf32, #tpu.memory_space<hbm>> -> memref<624x128xf32, #tpu.memory_space<hbm>>
      tpu.enqueue_dma source(%dma_start3A_159 : memref<624x128xf32, #tpu.memory_space<hbm>>) target(%dma_start3A_157 : memref<624x128xf32, #tpu.memory_space<vmem_shared>>) target_semaphore(%run_scoped3A : memref<!tpu.dma_semaphore, #tpu.memory_space<semaphore_mem>>)
      %dma_wait3A_160 = arith.constant 0 : i32
      %dma_wait3A_161 = tpu.memref_slice %arg13[%mul3A_12, %dma_wait3A_160] : memref<10000x128xf32, #tpu.memory_space<vmem_shared>> -> memref<624x128xf32, #tpu.memory_space<vmem_shared>>
      %dma_wait3A_162 = arith.constant 0 : i32
      %dma_wait3A_163 = tpu.memref_slice %arg5[%mul3A_12, %dma_wait3A_162] : memref<10000x128xf32, #tpu.memory_space<hbm>> -> memref<624x128xf32, #tpu.memory_space<hbm>>
      tpu.wait_dma2 semaphore(%run_scoped3A : memref<!tpu.dma_semaphore, #tpu.memory_space<semaphore_mem>>) src(%dma_wait3A_163 : memref<624x128xf32, #tpu.memory_space<hbm>>) dst(%dma_wait3A_161 : memref<624x128xf32, #tpu.memory_space<vmem_shared>>)
      tpu.yield
    }) : () -> ()
    "tpu.region"() ({
      %run_scoped3A = tpu.sem_alloc : memref<!tpu.dma_semaphore, #tpu.memory_space<semaphore_mem>>
      %dma_start3A_156 = arith.constant 0 : i32
      %dma_start3A_157 = tpu.memref_slice %arg14[%mul3A_12, %dma_start3A_156] : memref<10000x32xf32, #tpu.memory_space<vmem_shared>> -> memref<624x32xf32, #tpu.memory_space<vmem_shared>>
      %dma_start3A_158 = arith.constant 0 : i32
      %dma_start3A_159 = tpu.memref_slice %arg6[%mul3A_12, %dma_start3A_158] : memref<10000x32xf32, #tpu.memory_space<hbm>> -> memref<624x32xf32, #tpu.memory_space<hbm>>
      tpu.enqueue_dma source(%dma_start3A_159 : memref<624x32xf32, #tpu.memory_space<hbm>>) target(%dma_start3A_157 : memref<624x32xf32, #tpu.memory_space<vmem_shared>>) target_semaphore(%run_scoped3A : memref<!tpu.dma_semaphore, #tpu.memory_space<semaphore_mem>>)
      %dma_wait3A_160 = arith.constant 0 : i32
      %dma_wait3A_161 = tpu.memref_slice %arg14[%mul3A_12, %dma_wait3A_160] : memref<10000x32xf32, #tpu.memory_space<vmem_shared>> -> memref<624x32xf32, #tpu.memory_space<vmem_shared>>
      %dma_wait3A_162 = arith.constant 0 : i32
      %dma_wait3A_163 = tpu.memref_slice %arg6[%mul3A_12, %dma_wait3A_162] : memref<10000x32xf32, #tpu.memory_space<hbm>> -> memref<624x32xf32, #tpu.memory_space<hbm>>
      tpu.wait_dma2 semaphore(%run_scoped3A : memref<!tpu.dma_semaphore, #tpu.memory_space<semaphore_mem>>) src(%dma_wait3A_163 : memref<624x32xf32, #tpu.memory_space<hbm>>) dst(%dma_wait3A_161 : memref<624x32xf32, #tpu.memory_space<vmem_shared>>)
      tpu.yield
    }) : () -> ()
    %eq3A = arith.constant 15 : i32
    %eq3A_13 = arith.cmpi eq, %arg1, %eq3A : i32
    %convert_element_type3A = arith.extui %eq3A_13 : i1 to i32
    %cond3A = arith.constant 0 : i32
    %cond3A_14 = arith.cmpi ne, %convert_element_type3A, %cond3A : i32
    scf.if %cond3A_14 {
      "tpu.region"() ({
        %run_scoped3A = tpu.sem_alloc : memref<!tpu.dma_semaphore, #tpu.memory_space<semaphore_mem>>
        %dma_start3A_156 = arith.constant 9984 : i32
        %dma_start3A_157 = arith.constant 0 : i32
        %dma_start3A_158 = tpu.memref_slice %arg13[%dma_start3A_156, %dma_start3A_157] : memref<10000x128xf32, #tpu.memory_space<vmem_shared>> -> memref<16x128xf32, #tpu.memory_space<vmem_shared>>
        %dma_start3A_159 = arith.constant 9984 : i32
        %dma_start3A_160 = arith.constant 0 : i32
        %dma_start3A_161 = tpu.memref_slice %arg5[%dma_start3A_159, %dma_start3A_160] : memref<10000x128xf32, #tpu.memory_space<hbm>> -> memref<16x128xf32, #tpu.memory_space<hbm>>
        tpu.enqueue_dma source(%dma_start3A_161 : memref<16x128xf32, #tpu.memory_space<hbm>>) target(%dma_start3A_158 : memref<16x128xf32, #tpu.memory_space<vmem_shared>>) target_semaphore(%run_scoped3A : memref<!tpu.dma_semaphore, #tpu.memory_space<semaphore_mem>>)
        %dma_wait3A_162 = arith.constant 9984 : i32
        %dma_wait3A_163 = arith.constant 0 : i32
        %dma_wait3A_164 = tpu.memref_slice %arg13[%dma_wait3A_162, %dma_wait3A_163] : memref<10000x128xf32, #tpu.memory_space<vmem_shared>> -> memref<16x128xf32, #tpu.memory_space<vmem_shared>>
        %dma_wait3A_165 = arith.constant 9984 : i32
        %dma_wait3A_166 = arith.constant 0 : i32
        %dma_wait3A_167 = tpu.memref_slice %arg5[%dma_wait3A_165, %dma_wait3A_166] : memref<10000x128xf32, #tpu.memory_space<hbm>> -> memref<16x128xf32, #tpu.memory_space<hbm>>
        tpu.wait_dma2 semaphore(%run_scoped3A : memref<!tpu.dma_semaphore, #tpu.memory_space<semaphore_mem>>) src(%dma_wait3A_167 : memref<16x128xf32, #tpu.memory_space<hbm>>) dst(%dma_wait3A_164 : memref<16x128xf32, #tpu.memory_space<vmem_shared>>)
        tpu.yield
      }) : () -> ()
      "tpu.region"() ({
        %run_scoped3A = tpu.sem_alloc : memref<!tpu.dma_semaphore, #tpu.memory_space<semaphore_mem>>
        %dma_start3A_156 = arith.constant 9984 : i32
        %dma_start3A_157 = arith.constant 0 : i32
        %dma_start3A_158 = tpu.memref_slice %arg14[%dma_start3A_156, %dma_start3A_157] : memref<10000x32xf32, #tpu.memory_space<vmem_shared>> -> memref<16x32xf32, #tpu.memory_space<vmem_shared>>
        %dma_start3A_159 = arith.constant 9984 : i32
        %dma_start3A_160 = arith.constant 0 : i32
        %dma_start3A_161 = tpu.memref_slice %arg6[%dma_start3A_159, %dma_start3A_160] : memref<10000x32xf32, #tpu.memory_space<hbm>> -> memref<16x32xf32, #tpu.memory_space<hbm>>
        tpu.enqueue_dma source(%dma_start3A_161 : memref<16x32xf32, #tpu.memory_space<hbm>>) target(%dma_start3A_158 : memref<16x32xf32, #tpu.memory_space<vmem_shared>>) target_semaphore(%run_scoped3A : memref<!tpu.dma_semaphore, #tpu.memory_space<semaphore_mem>>)
        %dma_wait3A_162 = arith.constant 9984 : i32
        %dma_wait3A_163 = arith.constant 0 : i32
        %dma_wait3A_164 = tpu.memref_slice %arg14[%dma_wait3A_162, %dma_wait3A_163] : memref<10000x32xf32, #tpu.memory_space<vmem_shared>> -> memref<16x32xf32, #tpu.memory_space<vmem_shared>>
        %dma_wait3A_165 = arith.constant 9984 : i32
        %dma_wait3A_166 = arith.constant 0 : i32
        %dma_wait3A_167 = tpu.memref_slice %arg6[%dma_wait3A_165, %dma_wait3A_166] : memref<10000x32xf32, #tpu.memory_space<hbm>> -> memref<16x32xf32, #tpu.memory_space<hbm>>
        tpu.wait_dma2 semaphore(%run_scoped3A : memref<!tpu.dma_semaphore, #tpu.memory_space<semaphore_mem>>) src(%dma_wait3A_167 : memref<16x32xf32, #tpu.memory_space<hbm>>) dst(%dma_wait3A_164 : memref<16x32xf32, #tpu.memory_space<vmem_shared>>)
        tpu.yield
      }) : () -> ()
    } else {
    }
    %barrier3A = arith.constant 0 : index
    tpu.barrier barrier_id(%barrier3A)
    %dma_start3A = arith.constant 0 : i32
    %dma_start3A_15 = arith.constant 0 : i32
    %dma_start3A_16 = arith.constant 0 : i32
    %dma_start3A_17 = tpu.memref_slice %arg9[%dma_start3A_15, %dma_start3A_16] : memref<3x80xi32, #tpu.memory_space<vmem>> -> memref<1x80xi32, #tpu.memory_space<vmem>>
    %dma_start3A_18 = tpu.memref_squeeze %dma_start3A_17 : memref<1x80xi32, #tpu.memory_space<vmem>> -> memref<80xi32, #tpu.memory_space<vmem>>
    %dma_start3A_19 = tpu.memref_slice %arg2[%dma_start3A, %mul3A_4] : memref<2x320000xi32, #tpu.memory_space<hbm>> -> memref<1x80xi32, #tpu.memory_space<hbm>>
    %dma_start3A_20 = tpu.memref_squeeze %dma_start3A_19 : memref<1x80xi32, #tpu.memory_space<hbm>> -> memref<80xi32, #tpu.memory_space<hbm>>
    %dma_start3A_21 = arith.constant 0 : i32
    %dma_start3A_22 = tpu.memref_slice %arg9[%dma_start3A_15, %dma_start3A_21] : memref<3x80xi32, #tpu.memory_space<vmem>> -> memref<1x80xi32, #tpu.memory_space<vmem>>
    %dma_start3A_23 = tpu.memref_squeeze %dma_start3A_22 : memref<1x80xi32, #tpu.memory_space<vmem>> -> memref<80xi32, #tpu.memory_space<vmem>>
    %dma_start3A_24 = tpu.memref_slice %arg2[%dma_start3A, %mul3A_4] : memref<2x320000xi32, #tpu.memory_space<hbm>> -> memref<1x80xi32, #tpu.memory_space<hbm>>
    %dma_start3A_25 = tpu.memref_squeeze %dma_start3A_24 : memref<1x80xi32, #tpu.memory_space<hbm>> -> memref<80xi32, #tpu.memory_space<hbm>>
    tpu.enqueue_dma source(%dma_start3A_25 : memref<80xi32, #tpu.memory_space<hbm>>) target(%dma_start3A_23 : memref<80xi32, #tpu.memory_space<vmem>>) target_semaphore(%arg15 : memref<!tpu.dma_semaphore, #tpu.memory_space<semaphore_mem>>)
    %dma_start3A_26 = arith.constant 1 : i32
    %dma_start3A_27 = arith.constant 0 : i32
    %dma_start3A_28 = arith.constant 0 : i32
    %dma_start3A_29 = tpu.memref_slice %arg10[%dma_start3A_27, %dma_start3A_28] : memref<3x80xi32, #tpu.memory_space<vmem>> -> memref<1x80xi32, #tpu.memory_space<vmem>>
    %dma_start3A_30 = tpu.memref_squeeze %dma_start3A_29 : memref<1x80xi32, #tpu.memory_space<vmem>> -> memref<80xi32, #tpu.memory_space<vmem>>
    %dma_start3A_31 = tpu.memref_slice %arg2[%dma_start3A_26, %mul3A_4] : memref<2x320000xi32, #tpu.memory_space<hbm>> -> memref<1x80xi32, #tpu.memory_space<hbm>>
    %dma_start3A_32 = tpu.memref_squeeze %dma_start3A_31 : memref<1x80xi32, #tpu.memory_space<hbm>> -> memref<80xi32, #tpu.memory_space<hbm>>
    %dma_start3A_33 = arith.constant 0 : i32
    %dma_start3A_34 = tpu.memref_slice %arg10[%dma_start3A_27, %dma_start3A_33] : memref<3x80xi32, #tpu.memory_space<vmem>> -> memref<1x80xi32, #tpu.memory_space<vmem>>
    %dma_start3A_35 = tpu.memref_squeeze %dma_start3A_34 : memref<1x80xi32, #tpu.memory_space<vmem>> -> memref<80xi32, #tpu.memory_space<vmem>>
    %dma_start3A_36 = tpu.memref_slice %arg2[%dma_start3A_26, %mul3A_4] : memref<2x320000xi32, #tpu.memory_space<hbm>> -> memref<1x80xi32, #tpu.memory_space<hbm>>
    %dma_start3A_37 = tpu.memref_squeeze %dma_start3A_36 : memref<1x80xi32, #tpu.memory_space<hbm>> -> memref<80xi32, #tpu.memory_space<hbm>>
    tpu.enqueue_dma source(%dma_start3A_37 : memref<80xi32, #tpu.memory_space<hbm>>) target(%dma_start3A_35 : memref<80xi32, #tpu.memory_space<vmem>>) target_semaphore(%arg15 : memref<!tpu.dma_semaphore, #tpu.memory_space<semaphore_mem>>)
    %dma_wait3A = arith.constant 0 : i32
    %dma_wait3A_38 = arith.constant 0 : i32
    %dma_wait3A_39 = arith.constant 0 : i32
    %dma_wait3A_40 = tpu.memref_slice %arg9[%dma_wait3A_38, %dma_wait3A_39] : memref<3x80xi32, #tpu.memory_space<vmem>> -> memref<1x80xi32, #tpu.memory_space<vmem>>
    %dma_wait3A_41 = tpu.memref_squeeze %dma_wait3A_40 : memref<1x80xi32, #tpu.memory_space<vmem>> -> memref<80xi32, #tpu.memory_space<vmem>>
    %dma_wait3A_42 = arith.constant 0 : i32
    %dma_wait3A_43 = tpu.memref_slice %arg2[%dma_wait3A, %dma_wait3A_42] : memref<2x320000xi32, #tpu.memory_space<hbm>> -> memref<1x80xi32, #tpu.memory_space<hbm>>
    %dma_wait3A_44 = tpu.memref_squeeze %dma_wait3A_43 : memref<1x80xi32, #tpu.memory_space<hbm>> -> memref<80xi32, #tpu.memory_space<hbm>>
    %dma_wait3A_45 = arith.constant 0 : i32
    %dma_wait3A_46 = tpu.memref_slice %arg9[%dma_wait3A_38, %dma_wait3A_45] : memref<3x80xi32, #tpu.memory_space<vmem>> -> memref<1x80xi32, #tpu.memory_space<vmem>>
    %dma_wait3A_47 = tpu.memref_squeeze %dma_wait3A_46 : memref<1x80xi32, #tpu.memory_space<vmem>> -> memref<80xi32, #tpu.memory_space<vmem>>
    %dma_wait3A_48 = arith.constant 0 : i32
    %dma_wait3A_49 = tpu.memref_slice %arg2[%dma_wait3A, %dma_wait3A_48] : memref<2x320000xi32, #tpu.memory_space<hbm>> -> memref<1x80xi32, #tpu.memory_space<hbm>>
    %dma_wait3A_50 = tpu.memref_squeeze %dma_wait3A_49 : memref<1x80xi32, #tpu.memory_space<hbm>> -> memref<80xi32, #tpu.memory_space<hbm>>
    tpu.wait_dma2 semaphore(%arg15 : memref<!tpu.dma_semaphore, #tpu.memory_space<semaphore_mem>>) src(%dma_wait3A_50 : memref<80xi32, #tpu.memory_space<hbm>>) dst(%dma_wait3A_47 : memref<80xi32, #tpu.memory_space<vmem>>)
    %dma_wait3A_51 = arith.constant 1 : i32
    %dma_wait3A_52 = arith.constant 0 : i32
    %dma_wait3A_53 = arith.constant 0 : i32
    %dma_wait3A_54 = tpu.memref_slice %arg10[%dma_wait3A_52, %dma_wait3A_53] : memref<3x80xi32, #tpu.memory_space<vmem>> -> memref<1x80xi32, #tpu.memory_space<vmem>>
    %dma_wait3A_55 = tpu.memref_squeeze %dma_wait3A_54 : memref<1x80xi32, #tpu.memory_space<vmem>> -> memref<80xi32, #tpu.memory_space<vmem>>
    %dma_wait3A_56 = arith.constant 0 : i32
    %dma_wait3A_57 = tpu.memref_slice %arg2[%dma_wait3A_51, %dma_wait3A_56] : memref<2x320000xi32, #tpu.memory_space<hbm>> -> memref<1x80xi32, #tpu.memory_space<hbm>>
    %dma_wait3A_58 = tpu.memref_squeeze %dma_wait3A_57 : memref<1x80xi32, #tpu.memory_space<hbm>> -> memref<80xi32, #tpu.memory_space<hbm>>
    %dma_wait3A_59 = arith.constant 0 : i32
    %dma_wait3A_60 = tpu.memref_slice %arg10[%dma_wait3A_52, %dma_wait3A_59] : memref<3x80xi32, #tpu.memory_space<vmem>> -> memref<1x80xi32, #tpu.memory_space<vmem>>
    %dma_wait3A_61 = tpu.memref_squeeze %dma_wait3A_60 : memref<1x80xi32, #tpu.memory_space<vmem>> -> memref<80xi32, #tpu.memory_space<vmem>>
    %dma_wait3A_62 = arith.constant 0 : i32
    %dma_wait3A_63 = tpu.memref_slice %arg2[%dma_wait3A_51, %dma_wait3A_62] : memref<2x320000xi32, #tpu.memory_space<hbm>> -> memref<1x80xi32, #tpu.memory_space<hbm>>
    %dma_wait3A_64 = tpu.memref_squeeze %dma_wait3A_63 : memref<1x80xi32, #tpu.memory_space<hbm>> -> memref<80xi32, #tpu.memory_space<hbm>>
    tpu.wait_dma2 semaphore(%arg15 : memref<!tpu.dma_semaphore, #tpu.memory_space<semaphore_mem>>) src(%dma_wait3A_64 : memref<80xi32, #tpu.memory_space<hbm>>) dst(%dma_wait3A_61 : memref<80xi32, #tpu.memory_space<vmem>>)
    %dma_start3A_65 = arith.constant 0 : i32
    %dma_start3A_66 = arith.constant 0 : i32
    %dma_start3A_67 = arith.constant 0 : i32
    %dma_start3A_68 = arith.constant 0 : i32
    %dma_start3A_69 = tpu.memref_slice %arg11[%dma_start3A_66, %dma_start3A_67, %dma_start3A_68] : memref<2x80x128xf32, #tpu.memory_space<vmem>> -> memref<1x80x128xf32, #tpu.memory_space<vmem>>
    %dma_start3A_70 = tpu.memref_squeeze %dma_start3A_69 : memref<1x80x128xf32, #tpu.memory_space<vmem>> -> memref<80x128xf32, #tpu.memory_space<vmem>>
    %dma_start3A_71 = arith.constant 0 : i32
    %dma_start3A_72 = tpu.memref_slice %arg9[%dma_start3A_65, %dma_start3A_71] : memref<3x80xi32, #tpu.memory_space<vmem>> -> memref<1x80xi32, #tpu.memory_space<vmem>>
    %dma_start3A_73 = tpu.memref_squeeze %dma_start3A_72 : memref<1x80xi32, #tpu.memory_space<vmem>> -> memref<80xi32, #tpu.memory_space<vmem>>
    %dma_start3A_74 = arith.constant 0 : i32
    %dma_start3A_75 = arith.constant 0 : i32
    %dma_start3A_76 = tpu.memref_slice %arg3[%dma_start3A_74, %dma_start3A_75] : memref<10000x128xf32, #tpu.memory_space<hbm>> -> memref<10000x128xf32, #tpu.memory_space<hbm>>
    tpu.enqueue_indirect_dma source(%dma_start3A_76 : memref<10000x128xf32, #tpu.memory_space<hbm>>) target(%dma_start3A_70 : memref<80x128xf32, #tpu.memory_space<vmem>>) offsets(%dma_start3A_73 : memref<80xi32, #tpu.memory_space<vmem>>) semaphore(%arg16 : memref<!tpu.dma_semaphore, #tpu.memory_space<semaphore_mem>>)
    %dma_start3A_77 = arith.constant 0 : i32
    %dma_start3A_78 = arith.constant 0 : i32
    %dma_start3A_79 = arith.constant 0 : i32
    %dma_start3A_80 = tpu.memref_slice %arg12[%dma_start3A_77, %dma_start3A_78, %dma_start3A_79] : memref<2x80x32xf32, #tpu.memory_space<vmem>> -> memref<1x80x16xf32, #tpu.memory_space<vmem>>
    %dma_start3A_81 = tpu.memref_squeeze %dma_start3A_80 : memref<1x80x16xf32, #tpu.memory_space<vmem>> -> memref<80x16xf32, #tpu.memory_space<vmem>>
    %dma_start3A_82 = arith.constant 0 : i32
    %dma_start3A_83 = tpu.memref_slice %arg4[%mul3A_4, %dma_start3A_82] : memref<320000x16xf32, #tpu.memory_space<hbm>> -> memref<80x16xf32, #tpu.memory_space<hbm>>
    %dma_start3A_84 = arith.constant 0 : i32
    %dma_start3A_85 = arith.constant 0 : i32
    %dma_start3A_86 = tpu.memref_slice %arg12[%dma_start3A_77, %dma_start3A_84, %dma_start3A_85] : memref<2x80x32xf32, #tpu.memory_space<vmem>> -> memref<1x80x16xf32, #tpu.memory_space<vmem>>
    %dma_start3A_87 = tpu.memref_squeeze %dma_start3A_86 : memref<1x80x16xf32, #tpu.memory_space<vmem>> -> memref<80x16xf32, #tpu.memory_space<vmem>>
    %dma_start3A_88 = arith.constant 0 : i32
    %dma_start3A_89 = tpu.memref_slice %arg4[%mul3A_4, %dma_start3A_88] : memref<320000x16xf32, #tpu.memory_space<hbm>> -> memref<80x16xf32, #tpu.memory_space<hbm>>
    tpu.enqueue_dma source(%dma_start3A_89 : memref<80x16xf32, #tpu.memory_space<hbm>>) target(%dma_start3A_87 : memref<80x16xf32, #tpu.memory_space<vmem>>) target_semaphore(%arg16 : memref<!tpu.dma_semaphore, #tpu.memory_space<semaphore_mem>>)
    %add3A_90 = arith.constant 80 : i32
    %add3A_91 = arith.addi %mul3A_4, %add3A_90 : i32
    %dma_start3A_92 = arith.constant 0 : i32
    %dma_start3A_93 = arith.constant 1 : i32
    %dma_start3A_94 = arith.constant 0 : i32
    %dma_start3A_95 = tpu.memref_slice %arg9[%dma_start3A_93, %dma_start3A_94] : memref<3x80xi32, #tpu.memory_space<vmem>> -> memref<1x80xi32, #tpu.memory_space<vmem>>
    %dma_start3A_96 = tpu.memref_squeeze %dma_start3A_95 : memref<1x80xi32, #tpu.memory_space<vmem>> -> memref<80xi32, #tpu.memory_space<vmem>>
    %dma_start3A_97 = tpu.memref_slice %arg2[%dma_start3A_92, %add3A_91] : memref<2x320000xi32, #tpu.memory_space<hbm>> -> memref<1x80xi32, #tpu.memory_space<hbm>>
    %dma_start3A_98 = tpu.memref_squeeze %dma_start3A_97 : memref<1x80xi32, #tpu.memory_space<hbm>> -> memref<80xi32, #tpu.memory_space<hbm>>
    %dma_start3A_99 = arith.constant 0 : i32
    %dma_start3A_100 = tpu.memref_slice %arg9[%dma_start3A_93, %dma_start3A_99] : memref<3x80xi32, #tpu.memory_space<vmem>> -> memref<1x80xi32, #tpu.memory_space<vmem>>
    %dma_start3A_101 = tpu.memref_squeeze %dma_start3A_100 : memref<1x80xi32, #tpu.memory_space<vmem>> -> memref<80xi32, #tpu.memory_space<vmem>>
    %dma_start3A_102 = tpu.memref_slice %arg2[%dma_start3A_92, %add3A_91] : memref<2x320000xi32, #tpu.memory_space<hbm>> -> memref<1x80xi32, #tpu.memory_space<hbm>>
    %dma_start3A_103 = tpu.memref_squeeze %dma_start3A_102 : memref<1x80xi32, #tpu.memory_space<hbm>> -> memref<80xi32, #tpu.memory_space<hbm>>
    tpu.enqueue_dma source(%dma_start3A_103 : memref<80xi32, #tpu.memory_space<hbm>>) target(%dma_start3A_101 : memref<80xi32, #tpu.memory_space<vmem>>) target_semaphore(%arg15 : memref<!tpu.dma_semaphore, #tpu.memory_space<semaphore_mem>>)
    %dma_start3A_104 = arith.constant 1 : i32
    %dma_start3A_105 = arith.constant 1 : i32
    %dma_start3A_106 = arith.constant 0 : i32
    %dma_start3A_107 = tpu.memref_slice %arg10[%dma_start3A_105, %dma_start3A_106] : memref<3x80xi32, #tpu.memory_space<vmem>> -> memref<1x80xi32, #tpu.memory_space<vmem>>
    %dma_start3A_108 = tpu.memref_squeeze %dma_start3A_107 : memref<1x80xi32, #tpu.memory_space<vmem>> -> memref<80xi32, #tpu.memory_space<vmem>>
    %dma_start3A_109 = tpu.memref_slice %arg2[%dma_start3A_104, %add3A_91] : memref<2x320000xi32, #tpu.memory_space<hbm>> -> memref<1x80xi32, #tpu.memory_space<hbm>>
    %dma_start3A_110 = tpu.memref_squeeze %dma_start3A_109 : memref<1x80xi32, #tpu.memory_space<hbm>> -> memref<80xi32, #tpu.memory_space<hbm>>
    %dma_start3A_111 = arith.constant 0 : i32
    %dma_start3A_112 = tpu.memref_slice %arg10[%dma_start3A_105, %dma_start3A_111] : memref<3x80xi32, #tpu.memory_space<vmem>> -> memref<1x80xi32, #tpu.memory_space<vmem>>
    %dma_start3A_113 = tpu.memref_squeeze %dma_start3A_112 : memref<1x80xi32, #tpu.memory_space<vmem>> -> memref<80xi32, #tpu.memory_space<vmem>>
    %dma_start3A_114 = tpu.memref_slice %arg2[%dma_start3A_104, %add3A_91] : memref<2x320000xi32, #tpu.memory_space<hbm>> -> memref<1x80xi32, #tpu.memory_space<hbm>>
    %dma_start3A_115 = tpu.memref_squeeze %dma_start3A_114 : memref<1x80xi32, #tpu.memory_space<hbm>> -> memref<80xi32, #tpu.memory_space<hbm>>
    tpu.enqueue_dma source(%dma_start3A_115 : memref<80xi32, #tpu.memory_space<hbm>>) target(%dma_start3A_113 : memref<80xi32, #tpu.memory_space<vmem>>) target_semaphore(%arg15 : memref<!tpu.dma_semaphore, #tpu.memory_space<semaphore_mem>>)
    %scan3A_116 = arith.constant 0 : i32
    %scan3A_117 = arith.constant 0 : i32
    %scan3A_118 = arith.constant 125 : i32
    %scan3A_119 = arith.addi %scan3A_117, %scan3A_118 : i32
    %scan3A_120 = arith.constant 1 : i32
    %scan3A_121 = scf.for %scan3A_156 = %scan3A_117 to %scan3A_119 step %scan3A_120 iter_args(%scan3A_157 = %scan3A_116) -> (i32)  : i32 {
      %rem3A_158 = arith.constant 3 : i32
      %rem3A_159 = arith.remsi %scan3A_156, %rem3A_158 : i32
      %add3A_160 = arith.constant 1 : i32
      %add3A_161 = arith.addi %scan3A_156, %add3A_160 : i32
      %rem3A_162 = arith.constant 3 : i32
      %rem3A_163 = arith.remsi %add3A_161, %rem3A_162 : i32
      %add3A_164 = arith.constant 2 : i32
      %add3A_165 = arith.addi %scan3A_156, %add3A_164 : i32
      %rem3A_166 = arith.constant 3 : i32
      %rem3A_167 = arith.remsi %add3A_165, %rem3A_166 : i32
      %rem3A_168 = arith.constant 2 : i32
      %rem3A_169 = arith.remsi %scan3A_156, %rem3A_168 : i32
      %sub3A = arith.constant 1 : i32
      %sub3A_170 = arith.subi %sub3A, %rem3A_169 : i32
      %gt3A = arith.constant 0 : i32
      %gt3A_171 = arith.cmpi sgt, %scan3A_156, %gt3A : i32
      %convert_element_type3A_172 = arith.extui %gt3A_171 : i1 to i32
      %cond3A_173 = arith.constant 0 : i32
      %cond3A_174 = arith.cmpi ne, %convert_element_type3A_172, %cond3A_173 : i32
      scf.if %cond3A_174 {
        %dma_wait3A_233 = arith.constant 0 : i32
        %dma_wait3A_234 = arith.constant 0 : i32
        %dma_wait3A_235 = tpu.memref_slice %arg11[%sub3A_170, %dma_wait3A_233, %dma_wait3A_234] : memref<2x80x128xf32, #tpu.memory_space<vmem>> -> memref<1x80x128xf32, #tpu.memory_space<vmem>>
        %dma_wait3A_236 = tpu.memref_squeeze %dma_wait3A_235 : memref<1x80x128xf32, #tpu.memory_space<vmem>> -> memref<80x128xf32, #tpu.memory_space<vmem>>
        %dma_wait3A_237 = arith.constant 0 : i32
        %dma_wait3A_238 = tpu.memref_slice %arg10[%rem3A_167, %dma_wait3A_237] : memref<3x80xi32, #tpu.memory_space<vmem>> -> memref<1x80xi32, #tpu.memory_space<vmem>>
        %dma_wait3A_239 = tpu.memref_squeeze %dma_wait3A_238 : memref<1x80xi32, #tpu.memory_space<vmem>> -> memref<80xi32, #tpu.memory_space<vmem>>
        %dma_wait3A_240 = arith.constant 0 : i32
        %dma_wait3A_241 = arith.constant 0 : i32
        %dma_wait3A_242 = tpu.memref_slice %arg13[%dma_wait3A_240, %dma_wait3A_241] : memref<10000x128xf32, #tpu.memory_space<vmem_shared>> -> memref<10000x128xf32, #tpu.memory_space<vmem_shared>>
        tpu.wait_indirect_dma semaphore(%arg17 : memref<!tpu.dma_semaphore, #tpu.memory_space<semaphore_mem>>) src(%dma_wait3A_236 : memref<80x128xf32, #tpu.memory_space<vmem>>) dst(%dma_wait3A_242 : memref<10000x128xf32, #tpu.memory_space<vmem_shared>>)
        %dma_wait3A_243 = arith.constant 0 : i32
        %dma_wait3A_244 = arith.constant 0 : i32
        %dma_wait3A_245 = tpu.memref_slice %arg12[%sub3A_170, %dma_wait3A_243, %dma_wait3A_244] : memref<2x80x32xf32, #tpu.memory_space<vmem>> -> memref<1x80x32xf32, #tpu.memory_space<vmem>>
        %dma_wait3A_246 = tpu.memref_squeeze %dma_wait3A_245 : memref<1x80x32xf32, #tpu.memory_space<vmem>> -> memref<80x32xf32, #tpu.memory_space<vmem>>
        %dma_wait3A_247 = arith.constant 0 : i32
        %dma_wait3A_248 = tpu.memref_slice %arg10[%rem3A_167, %dma_wait3A_247] : memref<3x80xi32, #tpu.memory_space<vmem>> -> memref<1x80xi32, #tpu.memory_space<vmem>>
        %dma_wait3A_249 = tpu.memref_squeeze %dma_wait3A_248 : memref<1x80xi32, #tpu.memory_space<vmem>> -> memref<80xi32, #tpu.memory_space<vmem>>
        %dma_wait3A_250 = arith.constant 0 : i32
        %dma_wait3A_251 = arith.constant 0 : i32
        %dma_wait3A_252 = tpu.memref_slice %arg14[%dma_wait3A_250, %dma_wait3A_251] : memref<10000x32xf32, #tpu.memory_space<vmem_shared>> -> memref<10000x32xf32, #tpu.memory_space<vmem_shared>>
        tpu.wait_indirect_dma semaphore(%arg17 : memref<!tpu.dma_semaphore, #tpu.memory_space<semaphore_mem>>) src(%dma_wait3A_246 : memref<80x32xf32, #tpu.memory_space<vmem>>) dst(%dma_wait3A_252 : memref<10000x32xf32, #tpu.memory_space<vmem_shared>>)
      } else {
      }
      %dma_wait3A_175 = arith.constant 0 : i32
      %dma_wait3A_176 = arith.constant 0 : i32
      %dma_wait3A_177 = tpu.memref_slice %arg11[%rem3A_169, %dma_wait3A_175, %dma_wait3A_176] : memref<2x80x128xf32, #tpu.memory_space<vmem>> -> memref<1x80x128xf32, #tpu.memory_space<vmem>>
      %dma_wait3A_178 = tpu.memref_squeeze %dma_wait3A_177 : memref<1x80x128xf32, #tpu.memory_space<vmem>> -> memref<80x128xf32, #tpu.memory_space<vmem>>
      %dma_wait3A_179 = arith.constant 0 : i32
      %dma_wait3A_180 = tpu.memref_slice %arg9[%rem3A_159, %dma_wait3A_179] : memref<3x80xi32, #tpu.memory_space<vmem>> -> memref<1x80xi32, #tpu.memory_space<vmem>>
      %dma_wait3A_181 = tpu.memref_squeeze %dma_wait3A_180 : memref<1x80xi32, #tpu.memory_space<vmem>> -> memref<80xi32, #tpu.memory_space<vmem>>
      %dma_wait3A_182 = arith.constant 0 : i32
      %dma_wait3A_183 = arith.constant 0 : i32
      %dma_wait3A_184 = tpu.memref_slice %arg3[%dma_wait3A_182, %dma_wait3A_183] : memref<10000x128xf32, #tpu.memory_space<hbm>> -> memref<10000x128xf32, #tpu.memory_space<hbm>>
      tpu.wait_indirect_dma semaphore(%arg16 : memref<!tpu.dma_semaphore, #tpu.memory_space<semaphore_mem>>) src(%dma_wait3A_184 : memref<10000x128xf32, #tpu.memory_space<hbm>>) dst(%dma_wait3A_178 : memref<80x128xf32, #tpu.memory_space<vmem>>)
      %dma_wait3A_185 = arith.constant 0 : i32
      %dma_wait3A_186 = arith.constant 0 : i32
      %dma_wait3A_187 = tpu.memref_slice %arg12[%rem3A_169, %dma_wait3A_185, %dma_wait3A_186] : memref<2x80x32xf32, #tpu.memory_space<vmem>> -> memref<1x80x16xf32, #tpu.memory_space<vmem>>
      %dma_wait3A_188 = tpu.memref_squeeze %dma_wait3A_187 : memref<1x80x16xf32, #tpu.memory_space<vmem>> -> memref<80x16xf32, #tpu.memory_space<vmem>>
      %dma_wait3A_189 = arith.constant 0 : i32
      %dma_wait3A_190 = arith.constant 0 : i32
      %dma_wait3A_191 = tpu.memref_slice %arg4[%dma_wait3A_189, %dma_wait3A_190] : memref<320000x16xf32, #tpu.memory_space<hbm>> -> memref<80x16xf32, #tpu.memory_space<hbm>>
      %dma_wait3A_192 = arith.constant 0 : i32
      %dma_wait3A_193 = arith.constant 0 : i32
      %dma_wait3A_194 = tpu.memref_slice %arg12[%rem3A_169, %dma_wait3A_192, %dma_wait3A_193] : memref<2x80x32xf32, #tpu.memory_space<vmem>> -> memref<1x80x16xf32, #tpu.memory_space<vmem>>
      %dma_wait3A_195 = tpu.memref_squeeze %dma_wait3A_194 : memref<1x80x16xf32, #tpu.memory_space<vmem>> -> memref<80x16xf32, #tpu.memory_space<vmem>>
      %dma_wait3A_196 = arith.constant 0 : i32
      %dma_wait3A_197 = arith.constant 0 : i32
      %dma_wait3A_198 = tpu.memref_slice %arg4[%dma_wait3A_196, %dma_wait3A_197] : memref<320000x16xf32, #tpu.memory_space<hbm>> -> memref<80x16xf32, #tpu.memory_space<hbm>>
      tpu.wait_dma2 semaphore(%arg16 : memref<!tpu.dma_semaphore, #tpu.memory_space<semaphore_mem>>) src(%dma_wait3A_198 : memref<80x16xf32, #tpu.memory_space<hbm>>) dst(%dma_wait3A_195 : memref<80x16xf32, #tpu.memory_space<vmem>>)
      %add3A_199 = arith.constant 1 : i32
      %add3A_200 = arith.addi %scan3A_156, %add3A_199 : i32
      %lt3A = arith.constant 125 : i32
      %lt3A_201 = arith.cmpi slt, %add3A_200, %lt3A : i32
      %convert_element_type3A_202 = arith.extui %lt3A_201 : i1 to i32
      %cond3A_203 = arith.constant 0 : i32
      %cond3A_204 = arith.cmpi ne, %convert_element_type3A_202, %cond3A_203 : i32
      scf.if %cond3A_204 {
        %dma_wait3A_233 = arith.constant 0 : i32
        %dma_wait3A_234 = arith.constant 0 : i32
        %dma_wait3A_235 = tpu.memref_slice %arg9[%rem3A_163, %dma_wait3A_234] : memref<3x80xi32, #tpu.memory_space<vmem>> -> memref<1x80xi32, #tpu.memory_space<vmem>>
        %dma_wait3A_236 = tpu.memref_squeeze %dma_wait3A_235 : memref<1x80xi32, #tpu.memory_space<vmem>> -> memref<80xi32, #tpu.memory_space<vmem>>
        %dma_wait3A_237 = arith.constant 0 : i32
        %dma_wait3A_238 = tpu.memref_slice %arg2[%dma_wait3A_233, %dma_wait3A_237] : memref<2x320000xi32, #tpu.memory_space<hbm>> -> memref<1x80xi32, #tpu.memory_space<hbm>>
        %dma_wait3A_239 = tpu.memref_squeeze %dma_wait3A_238 : memref<1x80xi32, #tpu.memory_space<hbm>> -> memref<80xi32, #tpu.memory_space<hbm>>
        %dma_wait3A_240 = arith.constant 0 : i32
        %dma_wait3A_241 = tpu.memref_slice %arg9[%rem3A_163, %dma_wait3A_240] : memref<3x80xi32, #tpu.memory_space<vmem>> -> memref<1x80xi32, #tpu.memory_space<vmem>>
        %dma_wait3A_242 = tpu.memref_squeeze %dma_wait3A_241 : memref<1x80xi32, #tpu.memory_space<vmem>> -> memref<80xi32, #tpu.memory_space<vmem>>
        %dma_wait3A_243 = arith.constant 0 : i32
        %dma_wait3A_244 = tpu.memref_slice %arg2[%dma_wait3A_233, %dma_wait3A_243] : memref<2x320000xi32, #tpu.memory_space<hbm>> -> memref<1x80xi32, #tpu.memory_space<hbm>>
        %dma_wait3A_245 = tpu.memref_squeeze %dma_wait3A_244 : memref<1x80xi32, #tpu.memory_space<hbm>> -> memref<80xi32, #tpu.memory_space<hbm>>
        tpu.wait_dma2 semaphore(%arg15 : memref<!tpu.dma_semaphore, #tpu.memory_space<semaphore_mem>>) src(%dma_wait3A_245 : memref<80xi32, #tpu.memory_space<hbm>>) dst(%dma_wait3A_242 : memref<80xi32, #tpu.memory_space<vmem>>)
        %dma_wait3A_246 = arith.constant 1 : i32
        %dma_wait3A_247 = arith.constant 0 : i32
        %dma_wait3A_248 = tpu.memref_slice %arg10[%rem3A_163, %dma_wait3A_247] : memref<3x80xi32, #tpu.memory_space<vmem>> -> memref<1x80xi32, #tpu.memory_space<vmem>>
        %dma_wait3A_249 = tpu.memref_squeeze %dma_wait3A_248 : memref<1x80xi32, #tpu.memory_space<vmem>> -> memref<80xi32, #tpu.memory_space<vmem>>
        %dma_wait3A_250 = arith.constant 0 : i32
        %dma_wait3A_251 = tpu.memref_slice %arg2[%dma_wait3A_246, %dma_wait3A_250] : memref<2x320000xi32, #tpu.memory_space<hbm>> -> memref<1x80xi32, #tpu.memory_space<hbm>>
        %dma_wait3A_252 = tpu.memref_squeeze %dma_wait3A_251 : memref<1x80xi32, #tpu.memory_space<hbm>> -> memref<80xi32, #tpu.memory_space<hbm>>
        %dma_wait3A_253 = arith.constant 0 : i32
        %dma_wait3A_254 = tpu.memref_slice %arg10[%rem3A_163, %dma_wait3A_253] : memref<3x80xi32, #tpu.memory_space<vmem>> -> memref<1x80xi32, #tpu.memory_space<vmem>>
        %dma_wait3A_255 = tpu.memref_squeeze %dma_wait3A_254 : memref<1x80xi32, #tpu.memory_space<vmem>> -> memref<80xi32, #tpu.memory_space<vmem>>
        %dma_wait3A_256 = arith.constant 0 : i32
        %dma_wait3A_257 = tpu.memref_slice %arg2[%dma_wait3A_246, %dma_wait3A_256] : memref<2x320000xi32, #tpu.memory_space<hbm>> -> memref<1x80xi32, #tpu.memory_space<hbm>>
        %dma_wait3A_258 = tpu.memref_squeeze %dma_wait3A_257 : memref<1x80xi32, #tpu.memory_space<hbm>> -> memref<80xi32, #tpu.memory_space<hbm>>
        tpu.wait_dma2 semaphore(%arg15 : memref<!tpu.dma_semaphore, #tpu.memory_space<semaphore_mem>>) src(%dma_wait3A_258 : memref<80xi32, #tpu.memory_space<hbm>>) dst(%dma_wait3A_255 : memref<80xi32, #tpu.memory_space<vmem>>)
        %add3A_259 = arith.constant 1 : i32
        %add3A_260 = arith.addi %scan3A_156, %add3A_259 : i32
        %mul3A_261 = arith.constant 80 : i32
        %mul3A_262 = arith.muli %add3A_260, %mul3A_261 : i32
        %add3A_263 = arith.addi %mul3A_4, %mul3A_262 : i32
        %dma_start3A_264 = arith.constant 0 : i32
        %dma_start3A_265 = arith.constant 0 : i32
        %dma_start3A_266 = tpu.memref_slice %arg11[%sub3A_170, %dma_start3A_264, %dma_start3A_265] : memref<2x80x128xf32, #tpu.memory_space<vmem>> -> memref<1x80x128xf32, #tpu.memory_space<vmem>>
        %dma_start3A_267 = tpu.memref_squeeze %dma_start3A_266 : memref<1x80x128xf32, #tpu.memory_space<vmem>> -> memref<80x128xf32, #tpu.memory_space<vmem>>
        %dma_start3A_268 = arith.constant 0 : i32
        %dma_start3A_269 = tpu.memref_slice %arg9[%rem3A_163, %dma_start3A_268] : memref<3x80xi32, #tpu.memory_space<vmem>> -> memref<1x80xi32, #tpu.memory_space<vmem>>
        %dma_start3A_270 = tpu.memref_squeeze %dma_start3A_269 : memref<1x80xi32, #tpu.memory_space<vmem>> -> memref<80xi32, #tpu.memory_space<vmem>>
        %dma_start3A_271 = arith.constant 0 : i32
        %dma_start3A_272 = arith.constant 0 : i32
        %dma_start3A_273 = tpu.memref_slice %arg3[%dma_start3A_271, %dma_start3A_272] : memref<10000x128xf32, #tpu.memory_space<hbm>> -> memref<10000x128xf32, #tpu.memory_space<hbm>>
        tpu.enqueue_indirect_dma source(%dma_start3A_273 : memref<10000x128xf32, #tpu.memory_space<hbm>>) target(%dma_start3A_267 : memref<80x128xf32, #tpu.memory_space<vmem>>) offsets(%dma_start3A_270 : memref<80xi32, #tpu.memory_space<vmem>>) semaphore(%arg16 : memref<!tpu.dma_semaphore, #tpu.memory_space<semaphore_mem>>)
        %dma_start3A_274 = arith.constant 0 : i32
        %dma_start3A_275 = arith.constant 0 : i32
        %dma_start3A_276 = tpu.memref_slice %arg12[%sub3A_170, %dma_start3A_274, %dma_start3A_275] : memref<2x80x32xf32, #tpu.memory_space<vmem>> -> memref<1x80x16xf32, #tpu.memory_space<vmem>>
        %dma_start3A_277 = tpu.memref_squeeze %dma_start3A_276 : memref<1x80x16xf32, #tpu.memory_space<vmem>> -> memref<80x16xf32, #tpu.memory_space<vmem>>
        %dma_start3A_278 = arith.constant 0 : i32
        %dma_start3A_279 = tpu.memref_slice %arg4[%add3A_263, %dma_start3A_278] : memref<320000x16xf32, #tpu.memory_space<hbm>> -> memref<80x16xf32, #tpu.memory_space<hbm>>
        %dma_start3A_280 = arith.constant 0 : i32
        %dma_start3A_281 = arith.constant 0 : i32
        %dma_start3A_282 = tpu.memref_slice %arg12[%sub3A_170, %dma_start3A_280, %dma_start3A_281] : memref<2x80x32xf32, #tpu.memory_space<vmem>> -> memref<1x80x16xf32, #tpu.memory_space<vmem>>
        %dma_start3A_283 = tpu.memref_squeeze %dma_start3A_282 : memref<1x80x16xf32, #tpu.memory_space<vmem>> -> memref<80x16xf32, #tpu.memory_space<vmem>>
        %dma_start3A_284 = arith.constant 0 : i32
        %dma_start3A_285 = tpu.memref_slice %arg4[%add3A_263, %dma_start3A_284] : memref<320000x16xf32, #tpu.memory_space<hbm>> -> memref<80x16xf32, #tpu.memory_space<hbm>>
        tpu.enqueue_dma source(%dma_start3A_285 : memref<80x16xf32, #tpu.memory_space<hbm>>) target(%dma_start3A_283 : memref<80x16xf32, #tpu.memory_space<vmem>>) target_semaphore(%arg16 : memref<!tpu.dma_semaphore, #tpu.memory_space<semaphore_mem>>)
      } else {
      }
      %add3A_205 = arith.constant 2 : i32
      %add3A_206 = arith.addi %scan3A_156, %add3A_205 : i32
      %lt3A_207 = arith.constant 125 : i32
      %lt3A_208 = arith.cmpi slt, %add3A_206, %lt3A_207 : i32
      %convert_element_type3A_209 = arith.extui %lt3A_208 : i1 to i32
      %cond3A_210 = arith.constant 0 : i32
      %cond3A_211 = arith.cmpi ne, %convert_element_type3A_209, %cond3A_210 : i32
      scf.if %cond3A_211 {
        %add3A_233 = arith.constant 2 : i32
        %add3A_234 = arith.addi %scan3A_156, %add3A_233 : i32
        %mul3A_235 = arith.constant 80 : i32
        %mul3A_236 = arith.muli %add3A_234, %mul3A_235 : i32
        %add3A_237 = arith.addi %mul3A_4, %mul3A_236 : i32
        %dma_start3A_238 = arith.constant 0 : i32
        %dma_start3A_239 = arith.constant 0 : i32
        %dma_start3A_240 = tpu.memref_slice %arg9[%rem3A_167, %dma_start3A_239] : memref<3x80xi32, #tpu.memory_space<vmem>> -> memref<1x80xi32, #tpu.memory_space<vmem>>
        %dma_start3A_241 = tpu.memref_squeeze %dma_start3A_240 : memref<1x80xi32, #tpu.memory_space<vmem>> -> memref<80xi32, #tpu.memory_space<vmem>>
        %dma_start3A_242 = tpu.memref_slice %arg2[%dma_start3A_238, %add3A_237] : memref<2x320000xi32, #tpu.memory_space<hbm>> -> memref<1x80xi32, #tpu.memory_space<hbm>>
        %dma_start3A_243 = tpu.memref_squeeze %dma_start3A_242 : memref<1x80xi32, #tpu.memory_space<hbm>> -> memref<80xi32, #tpu.memory_space<hbm>>
        %dma_start3A_244 = arith.constant 0 : i32
        %dma_start3A_245 = tpu.memref_slice %arg9[%rem3A_167, %dma_start3A_244] : memref<3x80xi32, #tpu.memory_space<vmem>> -> memref<1x80xi32, #tpu.memory_space<vmem>>
        %dma_start3A_246 = tpu.memref_squeeze %dma_start3A_245 : memref<1x80xi32, #tpu.memory_space<vmem>> -> memref<80xi32, #tpu.memory_space<vmem>>
        %dma_start3A_247 = tpu.memref_slice %arg2[%dma_start3A_238, %add3A_237] : memref<2x320000xi32, #tpu.memory_space<hbm>> -> memref<1x80xi32, #tpu.memory_space<hbm>>
        %dma_start3A_248 = tpu.memref_squeeze %dma_start3A_247 : memref<1x80xi32, #tpu.memory_space<hbm>> -> memref<80xi32, #tpu.memory_space<hbm>>
        tpu.enqueue_dma source(%dma_start3A_248 : memref<80xi32, #tpu.memory_space<hbm>>) target(%dma_start3A_246 : memref<80xi32, #tpu.memory_space<vmem>>) target_semaphore(%arg15 : memref<!tpu.dma_semaphore, #tpu.memory_space<semaphore_mem>>)
        %dma_start3A_249 = arith.constant 1 : i32
        %dma_start3A_250 = arith.constant 0 : i32
        %dma_start3A_251 = tpu.memref_slice %arg10[%rem3A_167, %dma_start3A_250] : memref<3x80xi32, #tpu.memory_space<vmem>> -> memref<1x80xi32, #tpu.memory_space<vmem>>
        %dma_start3A_252 = tpu.memref_squeeze %dma_start3A_251 : memref<1x80xi32, #tpu.memory_space<vmem>> -> memref<80xi32, #tpu.memory_space<vmem>>
        %dma_start3A_253 = tpu.memref_slice %arg2[%dma_start3A_249, %add3A_237] : memref<2x320000xi32, #tpu.memory_space<hbm>> -> memref<1x80xi32, #tpu.memory_space<hbm>>
        %dma_start3A_254 = tpu.memref_squeeze %dma_start3A_253 : memref<1x80xi32, #tpu.memory_space<hbm>> -> memref<80xi32, #tpu.memory_space<hbm>>
        %dma_start3A_255 = arith.constant 0 : i32
        %dma_start3A_256 = tpu.memref_slice %arg10[%rem3A_167, %dma_start3A_255] : memref<3x80xi32, #tpu.memory_space<vmem>> -> memref<1x80xi32, #tpu.memory_space<vmem>>
        %dma_start3A_257 = tpu.memref_squeeze %dma_start3A_256 : memref<1x80xi32, #tpu.memory_space<vmem>> -> memref<80xi32, #tpu.memory_space<vmem>>
        %dma_start3A_258 = tpu.memref_slice %arg2[%dma_start3A_249, %add3A_237] : memref<2x320000xi32, #tpu.memory_space<hbm>> -> memref<1x80xi32, #tpu.memory_space<hbm>>
        %dma_start3A_259 = tpu.memref_squeeze %dma_start3A_258 : memref<1x80xi32, #tpu.memory_space<hbm>> -> memref<80xi32, #tpu.memory_space<hbm>>
        tpu.enqueue_dma source(%dma_start3A_259 : memref<80xi32, #tpu.memory_space<hbm>>) target(%dma_start3A_257 : memref<80xi32, #tpu.memory_space<vmem>>) target_semaphore(%arg15 : memref<!tpu.dma_semaphore, #tpu.memory_space<semaphore_mem>>)
      } else {
      }
      %dma_start3A_212 = arith.constant 0 : i32
      %dma_start3A_213 = arith.constant 0 : i32
      %dma_start3A_214 = tpu.memref_slice %arg11[%rem3A_169, %dma_start3A_212, %dma_start3A_213] : memref<2x80x128xf32, #tpu.memory_space<vmem>> -> memref<1x80x128xf32, #tpu.memory_space<vmem>>
      %dma_start3A_215 = tpu.memref_squeeze %dma_start3A_214 : memref<1x80x128xf32, #tpu.memory_space<vmem>> -> memref<80x128xf32, #tpu.memory_space<vmem>>
      %dma_start3A_216 = arith.constant 0 : i32
      %dma_start3A_217 = tpu.memref_slice %arg10[%rem3A_159, %dma_start3A_216] : memref<3x80xi32, #tpu.memory_space<vmem>> -> memref<1x80xi32, #tpu.memory_space<vmem>>
      %dma_start3A_218 = tpu.memref_squeeze %dma_start3A_217 : memref<1x80xi32, #tpu.memory_space<vmem>> -> memref<80xi32, #tpu.memory_space<vmem>>
      %dma_start3A_219 = arith.constant 0 : i32
      %dma_start3A_220 = arith.constant 0 : i32
      %dma_start3A_221 = tpu.memref_slice %arg13[%dma_start3A_219, %dma_start3A_220] : memref<10000x128xf32, #tpu.memory_space<vmem_shared>> -> memref<10000x128xf32, #tpu.memory_space<vmem_shared>>
      tpu.enqueue_indirect_dma source(%dma_start3A_215 : memref<80x128xf32, #tpu.memory_space<vmem>>) target(%dma_start3A_221 : memref<10000x128xf32, #tpu.memory_space<vmem_shared>>) offsets(%dma_start3A_218 : memref<80xi32, #tpu.memory_space<vmem>>) semaphore(%arg17 : memref<!tpu.dma_semaphore, #tpu.memory_space<semaphore_mem>>) {add = true}
      %dma_start3A_222 = arith.constant 0 : i32
      %dma_start3A_223 = arith.constant 0 : i32
      %dma_start3A_224 = tpu.memref_slice %arg12[%rem3A_169, %dma_start3A_222, %dma_start3A_223] : memref<2x80x32xf32, #tpu.memory_space<vmem>> -> memref<1x80x32xf32, #tpu.memory_space<vmem>>
      %dma_start3A_225 = tpu.memref_squeeze %dma_start3A_224 : memref<1x80x32xf32, #tpu.memory_space<vmem>> -> memref<80x32xf32, #tpu.memory_space<vmem>>
      %dma_start3A_226 = arith.constant 0 : i32
      %dma_start3A_227 = tpu.memref_slice %arg10[%rem3A_159, %dma_start3A_226] : memref<3x80xi32, #tpu.memory_space<vmem>> -> memref<1x80xi32, #tpu.memory_space<vmem>>
      %dma_start3A_228 = tpu.memref_squeeze %dma_start3A_227 : memref<1x80xi32, #tpu.memory_space<vmem>> -> memref<80xi32, #tpu.memory_space<vmem>>
      %dma_start3A_229 = arith.constant 0 : i32
      %dma_start3A_230 = arith.constant 0 : i32
      %dma_start3A_231 = tpu.memref_slice %arg14[%dma_start3A_229, %dma_start3A_230] : memref<10000x32xf32, #tpu.memory_space<vmem_shared>> -> memref<10000x32xf32, #tpu.memory_space<vmem_shared>>
      tpu.enqueue_indirect_dma source(%dma_start3A_225 : memref<80x32xf32, #tpu.memory_space<vmem>>) target(%dma_start3A_231 : memref<10000x32xf32, #tpu.memory_space<vmem_shared>>) offsets(%dma_start3A_228 : memref<80xi32, #tpu.memory_space<vmem>>) semaphore(%arg17 : memref<!tpu.dma_semaphore, #tpu.memory_space<semaphore_mem>>) {add = true}
      %scan3A_232 = arith.constant 0 : i32
      scf.yield %scan3A_232 : i32
    }
    %scan3A_122 = arith.constant 125 : i32
    %rem3A = arith.constant 124 : i32
    %rem3A_123 = arith.constant 3 : i32
    %rem3A_124 = arith.remsi %rem3A, %rem3A_123 : i32
    %rem3A_125 = arith.constant 124 : i32
    %rem3A_126 = arith.constant 2 : i32
    %rem3A_127 = arith.remsi %rem3A_125, %rem3A_126 : i32
    %dma_wait3A_128 = arith.constant 0 : i32
    %dma_wait3A_129 = arith.constant 0 : i32
    %dma_wait3A_130 = tpu.memref_slice %arg11[%rem3A_127, %dma_wait3A_128, %dma_wait3A_129] : memref<2x80x128xf32, #tpu.memory_space<vmem>> -> memref<1x80x128xf32, #tpu.memory_space<vmem>>
    %dma_wait3A_131 = tpu.memref_squeeze %dma_wait3A_130 : memref<1x80x128xf32, #tpu.memory_space<vmem>> -> memref<80x128xf32, #tpu.memory_space<vmem>>
    %dma_wait3A_132 = arith.constant 0 : i32
    %dma_wait3A_133 = tpu.memref_slice %arg10[%rem3A_124, %dma_wait3A_132] : memref<3x80xi32, #tpu.memory_space<vmem>> -> memref<1x80xi32, #tpu.memory_space<vmem>>
    %dma_wait3A_134 = tpu.memref_squeeze %dma_wait3A_133 : memref<1x80xi32, #tpu.memory_space<vmem>> -> memref<80xi32, #tpu.memory_space<vmem>>
    %dma_wait3A_135 = arith.constant 0 : i32
    %dma_wait3A_136 = arith.constant 0 : i32
    %dma_wait3A_137 = tpu.memref_slice %arg13[%dma_wait3A_135, %dma_wait3A_136] : memref<10000x128xf32, #tpu.memory_space<vmem_shared>> -> memref<10000x128xf32, #tpu.memory_space<vmem_shared>>
    tpu.wait_indirect_dma semaphore(%arg17 : memref<!tpu.dma_semaphore, #tpu.memory_space<semaphore_mem>>) src(%dma_wait3A_131 : memref<80x128xf32, #tpu.memory_space<vmem>>) dst(%dma_wait3A_137 : memref<10000x128xf32, #tpu.memory_space<vmem_shared>>)
    %dma_wait3A_138 = arith.constant 0 : i32
    %dma_wait3A_139 = arith.constant 0 : i32
    %dma_wait3A_140 = tpu.memref_slice %arg12[%rem3A_127, %dma_wait3A_138, %dma_wait3A_139] : memref<2x80x32xf32, #tpu.memory_space<vmem>> -> memref<1x80x32xf32, #tpu.memory_space<vmem>>
    %dma_wait3A_141 = tpu.memref_squeeze %dma_wait3A_140 : memref<1x80x32xf32, #tpu.memory_space<vmem>> -> memref<80x32xf32, #tpu.memory_space<vmem>>
    %dma_wait3A_142 = arith.constant 0 : i32
    %dma_wait3A_143 = tpu.memref_slice %arg10[%rem3A_124, %dma_wait3A_142] : memref<3x80xi32, #tpu.memory_space<vmem>> -> memref<1x80xi32, #tpu.memory_space<vmem>>
    %dma_wait3A_144 = tpu.memref_squeeze %dma_wait3A_143 : memref<1x80xi32, #tpu.memory_space<vmem>> -> memref<80xi32, #tpu.memory_space<vmem>>
    %dma_wait3A_145 = arith.constant 0 : i32
    %dma_wait3A_146 = arith.constant 0 : i32
    %dma_wait3A_147 = tpu.memref_slice %arg14[%dma_wait3A_145, %dma_wait3A_146] : memref<10000x32xf32, #tpu.memory_space<vmem_shared>> -> memref<10000x32xf32, #tpu.memory_space<vmem_shared>>
    tpu.wait_indirect_dma semaphore(%arg17 : memref<!tpu.dma_semaphore, #tpu.memory_space<semaphore_mem>>) src(%dma_wait3A_141 : memref<80x32xf32, #tpu.memory_space<vmem>>) dst(%dma_wait3A_147 : memref<10000x32xf32, #tpu.memory_space<vmem_shared>>)
    %barrier3A_148 = arith.constant 0 : index
    tpu.barrier barrier_id(%barrier3A_148)
    %mul3A_149 = arith.constant 624 : i32
    %mul3A_150 = arith.muli %arg1, %mul3A_149 : i32
    "tpu.region"() ({
      %run_scoped3A = tpu.sem_alloc : memref<!tpu.dma_semaphore, #tpu.memory_space<semaphore_mem>>
      %dma_start3A_156 = arith.constant 0 : i32
      %dma_start3A_157 = tpu.memref_slice %arg7[%arg0, %mul3A_150, %dma_start3A_156] : memref<2x10000x128xf32, #tpu.memory_space<hbm>> -> memref<1x624x128xf32, #tpu.memory_space<hbm>>
      %dma_start3A_158 = tpu.memref_squeeze %dma_start3A_157 : memref<1x624x128xf32, #tpu.memory_space<hbm>> -> memref<624x128xf32, #tpu.memory_space<hbm>>
      %dma_start3A_159 = arith.constant 0 : i32
      %dma_start3A_160 = tpu.memref_slice %arg13[%mul3A_150, %dma_start3A_159] : memref<10000x128xf32, #tpu.memory_space<vmem_shared>> -> memref<624x128xf32, #tpu.memory_space<vmem_shared>>
      tpu.enqueue_dma source(%dma_start3A_160 : memref<624x128xf32, #tpu.memory_space<vmem_shared>>) target(%dma_start3A_158 : memref<624x128xf32, #tpu.memory_space<hbm>>) target_semaphore(%run_scoped3A : memref<!tpu.dma_semaphore, #tpu.memory_space<semaphore_mem>>)
      %dma_wait3A_161 = arith.constant 0 : i32
      %dma_wait3A_162 = tpu.memref_slice %arg7[%arg0, %mul3A_150, %dma_wait3A_161] : memref<2x10000x128xf32, #tpu.memory_space<hbm>> -> memref<1x624x128xf32, #tpu.memory_space<hbm>>
      %dma_wait3A_163 = tpu.memref_squeeze %dma_wait3A_162 : memref<1x624x128xf32, #tpu.memory_space<hbm>> -> memref<624x128xf32, #tpu.memory_space<hbm>>
      %dma_wait3A_164 = arith.constant 0 : i32
      %dma_wait3A_165 = tpu.memref_slice %arg13[%mul3A_150, %dma_wait3A_164] : memref<10000x128xf32, #tpu.memory_space<vmem_shared>> -> memref<624x128xf32, #tpu.memory_space<vmem_shared>>
      tpu.wait_dma2 semaphore(%run_scoped3A : memref<!tpu.dma_semaphore, #tpu.memory_space<semaphore_mem>>) src(%dma_wait3A_165 : memref<624x128xf32, #tpu.memory_space<vmem_shared>>) dst(%dma_wait3A_163 : memref<624x128xf32, #tpu.memory_space<hbm>>)
      tpu.yield
    }) : () -> ()
    "tpu.region"() ({
      %run_scoped3A = tpu.sem_alloc : memref<!tpu.dma_semaphore, #tpu.memory_space<semaphore_mem>>
      %dma_start3A_156 = arith.constant 0 : i32
      %dma_start3A_157 = tpu.memref_slice %arg8[%arg0, %mul3A_150, %dma_start3A_156] : memref<2x10000x32xf32, #tpu.memory_space<hbm>> -> memref<1x624x32xf32, #tpu.memory_space<hbm>>
      %dma_start3A_158 = tpu.memref_squeeze %dma_start3A_157 : memref<1x624x32xf32, #tpu.memory_space<hbm>> -> memref<624x32xf32, #tpu.memory_space<hbm>>
      %dma_start3A_159 = arith.constant 0 : i32
      %dma_start3A_160 = tpu.memref_slice %arg14[%mul3A_150, %dma_start3A_159] : memref<10000x32xf32, #tpu.memory_space<vmem_shared>> -> memref<624x32xf32, #tpu.memory_space<vmem_shared>>
      tpu.enqueue_dma source(%dma_start3A_160 : memref<624x32xf32, #tpu.memory_space<vmem_shared>>) target(%dma_start3A_158 : memref<624x32xf32, #tpu.memory_space<hbm>>) target_semaphore(%run_scoped3A : memref<!tpu.dma_semaphore, #tpu.memory_space<semaphore_mem>>)
      %dma_wait3A_161 = arith.constant 0 : i32
      %dma_wait3A_162 = tpu.memref_slice %arg8[%arg0, %mul3A_150, %dma_wait3A_161] : memref<2x10000x32xf32, #tpu.memory_space<hbm>> -> memref<1x624x32xf32, #tpu.memory_space<hbm>>
      %dma_wait3A_163 = tpu.memref_squeeze %dma_wait3A_162 : memref<1x624x32xf32, #tpu.memory_space<hbm>> -> memref<624x32xf32, #tpu.memory_space<hbm>>
      %dma_wait3A_164 = arith.constant 0 : i32
      %dma_wait3A_165 = tpu.memref_slice %arg14[%mul3A_150, %dma_wait3A_164] : memref<10000x32xf32, #tpu.memory_space<vmem_shared>> -> memref<624x32xf32, #tpu.memory_space<vmem_shared>>
      tpu.wait_dma2 semaphore(%run_scoped3A : memref<!tpu.dma_semaphore, #tpu.memory_space<semaphore_mem>>) src(%dma_wait3A_165 : memref<624x32xf32, #tpu.memory_space<vmem_shared>>) dst(%dma_wait3A_163 : memref<624x32xf32, #tpu.memory_space<hbm>>)
      tpu.yield
    }) : () -> ()
    %eq3A_151 = arith.constant 15 : i32
    %eq3A_152 = arith.cmpi eq, %arg1, %eq3A_151 : i32
    %convert_element_type3A_153 = arith.extui %eq3A_152 : i1 to i32
    %cond3A_154 = arith.constant 0 : i32
    %cond3A_155 = arith.cmpi ne, %convert_element_type3A_153, %cond3A_154 : i32
    scf.if %cond3A_155 {
      "tpu.region"() ({
        %run_scoped3A = tpu.sem_alloc : memref<!tpu.dma_semaphore, #tpu.memory_space<semaphore_mem>>
        %dma_start3A_156 = arith.constant 9984 : i32
        %dma_start3A_157 = arith.constant 0 : i32
        %dma_start3A_158 = tpu.memref_slice %arg7[%arg0, %dma_start3A_156, %dma_start3A_157] : memref<2x10000x128xf32, #tpu.memory_space<hbm>> -> memref<1x16x128xf32, #tpu.memory_space<hbm>>
        %dma_start3A_159 = tpu.memref_squeeze %dma_start3A_158 : memref<1x16x128xf32, #tpu.memory_space<hbm>> -> memref<16x128xf32, #tpu.memory_space<hbm>>
        %dma_start3A_160 = arith.constant 9984 : i32
        %dma_start3A_161 = arith.constant 0 : i32
        %dma_start3A_162 = tpu.memref_slice %arg13[%dma_start3A_160, %dma_start3A_161] : memref<10000x128xf32, #tpu.memory_space<vmem_shared>> -> memref<16x128xf32, #tpu.memory_space<vmem_shared>>
        tpu.enqueue_dma source(%dma_start3A_162 : memref<16x128xf32, #tpu.memory_space<vmem_shared>>) target(%dma_start3A_159 : memref<16x128xf32, #tpu.memory_space<hbm>>) target_semaphore(%run_scoped3A : memref<!tpu.dma_semaphore, #tpu.memory_space<semaphore_mem>>)
        %dma_wait3A_163 = arith.constant 9984 : i32
        %dma_wait3A_164 = arith.constant 0 : i32
        %dma_wait3A_165 = tpu.memref_slice %arg7[%arg0, %dma_wait3A_163, %dma_wait3A_164] : memref<2x10000x128xf32, #tpu.memory_space<hbm>> -> memref<1x16x128xf32, #tpu.memory_space<hbm>>
        %dma_wait3A_166 = tpu.memref_squeeze %dma_wait3A_165 : memref<1x16x128xf32, #tpu.memory_space<hbm>> -> memref<16x128xf32, #tpu.memory_space<hbm>>
        %dma_wait3A_167 = arith.constant 9984 : i32
        %dma_wait3A_168 = arith.constant 0 : i32
        %dma_wait3A_169 = tpu.memref_slice %arg13[%dma_wait3A_167, %dma_wait3A_168] : memref<10000x128xf32, #tpu.memory_space<vmem_shared>> -> memref<16x128xf32, #tpu.memory_space<vmem_shared>>
        tpu.wait_dma2 semaphore(%run_scoped3A : memref<!tpu.dma_semaphore, #tpu.memory_space<semaphore_mem>>) src(%dma_wait3A_169 : memref<16x128xf32, #tpu.memory_space<vmem_shared>>) dst(%dma_wait3A_166 : memref<16x128xf32, #tpu.memory_space<hbm>>)
        tpu.yield
      }) : () -> ()
      "tpu.region"() ({
        %run_scoped3A = tpu.sem_alloc : memref<!tpu.dma_semaphore, #tpu.memory_space<semaphore_mem>>
        %dma_start3A_156 = arith.constant 9984 : i32
        %dma_start3A_157 = arith.constant 0 : i32
        %dma_start3A_158 = tpu.memref_slice %arg8[%arg0, %dma_start3A_156, %dma_start3A_157] : memref<2x10000x32xf32, #tpu.memory_space<hbm>> -> memref<1x16x32xf32, #tpu.memory_space<hbm>>
        %dma_start3A_159 = tpu.memref_squeeze %dma_start3A_158 : memref<1x16x32xf32, #tpu.memory_space<hbm>> -> memref<16x32xf32, #tpu.memory_space<hbm>>
        %dma_start3A_160 = arith.constant 9984 : i32
        %dma_start3A_161 = arith.constant 0 : i32
        %dma_start3A_162 = tpu.memref_slice %arg14[%dma_start3A_160, %dma_start3A_161] : memref<10000x32xf32, #tpu.memory_space<vmem_shared>> -> memref<16x32xf32, #tpu.memory_space<vmem_shared>>
        tpu.enqueue_dma source(%dma_start3A_162 : memref<16x32xf32, #tpu.memory_space<vmem_shared>>) target(%dma_start3A_159 : memref<16x32xf32, #tpu.memory_space<hbm>>) target_semaphore(%run_scoped3A : memref<!tpu.dma_semaphore, #tpu.memory_space<semaphore_mem>>)
        %dma_wait3A_163 = arith.constant 9984 : i32
        %dma_wait3A_164 = arith.constant 0 : i32
        %dma_wait3A_165 = tpu.memref_slice %arg8[%arg0, %dma_wait3A_163, %dma_wait3A_164] : memref<2x10000x32xf32, #tpu.memory_space<hbm>> -> memref<1x16x32xf32, #tpu.memory_space<hbm>>
        %dma_wait3A_166 = tpu.memref_squeeze %dma_wait3A_165 : memref<1x16x32xf32, #tpu.memory_space<hbm>> -> memref<16x32xf32, #tpu.memory_space<hbm>>
        %dma_wait3A_167 = arith.constant 9984 : i32
        %dma_wait3A_168 = arith.constant 0 : i32
        %dma_wait3A_169 = tpu.memref_slice %arg14[%dma_wait3A_167, %dma_wait3A_168] : memref<10000x32xf32, #tpu.memory_space<vmem_shared>> -> memref<16x32xf32, #tpu.memory_space<vmem_shared>>
        tpu.wait_dma2 semaphore(%run_scoped3A : memref<!tpu.dma_semaphore, #tpu.memory_space<semaphore_mem>>) src(%dma_wait3A_169 : memref<16x32xf32, #tpu.memory_space<vmem_shared>>) dst(%dma_wait3A_166 : memref<16x32xf32, #tpu.memory_space<hbm>>)
        tpu.yield
      }) : () -> ()
    } else {
    }
    return
  }
}

module attributes {stable_mosaic.version = 14 : i64} {
  func.func @_tc2_body(%arg0: i32, %arg1: memref<2x2000x128xf32, #tpu.memory_space<vmem>>, %arg2: memref<2x2000x32xf32, #tpu.memory_space<vmem>>, %arg3: memref<2000x128xf32, #tpu.memory_space<vmem>>, %arg4: memref<1x128xf32, #tpu.memory_space<vmem>>, %arg5: memref<128x128xf32, #tpu.memory_space<vmem>>, %arg6: memref<128xf32, #tpu.memory_space<vmem>>, %arg7: memref<128x128xf32, #tpu.memory_space<vmem>>, %arg8: memref<256x16xf32, #tpu.memory_space<vmem>>, %arg9: memref<256xf32, #tpu.memory_space<vmem>>, %arg10: memref<128x256xf32, #tpu.memory_space<vmem>>, %arg11: memref<128xf32, #tpu.memory_space<vmem>>, %arg12: memref<2000x128xf32, #tpu.memory_space<vmem>>, %arg13: memref<2000x128xf32, #tpu.memory_space<vmem>>) attributes {dimension_semantics = [#tpu.dimension_semantics<arbitrary>], iteration_bounds = array<i64: 5>, scalar_prefetch = 0 : i64, scratch_operands = 0 : i64, tpu.core_type = #tpu.core_type<tc>, window_params = [{transform_indices = @transform_0, window_bounds = array<i64: 2, 2000, 128>}, {transform_indices = @transform_1, window_bounds = array<i64: 2, 2000, 32>}, {transform_indices = @transform_2, window_bounds = array<i64: 2000, 128>}, {pipeline_mode = #tpu.pipeline_mode<synchronous>, transform_indices = @transform_3, window_bounds = array<i64: 1, 128>}, {pipeline_mode = #tpu.pipeline_mode<synchronous>, transform_indices = @transform_4, window_bounds = array<i64: 128, 128>}, {pipeline_mode = #tpu.pipeline_mode<synchronous>, transform_indices = @transform_5, window_bounds = array<i64: 128>}, {pipeline_mode = #tpu.pipeline_mode<synchronous>, transform_indices = @transform_6, window_bounds = array<i64: 128, 128>}, {pipeline_mode = #tpu.pipeline_mode<synchronous>, transform_indices = @transform_7, window_bounds = array<i64: 256, 16>}, {pipeline_mode = #tpu.pipeline_mode<synchronous>, transform_indices = @transform_8, window_bounds = array<i64: 256>}, {pipeline_mode = #tpu.pipeline_mode<synchronous>, transform_indices = @transform_9, window_bounds = array<i64: 128, 256>}, {pipeline_mode = #tpu.pipeline_mode<synchronous>, transform_indices = @transform_10, window_bounds = array<i64: 128>}, {transform_indices = @transform_11, window_bounds = array<i64: 2000, 128>}, {transform_indices = @transform_12, window_bounds = array<i64: 2000, 128>}]} {
    %get3A = arith.constant 0 : index
    %get3A_0 = arith.constant 0 : index
    %get3A_1 = arith.constant 16 : index
    %get3A_2 = vector.load %arg2[%get3A, %get3A_0, %get3A_1] : memref<2x2000x32xf32, #tpu.memory_space<vmem>>, vector<1x2000x1xf32>
    %get3A_3 = vector.shape_cast %get3A_2 : vector<1x2000x1xf32> to vector<2000x1xf32>
    %get3A_4 = arith.constant 1 : index
    %get3A_5 = arith.constant 0 : index
    %get3A_6 = arith.constant 16 : index
    %get3A_7 = vector.load %arg2[%get3A_4, %get3A_5, %get3A_6] : memref<2x2000x32xf32, #tpu.memory_space<vmem>>, vector<1x2000x1xf32>
    %get3A_8 = vector.shape_cast %get3A_7 : vector<1x2000x1xf32> to vector<2000x1xf32>
    %add3A = arith.addf %get3A_3, %get3A_8 : vector<2000x1xf32>
    %get3A_9 = arith.constant 0 : index
    %get3A_10 = arith.constant 0 : index
    %get3A_11 = arith.constant 0 : index
    %get3A_12 = vector.load %arg1[%get3A_9, %get3A_10, %get3A_11] : memref<2x2000x128xf32, #tpu.memory_space<vmem>>, vector<1x2000x128xf32>
    %get3A_13 = vector.shape_cast %get3A_12 : vector<1x2000x128xf32> to vector<2000x128xf32>
    %get3A_14 = arith.constant 1 : index
    %get3A_15 = arith.constant 0 : index
    %get3A_16 = arith.constant 0 : index
    %get3A_17 = vector.load %arg1[%get3A_14, %get3A_15, %get3A_16] : memref<2x2000x128xf32, #tpu.memory_space<vmem>>, vector<1x2000x128xf32>
    %get3A_18 = vector.shape_cast %get3A_17 : vector<1x2000x128xf32> to vector<2000x128xf32>
    %add3A_19 = arith.addf %get3A_13, %get3A_18 : vector<2000x128xf32>
    %max3A = arith.constant 1.000000e+00 : f32
    %max3A_20 = vector.broadcast %max3A : f32 to vector<2000x1xf32>
    %max3A_21 = arith.maximumf %add3A, %max3A_20 : vector<2000x1xf32>
    %div3A = arith.constant 1.000000e+00 : f32
    %div3A_22 = vector.broadcast %div3A : f32 to vector<2000x1xf32>
    %div3A_23 = arith.divf %div3A_22, %max3A_21 : vector<2000x1xf32>
    %add3A_24 = arith.constant 1.000000e+00 : f32
    %add3A_25 = vector.broadcast %add3A_24 : f32 to vector<2000x1xf32>
    %add3A_26 = arith.addf %add3A, %add3A_25 : vector<2000x1xf32>
    %div3A_27 = arith.constant 1.000000e+00 : f32
    %div3A_28 = vector.broadcast %div3A_27 : f32 to vector<2000x1xf32>
    %div3A_29 = arith.divf %div3A_28, %add3A_26 : vector<2000x1xf32>
    %mul3A = vector.broadcast %div3A_23 : vector<2000x1xf32> to vector<2000x128xf32>
    %mul3A_30 = arith.mulf %add3A_19, %mul3A : vector<2000x128xf32>
    %get3A_31 = arith.constant 0 : index
    %get3A_32 = arith.constant 0 : index
    %get3A_33 = vector.load %arg5[%get3A_31, %get3A_32] : memref<128x128xf32, #tpu.memory_space<vmem>>, vector<128x128xf32>
    %dot_general3A = arith.constant dense<0.000000e+00> : vector<2000x128xf32>
    %dot_general3A_34 = tpu.matmul %mul3A_30, %get3A_33, %dot_general3A {dimension_numbers = #tpu.dot_dimension_numbers<[1], [1], [0], [0], [0, 0, 1, 0], [], []>, transpose_lhs_hint = false} : vector<2000x128xf32>, vector<128x128xf32>, vector<2000x128xf32> -> vector<2000x128xf32>
    %get3A_35 = arith.constant 0 : index
    %get3A_36 = vector.load %arg6[%get3A_35] : memref<128xf32, #tpu.memory_space<vmem>>, vector<128xf32>
    %broadcast_in_dim3A = vector.shape_cast %get3A_36 : vector<128xf32> to vector<1x128xf32>
    %add3A_37 = vector.broadcast %broadcast_in_dim3A : vector<1x128xf32> to vector<2000x128xf32>
    %add3A_38 = arith.addf %dot_general3A_34, %add3A_37 : vector<2000x128xf32>
    %get3A_39 = arith.constant 0 : index
    %get3A_40 = arith.constant 0 : index
    %get3A_41 = vector.load %arg3[%get3A_39, %get3A_40] : memref<2000x128xf32, #tpu.memory_space<vmem>>, vector<2000x128xf32>
    %get3A_42 = arith.constant 0 : index
    %get3A_43 = arith.constant 0 : index
    %get3A_44 = vector.load %arg7[%get3A_42, %get3A_43] : memref<128x128xf32, #tpu.memory_space<vmem>>, vector<128x128xf32>
    %dot_general3A_45 = arith.constant dense<0.000000e+00> : vector<2000x128xf32>
    %dot_general3A_46 = tpu.matmul %get3A_41, %get3A_44, %dot_general3A_45 {dimension_numbers = #tpu.dot_dimension_numbers<[1], [1], [0], [0], [0, 0, 1, 0], [], []>, transpose_lhs_hint = false} : vector<2000x128xf32>, vector<128x128xf32>, vector<2000x128xf32> -> vector<2000x128xf32>
    %add3A_47 = arith.addf %add3A_38, %dot_general3A_46 : vector<2000x128xf32>
    %jit3A = arith.constant 0.00999999977 : f32
    %ge3A = arith.constant 0.000000e+00 : f32
    %ge3A_48 = vector.broadcast %ge3A : f32 to vector<2000x128xf32>
    %ge3A_49 = arith.cmpf oge, %add3A_47, %ge3A_48 : vector<2000x128xf32>
    %mul3A_50 = vector.broadcast %jit3A : f32 to vector<2000x128xf32>
    %mul3A_51 = arith.mulf %mul3A_50, %add3A_47 : vector<2000x128xf32>
    %select_n3A = arith.select %ge3A_49, %add3A_47, %mul3A_51 : vector<2000x128xi1>, vector<2000x128xf32>
    %swap3A = arith.constant 0 : index
    %swap3A_52 = arith.constant 0 : index
    %swap3A_53 = vector.load %arg12[%swap3A, %swap3A_52] : memref<2000x128xf32, #tpu.memory_space<vmem>>, vector<2000x128xf32>
    tpu.vector_store %arg12[%swap3A, %swap3A_52], %select_n3A {strides = array<i32>} : memref<2000x128xf32, #tpu.memory_space<vmem>>, vector<2000x128xf32>,
    %get3A_54 = arith.constant 0 : index
    %get3A_55 = arith.constant 0 : index
    %get3A_56 = arith.constant 0 : index
    %get3A_57 = vector.load %arg2[%get3A_54, %get3A_55, %get3A_56] : memref<2x2000x32xf32, #tpu.memory_space<vmem>>, vector<1x2000x16xf32>
    %get3A_58 = vector.shape_cast %get3A_57 : vector<1x2000x16xf32> to vector<2000x16xf32>
    %get3A_59 = arith.constant 1 : index
    %get3A_60 = arith.constant 0 : index
    %get3A_61 = arith.constant 0 : index
    %get3A_62 = vector.load %arg2[%get3A_59, %get3A_60, %get3A_61] : memref<2x2000x32xf32, #tpu.memory_space<vmem>>, vector<1x2000x16xf32>
    %get3A_63 = vector.shape_cast %get3A_62 : vector<1x2000x16xf32> to vector<2000x16xf32>
    %add3A_64 = arith.addf %get3A_58, %get3A_63 : vector<2000x16xf32>
    %get3A_65 = arith.constant 0 : index
    %get3A_66 = arith.constant 0 : index
    %get3A_67 = vector.load %arg8[%get3A_65, %get3A_66] : memref<256x16xf32, #tpu.memory_space<vmem>>, vector<256x16xf32>
    %dot_general3A_68 = arith.constant dense<0.000000e+00> : vector<2000x256xf32>
    %dot_general3A_69 = tpu.matmul %add3A_64, %get3A_67, %dot_general3A_68 {dimension_numbers = #tpu.dot_dimension_numbers<[1], [1], [0], [0], [0, 0, 1, 0], [], []>, transpose_lhs_hint = false} : vector<2000x16xf32>, vector<256x16xf32>, vector<2000x256xf32> -> vector<2000x256xf32>
    %mul3A_70 = vector.broadcast %div3A_29 : vector<2000x1xf32> to vector<2000x256xf32>
    %mul3A_71 = arith.mulf %dot_general3A_69, %mul3A_70 : vector<2000x256xf32>
    %get3A_72 = arith.constant 0 : index
    %get3A_73 = vector.load %arg9[%get3A_72] : memref<256xf32, #tpu.memory_space<vmem>>, vector<256xf32>
    %broadcast_in_dim3A_74 = vector.shape_cast %get3A_73 : vector<256xf32> to vector<1x256xf32>
    %add3A_75 = vector.broadcast %broadcast_in_dim3A_74 : vector<1x256xf32> to vector<2000x256xf32>
    %add3A_76 = arith.addf %mul3A_71, %add3A_75 : vector<2000x256xf32>
    %get3A_77 = arith.constant 0 : index
    %get3A_78 = arith.constant 0 : index
    %get3A_79 = vector.load %arg10[%get3A_77, %get3A_78] : memref<128x256xf32, #tpu.memory_space<vmem>>, vector<128x256xf32>
    %dot_general3A_80 = arith.constant dense<0.000000e+00> : vector<2000x128xf32>
    %dot_general3A_81 = tpu.matmul %add3A_76, %get3A_79, %dot_general3A_80 {dimension_numbers = #tpu.dot_dimension_numbers<[1], [1], [0], [0], [0, 0, 1, 0], [], []>, transpose_lhs_hint = false} : vector<2000x256xf32>, vector<128x256xf32>, vector<2000x128xf32> -> vector<2000x128xf32>
    %get3A_82 = arith.constant 0 : index
    %get3A_83 = vector.load %arg11[%get3A_82] : memref<128xf32, #tpu.memory_space<vmem>>, vector<128xf32>
    %broadcast_in_dim3A_84 = vector.shape_cast %get3A_83 : vector<128xf32> to vector<1x128xf32>
    %add3A_85 = vector.broadcast %broadcast_in_dim3A_84 : vector<1x128xf32> to vector<2000x128xf32>
    %add3A_86 = arith.addf %dot_general3A_81, %add3A_85 : vector<2000x128xf32>
    %jit3A_87 = arith.constant 0.00999999977 : f32
    %ge3A_88 = arith.constant 0.000000e+00 : f32
    %ge3A_89 = vector.broadcast %ge3A_88 : f32 to vector<2000x128xf32>
    %ge3A_90 = arith.cmpf oge, %add3A_86, %ge3A_89 : vector<2000x128xf32>
    %mul3A_91 = vector.broadcast %jit3A_87 : f32 to vector<2000x128xf32>
    %mul3A_92 = arith.mulf %mul3A_91, %add3A_86 : vector<2000x128xf32>
    %select_n3A_93 = arith.select %ge3A_90, %add3A_86, %mul3A_92 : vector<2000x128xi1>, vector<2000x128xf32>
    %get3A_94 = arith.constant 0 : index
    %get3A_95 = arith.constant 0 : index
    %get3A_96 = vector.load %arg4[%get3A_94, %get3A_95] : memref<1x128xf32, #tpu.memory_space<vmem>>, vector<1x128xf32>
    %sub3A = vector.broadcast %get3A_96 : vector<1x128xf32> to vector<2000x128xf32>
    %sub3A_97 = arith.subf %select_n3A_93, %sub3A : vector<2000x128xf32>
    %swap3A_98 = arith.constant 0 : index
    %swap3A_99 = arith.constant 0 : index
    %swap3A_100 = vector.load %arg13[%swap3A_98, %swap3A_99] : memref<2000x128xf32, #tpu.memory_space<vmem>>, vector<2000x128xf32>
    tpu.vector_store %arg13[%swap3A_98, %swap3A_99], %sub3A_97 {strides = array<i32>} : memref<2000x128xf32, #tpu.memory_space<vmem>>, vector<2000x128xf32>,
    return
  }
  func.func @transform_0(%arg0: i32) -> (i32, i32, i32) {
    %c0_i32 = arith.constant 0 : i32
    %c0_i32_0 = arith.constant 0 : i32
    %c0_i32_1 = arith.constant 0 : i32
    return %c0_i32, %arg0, %c0_i32_0 : i32, i32, i32
  }
  func.func @transform_1(%arg0: i32) -> (i32, i32, i32) {
    %c0_i32 = arith.constant 0 : i32
    %c0_i32_0 = arith.constant 0 : i32
    %c0_i32_1 = arith.constant 0 : i32
    return %c0_i32, %arg0, %c0_i32_0 : i32, i32, i32
  }
  func.func @transform_2(%arg0: i32) -> (i32, i32) {
    %c0_i32 = arith.constant 0 : i32
    %c0_i32_0 = arith.constant 0 : i32
    return %arg0, %c0_i32 : i32, i32
  }
  func.func @transform_3(%arg0: i32) -> (i32, i32) {
    %c0_i32 = arith.constant 0 : i32
    %c0_i32_0 = arith.constant 0 : i32
    %c0_i32_1 = arith.constant 0 : i32
    return %c0_i32, %c0_i32_0 : i32, i32
  }
  func.func @transform_4(%arg0: i32) -> (i32, i32) {
    %c0_i32 = arith.constant 0 : i32
    %c0_i32_0 = arith.constant 0 : i32
    %c0_i32_1 = arith.constant 0 : i32
    return %c0_i32, %c0_i32_0 : i32, i32
  }
  func.func @transform_5(%arg0: i32) -> i32 {
    %c0_i32 = arith.constant 0 : i32
    %c0_i32_0 = arith.constant 0 : i32
    return %c0_i32 : i32
  }
  func.func @transform_6(%arg0: i32) -> (i32, i32) {
    %c0_i32 = arith.constant 0 : i32
    %c0_i32_0 = arith.constant 0 : i32
    %c0_i32_1 = arith.constant 0 : i32
    return %c0_i32, %c0_i32_0 : i32, i32
  }
  func.func @transform_7(%arg0: i32) -> (i32, i32) {
    %c0_i32 = arith.constant 0 : i32
    %c0_i32_0 = arith.constant 0 : i32
    %c0_i32_1 = arith.constant 0 : i32
    return %c0_i32, %c0_i32_0 : i32, i32
  }
  func.func @transform_8(%arg0: i32) -> i32 {
    %c0_i32 = arith.constant 0 : i32
    %c0_i32_0 = arith.constant 0 : i32
    return %c0_i32 : i32
  }
  func.func @transform_9(%arg0: i32) -> (i32, i32) {
    %c0_i32 = arith.constant 0 : i32
    %c0_i32_0 = arith.constant 0 : i32
    %c0_i32_1 = arith.constant 0 : i32
    return %c0_i32, %c0_i32_0 : i32, i32
  }
  func.func @transform_10(%arg0: i32) -> i32 {
    %c0_i32 = arith.constant 0 : i32
    %c0_i32_0 = arith.constant 0 : i32
    return %c0_i32 : i32
  }
  func.func @transform_11(%arg0: i32) -> (i32, i32) {
    %c0_i32 = arith.constant 0 : i32
    %c0_i32_0 = arith.constant 0 : i32
    return %arg0, %c0_i32 : i32, i32
  }
  func.func @transform_12(%arg0: i32) -> (i32, i32) {
    %c0_i32 = arith.constant 0 : i32
    %c0_i32_0 = arith.constant 0 : i32
    return %arg0, %c0_i32 : i32, i32
  }
}

module attributes {stable_mosaic.version = 14 : i64} {
  func.func @_tc4_body(%arg0: i32, %arg1: memref<2x2000x128xf32, #tpu.memory_space<vmem>>, %arg2: memref<2x2000x128xf32, #tpu.memory_space<vmem>>, %arg3: memref<2x2000x32xf32, #tpu.memory_space<vmem>>, %arg4: memref<2000x128xf32, #tpu.memory_space<vmem>>, %arg5: memref<1x128xf32, #tpu.memory_space<vmem>>, %arg6: memref<64x128xf32, #tpu.memory_space<vmem>>, %arg7: memref<64xf32, #tpu.memory_space<vmem>>, %arg8: memref<64x128xf32, #tpu.memory_space<vmem>>, %arg9: memref<128x128xf32, #tpu.memory_space<vmem>>, %arg10: memref<128xf32, #tpu.memory_space<vmem>>, %arg11: memref<64x128xf32, #tpu.memory_space<vmem>>, %arg12: memref<64xf32, #tpu.memory_space<vmem>>, %arg13: memref<1x128xf32, #tpu.memory_space<vmem>>, %arg14: memref<1xf32, #tpu.memory_space<vmem>>, %arg15: memref<2000x64xf32, #tpu.memory_space<vmem>>, %arg16: memref<2000x64xf32, #tpu.memory_space<vmem>>, %arg17: memref<2000x1xf32, #tpu.memory_space<vmem>>) attributes {dimension_semantics = [#tpu.dimension_semantics<arbitrary>], iteration_bounds = array<i64: 5>, scalar_prefetch = 0 : i64, scratch_operands = 0 : i64, tpu.core_type = #tpu.core_type<tc>, window_params = [{transform_indices = @transform_0, window_bounds = array<i64: 2, 2000, 128>}, {transform_indices = @transform_1, window_bounds = array<i64: 2, 2000, 128>}, {transform_indices = @transform_2, window_bounds = array<i64: 2, 2000, 32>}, {transform_indices = @transform_3, window_bounds = array<i64: 2000, 128>}, {pipeline_mode = #tpu.pipeline_mode<synchronous>, transform_indices = @transform_4, window_bounds = array<i64: 1, 128>}, {pipeline_mode = #tpu.pipeline_mode<synchronous>, transform_indices = @transform_5, window_bounds = array<i64: 64, 128>}, {pipeline_mode = #tpu.pipeline_mode<synchronous>, transform_indices = @transform_6, window_bounds = array<i64: 64>}, {pipeline_mode = #tpu.pipeline_mode<synchronous>, transform_indices = @transform_7, window_bounds = array<i64: 64, 128>}, {pipeline_mode = #tpu.pipeline_mode<synchronous>, transform_indices = @transform_8, window_bounds = array<i64: 128, 128>}, {pipeline_mode = #tpu.pipeline_mode<synchronous>, transform_indices = @transform_9, window_bounds = array<i64: 128>}, {pipeline_mode = #tpu.pipeline_mode<synchronous>, transform_indices = @transform_10, window_bounds = array<i64: 64, 128>}, {pipeline_mode = #tpu.pipeline_mode<synchronous>, transform_indices = @transform_11, window_bounds = array<i64: 64>}, {pipeline_mode = #tpu.pipeline_mode<synchronous>, transform_indices = @transform_12, window_bounds = array<i64: 1, 128>}, {pipeline_mode = #tpu.pipeline_mode<synchronous>, transform_indices = @transform_13, window_bounds = array<i64: 1>}, {transform_indices = @transform_14, window_bounds = array<i64: 2000, 64>}, {transform_indices = @transform_15, window_bounds = array<i64: 2000, 64>}, {transform_indices = @transform_16, window_bounds = array<i64: 2000, 1>}]} {
    %get3A = arith.constant 0 : index
    %get3A_0 = arith.constant 0 : index
    %get3A_1 = arith.constant 16 : index
    %get3A_2 = vector.load %arg3[%get3A, %get3A_0, %get3A_1] : memref<2x2000x32xf32, #tpu.memory_space<vmem>>, vector<1x2000x1xf32>
    %get3A_3 = vector.shape_cast %get3A_2 : vector<1x2000x1xf32> to vector<2000x1xf32>
    %get3A_4 = arith.constant 1 : index
    %get3A_5 = arith.constant 0 : index
    %get3A_6 = arith.constant 16 : index
    %get3A_7 = vector.load %arg3[%get3A_4, %get3A_5, %get3A_6] : memref<2x2000x32xf32, #tpu.memory_space<vmem>>, vector<1x2000x1xf32>
    %get3A_8 = vector.shape_cast %get3A_7 : vector<1x2000x1xf32> to vector<2000x1xf32>
    %add3A = arith.addf %get3A_3, %get3A_8 : vector<2000x1xf32>
    %max3A = arith.constant 1.000000e+00 : f32
    %max3A_9 = vector.broadcast %max3A : f32 to vector<2000x1xf32>
    %max3A_10 = arith.maximumf %add3A, %max3A_9 : vector<2000x1xf32>
    %div3A = arith.constant 1.000000e+00 : f32
    %div3A_11 = vector.broadcast %div3A : f32 to vector<2000x1xf32>
    %div3A_12 = arith.divf %div3A_11, %max3A_10 : vector<2000x1xf32>
    %add3A_13 = arith.constant 1.000000e+00 : f32
    %add3A_14 = vector.broadcast %add3A_13 : f32 to vector<2000x1xf32>
    %add3A_15 = arith.addf %add3A, %add3A_14 : vector<2000x1xf32>
    %div3A_16 = arith.constant 1.000000e+00 : f32
    %div3A_17 = vector.broadcast %div3A_16 : f32 to vector<2000x1xf32>
    %div3A_18 = arith.divf %div3A_17, %add3A_15 : vector<2000x1xf32>
    %get3A_19 = arith.constant 0 : index
    %get3A_20 = arith.constant 0 : index
    %get3A_21 = arith.constant 0 : index
    %get3A_22 = vector.load %arg1[%get3A_19, %get3A_20, %get3A_21] : memref<2x2000x128xf32, #tpu.memory_space<vmem>>, vector<1x2000x128xf32>
    %get3A_23 = vector.shape_cast %get3A_22 : vector<1x2000x128xf32> to vector<2000x128xf32>
    %get3A_24 = arith.constant 1 : index
    %get3A_25 = arith.constant 0 : index
    %get3A_26 = arith.constant 0 : index
    %get3A_27 = vector.load %arg1[%get3A_24, %get3A_25, %get3A_26] : memref<2x2000x128xf32, #tpu.memory_space<vmem>>, vector<1x2000x128xf32>
    %get3A_28 = vector.shape_cast %get3A_27 : vector<1x2000x128xf32> to vector<2000x128xf32>
    %add3A_29 = arith.addf %get3A_23, %get3A_28 : vector<2000x128xf32>
    %mul3A = vector.broadcast %div3A_12 : vector<2000x1xf32> to vector<2000x128xf32>
    %mul3A_30 = arith.mulf %add3A_29, %mul3A : vector<2000x128xf32>
    %get3A_31 = arith.constant 0 : index
    %get3A_32 = arith.constant 0 : index
    %get3A_33 = vector.load %arg6[%get3A_31, %get3A_32] : memref<64x128xf32, #tpu.memory_space<vmem>>, vector<64x128xf32>
    %dot_general3A = arith.constant dense<0.000000e+00> : vector<2000x64xf32>
    %dot_general3A_34 = tpu.matmul %mul3A_30, %get3A_33, %dot_general3A {dimension_numbers = #tpu.dot_dimension_numbers<[1], [1], [0], [0], [0, 0, 1, 0], [], []>, transpose_lhs_hint = false} : vector<2000x128xf32>, vector<64x128xf32>, vector<2000x64xf32> -> vector<2000x64xf32>
    %get3A_35 = arith.constant 0 : index
    %get3A_36 = vector.load %arg7[%get3A_35] : memref<64xf32, #tpu.memory_space<vmem>>, vector<64xf32>
    %broadcast_in_dim3A = vector.shape_cast %get3A_36 : vector<64xf32> to vector<1x64xf32>
    %add3A_37 = vector.broadcast %broadcast_in_dim3A : vector<1x64xf32> to vector<2000x64xf32>
    %add3A_38 = arith.addf %dot_general3A_34, %add3A_37 : vector<2000x64xf32>
    %get3A_39 = arith.constant 0 : index
    %get3A_40 = arith.constant 0 : index
    %get3A_41 = vector.load %arg4[%get3A_39, %get3A_40] : memref<2000x128xf32, #tpu.memory_space<vmem>>, vector<2000x128xf32>
    %get3A_42 = arith.constant 0 : index
    %get3A_43 = arith.constant 0 : index
    %get3A_44 = vector.load %arg8[%get3A_42, %get3A_43] : memref<64x128xf32, #tpu.memory_space<vmem>>, vector<64x128xf32>
    %dot_general3A_45 = arith.constant dense<0.000000e+00> : vector<2000x64xf32>
    %dot_general3A_46 = tpu.matmul %get3A_41, %get3A_44, %dot_general3A_45 {dimension_numbers = #tpu.dot_dimension_numbers<[1], [1], [0], [0], [0, 0, 1, 0], [], []>, transpose_lhs_hint = false} : vector<2000x128xf32>, vector<64x128xf32>, vector<2000x64xf32> -> vector<2000x64xf32>
    %add3A_47 = arith.addf %add3A_38, %dot_general3A_46 : vector<2000x64xf32>
    %jit3A = arith.constant 0.00999999977 : f32
    %ge3A = arith.constant 0.000000e+00 : f32
    %ge3A_48 = vector.broadcast %ge3A : f32 to vector<2000x64xf32>
    %ge3A_49 = arith.cmpf oge, %add3A_47, %ge3A_48 : vector<2000x64xf32>
    %mul3A_50 = vector.broadcast %jit3A : f32 to vector<2000x64xf32>
    %mul3A_51 = arith.mulf %mul3A_50, %add3A_47 : vector<2000x64xf32>
    %select_n3A = arith.select %ge3A_49, %add3A_47, %mul3A_51 : vector<2000x64xi1>, vector<2000x64xf32>
    %get3A_52 = arith.constant 0 : index
    %get3A_53 = arith.constant 0 : index
    %get3A_54 = arith.constant 0 : index
    %get3A_55 = vector.load %arg2[%get3A_52, %get3A_53, %get3A_54] : memref<2x2000x128xf32, #tpu.memory_space<vmem>>, vector<1x2000x128xf32>
    %get3A_56 = vector.shape_cast %get3A_55 : vector<1x2000x128xf32> to vector<2000x128xf32>
    %get3A_57 = arith.constant 1 : index
    %get3A_58 = arith.constant 0 : index
    %get3A_59 = arith.constant 0 : index
    %get3A_60 = vector.load %arg2[%get3A_57, %get3A_58, %get3A_59] : memref<2x2000x128xf32, #tpu.memory_space<vmem>>, vector<1x2000x128xf32>
    %get3A_61 = vector.shape_cast %get3A_60 : vector<1x2000x128xf32> to vector<2000x128xf32>
    %add3A_62 = arith.addf %get3A_56, %get3A_61 : vector<2000x128xf32>
    %get3A_63 = arith.constant 0 : index
    %get3A_64 = arith.constant 0 : index
    %get3A_65 = vector.load %arg5[%get3A_63, %get3A_64] : memref<1x128xf32, #tpu.memory_space<vmem>>, vector<1x128xf32>
    %mul3A_66 = vector.broadcast %add3A : vector<2000x1xf32> to vector<2000x128xf32>
    %mul3A_67 = vector.broadcast %get3A_65 : vector<1x128xf32> to vector<2000x128xf32>
    %mul3A_68 = arith.mulf %mul3A_66, %mul3A_67 : vector<2000x128xf32>
    %add3A_69 = arith.addf %add3A_62, %mul3A_68 : vector<2000x128xf32>
    %get3A_70 = arith.constant 0 : index
    %get3A_71 = arith.constant 0 : index
    %get3A_72 = vector.load %arg9[%get3A_70, %get3A_71] : memref<128x128xf32, #tpu.memory_space<vmem>>, vector<128x128xf32>
    %dot_general3A_73 = arith.constant dense<0.000000e+00> : vector<2000x128xf32>
    %dot_general3A_74 = tpu.matmul %add3A_69, %get3A_72, %dot_general3A_73 {dimension_numbers = #tpu.dot_dimension_numbers<[1], [1], [0], [0], [0, 0, 1, 0], [], []>, transpose_lhs_hint = false} : vector<2000x128xf32>, vector<128x128xf32>, vector<2000x128xf32> -> vector<2000x128xf32>
    %mul3A_75 = vector.broadcast %div3A_18 : vector<2000x1xf32> to vector<2000x128xf32>
    %mul3A_76 = arith.mulf %dot_general3A_74, %mul3A_75 : vector<2000x128xf32>
    %get3A_77 = arith.constant 0 : index
    %get3A_78 = vector.load %arg10[%get3A_77] : memref<128xf32, #tpu.memory_space<vmem>>, vector<128xf32>
    %broadcast_in_dim3A_79 = vector.shape_cast %get3A_78 : vector<128xf32> to vector<1x128xf32>
    %add3A_80 = vector.broadcast %broadcast_in_dim3A_79 : vector<1x128xf32> to vector<2000x128xf32>
    %add3A_81 = arith.addf %mul3A_76, %add3A_80 : vector<2000x128xf32>
    %get3A_82 = arith.constant 0 : index
    %get3A_83 = arith.constant 0 : index
    %get3A_84 = vector.load %arg11[%get3A_82, %get3A_83] : memref<64x128xf32, #tpu.memory_space<vmem>>, vector<64x128xf32>
    %dot_general3A_85 = arith.constant dense<0.000000e+00> : vector<2000x64xf32>
    %dot_general3A_86 = tpu.matmul %add3A_81, %get3A_84, %dot_general3A_85 {dimension_numbers = #tpu.dot_dimension_numbers<[1], [1], [0], [0], [0, 0, 1, 0], [], []>, transpose_lhs_hint = false} : vector<2000x128xf32>, vector<64x128xf32>, vector<2000x64xf32> -> vector<2000x64xf32>
    %get3A_87 = arith.constant 0 : index
    %get3A_88 = vector.load %arg12[%get3A_87] : memref<64xf32, #tpu.memory_space<vmem>>, vector<64xf32>
    %broadcast_in_dim3A_89 = vector.shape_cast %get3A_88 : vector<64xf32> to vector<1x64xf32>
    %add3A_90 = vector.broadcast %broadcast_in_dim3A_89 : vector<1x64xf32> to vector<2000x64xf32>
    %add3A_91 = arith.addf %dot_general3A_86, %add3A_90 : vector<2000x64xf32>
    %jit3A_92 = arith.constant 0.00999999977 : f32
    %ge3A_93 = arith.constant 0.000000e+00 : f32
    %ge3A_94 = vector.broadcast %ge3A_93 : f32 to vector<2000x64xf32>
    %ge3A_95 = arith.cmpf oge, %add3A_91, %ge3A_94 : vector<2000x64xf32>
    %mul3A_96 = vector.broadcast %jit3A_92 : f32 to vector<2000x64xf32>
    %mul3A_97 = arith.mulf %mul3A_96, %add3A_91 : vector<2000x64xf32>
    %select_n3A_98 = arith.select %ge3A_95, %add3A_91, %mul3A_97 : vector<2000x64xi1>, vector<2000x64xf32>
    %get3A_99 = arith.constant 0 : index
    %get3A_100 = arith.constant 0 : index
    %get3A_101 = vector.load %arg13[%get3A_99, %get3A_100] : memref<1x128xf32, #tpu.memory_space<vmem>>, vector<1x64xf32>
    %get3A_102 = vector.shape_cast %get3A_101 : vector<1x64xf32> to vector<64xf32>
    %broadcast_in_dim3A_103 = vector.shape_cast %get3A_102 : vector<64xf32> to vector<1x64xf32>
    %get3A_104 = arith.constant 0 : index
    %get3A_105 = arith.constant 64 : index
    %get3A_106 = vector.load %arg13[%get3A_104, %get3A_105] : memref<1x128xf32, #tpu.memory_space<vmem>>, vector<1x64xf32>
    %get3A_107 = vector.shape_cast %get3A_106 : vector<1x64xf32> to vector<64xf32>
    %broadcast_in_dim3A_108 = vector.shape_cast %get3A_107 : vector<64xf32> to vector<1x64xf32>
    %swap3A = arith.constant 0 : index
    %swap3A_109 = arith.constant 0 : index
    %swap3A_110 = vector.load %arg16[%swap3A, %swap3A_109] : memref<2000x64xf32, #tpu.memory_space<vmem>>, vector<2000x64xf32>
    tpu.vector_store %arg16[%swap3A, %swap3A_109], %select_n3A {strides = array<i32>} : memref<2000x64xf32, #tpu.memory_space<vmem>>, vector<2000x64xf32>,
    %mul3A_111 = vector.broadcast %broadcast_in_dim3A_103 : vector<1x64xf32> to vector<2000x64xf32>
    %mul3A_112 = arith.mulf %select_n3A, %mul3A_111 : vector<2000x64xf32>
    %swap3A_113 = arith.constant 0 : index
    %swap3A_114 = arith.constant 0 : index
    %swap3A_115 = vector.load %arg15[%swap3A_113, %swap3A_114] : memref<2000x64xf32, #tpu.memory_space<vmem>>, vector<2000x64xf32>
    tpu.vector_store %arg15[%swap3A_113, %swap3A_114], %mul3A_112 {strides = array<i32>} : memref<2000x64xf32, #tpu.memory_space<vmem>>, vector<2000x64xf32>,
    %mul3A_116 = vector.broadcast %broadcast_in_dim3A_108 : vector<1x64xf32> to vector<2000x64xf32>
    %mul3A_117 = arith.mulf %select_n3A_98, %mul3A_116 : vector<2000x64xf32>
    %reduce_sum3A = arith.constant dense<0.000000e+00> : vector<2000xf32>
    %reduce_sum3A_118 = vector.multi_reduction <add>, %mul3A_117, %reduce_sum3A [1] : vector<2000x64xf32> to vector<2000xf32>
    %broadcast_in_dim3A_119 = vector.shape_cast %reduce_sum3A_118 : vector<2000xf32> to vector<2000x1xf32>
    %get3A_120 = arith.constant 0 : index
    %get3A_121 = vector.load %arg14[%get3A_120] : memref<1xf32, #tpu.memory_space<vmem>>, vector<1xf32>
    %get3A_122 = vector.extract %get3A_121[0] : f32 from vector<1xf32>
    %add3A_123 = vector.broadcast %get3A_122 : f32 to vector<2000x1xf32>
    %add3A_124 = arith.addf %broadcast_in_dim3A_119, %add3A_123 : vector<2000x1xf32>
    %swap3A_125 = arith.constant 0 : index
    %swap3A_126 = arith.constant 0 : index
    %swap3A_127 = vector.load %arg17[%swap3A_125, %swap3A_126] : memref<2000x1xf32, #tpu.memory_space<vmem>>, vector<2000x1xf32>
    tpu.vector_store %arg17[%swap3A_125, %swap3A_126], %add3A_124 {strides = array<i32>} : memref<2000x1xf32, #tpu.memory_space<vmem>>, vector<2000x1xf32>,
    return
  }
  func.func @transform_0(%arg0: i32) -> (i32, i32, i32) {
    %c0_i32 = arith.constant 0 : i32
    %c0_i32_0 = arith.constant 0 : i32
    %c0_i32_1 = arith.constant 0 : i32
    return %c0_i32, %arg0, %c0_i32_0 : i32, i32, i32
  }
  func.func @transform_1(%arg0: i32) -> (i32, i32, i32) {
    %c0_i32 = arith.constant 0 : i32
    %c0_i32_0 = arith.constant 0 : i32
    %c0_i32_1 = arith.constant 0 : i32
    return %c0_i32, %arg0, %c0_i32_0 : i32, i32, i32
  }
  func.func @transform_2(%arg0: i32) -> (i32, i32, i32) {
    %c0_i32 = arith.constant 0 : i32
    %c0_i32_0 = arith.constant 0 : i32
    %c0_i32_1 = arith.constant 0 : i32
    return %c0_i32, %arg0, %c0_i32_0 : i32, i32, i32
  }
  func.func @transform_3(%arg0: i32) -> (i32, i32) {
    %c0_i32 = arith.constant 0 : i32
    %c0_i32_0 = arith.constant 0 : i32
    return %arg0, %c0_i32 : i32, i32
  }
  func.func @transform_4(%arg0: i32) -> (i32, i32) {
    %c0_i32 = arith.constant 0 : i32
    %c0_i32_0 = arith.constant 0 : i32
    %c0_i32_1 = arith.constant 0 : i32
    return %c0_i32, %c0_i32_0 : i32, i32
  }
  func.func @transform_5(%arg0: i32) -> (i32, i32) {
    %c0_i32 = arith.constant 0 : i32
    %c0_i32_0 = arith.constant 0 : i32
    %c0_i32_1 = arith.constant 0 : i32
    return %c0_i32, %c0_i32_0 : i32, i32
  }
  func.func @transform_6(%arg0: i32) -> i32 {
    %c0_i32 = arith.constant 0 : i32
    %c0_i32_0 = arith.constant 0 : i32
    return %c0_i32 : i32
  }
  func.func @transform_7(%arg0: i32) -> (i32, i32) {
    %c0_i32 = arith.constant 0 : i32
    %c0_i32_0 = arith.constant 0 : i32
    %c0_i32_1 = arith.constant 0 : i32
    return %c0_i32, %c0_i32_0 : i32, i32
  }
  func.func @transform_8(%arg0: i32) -> (i32, i32) {
    %c0_i32 = arith.constant 0 : i32
    %c0_i32_0 = arith.constant 0 : i32
    %c0_i32_1 = arith.constant 0 : i32
    return %c0_i32, %c0_i32_0 : i32, i32
  }
  func.func @transform_9(%arg0: i32) -> i32 {
    %c0_i32 = arith.constant 0 : i32
    %c0_i32_0 = arith.constant 0 : i32
    return %c0_i32 : i32
  }
  func.func @transform_10(%arg0: i32) -> (i32, i32) {
    %c0_i32 = arith.constant 0 : i32
    %c0_i32_0 = arith.constant 0 : i32
    %c0_i32_1 = arith.constant 0 : i32
    return %c0_i32, %c0_i32_0 : i32, i32
  }
  func.func @transform_11(%arg0: i32) -> i32 {
    %c0_i32 = arith.constant 0 : i32
    %c0_i32_0 = arith.constant 0 : i32
    return %c0_i32 : i32
  }
  func.func @transform_12(%arg0: i32) -> (i32, i32) {
    %c0_i32 = arith.constant 0 : i32
    %c0_i32_0 = arith.constant 0 : i32
    %c0_i32_1 = arith.constant 0 : i32
    return %c0_i32, %c0_i32_0 : i32, i32
  }
  func.func @transform_13(%arg0: i32) -> i32 {
    %c0_i32 = arith.constant 0 : i32
    %c0_i32_0 = arith.constant 0 : i32
    return %c0_i32 : i32
  }
  func.func @transform_14(%arg0: i32) -> (i32, i32) {
    %c0_i32 = arith.constant 0 : i32
    %c0_i32_0 = arith.constant 0 : i32
    return %arg0, %c0_i32 : i32, i32
  }
  func.func @transform_15(%arg0: i32) -> (i32, i32) {
    %c0_i32 = arith.constant 0 : i32
    %c0_i32_0 = arith.constant 0 : i32
    return %arg0, %c0_i32 : i32, i32
  }
  func.func @transform_16(%arg0: i32) -> (i32, i32) {
    %c0_i32 = arith.constant 0 : i32
    %c0_i32_0 = arith.constant 0 : i32
    return %arg0, %c0_i32 : i32, i32
  }
}

</mosaic_0001>

<sc_bundles>
// kernel: kernel.10.cloned.1.call-start
scs
__scs_entry_jumppad:
0x0: {  	(pc) =	sbr.rel $0x88, $3  }
0x1: {  	(tag) =	ssettag $0x0;
	lr =	simm.s32 $0x1  }
0x2: {  	[smem:$0x3F8E] =	sst lr;
	_ =	strace $0xD0000000  }
0x3: {  	_ = 	snop  }
0x4: {  	_ = 	snop  }
0x5: {  	_ = 	snop  }
0x6: {  	_ = 	snop  }
0x7: {  	_ = 	snop  }
__scs_overlays_trampoline_lowered:
0x8: {  	[smem:$0x3F9D] =	sst s0  }
0x9: {  	[smem:$0x3F9E] =	sst s1  }
0xa: {  	[smem:$0x3F9F] =	sst s2  }
0xb: {  	[smem:$0x3FA0] =	sst s3  }
0xc: {  	[smem:$0x3FA1] =	sst s4  }
0xd: {  	[smem:$0x3FA2] =	sst s5  }
0xe: {  	[smem:$0x3FA3] =	sst s6  }
0xf: {  	[smem:$0x3FA4] =	sst s7  }
0x10: {  	[smem:$0x3FA5] =	sst s8  }
0x11: {  	[smem:$0x3FA6] =	sst s9;
	s0 =	simm.s32 @!p0 $0x0  }
0x12: {  	s1 =	sld [smem:$0x3F8C];
	s0 =	simm.s32 @p0 $0x1  }
0x13: {  	[smem:$0x3FA7] =	sst s0;
	s0 =	simm.s32 @!p1 $0x0  }
0x14: {  	s2 =	sld [smem:$0x3F8B];
	s0 =	simm.s32 @p1 $0x1  }
0x15: {  	[smem:$0x3FA8] =	sst s0;
	s0 =	simm.s32 @!p2 $0x0  }
0x16: {  	s3 =	sld [smem:$0x3FDB];
	s0 =	simm.s32 @p2 $0x1  }
0x17: {  	s4 =	simm.s32 $0x1BF5;
	[smem:$0x3FAA] =	sst s0  }
0x18: {  	s0 =	sld [smem:$0x3F8D];
	_ =	swait.ge [sflag:s4], $0x0  }
0x19: {  	s7 =	sld [smem:$0x3F8E]  }
0x1a: {  	s8 =	sadd.s32 $0xFFFFE003, lr  }
0x1b: {  	s9 =	sadd.s32 $0xFFFFFEF7, lr;
	s5 =	simm.s32 $0xFFFFFFFF;
	p2 =	slt.u32 s8, $0xFFFFF086  }
0x1c: {  	p1 =	slt.u32 s9, $0xF7A;
	s5 =	simm.s32 @!p2 $0x0  }
0x1d: {  	s5 =	simm.s32 @p1 $0x1;
	p0 =	seq.s32 s7, s2  }
0x1e: {  	s7 =	smul.u32 @!p0 $0xF7A, s2;
	p2 =	seq.s32 @!p0 s5, $0x0  }
0x1f: {  	s9 =	smul.u32 $0xF7A, s1;
	s8 =	simm.s32 @!p0 $0x1BF5;
	p2 =	por !p2, p0  }
0x20: {  	[sflag:s8] =	ssyncset.s32 @!p0 $0xFFFFF086;
	s6 =	sadd.s32 @!p0 s3, s7;
	s7 =	simm.s32 @!p0 $0x108  }
0x21: {  	s3 =	sadd.s32 s3, s9;
	s6 =	sadd.s32 @!p0 $0x88, s6;
	s7 =	simm.s32 @p2 $0x1082  }
0x22: {  	[simem:s7], [sflag:s8] =	dma.local @!p0 [hbm:s6], $0xF7A  }
0x23: {  	s9 =	sor.u32 $0xD0000000, s2;
	s6 =	simm.s32 $0x108;
	_ =	swait.ge @!p0 [sflag:s8], $0x0  }
0x24: {  	s3 =	sadd.s32 $0x88, s3;
	s6 =	simm.s32 @!p1 $0x1082;
	[sflag:s4] =	ssyncset.s32 $0xFFFFF086  }
0x25: {  	[simem:s6], [sflag:s4] =	dma.local [hbm:s3], $0xF7A  }
0x26: {  	[smem:$0x3F8E] =	sst s1;
	(tag) =	ssettag s2;
	_ =	strace s9  }
0x27: {  	s1 =	sld [smem:$0x3F9E]  }
0x28: {  	s2 =	sld [smem:$0x3F9F]  }
0x29: {  	s4 =	sld [smem:$0x3FA1]  }
0x2a: {  	p0 =	seq.s32 s5, $0x0;
	s5 =	sld [smem:$0x3FA2]  }
0x2b: {  	s6 =	sld [smem:$0x3FA3]  }
0x2c: {  	s7 =	sld [smem:$0x3FA4]  }
0x2d: {  	s3 =	simm.s32 $0x108;
	s8 =	sld [smem:$0x3FA5]  }
0x2e: {  	s3 =	simm.s32 @!p0 $0x1082;
	s9 =	sld [smem:$0x3FA6]  }
0x2f: {  	lr =	sadd.s32 s0, s3;
	s0 =	sld [smem:$0x3F9D]  }
0x30: {  	s3 =	sld [smem:$0x3FA0]  }
0x31: {  	[smem:$0x3FA9] =	sst s10  }
0x32: {  	s10 =	sld [smem:$0x3FA7];
	_ =	sdelay $0x3  }
0x33: {  	p0 =	seq.s32 s10, $0x1;
	s10 =	sld [smem:$0x3FA9];
	_ =	sdelay $0x3  }
0x34: {  	[smem:$0x3FA9] =	sst s10  }
0x35: {  	s10 =	sld [smem:$0x3FA8];
	_ =	sdelay $0x3  }
0x36: {  	p1 =	seq.s32 s10, $0x1;
	s10 =	sld [smem:$0x3FA9];
	_ =	sdelay $0x3  }
0x37: {  	[smem:$0x3FA9] =	sst s10  }
0x38: {  	s10 =	sld [smem:$0x3FAA]  }
0x39: {  	_ = 	snop;
	(pc) =	sbr.ind lr, $3  }
0x3a: {  	_ = 	snop  }
0x3b: {  	_ = 	snop  }
0x3c: {  	p2 =	seq.s32 s10, $0x1;
	s10 =	sld [smem:$0x3FA9]  }
0x3d: {  	_ =	shalt  }
0x3e: {  	_ =	shalt  }
0x3f: {  	_ =	shalt  }
0x40: {  	_ =	shalt  }
0x41: {  	_ =	shalt  }
0x42: {  	_ =	shalt  }
0x43: {  	_ =	shalt  }
0x44: {  	_ =	shalt  }
0x45: {  	_ =	shalt  }
0x46: {  	_ =	shalt  }
0x47: {  	_ =	shalt  }
0x48: {  	_ =	shalt  }
0x49: {  	_ =	shalt  }
0x4a: {  	_ =	shalt  }
0x4b: {  	_ =	shalt  }
0x4c: {  	_ =	shalt  }
0x4d: {  	_ =	shalt  }
0x4e: {  	_ =	shalt  }
0x4f: {  	_ =	shalt  }
0x50: {  	_ =	shalt  }
0x51: {  	_ =	shalt  }
0x52: {  	_ =	shalt  }
0x53: {  	_ =	shalt  }
0x54: {  	_ =	shalt  }
0x55: {  	_ =	shalt  }
0x56: {  	_ =	shalt  }
0x57: {  	_ =	shalt  }
0x58: {  	_ =	shalt  }
0x59: {  	_ =	shalt  }
0x5a: {  	_ =	shalt  }
0x5b: {  	_ =	shalt  }
0x5c: {  	_ =	shalt  }
0x5d: {  	_ =	shalt  }
0x5e: {  	_ =	shalt  }
0x5f: {  	_ =	shalt  }
0x60: {  	_ =	shalt  }
0x61: {  	_ =	shalt  }
0x62: {  	_ =	shalt  }
0x63: {  	_ =	shalt  }
0x64: {  	_ =	shalt  }
0x65: {  	_ =	shalt  }
0x66: {  	_ =	shalt  }
0x67: {  	_ =	shalt  }
0x68: {  	_ =	shalt  }
0x69: {  	_ =	shalt  }
0x6a: {  	_ =	shalt  }
0x6b: {  	_ =	shalt  }
0x6c: {  	_ =	shalt  }
0x6d: {  	_ =	shalt  }
0x6e: {  	_ =	shalt  }
0x6f: {  	_ =	shalt  }
0x70: {  	_ =	shalt  }
0x71: {  	_ =	shalt  }
0x72: {  	_ =	shalt  }
0x73: {  	_ =	shalt  }
0x74: {  	_ =	shalt  }
0x75: {  	_ =	shalt  }
0x76: {  	_ =	shalt  }
0x77: {  	_ =	shalt  }
0x78: {  	_ =	shalt  }
0x79: {  	_ =	shalt  }
0x7a: {  	_ =	shalt  }
0x7b: {  	_ =	shalt  }
0x7c: {  	_ =	shalt  }
0x7d: {  	_ =	shalt  }
0x7e: {  	_ =	shalt  }
0x7f: {  	_ =	shalt  }
0x80: {  	_ =	shalt  }
0x81: {  	_ =	shalt  }
0x82: {  	_ =	shalt  }
0x83: {  	_ =	shalt  }
0x84: {  	_ =	shalt  }
0x85: {  	_ =	shalt  }
0x86: {  	_ =	shalt  }
0x87: {  	_ =	shalt  }
.Lfunc_end0:
.L_simem_size_0:
called_computation.1_lowered:
.L_overlay_start_0:
0x88: {  	s2 =	sld [smem:$0x3FD9]  }
0x89: {  	s3 =	sld [smem:$0x3FFE];
	_ =	sdelay $0x1  }
0x8a: {  	s1 =	srdreg.scid  }
0x8b: {  	s0 =	sand.u32 $0x1, s1  }
0x8c: {  	s16 =	sshll.u32 s0, $0xA;
	s2 =	sadd.s32 s3, s2  }
0x8d: {  	s2 =	sadd.s32 s2, s16  }
0x8e: {  	[smem:$0x3FB5] =	sst s2  }
0x8f: {  	_ = 	snop  }
0x90: {  	(tm) =	ssettm $0x1  }
0x91: {  	s17 =	sld [smem:$0x3FFB];
	_ =	sdelay $0x3  }
0x92: {  	_ =	strace s17  }
0x93: {  	s2 =	sld [smem:$0x3FFC];
	_ =	sdelay $0x3  }
0x94: {  	_ =	strace s2  }
0x95: {  	s2 =	sld [smem:$0x3FFD];
	_ =	sdelay $0x3  }
0x96: {  	_ =	strace s2  }
0x97: {  	_ =	strace $0x8FFFFFFF  }
0x98: {  	s18 =	sld [smem:$0x3FDB];
	_ =	sdelay $0x1  }
0x99: {  	s19 =	simm.s32 $_scs_section_size  }
0x9a: {  	s4 =	simm.s32 $_size__tile_overlayer_lowered;
	s5 =	simm.s32 $_tile_overlayer_lowered  }
0x9b: {  	s22 =	simm.s32 $0x1BFF;
	s21 =	sshll.u32 s5, $0x1;
	s2 =	sadd.s32 s19, s18  }
0x9c: {  	s6 =	simm.s32 $0x0;
	s20 =	sshll.u32 s4, $0x1;
	s4 =	sadd.s32 s21, s2  }
0x9d: {  	[timem:s6], [sflag:s22] =	dma.local [hbm:s4], s20  }
0x9e: {  	_ =	swait.ge [sflag:s22], s20  }
0x9f: {  	s3 =	ssub.s32 $0x0, s20;
	[sflag:s22] =	ssyncset.done $0x0  }
0xa0: {  	[sflag:s22] =	ssyncadd.s32 s3;
	_ =	sdelay $0x1  }
0xa1: {  	s23 =	simm.s32 $0x1B8B  }
0xa2: {  	_ =	swait.ge [sflag:s23], $0x1  }
0xa3: {  	[sflag:s23] =	ssyncset.done $0x0  }
0xa4: {  	s25 =	simm.s32 $0x1B8E;
	s24 =	sld [smem:$0x3FFE];
	[sflag:s23] =	ssyncadd.s32 $0xFFFFFFFF  }
0xa5: {  	s26 =	simm.s32 $execute0_lowered;
	[smem:$0x3FD2] =	sst s25  }
0xa6: {  	s4 =	sshll.u32 s26, $0x1;
	_ =	strace $0x80000049;
	[dreg:$0x1] =	wrdreg $0xFFFFFFFF  }
0xa7: {  	s28 =	simm.s32 $_size_execute0_lowered;
	s2 =	sadd.s32 s2, s4;
	[dreg:$0x0] =	wrdreg $0x0  }
0xa8: {  	s4 =	sshll.u32 s28, $0x1;
	[dreg:$0x2] =	wrdreg s2  }
0xa9: {  	[dreg:$0x3] =	wrdreg s4  }
0xaa: {  	[dreg:$0x4] =	wrdreg $0xC0  }
0xab: {  	_ =	task [dreg:s6], $0x5FFFF  }
0xac: {  	[dreg:$0x1] =	wrdreg $0xFFFFFFFF  }
0xad: {  	[dreg:$0x0] =	wrdreg $0x60  }
0xae: {  	[dreg:$0x2] =	wrdreg s24  }
0xaf: {  	[dreg:$0x3] =	wrdreg $0x8B100  }
0xb0: {  	[dreg:$0x4] =	wrdreg $0x9  }
0xb1: {  	_ =	task.clear_ibuf [dreg:s6], $0x5FFFF;
	_ =	strace $0x90000049  }
0xb2: {  	s29 =	simm.s32 $0x9;
	_ =	strace $0x8000004B  }
0xb3: {  	_ =	swait.ge [sflag:s29], $0x1  }
0xb4: {  	[sflag:s29] =	ssyncadd.s32 $0xFFFFFFFF  }
0xb5: {  	_ =	strace $0x9000004B  }
0xb6: {  	_ =	sfence  }
0xb7: {  	s30 =	sld [smem:$0x0];
	_ =	sdelay $0x2  }
0xb8: {  	s31 =	sshll.u32 s1, $0xD;
	s1 =	sshrl.u32 s1, $0x2  }
0xb9: {  	s3 =	sand.u32 $0x4000, s31;
	s1 =	sadd.s32 s1, s30  }
0xba: {  	s0 =	sor.u32 s3, s0;
	s1 =	sshll.u32 s1, $0x11  }
0xbb: {  	s0 =	sor.u32 s1, s0  }
0xbc: {  	s0 =	sadd.s32 $0x8F2B, s0  }
0xbd: {  	[sflag:s0] =	ssyncadd.remote.s32 $0x1  }
0xbe: {  	_ =	sfence.sel $0xFFFF  }
0xbf: {  	[dreg:$0x0] =	wrdreg $0xFFFFFFFF;
	(pc) =	sbr.abs _section_cstart, $3  }
0xc0: {  	[dreg:$0x1] =	wrdreg $0xFFFFFFFF  }
0xc1: {  	_ =	task.clear_ibuf [dreg:s6], $0x2FFFF;
	_ =	strace $0x9FFFFFFF  }
0xc2: {  	(tm) =	ssettm $0x7FFFFFFF  }
0xc3: {  	_ =	shalt  }
tec
execute0_lowered:
.L_overlay_start_1:
0x0: {  	(tag) =	ssettag $0x1  }
0x1: {  	s0 =	rddreg [dreg:$0x0]  }
0x2: {  	s2 =	rddreg [dreg:$0x1]  }
0x3: {  	s3 =	simm.s32 $0x0;
	s22 =	stileid.u32;
	s6 =	srdreg.scid  }
0x4: {  	[smem:$0x7FF] =	sst s3;
	s1 =	smul.u32 $0x13800, s22  }
0x5: {  	s5 =	sadd.s32 $0x3A00, s0;
	s4 =	sadd.s32 $0x3E600, s0;
	s8 =	sadd.s32 $0x65800, s0  }
0x6: {  	s9 =	sand.u32 $0x1, s6;
	s10 =	sshll.u32 s22, $0x1;
	s11 =	sadd.s32 $0xF8200, s0  }
0x7: {  	s13 =	sadd.s32 $0x146400, s0;
	s24 =	sshll.u32 s22, $0x6;
	s19 =	smul.u32 $0x4E00, s22  }
0x8: {  	p1 =	sne.s32 s22, $0xF;
	p2 =	sgt.u32 s22, $0x1;
	s28 =	sadd.s32 $0x138000, s2  }
0x9: {  	p3 =	sgt.u32 s22, $0x6;
	_ =	strace $0x8000004A;
	s15 =	smul.u32 $0x138800, s9  }
0xa: {  	s21 =	ssub.s32 $0x2, s9;
	s10 =	sor.u32 s9, s10;
	s9 =	smul.u32 $0x2700, s9  }
0xb: {  	s7 =	sshrl.u32 s1, $0x3;
	s12 =	sshrl.u32 s21, $0x1;
	s14 =	smul.u32 $0x2700, s10  }
0xc: {  	s23 =	sadd.s32 s1, s2;
	s16 =	sshll.u32 s10, $0xB;
	s17 =	sor.u32 $0x20, s10  }
0xd: {  	s18 =	sor.u32 $0x40, s10;
	p0 =	sne.s32 s10, $0x1F;
	s20 =	sadd.s32 s7, s0  }
0xe: {  	s12 =	ssub.s32 s21, s12;
	[dreg:$0x3] =	wrdreg s23;
	s7 =	sor.u32 $0x1C04, s24  }
0xf: {  	s1 =	sadd.s32 s1, s15;
	s15 =	sshrl.u32 s15, $0x3;
	s21 =	sshll.u32 s18, $0xB  }
0x10: {  	s16 =	sadd.s32 s8, s16;
	s9 =	sadd.s32 s9, s19;
	s24 =	sshll.u32 s18, $0x4  }
0x11: {  	s6 =	sadd.s32 $0x17400, s20;
	s14 =	sshrl.u32 s14, $0x3;
	s1 =	sshrl.u32 s1, $0x3  }
0x12: {  	s20 =	sshll.u32 s17, $0xB;
	[dreg:$0x4] =	wrdreg s16;
	s15 =	sadd.s32 $0x27000, s15  }
0x13: {  	s19 =	sadd.s32 $0x4E300, s9;
	s23 =	sadd.s32 s5, s14;
	s14 =	sshll.u32 s10, $0x4  }
0x14: {  	s25 =	sadd.s32 s8, s20;
	s8 =	sadd.s32 s8, s21;
	s26 =	sadd.s32 s11, s1  }
0x15: {  	s20 =	sadd.s32 $0xD640, s0;
	s21 =	sshll.u32 s17, $0x4;
	[dreg:$0x5] =	wrdreg s25  }
0x16: {  	s11 =	sadd.s32 s11, s15;
	s1 =	sadd.s32 s13, s1;
	[dreg:$0x6] =	wrdreg s8  }
0x17: {  	s16 =	sadd.s32 s13, s15;
	s17 =	sadd.s32 $0x100, s9;
	[dreg:$0x7] =	wrdreg s26  }
0x18: {  	s9 =	simm.s32 $0x80;
	s10 =	simm.s32 $0x300;
	[dreg:$0x8] =	wrdreg s11  }
0x19: {  	s13 =	simm.s32 $0x0;
	s25 =	sadd.s32 s21, s20;
	[dreg:$0xb] =	wrdreg s1  }
0x1a: {  	s26 =	sadd.s32 s24, s20;
	[dreg:$0xc] =	wrdreg s16;
	s18 =	sadd.s32 s14, s20  }
0x1b: {  	s1 =	sshrl.u32 s17, $0x3;
	s20 =	sadd.s32 s14, s5;
	[dreg:$0x9] =	wrdreg s25  }
0x1c: {  	s21 =	sshrl.u32 s19, $0x3;
	s29 =	sadd.s32 $0x9C40, s23;
	[dreg:$0xa] =	wrdreg s26  }
0x1d: {  	s30 =	sadd.s32 $0x10, s23;
	[dreg:$0xd] =	wrdreg s18;
	s1 =	sadd.s32 s1, s5  }
0x1e: {  	s31 =	sadd.s32 $0x9C50, s23;
	s24 =	sadd.s32 $0x9C00, s20;
	[dreg:$0xe] =	wrdreg s1  }
0x1f: {  	s11 =	simm.s32 $0x2;
	s25 =	sadd.s32 $0x13840, s20;
	[dreg:$0x10] =	wrdreg s24  }
.Ltmp0:
0x20: {  	s26 =	sadd.s32 $0xDB20, s0;
	[dreg:$0x11] =	wrdreg s25;
	(pc) =	sbr.rel .LBB2_1-.Ltmp0, $4  }
0x21: {  	s1 =	sadd.s32 s21, s5;
	s21 =	sadd.s32 $0x3E400, s0;
	[dreg:$0x12] =	wrdreg s26  }
0x22: {  	s0 =	sadd.s32 $0x8C800, s0;
	s26 =	smax.u32 s12, $0x1;
	s25 =	smov.u32 s23  }
0x23: {  	s5 =	simm.s32 $0x1;
	s12 =	simm.s32 $0x3;
	[dreg:$0xf] =	wrdreg s1  }
0x24: {  	[dreg:$0x13] =	wrdreg s0;
	s0 =	simm.s32 $0x4;
	s1 =	simm.s32 $0x180  }
.LBB2_3:
0x25: {  	s8 =	sshll.u32 s8, $0x7  }
0x26: {  	s8 =	sadd.s32 $0x180, s8  }
0x27: {  	[spmem:s2] =	stream.indirect.scatter.add.f32 [tilespmem:s18], [sflag:$0x3], $0x80, s8, s9, $0xb8;
	[tilespmem:$0x1C390] =	vst v63  }
.LBB2_5:
0x28: {  	_ =	swait.ge [sflag:s12], $0x4000  }
0x29: {  	[sflag:s12] =	ssyncset.done $0x0  }
0x2a: {  	s8 =	simm.s32 @!p2 $0x0;
	s16 =	rddreg [dreg:$0x10];
	[sflag:s12] =	ssyncadd.s32 $0xFFFFC000  }
0x2b: {  	[tilespmem:s8], [sflag:$0x1] =	stream.linear.gather @!p2 [hbm4b:s16+s8], $0x80, $0x38;
	[tilespmem:$0x1C390] =	vst v63  }
0x2c: {  	s17 =	rddreg [dreg:$0x11];
	s16 =	simm.s32 @!p2 $0x180  }
0x2d: {  	[tilespmem:s16], [sflag:$0x1] =	stream.linear.gather @!p2 [hbm4b:s17+s8], $0x80, $0x38;
	[tilespmem:$0x1C390] =	vst v63  }
0x2e: {  	s17 =	simm.s32 @!p2 $0x1  }
0x2f: {  	_ =	swait.ge @!p2 [sflag:s17], $0x80  }
0x30: {  	[sflag:s17] =	ssyncset.done @!p2 $0x0  }
0x31: {  	[sflag:s17] =	ssyncadd.s32 @!p2 $0xFFFFFF80  }
0x32: {  	_ =	swait.ge @!p2 [sflag:s17], $0x80  }
0x33: {  	[sflag:s17] =	ssyncset.done @!p2 $0x0  }
0x34: {  	s18 =	simm.s32 @!p2 $0x300;
	[sflag:s17] =	ssyncadd.s32 @!p2 $0xFFFFFF80;
	s17 =	simm.s32 @!p2 $0x80  }
0x35: {  	[tilespmem:s18], [sflag:$0x2] =	stream.indirect.gather @!p2 [hbm4b:s4+s17], $0x80, s8, s17, $0xb8;
	[tilespmem:$0x1C390] =	vst v63  }
0x36: {  	s8 =	simm.s32 @!p2 $0x2  }
0x37: {  	_ =	swait.ge @!p2 [sflag:s8], $0x4000  }
0x38: {  	[sflag:s8] =	ssyncset.done @!p2 $0x0  }
0x39: {  	[sflag:s8] =	ssyncadd.s32 @!p2 $0xFFFFC000;
	s8 =	simm.s32 @!p2 $0x3  }
0x3a: {  	[spmem:s2] =	stream.indirect.scatter.add.f32 @!p2 [tilespmem:s18], [sflag:$0x3], $0x80, s16, s17, $0xb8;
	[tilespmem:$0x1C390] =	vst v63  }
0x3b: {  	_ =	swait.ge @!p2 [sflag:s8], $0x4000  }
0x3c: {  	[sflag:s8] =	ssyncset.done @!p2 $0x0  }
0x3d: {  	[sflag:s8] =	ssyncadd.s32 @!p2 $0xFFFFC000  }
0x3e: {  	[bflag:$0x0] =	sbarrier.arrive $0xFFFF  }
0x3f: {  	s18 =	rddreg [dreg:$0x7]  }
0x40: {  	[hbm:s18], [sflag:s7] =	dma.local [spmem:s14], $0x2700  }
0x41: {  	_ =	swait.ge [sflag:s0], $0x2700  }
0x42: {  	[sflag:s0] =	ssyncset.done $0x0  }
0x43: {  	[sflag:s0] =	ssyncadd.s32 $0xFFFFD900  }
0x44: {  	[spmem:s14], [sflag:s7] =	dma.local [hbm:s6], $0x2700  }
0x45: {  	_ =	swait.ge [sflag:s0], $0x2700  }
0x46: {  	[sflag:s0] =	ssyncset.done $0x0  }
0x47: {  	s16 =	simm.s32 @!p1 $0x4;
	s8 =	rddreg [dreg:$0x8];
	[sflag:s0] =	ssyncadd.s32 $0xFFFFD900  }
0x48: {  	[hbm:s8], [sflag:s7] =	dma.local @!p1 [spmem:s15], $0x100  }
0x49: {  	_ =	swait.ge @!p1 [sflag:s16], $0x100  }
0x4a: {  	[sflag:s16] =	ssyncset.done @!p1 $0x0  }
0x4b: {  	[sflag:s16] =	ssyncadd.s32 @!p1 $0xFFFFFF00  }
0x4c: {  	[spmem:s15], [sflag:s7] =	dma.local @!p1 [hbm:s21], $0x100  }
0x4d: {  	_ =	swait.ge @!p1 [sflag:s16], $0x100  }
0x4e: {  	[sflag:s16] =	ssyncset.done @!p1 $0x0  }
0x4f: {  	[sflag:s16] =	ssyncadd.s32 @!p1 $0xFFFFFF00  }
0x50: {  	[bflag:$0x0] =	sbarrier.arrive $0xFFFF  }
0x51: {  	s19 =	rddreg [dreg:$0xd]  }
0x52: {  	[tilespmem:s1], [sflag:$0x4] =	stream.linear.gather [hbm4b:s19+s3], $0x80, $0x38;
	[tilespmem:$0x1C390] =	vst v63  }
0x53: {  	_ =	swait.ge [sflag:s0], $0x80  }
0x54: {  	[sflag:s0] =	ssyncset.done $0x0  }
0x55: {  	s20 =	rddreg [dreg:$0x4];
	[sflag:s0] =	ssyncadd.s32 $0xFFFFFF80  }
0x56: {  	[tilespmem:s10], [sflag:$0x4] =	stream.linear.gather [hbm4b:s20+s3], $0x4000, $0x38;
	[tilespmem:$0x1C390] =	vst v63  }
0x57: {  	_ =	swait.ge [sflag:s0], $0x4000  }
0x58: {  	[sflag:s0] =	ssyncset.done $0x0  }
0x59: {  	[sflag:s0] =	ssyncadd.s32 $0xFFFFC000  }
0x5a: {  	[spmem:s2] =	stream.indirect.scatter.add.f32 [tilespmem:s10], [sflag:$0x3], $0x80, s1, s9, $0xb8;
	[tilespmem:$0x1C390] =	vst v63  }
0x5b: {  	_ =	swait.ge [sflag:s12], $0x4000  }
0x5c: {  	[sflag:s12] =	ssyncset.done $0x0  }
0x5d: {  	s22 =	rddreg [dreg:$0x9];
	[sflag:s12] =	ssyncadd.s32 $0xFFFFC000  }
0x5e: {  	[tilespmem:s1], [sflag:$0x4] =	stream.linear.gather [hbm4b:s22+s3], $0x80, $0x38;
	[tilespmem:$0x1C390] =	vst v63  }
0x5f: {  	_ =	swait.ge [sflag:s0], $0x80  }
0x60: {  	[sflag:s0] =	ssyncset.done $0x0  }
0x61: {  	s23 =	rddreg [dreg:$0x5];
	[sflag:s0] =	ssyncadd.s32 $0xFFFFFF80  }
0x62: {  	[tilespmem:s10], [sflag:$0x4] =	stream.linear.gather [hbm4b:s23+s3], $0x4000, $0x38;
	[tilespmem:$0x1C390] =	vst v63  }
0x63: {  	_ =	swait.ge [sflag:s0], $0x4000  }
0x64: {  	[sflag:s0] =	ssyncset.done $0x0  }
0x65: {  	[sflag:s0] =	ssyncadd.s32 $0xFFFFC000  }
0x66: {  	[spmem:s2] =	stream.indirect.scatter.add.f32 [tilespmem:s10], [sflag:$0x3], $0x80, s1, s9, $0xb8;
	[tilespmem:$0x1C390] =	vst v63  }
0x67: {  	_ =	swait.ge [sflag:s12], $0x4000  }
0x68: {  	s17 =	simm.s32 @!p3 $0x180;
	[sflag:s12] =	ssyncset.done $0x0  }
0x69: {  	s8 =	simm.s32 @!p3 $0x0;
	s18 =	rddreg [dreg:$0xa];
	[sflag:s12] =	ssyncadd.s32 $0xFFFFC000  }
0x6a: {  	[tilespmem:s17], [sflag:$0x4] =	stream.linear.gather @!p3 [hbm4b:s18+s8], $0x80, $0x38;
	[tilespmem:$0x1C390] =	vst v63  }
0x6b: {  	s18 =	simm.s32 @!p3 $0x4  }
0x6c: {  	_ =	swait.ge @!p3 [sflag:s18], $0x80  }
0x6d: {  	[sflag:s18] =	ssyncset.done @!p3 $0x0  }
0x6e: {  	s19 =	simm.s32 @!p3 $0x300;
	s20 =	rddreg [dreg:$0x6];
	[sflag:s18] =	ssyncadd.s32 @!p3 $0xFFFFFF80  }
0x6f: {  	[tilespmem:s19], [sflag:$0x4] =	stream.linear.gather @!p3 [hbm4b:s20+s8], $0x4000, $0x38;
	[tilespmem:$0x1C390] =	vst v63  }
0x70: {  	_ =	swait.ge @!p3 [sflag:s18], $0x4000  }
0x71: {  	[sflag:s18] =	ssyncset.done @!p3 $0x0  }
0x72: {  	s8 =	simm.s32 @!p3 $0x80;
	[sflag:s18] =	ssyncadd.s32 @!p3 $0xFFFFC000  }
0x73: {  	[spmem:s2] =	stream.indirect.scatter.add.f32 @!p3 [tilespmem:s19], [sflag:$0x3], $0x80, s17, s8, $0xb8;
	[tilespmem:$0x1C390] =	vst v63  }
0x74: {  	s8 =	simm.s32 @!p3 $0x3  }
0x75: {  	_ =	swait.ge @!p3 [sflag:s8], $0x4000  }
0x76: {  	s17 =	simm.s32 @!p0 $0x8300;
	[sflag:s8] =	ssyncset.done @!p3 $0x0  }
0x77: {  	s18 =	rddreg [dreg:$0x12];
	[sflag:s8] =	ssyncadd.s32 @!p3 $0xFFFFC000;
	s8 =	simm.s32 @!p0 $0x0  }
0x78: {  	[tilespmem:s17], [sflag:$0x4] =	stream.linear.gather @!p0 [hbm4b:s18+s8], $0x10, $0x38;
	[tilespmem:$0x1C390] =	vst v63  }
0x79: {  	s18 =	simm.s32 @!p0 $0x4  }
0x7a: {  	_ =	swait.ge @!p0 [sflag:s18], $0x10  }
0x7b: {  	[sflag:s18] =	ssyncset.done @!p0 $0x0  }
0x7c: {  	s19 =	simm.s32 @!p0 $0x8310;
	s20 =	rddreg [dreg:$0x13];
	[sflag:s18] =	ssyncadd.s32 @!p0 $0xFFFFFFF0  }
0x7d: {  	[tilespmem:s19], [sflag:$0x4] =	stream.linear.gather @!p0 [hbm4b:s20+s8], $0x800, $0x38;
	[tilespmem:$0x1C390] =	vst v63  }
0x7e: {  	_ =	swait.ge @!p0 [sflag:s18], $0x800  }
0x7f: {  	[sflag:s18] =	ssyncset.done @!p0 $0x0  }
0x80: {  	s8 =	simm.s32 @!p0 $0x10;
	[sflag:s18] =	ssyncadd.s32 @!p0 $0xFFFFF800  }
0x81: {  	[spmem:s2] =	stream.indirect.scatter.add.f32 @!p0 [tilespmem:s19], [sflag:$0x3], $0x80, s17, s8, $0xb8;
	[tilespmem:$0x1C390] =	vst v63  }
0x82: {  	s8 =	simm.s32 @!p0 $0x3  }
0x83: {  	_ =	swait.ge @!p0 [sflag:s8], $0x800  }
0x84: {  	[sflag:s8] =	ssyncset.done @!p0 $0x0  }
0x85: {  	[sflag:s8] =	ssyncadd.s32 @!p0 $0xFFFFF800  }
0x86: {  	[bflag:$0x0] =	sbarrier.arrive $0xFFFF  }
0x87: {  	s24 =	rddreg [dreg:$0xb]  }
0x88: {  	[hbm:s24], [sflag:s7] =	dma.local [spmem:s14], $0x2700  }
0x89: {  	s13 =	sadd.s32 $0x1, s13;
	_ =	swait.ge [sflag:s0], $0x2700  }
0x8a: {  	p4 =	sne.s32 s13, s26;
	[sflag:s0] =	ssyncset.done $0x0  }
.Ltmp1:
0x8b: {  	s8 =	rddreg [dreg:$0xc];
	[sflag:s0] =	ssyncadd.s32 $0xFFFFD900;
	(pc) =	sbr.rel @!p4 .LBB2_6-.Ltmp1, $4  }
0x8c: {  	[hbm:s8], [sflag:s7] =	dma.local @!p1 [spmem:s15], $0x100  }
0x8d: {  	_ =	swait.ge @!p1 [sflag:s16], $0x100  }
0x8e: {  	[sflag:s16] =	ssyncset.done @!p1 $0x0  }
0x8f: {  	[sflag:s16] =	ssyncadd.s32 @!p1 $0xFFFFFF00  }
.LBB2_1:
0x90: {  	s8 =	rddreg [dreg:$0x3]  }
0x91: {  	s14 =	sshrl.u32 s8, $0x3  }
0x92: {  	[spmem:s14], [sflag:s7] =	dma.local [hbm:s6], $0x2700  }
0x93: {  	_ =	swait.ge [sflag:s0], $0x2700  }
0x94: {  	[sflag:s0] =	ssyncset.done $0x0  }
0x95: {  	s15 =	sshrl.u32 @!p1 s28, $0x3;
	s8 =	simm.s32 @!p1 $0x4;
	[sflag:s0] =	ssyncadd.s32 $0xFFFFD900  }
0x96: {  	[spmem:s15], [sflag:s7] =	dma.local @!p1 [hbm:s21], $0x100  }
0x97: {  	_ =	swait.ge @!p1 [sflag:s8], $0x100  }
0x98: {  	[sflag:s8] =	ssyncset.done @!p1 $0x0  }
0x99: {  	[sflag:s8] =	ssyncadd.s32 @!p1 $0xFFFFFF00  }
0x9a: {  	[bflag:$0x0] =	sbarrier.arrive $0xFFFF  }
0x9b: {  	[tilespmem:s3], [sflag:$0x1] =	stream.linear.gather [hbm4b:s25+s3], $0x80, $0x38;
	[tilespmem:$0x1C390] =	vst v63  }
0x9c: {  	_ = 	snop  }
0x9d: {  	[tilespmem:s1], [sflag:$0x1] =	stream.linear.gather [hbm4b:s29+s3], $0x80, $0x38;
	[tilespmem:$0x1C390] =	vst v63  }
0x9e: {  	_ =	swait.ge [sflag:s5], $0x80  }
0x9f: {  	[sflag:s5] =	ssyncset.done $0x0  }
0xa0: {  	[sflag:s5] =	ssyncadd.s32 $0xFFFFFF80  }
0xa1: {  	_ =	swait.ge [sflag:s5], $0x80  }
0xa2: {  	[sflag:s5] =	ssyncset.done $0x0  }
0xa3: {  	[sflag:s5] =	ssyncadd.s32 $0xFFFFFF80  }
0xa4: {  	[tilespmem:s10], [sflag:$0x2] =	stream.indirect.gather [hbm4b:s4+s9], $0x80, s3, s9, $0xb8;
	[tilespmem:$0x1C390] =	vst v63  }
0xa5: {  	s16 =	rddreg [dreg:$0xf]  }
0xa6: {  	[tilespmem:s9], [sflag:$0x1] =	stream.linear.gather [hbm4b:s30+s3], $0x80, $0x38;
	[tilespmem:$0x1C390] =	vst v63  }
0xa7: {  	s24 =	simm.s32 $0x200;
	s17 =	simm.s32 $0x0;
	s19 =	rddreg [dreg:$0xe]  }
0xa8: {  	[tilespmem:s24], [sflag:$0x1] =	stream.linear.gather [hbm4b:s31+s3], $0x80, $0x38;
	[tilespmem:$0x1C390] =	vst v63  }
.LBB2_2:
0xa9: {  	p4 =	seq.s32 s17, $0x0  }
0xaa: {  	s18 =	simm.s32 @!p4 $0x3  }
0xab: {  	s22 =	smul.u32 $0xAB, s17;
	_ =	swait.ge @!p4 [sflag:s18], $0x4000  }
0xac: {  	[sflag:s18] =	ssyncset.done @!p4 $0x0  }
0xad: {  	s8 =	sshrl.u32 s22, $0x9;
	[sflag:s18] =	ssyncadd.s32 @!p4 $0xFFFFC000;
	p4 =	sne.s32 s17, $0x4D  }
.Ltmp2:
0xae: {  	s8 =	sand.u32 $0x7F, s8;
	(pc) =	sbr.rel @!p4 .LBB2_3-.Ltmp2, $4  }
0xaf: {  	s8 =	smul.u32 $0x3, s8  }
0xb0: {  	s24 =	sand.u32 $0x1, s17;
	_ =	swait.ge [sflag:s11], $0x4000  }
0xb1: {  	s20 =	sshll.u32 s24, $0xE;
	s8 =	ssub.s32 s17, s8;
	[sflag:s11] =	ssyncset.done $0x0  }
0xb2: {  	s18 =	sor.u32 $0x300, s20;
	s8 =	sand.u32 $0xFF, s8;
	[sflag:s11] =	ssyncadd.s32 $0xFFFFC000  }
0xb3: {  	s23 =	sadd.s32 $0xAB, s22  }
0xb4: {  	s24 =	sadd.s32 $0x156, s22;
	s23 =	sshrl.u32 s23, $0x9  }
0xb5: {  	_ =	swait.ge [sflag:s5], $0x80;
	s22 =	sshrl.u32 s24, $0x9;
	s23 =	sand.u32 $0x7F, s23  }
0xb6: {  	[sflag:s5] =	ssyncset.done $0x0;
	s22 =	sand.u32 $0x7F, s22;
	s23 =	smul.u32 $0x3, s23  }
0xb7: {  	s24 =	sadd.s32 $0x1, s17;
	[sflag:s5] =	ssyncadd.s32 $0xFFFFFF80;
	s22 =	smul.u32 $0x3, s22  }
0xb8: {  	s20 =	sxor.u32 $0x4300, s20;
	_ =	swait.ge [sflag:s5], $0x80;
	s23 =	ssub.s32 s24, s23  }
0xb9: {  	[sflag:s5] =	ssyncset.done $0x0;
	s22 =	ssub.s32 s17, s22;
	s23 =	sand.u32 $0xFF, s23  }
0xba: {  	[sflag:s5] =	ssyncadd.s32 $0xFFFFFF80;
	s22 =	sadd.s32 $0x2, s22;
	s23 =	sshll.u32 s23, $0x7  }
0xbb: {  	[tilespmem:s20], [sflag:$0x2] =	stream.indirect.gather [hbm4b:s4+s9], $0x80, s23, s9, $0xb8;
	[tilespmem:$0x1C390] =	vst v63  }
0xbc: {  	p4 =	sgt.u32 s17, $0x4B;
	s20 =	sand.u32 $0xFF, s22  }
0xbd: {  	s17 =	sshll.u32 @!p4 s20, $0x7;
	s20 =	simm.s32 @!p4 $0x0  }
0xbe: {  	[tilespmem:s17], [sflag:$0x1] =	stream.linear.gather @!p4 [hbm4b:s19+s20], $0x80, $0x38;
	[tilespmem:$0x1C390] =	vst v63  }
0xbf: {  	s17 =	sadd.s32 @!p4 $0x180, s17  }
0xc0: {  	[tilespmem:s17], [sflag:$0x1] =	stream.linear.gather @!p4 [hbm4b:s16+s20], $0x80, $0x38;
	[tilespmem:$0x1C390] =	vst v63  }
0xc1: {  	p4 =	sne.s32 s24, $0x4E  }
.Ltmp3:
0xc2: {  	_ = 	snop;
	(pc) =	sbr.rel @p4 .LBB2_2-.Ltmp3, $4  }
.Ltmp4:
0xc3: {  	s8 =	sshll.u32 s8, $0x7;
	(pc) =	sbr.rel @!p4 .LBB2_5-.Ltmp4, $4  }
0xc4: {  	s8 =	sadd.s32 $0x180, s8  }
0xc5: {  	s19 =	sadd.s32 $0x10, s19;
	s16 =	sadd.s32 $0x10, s16;
	s17 =	smov.u32 s24  }
0xc6: {  	[spmem:s2] =	stream.indirect.scatter.add.f32 [tilespmem:s18], [sflag:$0x3], $0x80, s8, s9, $0xb8;
	[tilespmem:$0x1C390] =	vst v63  }
0xc7: {  	_ = 	snop  }
.LBB2_6:
0xc8: {  	_ =	sfence.sel $0x180000  }
0xc9: {  	[bflag:$0x0] =	sbarrier.arrive $0xFFFF  }
0xca: {  	_ =	strace $0x9000004A  }
0xcb: {  	s0 =	stileid.u32;
	[bflag:$0x2] =	sbarrier.arrive $0xFFFF  }
0xcc: {  	p0 =	sne.s32 s0, $0x0;
	s0 =	rddreg [dreg:$0x2]  }
0xcd: {  	s0 =	sadd.s32 @!p0 $0x100000, s0  }
0xce: {  	[sflag:s0] =	ssyncadd.tile.s32 @!p0 $0x1;
	_ =	shalt  }
.Lfunc_end2:
_tile_overlayer_lowered:
.L_overlay_start_2:
0xcf: {  	(tag) =	ssettag $0x2  }
0xd0: {  	s0 =	rddreg [dreg:$0x0];
	s2 =	stileid.u32  }
0xd1: {  	s1 =	rddreg [dreg:$0x1];
	p0 =	sne.s32 s2, $0x0  }
0xd2: {  	s3 =	rddreg [dreg:$0x2];
	[bflag:$0x3] =	sbarrier.arrive $0xFFFF;
	s2 =	simm.s32 @!p0 $0x1C04  }
0xd3: {  	[timem:s3], [sflag:s2] =	dma.local @!p0 [hbm:s0], s1  }
0xd4: {  	s0 =	simm.s32 @!p0 $0x4  }
0xd5: {  	_ =	swait.ge @!p0 [sflag:s0], s1  }
0xd6: {  	s1 =	ssub.s32 @!p0 $0x0, s1;
	[sflag:s0] =	ssyncset.done @!p0 $0x0  }
0xd7: {  	[sflag:s0] =	ssyncadd.s32 @!p0 s1  }
0xd8: {  	[bflag:$0x3] =	sbarrier.arrive $0xFFFF  }
0xd9: {  	_ =	shalt  }

// kernel: kernel.13.cloned.1.call-start
scs
__scs_entry_jumppad:
0x0: {  	(pc) =	sbr.rel $0x88, $3  }
0x1: {  	(tag) =	ssettag $0x0;
	lr =	simm.s32 $0x1  }
0x2: {  	[smem:$0x3F8E] =	sst lr;
	_ =	strace $0xD0000000  }
0x3: {  	_ = 	snop  }
0x4: {  	_ = 	snop  }
0x5: {  	_ = 	snop  }
0x6: {  	_ = 	snop  }
0x7: {  	_ = 	snop  }
__scs_overlays_trampoline_lowered:
0x8: {  	[smem:$0x3F9D] =	sst s0  }
0x9: {  	[smem:$0x3F9E] =	sst s1  }
0xa: {  	[smem:$0x3F9F] =	sst s2  }
0xb: {  	[smem:$0x3FA0] =	sst s3  }
0xc: {  	[smem:$0x3FA1] =	sst s4  }
0xd: {  	[smem:$0x3FA2] =	sst s5  }
0xe: {  	[smem:$0x3FA3] =	sst s6  }
0xf: {  	[smem:$0x3FA4] =	sst s7  }
0x10: {  	[smem:$0x3FA5] =	sst s8  }
0x11: {  	[smem:$0x3FA6] =	sst s9;
	s0 =	simm.s32 @!p0 $0x0  }
0x12: {  	s1 =	sld [smem:$0x3F8C];
	s0 =	simm.s32 @p0 $0x1  }
0x13: {  	[smem:$0x3FA7] =	sst s0;
	s0 =	simm.s32 @!p1 $0x0  }
0x14: {  	s2 =	sld [smem:$0x3F8B];
	s0 =	simm.s32 @p1 $0x1  }
0x15: {  	[smem:$0x3FA8] =	sst s0;
	s0 =	simm.s32 @!p2 $0x0  }
0x16: {  	s3 =	sld [smem:$0x3FDB];
	s0 =	simm.s32 @p2 $0x1  }
0x17: {  	s4 =	simm.s32 $0x1BF5;
	[smem:$0x3FAA] =	sst s0  }
0x18: {  	s0 =	sld [smem:$0x3F8D];
	_ =	swait.ge [sflag:s4], $0x0  }
0x19: {  	s7 =	sld [smem:$0x3F8E]  }
0x1a: {  	s8 =	sadd.s32 $0xFFFFE003, lr  }
0x1b: {  	s9 =	sadd.s32 $0xFFFFFEF7, lr;
	s5 =	simm.s32 $0xFFFFFFFF;
	p2 =	slt.u32 s8, $0xFFFFF086  }
0x1c: {  	p1 =	slt.u32 s9, $0xF7A;
	s5 =	simm.s32 @!p2 $0x0  }
0x1d: {  	s5 =	simm.s32 @p1 $0x1;
	p0 =	seq.s32 s7, s2  }
0x1e: {  	s7 =	smul.u32 @!p0 $0xF7A, s2;
	p2 =	seq.s32 @!p0 s5, $0x0  }
0x1f: {  	s9 =	smul.u32 $0xF7A, s1;
	s8 =	simm.s32 @!p0 $0x1BF5;
	p2 =	por !p2, p0  }
0x20: {  	[sflag:s8] =	ssyncset.s32 @!p0 $0xFFFFF086;
	s6 =	sadd.s32 @!p0 s3, s7;
	s7 =	simm.s32 @!p0 $0x108  }
0x21: {  	s3 =	sadd.s32 s3, s9;
	s6 =	sadd.s32 @!p0 $0x88, s6;
	s7 =	simm.s32 @p2 $0x1082  }
0x22: {  	[simem:s7], [sflag:s8] =	dma.local @!p0 [hbm:s6], $0xF7A  }
0x23: {  	s9 =	sor.u32 $0xD0000000, s2;
	s6 =	simm.s32 $0x108;
	_ =	swait.ge @!p0 [sflag:s8], $0x0  }
0x24: {  	s3 =	sadd.s32 $0x88, s3;
	s6 =	simm.s32 @!p1 $0x1082;
	[sflag:s4] =	ssyncset.s32 $0xFFFFF086  }
0x25: {  	[simem:s6], [sflag:s4] =	dma.local [hbm:s3], $0xF7A  }
0x26: {  	[smem:$0x3F8E] =	sst s1;
	(tag) =	ssettag s2;
	_ =	strace s9  }
0x27: {  	s1 =	sld [smem:$0x3F9E]  }
0x28: {  	s2 =	sld [smem:$0x3F9F]  }
0x29: {  	s4 =	sld [smem:$0x3FA1]  }
0x2a: {  	p0 =	seq.s32 s5, $0x0;
	s5 =	sld [smem:$0x3FA2]  }
0x2b: {  	s6 =	sld [smem:$0x3FA3]  }
0x2c: {  	s7 =	sld [smem:$0x3FA4]  }
0x2d: {  	s3 =	simm.s32 $0x108;
	s8 =	sld [smem:$0x3FA5]  }
0x2e: {  	s3 =	simm.s32 @!p0 $0x1082;
	s9 =	sld [smem:$0x3FA6]  }
0x2f: {  	lr =	sadd.s32 s0, s3;
	s0 =	sld [smem:$0x3F9D]  }
0x30: {  	s3 =	sld [smem:$0x3FA0]  }
0x31: {  	[smem:$0x3FA9] =	sst s10  }
0x32: {  	s10 =	sld [smem:$0x3FA7];
	_ =	sdelay $0x3  }
0x33: {  	p0 =	seq.s32 s10, $0x1;
	s10 =	sld [smem:$0x3FA9];
	_ =	sdelay $0x3  }
0x34: {  	[smem:$0x3FA9] =	sst s10  }
0x35: {  	s10 =	sld [smem:$0x3FA8];
	_ =	sdelay $0x3  }
0x36: {  	p1 =	seq.s32 s10, $0x1;
	s10 =	sld [smem:$0x3FA9];
	_ =	sdelay $0x3  }
0x37: {  	[smem:$0x3FA9] =	sst s10  }
0x38: {  	s10 =	sld [smem:$0x3FAA]  }
0x39: {  	_ = 	snop;
	(pc) =	sbr.ind lr, $3  }
0x3a: {  	_ = 	snop  }
0x3b: {  	_ = 	snop  }
0x3c: {  	p2 =	seq.s32 s10, $0x1;
	s10 =	sld [smem:$0x3FA9]  }
0x3d: {  	_ =	shalt  }
0x3e: {  	_ =	shalt  }
0x3f: {  	_ =	shalt  }
0x40: {  	_ =	shalt  }
0x41: {  	_ =	shalt  }
0x42: {  	_ =	shalt  }
0x43: {  	_ =	shalt  }
0x44: {  	_ =	shalt  }
0x45: {  	_ =	shalt  }
0x46: {  	_ =	shalt  }
0x47: {  	_ =	shalt  }
0x48: {  	_ =	shalt  }
0x49: {  	_ =	shalt  }
0x4a: {  	_ =	shalt  }
0x4b: {  	_ =	shalt  }
0x4c: {  	_ =	shalt  }
0x4d: {  	_ =	shalt  }
0x4e: {  	_ =	shalt  }
0x4f: {  	_ =	shalt  }
0x50: {  	_ =	shalt  }
0x51: {  	_ =	shalt  }
0x52: {  	_ =	shalt  }
0x53: {  	_ =	shalt  }
0x54: {  	_ =	shalt  }
0x55: {  	_ =	shalt  }
0x56: {  	_ =	shalt  }
0x57: {  	_ =	shalt  }
0x58: {  	_ =	shalt  }
0x59: {  	_ =	shalt  }
0x5a: {  	_ =	shalt  }
0x5b: {  	_ =	shalt  }
0x5c: {  	_ =	shalt  }
0x5d: {  	_ =	shalt  }
0x5e: {  	_ =	shalt  }
0x5f: {  	_ =	shalt  }
0x60: {  	_ =	shalt  }
0x61: {  	_ =	shalt  }
0x62: {  	_ =	shalt  }
0x63: {  	_ =	shalt  }
0x64: {  	_ =	shalt  }
0x65: {  	_ =	shalt  }
0x66: {  	_ =	shalt  }
0x67: {  	_ =	shalt  }
0x68: {  	_ =	shalt  }
0x69: {  	_ =	shalt  }
0x6a: {  	_ =	shalt  }
0x6b: {  	_ =	shalt  }
0x6c: {  	_ =	shalt  }
0x6d: {  	_ =	shalt  }
0x6e: {  	_ =	shalt  }
0x6f: {  	_ =	shalt  }
0x70: {  	_ =	shalt  }
0x71: {  	_ =	shalt  }
0x72: {  	_ =	shalt  }
0x73: {  	_ =	shalt  }
0x74: {  	_ =	shalt  }
0x75: {  	_ =	shalt  }
0x76: {  	_ =	shalt  }
0x77: {  	_ =	shalt  }
0x78: {  	_ =	shalt  }
0x79: {  	_ =	shalt  }
0x7a: {  	_ =	shalt  }
0x7b: {  	_ =	shalt  }
0x7c: {  	_ =	shalt  }
0x7d: {  	_ =	shalt  }
0x7e: {  	_ =	shalt  }
0x7f: {  	_ =	shalt  }
0x80: {  	_ =	shalt  }
0x81: {  	_ =	shalt  }
0x82: {  	_ =	shalt  }
0x83: {  	_ =	shalt  }
0x84: {  	_ =	shalt  }
0x85: {  	_ =	shalt  }
0x86: {  	_ =	shalt  }
0x87: {  	_ =	shalt  }
.Lfunc_end0:
.L_simem_size_0:
called_computation.2_lowered:
.L_overlay_start_0:
0x88: {  	s2 =	sld [smem:$0x3FD9]  }
0x89: {  	s3 =	sld [smem:$0x3FFE];
	_ =	sdelay $0x1  }
0x8a: {  	s1 =	srdreg.scid  }
0x8b: {  	s0 =	sand.u32 $0x1, s1  }
0x8c: {  	s17 =	sshll.u32 s0, $0xA;
	s2 =	sadd.s32 s3, s2  }
0x8d: {  	s2 =	sadd.s32 s2, s17  }
0x8e: {  	[smem:$0x3FB5] =	sst s2  }
0x8f: {  	_ = 	snop  }
0x90: {  	s2 =	sld [smem:$0x3FD0];
	(tm) =	ssettm $0x1  }
0x91: {  	s18 =	sld [smem:$0x3FFB];
	_ =	sdelay $0x3  }
0x92: {  	_ =	strace s18  }
0x93: {  	s3 =	sld [smem:$0x3FFC];
	_ =	sdelay $0x3  }
0x94: {  	_ =	strace s3  }
0x95: {  	s3 =	sld [smem:$0x3FFD];
	_ =	sdelay $0x3  }
0x96: {  	_ =	strace s3  }
0x97: {  	_ =	strace $0x8FFFFFFF  }
0x98: {  	s19 =	sld [smem:$0x3FDB];
	_ =	sdelay $0x1  }
0x99: {  	s4 =	simm.s32 $_scs_section_size  }
0x9a: {  	s5 =	simm.s32 $_size__tile_overlayer_lowered;
	s6 =	simm.s32 $_tile_overlayer_lowered  }
0x9b: {  	s22 =	simm.s32 $0x1BFF;
	s21 =	sshll.u32 s6, $0x1;
	s3 =	sadd.s32 s4, s19  }
0x9c: {  	s7 =	simm.s32 $0x0;
	s20 =	sshll.u32 s5, $0x1;
	s5 =	sadd.s32 s21, s3  }
0x9d: {  	[timem:s7], [sflag:s22] =	dma.local [hbm:s5], s20  }
0x9e: {  	_ =	swait.ge [sflag:s22], s20  }
0x9f: {  	s4 =	ssub.s32 $0x0, s20;
	[sflag:s22] =	ssyncset.done $0x0  }
0xa0: {  	[sflag:s22] =	ssyncadd.s32 s4;
	_ =	sdelay $0x1  }
0xa1: {  	s23 =	simm.s32 $0x1B8B  }
0xa2: {  	_ =	swait.ge [sflag:s23], $0x1  }
0xa3: {  	[sflag:s23] =	ssyncset.done $0x0  }
0xa4: {  	s25 =	simm.s32 $0x1B8E;
	s24 =	sld [smem:$0x3FFE];
	[sflag:s23] =	ssyncadd.s32 $0xFFFFFFFF  }
0xa5: {  	s26 =	simm.s32 $execute0_lowered;
	[smem:$0x3FD2] =	sst s25  }
0xa6: {  	s5 =	sshll.u32 s26, $0x1;
	_ =	strace $0x8000004C;
	[dreg:$0x1] =	wrdreg $0xFFFFFFFF  }
0xa7: {  	s28 =	simm.s32 $_size_execute0_lowered;
	s3 =	sadd.s32 s3, s5;
	[dreg:$0x0] =	wrdreg $0x0  }
0xa8: {  	s5 =	sshll.u32 s28, $0x1;
	[dreg:$0x2] =	wrdreg s3  }
0xa9: {  	[dreg:$0x3] =	wrdreg s5  }
0xaa: {  	[dreg:$0x4] =	wrdreg $0xC0  }
0xab: {  	_ =	task [dreg:s7], $0x5FFFF  }
0xac: {  	[dreg:$0x1] =	wrdreg $0xFFFFFFFF  }
0xad: {  	[dreg:$0x0] =	wrdreg $0x60  }
0xae: {  	[dreg:$0x2] =	wrdreg s24  }
0xaf: {  	[dreg:$0x3] =	wrdreg s2  }
0xb0: {  	[dreg:$0x4] =	wrdreg $0x9  }
0xb1: {  	_ =	task.clear_ibuf [dreg:s7], $0x5FFFF;
	_ =	strace $0x9000004C  }
0xb2: {  	s29 =	simm.s32 $0x9;
	_ =	strace $0x8000004E  }
0xb3: {  	_ =	swait.ge [sflag:s29], $0x1  }
0xb4: {  	[sflag:s29] =	ssyncadd.s32 $0xFFFFFFFF  }
0xb5: {  	_ =	strace $0x9000004E  }
0xb6: {  	_ =	sfence  }
0xb7: {  	s30 =	sld [smem:$0x0];
	_ =	sdelay $0x2  }
0xb8: {  	s31 =	sshll.u32 s1, $0xD;
	s1 =	sshrl.u32 s1, $0x2  }
0xb9: {  	s3 =	sand.u32 $0x4000, s31;
	s1 =	sadd.s32 s1, s30  }
0xba: {  	s0 =	sor.u32 s3, s0;
	s1 =	sshll.u32 s1, $0x11  }
0xbb: {  	s0 =	sor.u32 s1, s0  }
0xbc: {  	s0 =	sadd.s32 $0x8F2B, s0  }
0xbd: {  	[sflag:s0] =	ssyncadd.remote.s32 $0x1  }
0xbe: {  	_ =	sfence.sel $0xFFFF  }
0xbf: {  	[dreg:$0x0] =	wrdreg $0xFFFFFFFF;
	(pc) =	sbr.abs _section_cstart, $3  }
0xc0: {  	[dreg:$0x1] =	wrdreg $0xFFFFFFFF  }
0xc1: {  	_ =	task.clear_ibuf [dreg:s7], $0x2FFFF;
	_ =	strace $0x9FFFFFFF  }
0xc2: {  	(tm) =	ssettm $0x7FFFFFFF  }
0xc3: {  	_ =	shalt  }
tec
execute0_lowered:
.L_overlay_start_1:
0x0: {  	(tag) =	ssettag $0x1  }
0x1: {  	s7 =	rddreg [dreg:$0x0]  }
0x2: {  	s1 =	rddreg [dreg:$0x1]  }
0x3: {  	s3 =	srdreg.scid;
	s0 =	stileid.u32  }
0x4: {  	s2 =	simm.s32 $0x0;
	s20 =	simm.s32 $0x4;
	s28 =	simm.s32 $0x2  }
0x5: {  	s29 =	simm.s32 $0x3;
	s31 =	simm.s32 $0x0;
	s8 =	sand.u32 $0x1, s3  }
0x6: {  	s21 =	sshll.u32 s0, $0x1;
	[smem:$0x7FF] =	sst s2;
	s4 =	sadd.s32 $0x3A00, s7  }
0x7: {  	s5 =	sadd.s32 $0x17400, s7;
	s6 =	sadd.s32 $0x2AE00, s7;
	s9 =	sadd.s32 $0x3E800, s7  }
0x8: {  	p0 =	sne.s32 s0, $0x0;
	p2 =	sgt.u32 s0, $0x1;
	s10 =	sor.u32 s8, s21  }
0x9: {  	v0 =	vimm.s32 $0xFEDCBA98;
	_ =	strace $0x8000004D;
	[dreg:$0x3] =	wrdreg s9;
	s11 =	ssub.s32 $0x2, s8  }
0xa: {  	v1 =	vimm.s32 $0x76543210;
	v2 =	vimm.s32 $0xBA98FEDC;
	s8 =	sadd.s32 $0x3EA00, s7;
	s3 =	smul.u32 $0x2700, s10;
	s10 =	sshll.u32 s10, $0x4  }
0xb: {  	v3 =	vimm.s32 $0x32107654;
	v4 =	vimm.s32 $0xDCFE98BA;
	s21 =	simm.s32 $0x180;
	s26 =	sadd.s32 s10, s4;
	s10 =	sor.u32 $0x9C00, s10  }
0xc: {  	v5 =	vimm.s32 $0x54761032;
	v6 =	vimm.s32 $0xEFCDAB89;
	v7 =	vimm.s32 $0x67452301;
	s22 =	sshrl.u32 s11, $0x1;
	s12 =	sshrl.u32 s3, $0x3;
	s30 =	sadd.s32 s4, s10  }
0xd: {  	v0 =	vunpack.c.l.s4.s8 v0;
	v1 =	vunpack.c.l.s4.s8 v1;
	v2 =	vunpack.c.l.s4.s8 v2;
	s24 =	sor.u32 $0x80, s3;
	s10 =	sadd.s32 s8, s10;
	[dreg:$0xa] =	wrdreg s30  }
0xe: {  	v3 =	vunpack.c.l.s4.s8 v3;
	v4 =	vunpack.c.l.s4.s8 v4;
	v5 =	vunpack.c.l.s4.s8 v5;
	s9 =	sadd.s32 s4, s12;
	s12 =	sadd.s32 s1, s12;
	[dreg:$0xb] =	wrdreg s10  }
0xf: {  	v6 =	vunpack.c.l.s4.s8 v6;
	v7 =	vunpack.c.l.s4.s8 v7;
	v0 =	vunpack.c.0.s8.s32 v0;
	s13 =	sshrl.u32 s24, $0x3;
	s23 =	sadd.s32 $0x9C40, s9;
	[dreg:$0x6] =	wrdreg s12  }
.Ltmp0:
0x10: {  	v1 =	vunpack.c.0.s8.s32 v1;
	v2 =	vunpack.c.0.s8.s32 v2;
	v3 =	vunpack.c.0.s8.s32 v3;
	s14 =	sadd.s32 $0x9C50, s9;
	[dreg:$0x4] =	wrdreg s23;
	(pc) =	sbr.rel .LBB2_1-.Ltmp0, $4  }
0x11: {  	v6 =	vunpack.c.0.s8.s32 v6;
	v7 =	vunpack.c.0.s8.s32 v7;
	s7 =	ssub.s32 s11, s22;
	v0 =	vand.u32 $0xF, v0;
	s25 =	sadd.s32 s4, s13;
	[dreg:$0x5] =	wrdreg s14  }
0x12: {  	v4 =	vunpack.c.0.s8.s32 v4;
	v5 =	vunpack.c.0.s8.s32 v5;
	s22 =	simm.s32 $0x1;
	v0 =	vcombine.low v0, v1;
	s13 =	sadd.s32 s1, s13;
	[dreg:$0x7] =	wrdreg s25  }
0x13: {  	s18 =	smax.u32 s7, $0x1;
	v1 =	vcombine.low v3, v2;
	v3 =	vcombine.low v7, v6;
	s12 =	sadd.s32 $0x13840, s26;
	[dreg:$0x8] =	wrdreg s13  }
0x14: {  	p1 =	sgt.u32 s24, $0x270F;
	v2 =	vcombine.low v5, v4;
	v4 =	vlaneseq.u32;
	[dreg:$0x9] =	wrdreg s12;
	s23 =	simm.s32 $0x80  }
.LBB2_13:
0x15: {  	s31 =	sadd.s32 $0x1, s31  }
0x16: {  	p3 =	sne.s32 s31, s18  }
.Ltmp1:
0x17: {  	_ = 	snop;
	(pc) =	sbr.rel @!p3 .LBB2_14-.Ltmp1, $1  }
0x18: {  	_ =	sdelay $0x3  }
.LBB2_1:
0x19: {  	s0 =	rddreg [dreg:$0x3];
	s7 =	simm.s32 $0xC600  }
0x1a: {  	[tilespmem:s7], [sflag:$0x4] =	stream.linear.gather [hbm4b:s0+s2], $0x10, $0x38;
	[tilespmem:$0xC610] =	vst v63  }
0x1b: {  	_ =	swait.ge [sflag:s20], $0x10  }
0x1c: {  	[sflag:s20] =	ssyncset.done $0x0  }
0x1d: {  	[sflag:s20] =	ssyncadd.s32 $0xFFFFFFF0  }
0x1e: {  	v5 =	vld [tilespmem:$0xC600];
	[tilespmem:s2], [sflag:$0x1] =	stream.linear.gather [hbm4b:s9+s2], $0x80, $0x38  }
0x1f: {  	s16 =	rddreg [dreg:$0x4]  }
0x20: {  	[tilespmem:s21], [sflag:$0x1] =	stream.linear.gather [hbm4b:s16+s2], $0x80, $0x38;
	[tilespmem:$0xC610] =	vst v63  }
0x21: {  	s0 =	simm.s32 @!p0 $0x0;
	s7 =	simm.s32 @!p0 $0xC300;
	s10 =	rddreg [dreg:$0x6]  }
0x22: {  	[tilespmem:s7], [sflag:$0x1] =	stream.linear.gather @!p0 [hbm4b:s10+s0], $0x80, $0x38;
	[tilespmem:$0xC610] =	vst v63  }
0x23: {  	s0 =	simm.s32 @!p0 $0x1  }
0x24: {  	_ =	swait.ge @!p0 [sflag:s0], $0x80  }
0x25: {  	[sflag:s0] =	ssyncset.done @!p0 $0x0  }
0x26: {  	[sflag:s0] =	ssyncadd.s32 @!p0 $0xFFFFFF80  }
0x27: {  	_ =	swait.ge [sflag:s22], $0x80  }
0x28: {  	[sflag:s22] =	ssyncset.done $0x0  }
0x29: {  	[sflag:s22] =	ssyncadd.s32 $0xFFFFFF80  }
0x2a: {  	_ =	swait.ge [sflag:s22], $0x80  }
0x2b: {  	[sflag:s22] =	ssyncset.done $0x0  }
0x2c: {  	s17 =	simm.s32 $0x300;
	[sflag:s22] =	ssyncadd.s32 $0xFFFFFF80  }
0x2d: {  	[tilespmem:s17], [sflag:$0x2] =	stream.indirect.gather [hbm4b:s5+s23], $0x40, s2, s23, $0xb8;
	[tilespmem:$0xC610] =	vst v63  }
0x2e: {  	s19 =	simm.s32 $0x6300  }
0x2f: {  	[tilespmem:s19], [sflag:$0x2] =	stream.indirect.gather [hbm4b:s6+s23], $0x40, s21, s23, $0xb8;
	[tilespmem:$0xC610] =	vst v63  }
0x30: {  	s24 =	rddreg [dreg:$0x7]  }
0x31: {  	[tilespmem:s23], [sflag:$0x1] =	stream.linear.gather [hbm4b:s24+s2], $0x80, $0x38;
	[tilespmem:$0xC610] =	vst v63  }
0x32: {  	s26 =	simm.s32 $0x200;
	s25 =	rddreg [dreg:$0x5]  }
0x33: {  	[tilespmem:s26], [sflag:$0x1] =	stream.linear.gather [hbm4b:s25+s2], $0x80, $0x38;
	[tilespmem:$0xC610] =	vst v63  }
0x34: {  	s7 =	simm.s32 @!p1 $0xC380;
	s0 =	simm.s32 @!p1 $0x0;
	s10 =	rddreg [dreg:$0x8]  }
0x35: {  	[tilespmem:s7], [sflag:$0x1] =	stream.linear.gather @!p1 [hbm4b:s10+s0], $0x80, $0x38;
	[tilespmem:$0xC610] =	vst v63  }
0x36: {  	s30 =	simm.s32 $0x6300;
	s19 =	simm.s32 $0x0;
	s0 =	simm.s32 $0x320  }
.LBB2_2:
0x37: {  	p3 =	seq.s32 s19, $0x0  }
0x38: {  	s10 =	simm.s32 @!p3 $0x3  }
0x39: {  	_ =	swait.ge @!p3 [sflag:s10], $0x80  }
0x3a: {  	[sflag:s10] =	ssyncset.done @!p3 $0x0  }
0x3b: {  	[sflag:s10] =	ssyncadd.s32 @!p3 $0xFFFFFF80  }
0x3c: {  	_ =	swait.ge [sflag:s28], $0x2000  }
0x3d: {  	s7 =	smov.u32 s19;
	s17 =	smul.u32 $0xAB, s19;
	[sflag:s28] =	ssyncset.done $0x0  }
0x3e: {  	s26 =	smulhi.u32 $0xAAAAAAAB, s7;
	[sflag:s28] =	ssyncadd.s32 $0xFFFFE000  }
0x3f: {  	s12 =	sadd.s32 $0xAB, s17;
	s24 =	sadd.s32 $0x156, s17;
	_ =	swait.ge [sflag:s28], $0x2000  }
0x40: {  	s12 =	sshrl.u32 s12, $0x9;
	p3 =	seq.s32 s19, $0x4D;
	[sflag:s28] =	ssyncset.done $0x0  }
0x41: {  	s25 =	sshrl.u32 s24, $0x9;
	s11 =	simm.s32 @!p3 $0x1;
	[sflag:s28] =	ssyncadd.s32 $0xFFFFE000  }
0x42: {  	s19 =	sadd.s32 $0x1, s19;
	s12 =	sand.u32 $0x7F, s12;
	_ =	swait.ge @!p3 [sflag:s11], $0x80  }
0x43: {  	s10 =	sshrl.u32 s17, $0x9;
	s13 =	sshll.u32 @!p3 s19, $0x7;
	[sflag:s11] =	ssyncset.done @!p3 $0x0  }
0x44: {  	s12 =	smul.u32 $0x3, s12;
	s13 =	sadd.s32 @!p3 s3, s13;
	[sflag:s11] =	ssyncadd.s32 @!p3 $0xFFFFFF80  }
0x45: {  	s15 =	simm.s32 @!p3 $0x80;
	p4 =	sgt.u32 @!p3 s13, $0x270F;
	_ =	swait.ge @!p3 [sflag:s11], $0x80  }
0x46: {  	s10 =	sand.u32 $0x7F, s10;
	p4 =	por p4, p3;
	[sflag:s11] =	ssyncset.done @!p3 $0x0  }
0x47: {  	s12 =	ssub.s32 s19, s12;
	[sflag:s11] =	ssyncadd.s32 @!p3 $0xFFFFFF80;
	s11 =	simm.s32 @!p4 $0x1  }
0x48: {  	s10 =	smul.u32 $0x3, s10;
	s12 =	sand.u32 $0xFF, s12;
	_ =	swait.ge @!p4 [sflag:s11], $0x80  }
0x49: {  	s14 =	sshll.u32 @!p3 s12, $0x7;
	s12 =	sshll.u32 @!p3 s12, $0xD;
	[sflag:s11] =	ssyncset.done @!p4 $0x0  }
0x4a: {  	s13 =	sadd.s32 @!p3 $0x180, s14;
	[sflag:s11] =	ssyncadd.s32 @!p4 $0xFFFFFF80;
	s11 =	sor.u32 @!p3 $0x300, s12  }
0x4b: {  	[tilespmem:s11], [sflag:$0x2] =	stream.indirect.gather @!p3 [hbm4b:s5+s15], $0x40, s14, s15, $0xb8;
	[tilespmem:$0xC610] =	vst v63  }
0x4c: {  	s12 =	sadd.s32 @!p3 $0x6300, s12;
	p4 =	sgt.u32 @!p3 s7, $0x4B;
	s11 =	sand.u32 $0x7F, s25  }
0x4d: {  	[tilespmem:s12], [sflag:$0x2] =	stream.indirect.gather @!p3 [hbm4b:s6+s15], $0x40, s13, s15, $0xb8;
	[tilespmem:$0xC610] =	vst v63  }
0x4e: {  	p5 =	por p4, p3;
	s11 =	smul.u32 $0x3, s11;
	s13 =	sadd.s32 $0x2, s7  }
0x4f: {  	s24 =	simm.s32 $0x0;
	s10 =	ssub.s32 s7, s10;
	s14 =	sshll.u32 @!p5 s13, $0x7  }
0x50: {  	s10 =	sand.u32 $0xFF, s10;
	s11 =	ssub.s32 s13, s11;
	s13 =	sadd.s32 @!p5 s3, s14  }
0x51: {  	s16 =	simm.s32 @!p5 $0x0;
	s11 =	sand.u32 $0xFF, s11;
	s14 =	sshrl.u32 @!p5 s13, $0x3  }
0x52: {  	s12 =	sshrl.u32 s26, $0x1;
	s11 =	sshll.u32 @!p5 s11, $0x7;
	s15 =	sadd.s32 @!p5 s4, s14  }
0x53: {  	[tilespmem:s11], [sflag:$0x1] =	stream.linear.gather @!p5 [hbm4b:s15+s16], $0x80, $0x38;
	[tilespmem:$0xC610] =	vst v63  }
0x54: {  	s12 =	smul.u32 $0xFFFE8000, s12;
	s17 =	sadd.s32 @!p5 $0x180, s11;
	s15 =	sadd.s32 @!p5 $0x9C40, s15  }
0x55: {  	[tilespmem:s17], [sflag:$0x1] =	stream.linear.gather @!p5 [hbm4b:s15+s16], $0x80, $0x38;
	[tilespmem:$0xC610] =	vst v63  }
0x56: {  	s7 =	sshll.u32 s7, $0x7;
	s12 =	sshra.s32 s12, $0x2;
	p5 =	sgt.u32 @!p5 s13, $0x270F  }
0x57: {  	s26 =	sadd.s32 s12, s30;
	s16 =	sadd.s32 s12, s0;
	p4 =	por @!p3 p5, p4  }
0x58: {  	s15 =	sshll.u32 s10, $0x7;
	s17 =	sadd.s32 s3, s7;
	p3 =	por p4, p3  }
0x59: {  	s11 =	sadd.s32 @!p3 $0xC300, s11;
	s13 =	sadd.s32 @!p3 s1, s14;
	s14 =	simm.s32 @!p3 $0x0  }
0x5a: {  	v6 =	vmov s15;
	[tilespmem:s11], [sflag:$0x1] =	stream.linear.gather @!p3 [hbm4b:s13+s14], $0x80, $0x38;
	[tilespmem:$0xC610] =	vst v63  }
.LBB2_3:
0x5b: {  	v7 =	vld [tilespmem:s16+$0xFFFFFFE0]  }
0x5c: {  	v8 =	vld [tilespmem:s26+$0x0]  }
0x5d: {  	v9 =	vld [tilespmem:s16+$0xFFFFFFF0]  }
0x5e: {  	v10 =	vld [tilespmem:s26+$0x10]  }
0x5f: {  	v11 =	vld [tilespmem:s16+$0x0]  }
0x60: {  	v12 =	vld [tilespmem:s26+$0x20]  }
0x61: {  	v13 =	vld [tilespmem:s16+$0x10]  }
0x62: {  	v14 =	vld [tilespmem:s26+$0x30];
	s7 =	sadd.s32 $0x40, s16  }
0x63: {  	s10 =	sadd.s32 $0x40, s26;
	v15 =	vld [tilespmem:s7+$0xFFFFFFE0]  }
0x64: {  	v16 =	vld [tilespmem:s10+$0x0];
	v7 =	vmul.f32 v8, v7;
	v8 =	vmul.f32 v10, v9  }
0x65: {  	v9 =	vld [tilespmem:s7+$0xFFFFFFF0]  }
0x66: {  	v10 =	vld [tilespmem:s10+$0x10];
	v7 =	vadd.f32 v8, v7;
	v8 =	vmul.f32 v12, v11  }
0x67: {  	v11 =	vld [tilespmem:s7+$0x0]  }
0x68: {  	v12 =	vld [tilespmem:s10+$0x20];
	v7 =	vadd.f32 v8, v7;
	v8 =	vmul.f32 v14, v13  }
0x69: {  	v13 =	vld [tilespmem:s7+$0x10]  }
0x6a: {  	v14 =	vld [tilespmem:s10+$0x30];
	s7 =	sadd.s32 $0x40, s7;
	v7 =	vadd.f32 v8, v7  }
0x6b: {  	s10 =	sadd.s32 $0x40, s10;
	v17 =	vld [tilespmem:s7+$0xFFFFFFE0];
	v9 =	vmul.f32 v10, v9  }
0x6c: {  	v10 =	vld [tilespmem:s10+$0x0];
	v8 =	vmul.f32 v16, v15;
	v15 =	vperm.xlane v7, v0  }
0x6d: {  	v16 =	vld [tilespmem:s7+$0xFFFFFFF0]  }
0x6e: {  	v8 =	vadd.f32 v9, v8;
	v9 =	vmul.f32 v12, v11;
	v11 =	vld [tilespmem:s10+$0x10];
	v7 =	vadd.f32 v7, v15  }
0x6f: {  	v12 =	vld [tilespmem:s7+$0x0]  }
0x70: {  	v8 =	vadd.f32 v9, v8;
	v9 =	vmul.f32 v14, v13;
	v13 =	vld [tilespmem:s10+$0x20];
	v14 =	vperm.xlane v7, v1  }
0x71: {  	v18 =	vld [tilespmem:s7+$0x10]  }
0x72: {  	v19 =	vld [tilespmem:s10+$0x30];
	s12 =	sadd.s32 $0x40, s7;
	v15 =	vadd.f32 v9, v8;
	v20 =	vadd.f32 v7, v14  }
0x73: {  	s13 =	sadd.s32 $0x40, s10;
	v8 =	vld [tilespmem:s12+$0xFFFFFFE0];
	v7 =	vmul.f32 v10, v17;
	v10 =	vmul.f32 v11, v16  }
0x74: {  	v9 =	vld [tilespmem:s13+$0x0];
	v16 =	vperm.xlane v15, v0;
	v17 =	vperm.xlane v20, v2  }
0x75: {  	v11 =	vld [tilespmem:s12+$0xFFFFFFF0];
	v22 =	vmul.f32 v13, v12;
	v21 =	vadd.f32 v10, v7  }
0x76: {  	s25 =	simm.s32 $0x3;
	s14 =	simm.s32 $0x4;
	v14 =	vld [tilespmem:s13+$0x10];
	v13 =	vadd.f32 v15, v16;
	v10 =	vadd.f32 v20, v17  }
0x77: {  	s11 =	simm.s32 $0x0;
	s7 =	simm.s32 $0x2;
	s10 =	simm.s32 $0x1;
	v12 =	vld [tilespmem:s12+$0x0];
	v7 =	vimm.f32 $0.0e+00;
	v16 =	vmul.f32 v19, v18;
	v15 =	vadd.f32 v22, v21  }
.LBB2_4:
0x78: {  	p3 =	sne.s32 s14, $0xF;
	v17 =	vld [tilespmem:s13+$0x20];
	v18 =	vperm.xlane v13, v1;
	v19 =	vperm.xlane v10, v3  }
0x79: {  	v20 =	vld [tilespmem:s12+$0x10];
	v15 =	vadd.f32 v16, v15  }
0x7a: {  	s12 =	sadd.s32 $0x40, s12;
	v16 =	vld [tilespmem:s13+$0x30];
	v18 =	vadd.f32 v13, v18;
	v10 =	vadd.f32 v10, v19;
	v13 =	vmov s11;
	s11 =	smov.u32 s10;
	s10 =	smov.u32 s7  }
.Ltmp2:
0x7b: {  	v19 =	vmul.f32 v9, v8;
	s13 =	sadd.s32 $0x40, s13;
	s7 =	smov.u32 s25;
	v8 =	vld [tilespmem:s12+$0xFFFFFFE0];
	v14 =	vmul.f32 v14, v11;
	vm0 =	veq.s32 v13, v4;
	(pc) =	sbr.rel @p3 .LBB2_4-.Ltmp2, $4  }
0x7c: {  	s25 =	smov.u32 s14;
	v13 =	vperm.xlane v15, v0;
	v9 =	vld [tilespmem:s13+$0x0];
	v21 =	vperm.xlane v18, v2;
	v7 =	vsel vm0, v10, v7  }
0x7d: {  	v11 =	vld [tilespmem:s12+$0xFFFFFFF0];
	v19 =	vadd.f32 v14, v19;
	v17 =	vmul.f32 v17, v12  }
0x7e: {  	v13 =	vadd.f32 v15, v13;
	v14 =	vld [tilespmem:s13+$0x10];
	v10 =	vadd.f32 v18, v21  }
0x7f: {  	s14 =	sadd.s32 $0x1, s14;
	v12 =	vld [tilespmem:s12+$0x0];
	v15 =	vadd.f32 v17, v19;
	v16 =	vmul.f32 v16, v20  }
0x80: {  	v17 =	vld [tilespmem:s13+$0x20]  }
0x81: {  	v18 =	vld [tilespmem:s12+$0x10]  }
0x82: {  	v19 =	vld [tilespmem:s13+$0x30]  }
0x83: {  	v8 =	vmul.f32 v9, v8;
	v44 =	vmul.f32 v14, v11;
	_ =	sdelay $0x1  }
0x84: {  	v8 =	vadd.f32 v44, v8;
	v45 =	vmul.f32 v17, v12;
	_ =	sdelay $0x1  }
0x85: {  	v46 =	vmul.f32 v19, v18;
	v8 =	vadd.f32 v45, v8  }
0x86: {  	v47 =	vadd.f32 v16, v15  }
0x87: {  	v8 =	vadd.f32 v46, v8  }
0x88: {  	v48 =	vperm.xlane v47, v0  }
0x89: {  	v49 =	vperm.xlane v8, v0  }
0x8a: {  	v9 =	vadd.f32 v47, v48  }
0x8b: {  	v50 =	vperm.xlane v13, v1;
	v8 =	vadd.f32 v8, v49  }
0x8c: {  	v52 =	vperm.xlane v9, v1  }
0x8d: {  	v51 =	vadd.f32 v13, v50;
	v53 =	vperm.xlane v8, v1  }
0x8e: {  	v9 =	vadd.f32 v9, v52  }
0x8f: {  	v14 =	vperm.xlane v51, v2;
	v8 =	vadd.f32 v8, v53  }
0x90: {  	v12 =	vperm.xlane v9, v2  }
0x91: {  	v54 =	vperm.xlane v10, v3;
	v11 =	vadd.f32 v51, v14;
	v55 =	vperm.xlane v8, v2  }
0x92: {  	v56 =	vmov s11;
	v58 =	vmov s10;
	v9 =	vadd.f32 v9, v12  }
0x93: {  	s14 =	sshll.u32 s24, $0x4;
	v62 =	vmov s7;
	v57 =	vperm.xlane v11, v3;
	v8 =	vadd.f32 v8, v55  }
0x94: {  	v63 =	vmov s25;
	v60 =	vld.idx.msk [tilespmem:v6+s14+$0xC300 ss:$0x1], $0xffff;
	v10 =	vadd.f32 v10, v54;
	v59 =	vperm.xlane v9, v3  }
0x95: {  	vm0 =	veq.s32 v56, v4;
	v11 =	vadd.f32 v11, v57;
	v61 =	vperm.xlane v8, v3  }
0x96: {  	vm13 =	veq.s32 v58, v4;
	v7 =	vsel vm0, v10, v7;
	v9 =	vadd.f32 v9, v59  }
0x97: {  	vm14 =	veq.s32 v62, v4;
	s25 =	sor.u32 s17, s14;
	v7 =	vsel vm13, v11, v7;
	v8 =	vadd.f32 v8, v61  }
0x98: {  	s24 =	sadd.s32 $0x1, s24;
	vm15 =	veq.s32 v63, v4;
	p3 =	slt.u32 s25, $0x2710;
	v7 =	vsel vm14, v9, v7  }
0x99: {  	v7 =	vsel vm15, v8, v7;
	v8 =	vpsel p3, v60, v5;
	p3 =	sne.s32 s24, $0x8  }
.Ltmp3:
0x9a: {  	_ = 	snop;
	(pc) =	sbr.rel @p3 .LBB2_3-.Ltmp3, $3  }
0x9b: {  	_ = 	snop  }
0x9c: {  	v7 =	vadd.f32 v8, v7;
	_ =	sdelay $0x1  }
0x9d: {  	s16 =	sadd.s32 $0x400, s16;
	s26 =	sadd.s32 $0x400, s26;
	[tilespmem:v6+s14+$0xC480 ss:$0x1] =	vst.idx.msk $0xffff, v7  }
0x9e: {  	p3 =	sne.s32 s19, $0x4E  }
.Ltmp4:
0x9f: {  	_ = 	snop;
	(pc) =	sbr.rel @p3 .LBB2_2-.Ltmp4, $4  }
0xa0: {  	_ = 	snop  }
0xa1: {  	s7 =	sshrl.u32 s17, $0x3;
	s10 =	sadd.s32 $0xC480, s15  }
0xa2: {  	s0 =	sadd.s32 $0x2000, s0;
	s30 =	sadd.s32 $0x2000, s30;
	s7 =	sadd.s32 s8, s7  }
0xa3: {  	[hbm4b:s7+s2] =	stream.linear.scatter [tilespmem:s10], [sflag:$0x3], $0x80, $0x38;
	[tilespmem:$0xC610] =	vst v63  }
.Ltmp5:
0xa4: {  	(pc) =	sbr.rel @p2 .LBB2_13-.Ltmp5, $4  }
0xa5: {  	_ = 	snop  }
0xa6: {  	_ =	swait.ge [sflag:s29], $0x80  }
0xa7: {  	[sflag:s29] =	ssyncset.done $0x0  }
0xa8: {  	[sflag:s29] =	ssyncadd.s32 $0xFFFFFF80  }
0xa9: {  	s0 =	simm.s32 $0x0;
	s7 =	rddreg [dreg:$0xa]  }
0xaa: {  	[tilespmem:s0], [sflag:$0x1] =	stream.linear.gather [hbm4b:s7+s0], $0x80, $0x38;
	[tilespmem:$0xC610] =	vst v63  }
0xab: {  	s25 =	rddreg [dreg:$0x9]  }
0xac: {  	[tilespmem:s21], [sflag:$0x1] =	stream.linear.gather [hbm4b:s25+s0], $0x80, $0x38;
	[tilespmem:$0xC610] =	vst v63  }
0xad: {  	_ =	swait.ge [sflag:s22], $0x80  }
0xae: {  	[sflag:s22] =	ssyncset.done $0x0  }
0xaf: {  	[sflag:s22] =	ssyncadd.s32 $0xFFFFFF80  }
0xb0: {  	_ =	swait.ge [sflag:s22], $0x80  }
0xb1: {  	[sflag:s22] =	ssyncset.done $0x0  }
0xb2: {  	s26 =	simm.s32 $0x300;
	[sflag:s22] =	ssyncadd.s32 $0xFFFFFF80  }
0xb3: {  	[tilespmem:s26], [sflag:$0x2] =	stream.indirect.gather [hbm4b:s5+s23], $0x40, s0, s23, $0xb8;
	[tilespmem:$0xC610] =	vst v63  }
0xb4: {  	s30 =	simm.s32 $0x6300  }
0xb5: {  	[tilespmem:s30], [sflag:$0x2] =	stream.indirect.gather [hbm4b:s6+s23], $0x40, s21, s23, $0xb8;
	[tilespmem:$0xC610] =	vst v63  }
0xb6: {  	_ =	swait.ge [sflag:s28], $0x2000  }
0xb7: {  	[sflag:s28] =	ssyncset.done $0x0  }
0xb8: {  	[sflag:s28] =	ssyncadd.s32 $0xFFFFE000  }
0xb9: {  	_ =	swait.ge [sflag:s28], $0x2000  }
0xba: {  	[sflag:s28] =	ssyncset.done $0x0  }
0xbb: {  	s15 =	simm.s32 $0x320;
	s16 =	simm.s32 $0x6320;
	[sflag:s28] =	ssyncadd.s32 $0xFFFFE000  }
.LBB2_9:
0xbc: {  	v6 =	vld [tilespmem:s15+$0xFFFFFFE0]  }
0xbd: {  	v7 =	vld [tilespmem:s16+$0xFFFFFFE0]  }
0xbe: {  	v8 =	vld [tilespmem:s15+$0xFFFFFFF0]  }
0xbf: {  	v9 =	vld [tilespmem:s16+$0xFFFFFFF0]  }
0xc0: {  	v10 =	vld [tilespmem:s15+$0x0]  }
0xc1: {  	v11 =	vld [tilespmem:s16+$0x0]  }
0xc2: {  	v12 =	vld [tilespmem:s15+$0x10]  }
0xc3: {  	v13 =	vld [tilespmem:s16+$0x10];
	s7 =	sadd.s32 $0x40, s15  }
0xc4: {  	s10 =	sadd.s32 $0x40, s16;
	v14 =	vld [tilespmem:s7+$0xFFFFFFE0]  }
0xc5: {  	v15 =	vld [tilespmem:s10+$0xFFFFFFE0];
	v6 =	vmul.f32 v7, v6;
	v7 =	vmul.f32 v9, v8  }
0xc6: {  	v8 =	vld [tilespmem:s7+$0xFFFFFFF0]  }
0xc7: {  	v9 =	vld [tilespmem:s10+$0xFFFFFFF0];
	v6 =	vadd.f32 v7, v6;
	v7 =	vmul.f32 v11, v10  }
0xc8: {  	v10 =	vld [tilespmem:s7+$0x0]  }
0xc9: {  	v11 =	vld [tilespmem:s10+$0x0];
	v6 =	vadd.f32 v7, v6;
	v7 =	vmul.f32 v13, v12  }
0xca: {  	v12 =	vld [tilespmem:s7+$0x10]  }
0xcb: {  	v13 =	vld [tilespmem:s10+$0x10];
	s7 =	sadd.s32 $0x40, s7;
	v6 =	vadd.f32 v7, v6  }
0xcc: {  	s10 =	sadd.s32 $0x40, s10;
	v16 =	vld [tilespmem:s7+$0xFFFFFFE0];
	v8 =	vmul.f32 v9, v8  }
0xcd: {  	v9 =	vld [tilespmem:s10+$0xFFFFFFE0];
	v7 =	vmul.f32 v15, v14;
	v14 =	vperm.xlane v6, v0  }
0xce: {  	v15 =	vld [tilespmem:s7+$0xFFFFFFF0]  }
0xcf: {  	v7 =	vadd.f32 v8, v7;
	v8 =	vmul.f32 v11, v10;
	v10 =	vld [tilespmem:s10+$0xFFFFFFF0];
	v6 =	vadd.f32 v6, v14  }
0xd0: {  	v11 =	vld [tilespmem:s7+$0x0]  }
0xd1: {  	v7 =	vadd.f32 v8, v7;
	v8 =	vmul.f32 v13, v12;
	v12 =	vld [tilespmem:s10+$0x0];
	v13 =	vperm.xlane v6, v1  }
0xd2: {  	v17 =	vld [tilespmem:s7+$0x10]  }
0xd3: {  	v18 =	vld [tilespmem:s10+$0x10];
	s12 =	sadd.s32 $0x40, s7;
	v14 =	vadd.f32 v8, v7;
	v19 =	vadd.f32 v6, v13  }
0xd4: {  	s13 =	sadd.s32 $0x40, s10;
	v7 =	vld [tilespmem:s12+$0xFFFFFFE0];
	v6 =	vmul.f32 v9, v16;
	v9 =	vmul.f32 v10, v15  }
0xd5: {  	v8 =	vld [tilespmem:s13+$0xFFFFFFE0];
	v15 =	vperm.xlane v14, v0;
	v16 =	vperm.xlane v19, v2  }
0xd6: {  	v10 =	vld [tilespmem:s12+$0xFFFFFFF0];
	v21 =	vmul.f32 v12, v11;
	v20 =	vadd.f32 v9, v6  }
0xd7: {  	s17 =	simm.s32 $0x2;
	s14 =	simm.s32 $0x4;
	v13 =	vld [tilespmem:s13+$0xFFFFFFF0];
	v12 =	vadd.f32 v14, v15;
	v9 =	vadd.f32 v19, v16  }
0xd8: {  	s11 =	simm.s32 $0x0;
	s7 =	simm.s32 $0x3;
	s10 =	simm.s32 $0x1;
	v11 =	vld [tilespmem:s12+$0x0];
	v6 =	vimm.f32 $0.0e+00;
	v15 =	vmul.f32 v18, v17;
	v14 =	vadd.f32 v21, v20  }
.LBB2_10:
0xd9: {  	p3 =	sne.s32 s14, $0xF;
	v16 =	vld [tilespmem:s13+$0x0];
	v17 =	vperm.xlane v12, v1;
	v18 =	vperm.xlane v9, v3  }
0xda: {  	v19 =	vld [tilespmem:s12+$0x10];
	v14 =	vadd.f32 v15, v14  }
0xdb: {  	s12 =	sadd.s32 $0x40, s12;
	v15 =	vld [tilespmem:s13+$0x10];
	v17 =	vadd.f32 v12, v17;
	v9 =	vadd.f32 v9, v18;
	v12 =	vmov s11;
	s11 =	smov.u32 s10;
	s10 =	smov.u32 s17  }
.Ltmp6:
0xdc: {  	v18 =	vmul.f32 v8, v7;
	s13 =	sadd.s32 $0x40, s13;
	s17 =	smov.u32 s7;
	v7 =	vld [tilespmem:s12+$0xFFFFFFE0];
	v13 =	vmul.f32 v13, v10;
	vm0 =	veq.s32 v12, v4;
	(pc) =	sbr.rel @p3 .LBB2_10-.Ltmp6, $4  }
0xdd: {  	s7 =	smov.u32 s14;
	v12 =	vperm.xlane v14, v0;
	v8 =	vld [tilespmem:s13+$0xFFFFFFE0];
	v20 =	vperm.xlane v17, v2;
	v6 =	vsel vm0, v9, v6  }
0xde: {  	v10 =	vld [tilespmem:s12+$0xFFFFFFF0];
	v18 =	vadd.f32 v13, v18;
	v16 =	vmul.f32 v16, v11  }
0xdf: {  	v12 =	vadd.f32 v14, v12;
	v13 =	vld [tilespmem:s13+$0xFFFFFFF0];
	v9 =	vadd.f32 v17, v20  }
0xe0: {  	s14 =	sadd.s32 $0x1, s14;
	v11 =	vld [tilespmem:s12+$0x0];
	v14 =	vadd.f32 v16, v18;
	v15 =	vmul.f32 v15, v19  }
0xe1: {  	v16 =	vld [tilespmem:s13+$0x0]  }
0xe2: {  	v17 =	vld [tilespmem:s12+$0x10]  }
0xe3: {  	v18 =	vld [tilespmem:s13+$0x10]  }
0xe4: {  	v7 =	vmul.f32 v8, v7;
	v45 =	vmul.f32 v13, v10;
	_ =	sdelay $0x1  }
0xe5: {  	v7 =	vadd.f32 v45, v7;
	v46 =	vmul.f32 v16, v11;
	_ =	sdelay $0x1  }
0xe6: {  	v47 =	vmul.f32 v18, v17;
	v7 =	vadd.f32 v46, v7  }
0xe7: {  	v48 =	vadd.f32 v15, v14  }
0xe8: {  	v7 =	vadd.f32 v47, v7  }
0xe9: {  	v49 =	vperm.xlane v48, v0  }
0xea: {  	v50 =	vperm.xlane v7, v0  }
0xeb: {  	v8 =	vadd.f32 v48, v49  }
0xec: {  	v51 =	vperm.xlane v12, v1;
	v7 =	vadd.f32 v7, v50  }
0xed: {  	v53 =	vperm.xlane v8, v1  }
0xee: {  	v52 =	vadd.f32 v12, v51;
	v54 =	vperm.xlane v7, v1  }
0xef: {  	v8 =	vadd.f32 v8, v53  }
0xf0: {  	v13 =	vperm.xlane v52, v2;
	v7 =	vadd.f32 v7, v54  }
0xf1: {  	v11 =	vperm.xlane v8, v2  }
0xf2: {  	v55 =	vperm.xlane v9, v3;
	v10 =	vadd.f32 v52, v13;
	v56 =	vperm.xlane v7, v2  }
0xf3: {  	v57 =	vmov s11;
	v59 =	vmov s10;
	v8 =	vadd.f32 v8, v11  }
0xf4: {  	v62 =	vmov s17;
	v58 =	vperm.xlane v10, v3;
	v7 =	vadd.f32 v7, v56  }
0xf5: {  	v63 =	vmov s7;
	v9 =	vadd.f32 v9, v55;
	v60 =	vperm.xlane v8, v3  }
0xf6: {  	vm0 =	veq.s32 v57, v4;
	v10 =	vadd.f32 v10, v58;
	v61 =	vperm.xlane v7, v3  }
0xf7: {  	s30 =	sshll.u32 s0, $0x4;
	s0 =	sadd.s32 $0x1, s0;
	vm13 =	veq.s32 v59, v4;
	v6 =	vsel vm0, v9, v6;
	v8 =	vadd.f32 v8, v60  }
0xf8: {  	vm14 =	veq.s32 v62, v4;
	p3 =	sne.s32 s0, $0x8;
	v6 =	vsel vm13, v10, v6;
	v7 =	vadd.f32 v7, v61  }
.Ltmp7:
0xf9: {  	vm15 =	veq.s32 v63, v4;
	v6 =	vsel vm14, v8, v6;
	(pc) =	sbr.rel @p3 .LBB2_9-.Ltmp7, $4  }
0xfa: {  	v6 =	vsel vm15, v7, v6  }
0xfb: {  	v6 =	vadd.f32 v6, v5  }
0xfc: {  	s7 =	sand.u32 $0x3FFFFFF0, s30  }
0xfd: {  	s15 =	sadd.s32 $0x400, s15;
	s16 =	sadd.s32 $0x400, s16;
	[tilespmem:s7+$0xC480] =	vst v6  }
.Ltmp8:
0xfe: {  	s0 =	rddreg [dreg:$0xb];
	s7 =	simm.s32 $0xC480;
	(pc) =	sbr.rel .LBB2_13-.Ltmp8, $4  }
0xff: {  	[hbm4b:s0+s2] =	stream.linear.scatter [tilespmem:s7], [sflag:$0x3], $0x80, $0x38;
	[tilespmem:$0xC610] =	vst v63  }
0x100: {  	_ =	swait.ge [sflag:s29], $0x80  }
0x101: {  	[sflag:s29] =	ssyncset.done $0x0  }
0x102: {  	[sflag:s29] =	ssyncadd.s32 $0xFFFFFF80  }
.LBB2_14:
0x103: {  	_ =	sfence.sel $0x180000  }
0x104: {  	[bflag:$0x0] =	sbarrier.arrive $0xFFFF  }
0x105: {  	_ =	strace $0x9000004D  }
0x106: {  	[bflag:$0x2] =	sbarrier.arrive $0xFFFF  }
0x107: {  	s0 =	rddreg [dreg:$0x2]  }
0x108: {  	s0 =	sadd.s32 @!p0 $0x100000, s0  }
0x109: {  	[sflag:s0] =	ssyncadd.tile.s32 @!p0 $0x1;
	_ =	shalt  }
.Lfunc_end2:
_tile_overlayer_lowered:
.L_overlay_start_2:
0x10a: {  	(tag) =	ssettag $0x2  }
0x10b: {  	s0 =	rddreg [dreg:$0x0];
	s2 =	stileid.u32  }
0x10c: {  	s1 =	rddreg [dreg:$0x1];
	p0 =	sne.s32 s2, $0x0  }
0x10d: {  	s3 =	rddreg [dreg:$0x2];
	[bflag:$0x3] =	sbarrier.arrive $0xFFFF;
	s2 =	simm.s32 @!p0 $0x1C04  }
0x10e: {  	[timem:s3], [sflag:s2] =	dma.local @!p0 [hbm:s0], s1  }
0x10f: {  	s0 =	simm.s32 @!p0 $0x4  }
0x110: {  	_ =	swait.ge @!p0 [sflag:s0], s1  }
0x111: {  	s1 =	ssub.s32 @!p0 $0x0, s1;
	[sflag:s0] =	ssyncset.done @!p0 $0x0  }
0x112: {  	[sflag:s0] =	ssyncadd.s32 @!p0 s1  }
0x113: {  	[bflag:$0x3] =	sbarrier.arrive $0xFFFF  }
0x114: {  	_ =	shalt  }

// kernel: kernel.7.cloned.1.call-start
scs
__scs_entry_jumppad:
0x0: {  	(pc) =	sbr.rel $0x88, $3  }
0x1: {  	(tag) =	ssettag $0x0;
	lr =	simm.s32 $0x1  }
0x2: {  	[smem:$0x3F8E] =	sst lr;
	_ =	strace $0xD0000000  }
0x3: {  	_ = 	snop  }
0x4: {  	_ = 	snop  }
0x5: {  	_ = 	snop  }
0x6: {  	_ = 	snop  }
0x7: {  	_ = 	snop  }
__scs_overlays_trampoline_lowered:
0x8: {  	[smem:$0x3F9D] =	sst s0  }
0x9: {  	[smem:$0x3F9E] =	sst s1  }
0xa: {  	[smem:$0x3F9F] =	sst s2  }
0xb: {  	[smem:$0x3FA0] =	sst s3  }
0xc: {  	[smem:$0x3FA1] =	sst s4  }
0xd: {  	[smem:$0x3FA2] =	sst s5  }
0xe: {  	[smem:$0x3FA3] =	sst s6  }
0xf: {  	[smem:$0x3FA4] =	sst s7  }
0x10: {  	[smem:$0x3FA5] =	sst s8  }
0x11: {  	[smem:$0x3FA6] =	sst s9;
	s0 =	simm.s32 @!p0 $0x0  }
0x12: {  	s1 =	sld [smem:$0x3F8C];
	s0 =	simm.s32 @p0 $0x1  }
0x13: {  	[smem:$0x3FA7] =	sst s0;
	s0 =	simm.s32 @!p1 $0x0  }
0x14: {  	s2 =	sld [smem:$0x3F8B];
	s0 =	simm.s32 @p1 $0x1  }
0x15: {  	[smem:$0x3FA8] =	sst s0;
	s0 =	simm.s32 @!p2 $0x0  }
0x16: {  	s3 =	sld [smem:$0x3FDB];
	s0 =	simm.s32 @p2 $0x1  }
0x17: {  	s4 =	simm.s32 $0x1BF5;
	[smem:$0x3FAA] =	sst s0  }
0x18: {  	s0 =	sld [smem:$0x3F8D];
	_ =	swait.ge [sflag:s4], $0x0  }
0x19: {  	s7 =	sld [smem:$0x3F8E]  }
0x1a: {  	s8 =	sadd.s32 $0xFFFFE003, lr  }
0x1b: {  	s9 =	sadd.s32 $0xFFFFFEF7, lr;
	s5 =	simm.s32 $0xFFFFFFFF;
	p2 =	slt.u32 s8, $0xFFFFF086  }
0x1c: {  	p1 =	slt.u32 s9, $0xF7A;
	s5 =	simm.s32 @!p2 $0x0  }
0x1d: {  	s5 =	simm.s32 @p1 $0x1;
	p0 =	seq.s32 s7, s2  }
0x1e: {  	s7 =	smul.u32 @!p0 $0xF7A, s2;
	p2 =	seq.s32 @!p0 s5, $0x0  }
0x1f: {  	s9 =	smul.u32 $0xF7A, s1;
	s8 =	simm.s32 @!p0 $0x1BF5;
	p2 =	por !p2, p0  }
0x20: {  	[sflag:s8] =	ssyncset.s32 @!p0 $0xFFFFF086;
	s6 =	sadd.s32 @!p0 s3, s7;
	s7 =	simm.s32 @!p0 $0x108  }
0x21: {  	s3 =	sadd.s32 s3, s9;
	s6 =	sadd.s32 @!p0 $0x88, s6;
	s7 =	simm.s32 @p2 $0x1082  }
0x22: {  	[simem:s7], [sflag:s8] =	dma.local @!p0 [hbm:s6], $0xF7A  }
0x23: {  	s9 =	sor.u32 $0xD0000000, s2;
	s6 =	simm.s32 $0x108;
	_ =	swait.ge @!p0 [sflag:s8], $0x0  }
0x24: {  	s3 =	sadd.s32 $0x88, s3;
	s6 =	simm.s32 @!p1 $0x1082;
	[sflag:s4] =	ssyncset.s32 $0xFFFFF086  }
0x25: {  	[simem:s6], [sflag:s4] =	dma.local [hbm:s3], $0xF7A  }
0x26: {  	[smem:$0x3F8E] =	sst s1;
	(tag) =	ssettag s2;
	_ =	strace s9  }
0x27: {  	s1 =	sld [smem:$0x3F9E]  }
0x28: {  	s2 =	sld [smem:$0x3F9F]  }
0x29: {  	s4 =	sld [smem:$0x3FA1]  }
0x2a: {  	p0 =	seq.s32 s5, $0x0;
	s5 =	sld [smem:$0x3FA2]  }
0x2b: {  	s6 =	sld [smem:$0x3FA3]  }
0x2c: {  	s7 =	sld [smem:$0x3FA4]  }
0x2d: {  	s3 =	simm.s32 $0x108;
	s8 =	sld [smem:$0x3FA5]  }
0x2e: {  	s3 =	simm.s32 @!p0 $0x1082;
	s9 =	sld [smem:$0x3FA6]  }
0x2f: {  	lr =	sadd.s32 s0, s3;
	s0 =	sld [smem:$0x3F9D]  }
0x30: {  	s3 =	sld [smem:$0x3FA0]  }
0x31: {  	[smem:$0x3FA9] =	sst s10  }
0x32: {  	s10 =	sld [smem:$0x3FA7];
	_ =	sdelay $0x3  }
0x33: {  	p0 =	seq.s32 s10, $0x1;
	s10 =	sld [smem:$0x3FA9];
	_ =	sdelay $0x3  }
0x34: {  	[smem:$0x3FA9] =	sst s10  }
0x35: {  	s10 =	sld [smem:$0x3FA8];
	_ =	sdelay $0x3  }
0x36: {  	p1 =	seq.s32 s10, $0x1;
	s10 =	sld [smem:$0x3FA9];
	_ =	sdelay $0x3  }
0x37: {  	[smem:$0x3FA9] =	sst s10  }
0x38: {  	s10 =	sld [smem:$0x3FAA]  }
0x39: {  	_ = 	snop;
	(pc) =	sbr.ind lr, $3  }
0x3a: {  	_ = 	snop  }
0x3b: {  	_ = 	snop  }
0x3c: {  	p2 =	seq.s32 s10, $0x1;
	s10 =	sld [smem:$0x3FA9]  }
0x3d: {  	_ =	shalt  }
0x3e: {  	_ =	shalt  }
0x3f: {  	_ =	shalt  }
0x40: {  	_ =	shalt  }
0x41: {  	_ =	shalt  }
0x42: {  	_ =	shalt  }
0x43: {  	_ =	shalt  }
0x44: {  	_ =	shalt  }
0x45: {  	_ =	shalt  }
0x46: {  	_ =	shalt  }
0x47: {  	_ =	shalt  }
0x48: {  	_ =	shalt  }
0x49: {  	_ =	shalt  }
0x4a: {  	_ =	shalt  }
0x4b: {  	_ =	shalt  }
0x4c: {  	_ =	shalt  }
0x4d: {  	_ =	shalt  }
0x4e: {  	_ =	shalt  }
0x4f: {  	_ =	shalt  }
0x50: {  	_ =	shalt  }
0x51: {  	_ =	shalt  }
0x52: {  	_ =	shalt  }
0x53: {  	_ =	shalt  }
0x54: {  	_ =	shalt  }
0x55: {  	_ =	shalt  }
0x56: {  	_ =	shalt  }
0x57: {  	_ =	shalt  }
0x58: {  	_ =	shalt  }
0x59: {  	_ =	shalt  }
0x5a: {  	_ =	shalt  }
0x5b: {  	_ =	shalt  }
0x5c: {  	_ =	shalt  }
0x5d: {  	_ =	shalt  }
0x5e: {  	_ =	shalt  }
0x5f: {  	_ =	shalt  }
0x60: {  	_ =	shalt  }
0x61: {  	_ =	shalt  }
0x62: {  	_ =	shalt  }
0x63: {  	_ =	shalt  }
0x64: {  	_ =	shalt  }
0x65: {  	_ =	shalt  }
0x66: {  	_ =	shalt  }
0x67: {  	_ =	shalt  }
0x68: {  	_ =	shalt  }
0x69: {  	_ =	shalt  }
0x6a: {  	_ =	shalt  }
0x6b: {  	_ =	shalt  }
0x6c: {  	_ =	shalt  }
0x6d: {  	_ =	shalt  }
0x6e: {  	_ =	shalt  }
0x6f: {  	_ =	shalt  }
0x70: {  	_ =	shalt  }
0x71: {  	_ =	shalt  }
0x72: {  	_ =	shalt  }
0x73: {  	_ =	shalt  }
0x74: {  	_ =	shalt  }
0x75: {  	_ =	shalt  }
0x76: {  	_ =	shalt  }
0x77: {  	_ =	shalt  }
0x78: {  	_ =	shalt  }
0x79: {  	_ =	shalt  }
0x7a: {  	_ =	shalt  }
0x7b: {  	_ =	shalt  }
0x7c: {  	_ =	shalt  }
0x7d: {  	_ =	shalt  }
0x7e: {  	_ =	shalt  }
0x7f: {  	_ =	shalt  }
0x80: {  	_ =	shalt  }
0x81: {  	_ =	shalt  }
0x82: {  	_ =	shalt  }
0x83: {  	_ =	shalt  }
0x84: {  	_ =	shalt  }
0x85: {  	_ =	shalt  }
0x86: {  	_ =	shalt  }
0x87: {  	_ =	shalt  }
.Lfunc_end0:
.L_simem_size_0:
called_computation_lowered:
.L_overlay_start_0:
0x88: {  	s2 =	sld [smem:$0x3FD9]  }
0x89: {  	s3 =	sld [smem:$0x3FFE];
	_ =	sdelay $0x1  }
0x8a: {  	s1 =	srdreg.scid  }
0x8b: {  	s0 =	sand.u32 $0x1, s1  }
0x8c: {  	s17 =	sshll.u32 s0, $0xA;
	s2 =	sadd.s32 s3, s2  }
0x8d: {  	s2 =	sadd.s32 s2, s17  }
0x8e: {  	[smem:$0x3FB5] =	sst s2  }
0x8f: {  	_ = 	snop  }
0x90: {  	s2 =	sld [smem:$0x3FC9];
	(tm) =	ssettm $0x1  }
0x91: {  	s18 =	sld [smem:$0x3FFB];
	_ =	sdelay $0x3  }
0x92: {  	_ =	strace s18  }
0x93: {  	s3 =	sld [smem:$0x3FFC];
	_ =	sdelay $0x3  }
0x94: {  	_ =	strace s3  }
0x95: {  	s3 =	sld [smem:$0x3FFD];
	_ =	sdelay $0x3  }
0x96: {  	_ =	strace s3  }
0x97: {  	_ =	strace $0x8FFFFFFF  }
0x98: {  	s19 =	sld [smem:$0x3FDB];
	_ =	sdelay $0x1  }
0x99: {  	s4 =	simm.s32 $_scs_section_size  }
0x9a: {  	s5 =	simm.s32 $_size__tile_overlayer_lowered;
	s6 =	simm.s32 $_tile_overlayer_lowered  }
0x9b: {  	s22 =	simm.s32 $0x1BFF;
	s21 =	sshll.u32 s6, $0x1;
	s3 =	sadd.s32 s4, s19  }
0x9c: {  	s7 =	simm.s32 $0x0;
	s20 =	sshll.u32 s5, $0x1;
	s5 =	sadd.s32 s21, s3  }
0x9d: {  	[timem:s7], [sflag:s22] =	dma.local [hbm:s5], s20  }
0x9e: {  	_ =	swait.ge [sflag:s22], s20  }
0x9f: {  	s4 =	ssub.s32 $0x0, s20;
	[sflag:s22] =	ssyncset.done $0x0  }
0xa0: {  	[sflag:s22] =	ssyncadd.s32 s4;
	_ =	sdelay $0x1  }
0xa1: {  	s23 =	simm.s32 $0x1B8B  }
0xa2: {  	_ =	swait.ge [sflag:s23], $0x1  }
0xa3: {  	[sflag:s23] =	ssyncset.done $0x0  }
0xa4: {  	s25 =	simm.s32 $0x1B8E;
	s24 =	sld [smem:$0x3FFE];
	[sflag:s23] =	ssyncadd.s32 $0xFFFFFFFF  }
0xa5: {  	s26 =	simm.s32 $execute0_lowered;
	[smem:$0x3FD2] =	sst s25  }
0xa6: {  	s5 =	sshll.u32 s26, $0x1;
	_ =	strace $0x80000046;
	[dreg:$0x1] =	wrdreg $0xFFFFFFFF  }
0xa7: {  	s28 =	simm.s32 $_size_execute0_lowered;
	s3 =	sadd.s32 s3, s5;
	[dreg:$0x0] =	wrdreg $0x0  }
0xa8: {  	s5 =	sshll.u32 s28, $0x1;
	[dreg:$0x2] =	wrdreg s3  }
0xa9: {  	[dreg:$0x3] =	wrdreg s5  }
0xaa: {  	[dreg:$0x4] =	wrdreg $0xC0  }
0xab: {  	_ =	task [dreg:s7], $0x5FFFF  }
0xac: {  	[dreg:$0x1] =	wrdreg $0xFFFFFFFF  }
0xad: {  	[dreg:$0x0] =	wrdreg $0x60  }
0xae: {  	[dreg:$0x2] =	wrdreg s24  }
0xaf: {  	[dreg:$0x3] =	wrdreg s2  }
0xb0: {  	[dreg:$0x4] =	wrdreg $0x65E00  }
0xb1: {  	[dreg:$0x5] =	wrdreg $0x19E600  }
0xb2: {  	[dreg:$0x6] =	wrdreg $0x9  }
0xb3: {  	_ =	task.clear_ibuf [dreg:s7], $0x7FFFF;
	_ =	strace $0x90000046  }
0xb4: {  	s29 =	simm.s32 $0x9;
	_ =	strace $0x80000048  }
0xb5: {  	_ =	swait.ge [sflag:s29], $0x1  }
0xb6: {  	[sflag:s29] =	ssyncadd.s32 $0xFFFFFFFF  }
0xb7: {  	_ =	strace $0x90000048  }
0xb8: {  	_ =	sfence  }
0xb9: {  	s30 =	sld [smem:$0x0];
	_ =	sdelay $0x2  }
0xba: {  	s31 =	sshll.u32 s1, $0xD;
	s1 =	sshrl.u32 s1, $0x2  }
0xbb: {  	s3 =	sand.u32 $0x4000, s31;
	s1 =	sadd.s32 s1, s30  }
0xbc: {  	s0 =	sor.u32 s3, s0;
	s1 =	sshll.u32 s1, $0x11  }
0xbd: {  	s0 =	sor.u32 s1, s0  }
0xbe: {  	s0 =	sadd.s32 $0x8F2B, s0  }
0xbf: {  	[sflag:s0] =	ssyncadd.remote.s32 $0x1  }
0xc0: {  	_ =	sfence.sel $0xFFFF  }
0xc1: {  	[dreg:$0x0] =	wrdreg $0xFFFFFFFF;
	(pc) =	sbr.abs _section_cstart, $3  }
0xc2: {  	[dreg:$0x1] =	wrdreg $0xFFFFFFFF  }
0xc3: {  	_ =	task.clear_ibuf [dreg:s7], $0x2FFFF;
	_ =	strace $0x9FFFFFFF  }
0xc4: {  	(tm) =	ssettm $0x7FFFFFFF  }
0xc5: {  	_ =	shalt  }
tec
execute0_lowered:
.L_overlay_start_1:
0x0: {  	(tag) =	ssettag $0x1  }
0x1: {  	s0 =	rddreg [dreg:$0x0]  }
0x2: {  	s1 =	rddreg [dreg:$0x1]  }
0x3: {  	s3 =	rddreg [dreg:$0x2]  }
0x4: {  	s4 =	rddreg [dreg:$0x3]  }
0x5: {  	s5 =	simm.s32 $0x0;
	s18 =	stileid.u32;
	s10 =	srdreg.scid  }
0x6: {  	s29 =	simm.s32 $0x4;
	s31 =	simm.s32 $0x1;
	s30 =	simm.s32 $0x3  }
0x7: {  	[smem:$0x7FF] =	sst s5;
	s2 =	smul.u32 $0x13800, s18;
	s6 =	sadd.s32 $0x3A00, s0  }
0x8: {  	s9 =	smul.u32 $0x4E00, s18;
	s7 =	sadd.s32 $0x4F9400, s0;
	s10 =	sand.u32 $0x1, s10  }
0x9: {  	s13 =	sshll.u32 s18, $0x1;
	s14 =	sadd.s32 $0x5BE00, s0;
	s16 =	sadd.s32 $0x48400, s0  }
0xa: {  	s22 =	sshll.u32 s18, $0x6;
	s25 =	sadd.s32 $0x138000, s3;
	s26 =	sadd.s32 $0x3E400, s0  }
0xb: {  	s28 =	sadd.s32 $0x4E000, s4;
	_ =	strace $0x80000047;
	[dreg:$0x9] =	wrdreg s25  }
0xc: {  	p0 =	sne.s32 s18, $0xF;
	s21 =	ssub.s32 $0x2, s10;
	[dreg:$0xa] =	wrdreg s26  }
0xd: {  	s13 =	sor.u32 s10, s13;
	s24 =	smul.u32 $0x138800, s10;
	[dreg:$0xb] =	wrdreg s28  }
0xe: {  	s10 =	smul.u32 $0x4E200, s10;
	s8 =	sshrl.u32 s2, $0x3;
	s20 =	sshrl.u32 s9, $0x3  }
0xf: {  	s15 =	sshrl.u32 s21, $0x1;
	s17 =	sadd.s32 s2, s3;
	s23 =	sadd.s32 s9, s4  }
0x10: {  	s11 =	sadd.s32 s8, s0;
	s12 =	sadd.s32 s20, s0;
	[dreg:$0x5] =	wrdreg s17  }
0x11: {  	s15 =	ssub.s32 s21, s15;
	s8 =	smul.u32 $0x2710, s13;
	[dreg:$0x7] =	wrdreg s23  }
0x12: {  	s2 =	sadd.s32 s2, s24;
	s0 =	sadd.s32 $0x48200, s0;
	s20 =	sshrl.u32 s24, $0x3  }
0x13: {  	s21 =	sadd.s32 s9, s10;
	s23 =	smul.u32 $0x4E20, s13;
	s24 =	sshrl.u32 s10, $0x3  }
0x14: {  	s11 =	sadd.s32 $0x17400, s11;
	s12 =	sadd.s32 $0x3E600, s12;
	[dreg:$0xc] =	wrdreg s0  }
0x15: {  	s19 =	sshrl.u32 s2, $0x3;
	s2 =	sadd.s32 s14, s20;
	[dreg:$0x6] =	wrdreg s11  }
0x16: {  	s25 =	smax.u32 s15, $0x1;
	s11 =	sor.u32 $0x1C04, s22;
	[dreg:$0x8] =	wrdreg s12  }
0x17: {  	s0 =	sadd.s32 s14, s19;
	s22 =	sshrl.u32 s8, $0x3;
	[dreg:$0x12] =	wrdreg s25  }
0x18: {  	s2 =	sadd.s32 $0x27000, s2;
	[dreg:$0xd] =	wrdreg s0;
	s0 =	sshrl.u32 s21, $0x3  }
0x19: {  	s19 =	sadd.s32 s6, s22;
	[dreg:$0x10] =	wrdreg s2;
	s0 =	sadd.s32 s16, s0  }
.Ltmp0:
0x1a: {  	s9 =	sadd.s32 $0x9C40, s19;
	[dreg:$0xe] =	wrdreg s0;
	(pc) =	sbr.rel .LBB2_1-.Ltmp0, $4  }
0x1b: {  	s22 =	sadd.s32 s7, s23;
	s26 =	sadd.s32 $0xA, s19;
	[dreg:$0xf] =	wrdreg s9  }
0x1c: {  	s28 =	sadd.s32 $0x9C4A, s19;
	s0 =	sadd.s32 s16, s24;
	[dreg:$0x13] =	wrdreg s26  }
0x1d: {  	s2 =	simm.s32 $0x2;
	[dreg:$0x14] =	wrdreg s28;
	s0 =	sadd.s32 $0x9C00, s0  }
0x1e: {  	v0 =	vimm.f32 $1.000000000e+00;
	s9 =	simm.s32 $0x0;
	[dreg:$0x11] =	wrdreg s0;
	s0 =	simm.s32 $0x50  }
.LBB2_11:
0x1f: {  	_ =	swait.ge [sflag:s30], $0x2800  }
0x20: {  	[sflag:s30] =	ssyncset.done $0x0  }
0x21: {  	[sflag:s30] =	ssyncadd.s32 $0xFFFFD800  }
0x22: {  	_ =	swait.ge [sflag:s30], $0xA00  }
0x23: {  	[sflag:s30] =	ssyncset.done $0x0  }
0x24: {  	[sflag:s30] =	ssyncadd.s32 $0xFFFFF600  }
0x25: {  	[bflag:$0x0] =	sbarrier.arrive $0xFFFF  }
0x26: {  	s15 =	rddreg [dreg:$0xd]  }
0x27: {  	[hbm:s15], [sflag:s11] =	dma.local [spmem:s10], $0x2700  }
0x28: {  	_ =	swait.ge [sflag:s29], $0x2700  }
0x29: {  	[sflag:s29] =	ssyncset.done $0x0  }
0x2a: {  	s26 =	rddreg [dreg:$0xe];
	[sflag:s29] =	ssyncadd.s32 $0xFFFFD900  }
0x2b: {  	[hbm:s26], [sflag:s11] =	dma.local [spmem:s12], $0x9C0  }
0x2c: {  	_ =	swait.ge [sflag:s29], $0x9C0  }
0x2d: {  	[sflag:s29] =	ssyncset.done $0x0  }
0x2e: {  	s10 =	rddreg [dreg:$0x10];
	[sflag:s29] =	ssyncadd.s32 $0xFFFFF640  }
0x2f: {  	[hbm:s10], [sflag:s11] =	dma.local @!p0 [spmem:s13], $0x100  }
0x30: {  	s10 =	simm.s32 @!p0 $0x4  }
0x31: {  	_ =	swait.ge @!p0 [sflag:s10], $0x100  }
0x32: {  	[sflag:s10] =	ssyncset.done @!p0 $0x0  }
0x33: {  	s12 =	rddreg [dreg:$0x11];
	[sflag:s10] =	ssyncadd.s32 @!p0 $0xFFFFFF00  }
0x34: {  	[hbm:s12], [sflag:s11] =	dma.local @!p0 [spmem:s14], $0x40  }
0x35: {  	_ =	swait.ge @!p0 [sflag:s10], $0x40  }
0x36: {  	s9 =	sadd.s32 $0x1, s9;
	s28 =	rddreg [dreg:$0x12]  }
0x37: {  	p1 =	sne.s32 s9, s28  }
.Ltmp1:
0x38: {  	_ = 	snop;
	(pc) =	sbr.rel @!p1 .LBB2_12-.Ltmp1, $3  }
0x39: {  	_ =	sdelay $0x1  }
0x3a: {  	[sflag:s10] =	ssyncset.done @!p0 $0x0  }
0x3b: {  	[sflag:s10] =	ssyncadd.s32 @!p0 $0xFFFFFFC0  }
.LBB2_1:
0x3c: {  	s10 =	simm.s32 $0x80;
	s12 =	simm.s32 $0x0  }
.LBB2_2:
0x3d: {  	p1 =	sne.s32 s10, $0x2780;
	[tilespmem:s12+$0x51F0] =	vst v0;
	s13 =	smov.u32 s10;
	s10 =	sadd.s32 $0x80, s10  }
.Ltmp2:
0x3e: {  	[tilespmem:s12+$0x5BF0] =	vst v0;
	(pc) =	sbr.rel @p1 .LBB2_2-.Ltmp2, $2  }
0x3f: {  	_ =	sdelay $0x2  }
0x40: {  	s12 =	sshra.s32 s13, $0x2  }
0x41: {  	[tilespmem:s12+$0x51F0] =	vst v0;
	s10 =	rddreg [dreg:$0x5]  }
0x42: {  	[tilespmem:s12+$0x5BF0] =	vst v0;
	s23 =	rddreg [dreg:$0x6];
	s10 =	sshrl.u32 s10, $0x3  }
0x43: {  	[spmem:s10], [sflag:s11] =	dma.local [hbm:s23], $0x2700  }
0x44: {  	_ =	swait.ge [sflag:s29], $0x2700  }
0x45: {  	[sflag:s29] =	ssyncset.done $0x0;
	s24 =	rddreg [dreg:$0x7]  }
0x46: {  	s13 =	rddreg [dreg:$0x8];
	[sflag:s29] =	ssyncadd.s32 $0xFFFFD900;
	s12 =	sshrl.u32 s24, $0x3  }
0x47: {  	[spmem:s12], [sflag:s11] =	dma.local [hbm:s13], $0x9C0  }
0x48: {  	_ =	swait.ge [sflag:s29], $0x9C0  }
0x49: {  	s15 =	simm.s32 @!p0 $0x4;
	[sflag:s29] =	ssyncset.done $0x0;
	s13 =	rddreg [dreg:$0x9]  }
0x4a: {  	s14 =	rddreg [dreg:$0xa];
	[sflag:s29] =	ssyncadd.s32 $0xFFFFF640;
	s13 =	sshrl.u32 @!p0 s13, $0x3  }
0x4b: {  	[spmem:s13], [sflag:s11] =	dma.local @!p0 [hbm:s14], $0x100  }
0x4c: {  	_ =	swait.ge @!p0 [sflag:s15], $0x100  }
0x4d: {  	[sflag:s15] =	ssyncset.done @!p0 $0x0;
	s14 =	rddreg [dreg:$0xb]  }
0x4e: {  	s16 =	rddreg [dreg:$0xc];
	[sflag:s15] =	ssyncadd.s32 @!p0 $0xFFFFFF00;
	s14 =	sshrl.u32 @!p0 s14, $0x3  }
0x4f: {  	[spmem:s14], [sflag:s11] =	dma.local @!p0 [hbm:s16], $0x40  }
0x50: {  	_ =	swait.ge @!p0 [sflag:s15], $0x40  }
0x51: {  	[sflag:s15] =	ssyncset.done @!p0 $0x0  }
0x52: {  	[sflag:s15] =	ssyncadd.s32 @!p0 $0xFFFFFFC0  }
0x53: {  	s25 =	simm.s32 $0x0;
	[bflag:$0x0] =	sbarrier.arrive $0xFFFF  }
0x54: {  	[tilespmem:s25], [sflag:$0x1] =	stream.linear.gather [hbm4b:s19+s25], $0x50, $0x38;
	[tilespmem:$0x1EC80] =	vst v63  }
0x55: {  	s17 =	simm.s32 $0xF0;
	s26 =	rddreg [dreg:$0xf]  }
0x56: {  	[tilespmem:s17], [sflag:$0x1] =	stream.linear.gather [hbm4b:s26+s25], $0x50, $0x38;
	[tilespmem:$0x1EC80] =	vst v63  }
0x57: {  	_ =	swait.ge [sflag:s31], $0x50  }
0x58: {  	[sflag:s31] =	ssyncset.done $0x0  }
0x59: {  	[sflag:s31] =	ssyncadd.s32 $0xFFFFFFB0  }
0x5a: {  	s28 =	simm.s32 $0x1E0;
	_ =	swait.ge [sflag:s31], $0x50  }
0x5b: {  	s18 =	sadd.s32 $0x0, s22;
	s16 =	simm.s32 $0x2;
	[sflag:s31] =	ssyncset.done $0x0  }
0x5c: {  	s15 =	simm.s32 $0x51E0;
	s17 =	simm.s32 $0x5200;
	[sflag:s31] =	ssyncadd.s32 $0xFFFFFFB0  }
0x5d: {  	[tilespmem:s28], [sflag:$0x2] =	stream.indirect.gather [hbm4b:s1+s0], $0x80, s25, s0, $0xb8;
	[tilespmem:$0x1EC80] =	vst v63  }
.LBB2_4:
0x5e: {  	[tilespmem:s15], [sflag:$0x2] =	stream.linear.gather [hbm4b:s18+s5], $0x10, $0x38;
	[tilespmem:$0x1EC80] =	vst v63  }
0x5f: {  	s18 =	smov.u32 s16;
	s15 =	smov.u32 s17;
	p1 =	sne.s32 s16, $0x9E  }
.Ltmp3:
0x60: {  	s16 =	sadd.s32 $0x2, s16;
	(pc) =	sbr.rel @p1 .LBB2_4-.Ltmp3, $2  }
0x61: {  	_ =	sdelay $0x2  }
0x62: {  	s17 =	sadd.s32 $0x20, s17;
	s18 =	sadd.s32 s18, s22  }
0x63: {  	[tilespmem:s15], [sflag:$0x2] =	stream.linear.gather [hbm4b:s18+s5], $0x10, $0x38;
	[tilespmem:$0x1EC80] =	vst v63  }
.Ltmp4:
0x64: {  	_ = 	snop;
	(pc) =	sbr.rel .LBB2_6-.Ltmp4, $4  }
0x65: {  	s15 =	simm.s32 $0x0;
	s16 =	rddreg [dreg:$0x13]  }
0x66: {  	[tilespmem:s0], [sflag:$0x1] =	stream.linear.gather [hbm4b:s16+s15], $0x50, $0x38;
	[tilespmem:$0x1EC80] =	vst v63  }
0x67: {  	s28 =	rddreg [dreg:$0x14];
	s17 =	simm.s32 $0x140;
	p1 =	por $0x1, $0x1  }
0x68: {  	[tilespmem:s17], [sflag:$0x1] =	stream.linear.gather [hbm4b:s28+s15], $0x50, $0x38;
	[tilespmem:$0x1EC80] =	vst v63  }
.LBB2_10:
0x69: {  	s18 =	sshrl.u32 s18, $0x9  }
0x6a: {  	s18 =	sand.u32 $0x7F, s18  }
0x6b: {  	s18 =	smul.u32 $0x3, s18;
	_ =	sdelay $0x1  }
0x6c: {  	s26 =	smul.u32 $0xA000, s17;
	s15 =	ssub.s32 s15, s18  }
0x6d: {  	s28 =	smul.u32 $0x2800, s17;
	s15 =	sand.u32 $0xFF, s15  }
0x6e: {  	s15 =	smul.u32 $0x140, s15  }
0x6f: {  	p2 =	sne.s32 s16, $0x7D  }
0x70: {  	s17 =	sshrl.u32 s28, $0x2;
	s18 =	sshrl.u32 s26, $0x2;
	s15 =	sshrl.u32 s15, $0x2  }
.Ltmp5:
0x71: {  	s18 =	sor.u32 $0x1E0, s18;
	s15 =	sadd.s32 $0xF0, s15;
	(pc) =	sbr.rel @!p2 .LBB2_11-.Ltmp5, $4  }
0x72: {  	[spmem:s3] =	stream.indirect.scatter.add.f32 [tilespmem:s18], [sflag:$0x3], $0x80, s15, s0, $0xb8;
	[tilespmem:$0x1EC80] =	vst v63  }
0x73: {  	s17 =	sor.u32 $0x51E0, s17  }
0x74: {  	[spmem:s4] =	stream.indirect.scatter.add.f32 [tilespmem:s17], [sflag:$0x3], $0x20, s15, s0, $0xb8;
	[tilespmem:$0x1EC80] =	vst v63  }
0x75: {  	p1 =	por !p1, !p1;
	s15 =	smov.u32 s16  }
.LBB2_6:
0x76: {  	p2 =	seq.s32 s15, $0x0  }
0x77: {  	s16 =	simm.s32 @!p2 $0x3  }
0x78: {  	_ =	swait.ge @!p2 [sflag:s16], $0x2800  }
0x79: {  	[sflag:s16] =	ssyncset.done @!p2 $0x0  }
0x7a: {  	[sflag:s16] =	ssyncadd.s32 @!p2 $0xFFFFD800  }
0x7b: {  	_ =	swait.ge @!p2 [sflag:s16], $0xA00  }
0x7c: {  	[sflag:s16] =	ssyncset.done @!p2 $0x0  }
0x7d: {  	[sflag:s16] =	ssyncadd.s32 @!p2 $0xFFFFF600  }
0x7e: {  	p2 =	seq.s32 s15, $0x7C;
	_ =	swait.ge [sflag:s2], $0x2800  }
.Ltmp6:
0x7f: {  	[sflag:s2] =	ssyncset.done $0x0;
	(pc) =	sbr.rel @p2 .LBB2_10-.Ltmp6, $4  }
0x80: {  	[sflag:s2] =	ssyncadd.s32 $0xFFFFD800  }
0x81: {  	_ =	swait.ge [sflag:s2], $0x500  }
0x82: {  	s18 =	smul.u32 $0xAB, s15;
	[sflag:s2] =	ssyncset.done $0x0  }
0x83: {  	s17 =	sand.u32 $0x1, s15;
	s16 =	sadd.s32 $0x1, s15;
	[sflag:s2] =	ssyncadd.s32 $0xFFFFFB00  }
0x84: {  	s20 =	sadd.s32 $0xAB, s18  }
0x85: {  	s20 =	sshrl.u32 s20, $0x9  }
0x86: {  	s20 =	sand.u32 $0x7F, s20  }
0x87: {  	s21 =	simm.s32 $0x1;
	s20 =	smul.u32 $0x3, s20  }
0x88: {  	_ =	swait.ge [sflag:s31], $0x50;
	s23 =	sxor.u32 $0x1, s17;
	s24 =	sadd.s32 $0x156, s18  }
0x89: {  	s25 =	smul.u32 $0x50, s16;
	[sflag:s31] =	ssyncset.done $0x0;
	s20 =	ssub.s32 s16, s20  }
0x8a: {  	s23 =	smul.u32 $0xA000, s23;
	[sflag:s31] =	ssyncadd.s32 $0xFFFFFFB0;
	s20 =	sand.u32 $0xFF, s20  }
0x8b: {  	s21 =	simm.s32 @!p1 $0x0;
	_ =	swait.ge [sflag:s31], $0x50;
	s20 =	smul.u32 $0x140, s20  }
0x8c: {  	s24 =	sshrl.u32 s24, $0x9;
	s23 =	sshrl.u32 s23, $0x2;
	[sflag:s31] =	ssyncset.done $0x0  }
0x8d: {  	s23 =	sor.u32 $0x1E0, s23;
	[sflag:s31] =	ssyncadd.s32 $0xFFFFFFB0;
	s20 =	sshrl.u32 s20, $0x2  }
0x8e: {  	[tilespmem:s23], [sflag:$0x2] =	stream.indirect.gather [hbm4b:s1+s0], $0x80, s20, s0, $0xb8;
	[tilespmem:$0x1EC80] =	vst v63  }
0x8f: {  	s26 =	smul.u32 $0x2800, s21;
	s23 =	sand.u32 $0x7F, s24;
	s24 =	sadd.s32 s8, s25  }
0x90: {  	s21 =	smul.u32 $0x3, s23;
	s23 =	sshll.u32 s24, $0x1  }
0x91: {  	s25 =	sshrl.u32 s26, $0x2;
	s20 =	sadd.s32 $0x2, s15;
	s26 =	sand.u32 $0x1FFFFFE0, s23  }
0x92: {  	s23 =	sor.u32 $0x51E0, s25;
	s25 =	simm.s32 $0x2;
	s24 =	sadd.s32 s7, s26  }
0x93: {  	s21 =	ssub.s32 s20, s21;
	s26 =	sadd.s32 $0x20, s23;
	s28 =	sadd.s32 $0x0, s24  }
.LBB2_8:
0x94: {  	[tilespmem:s23], [sflag:$0x2] =	stream.linear.gather [hbm4b:s28+s5], $0x10, $0x38;
	[tilespmem:$0x1EC80] =	vst v63  }
0x95: {  	s28 =	smov.u32 s25;
	s23 =	smov.u32 s26;
	p2 =	sne.s32 s25, $0x9E  }
.Ltmp7:
0x96: {  	s25 =	sadd.s32 $0x2, s25;
	(pc) =	sbr.rel @p2 .LBB2_8-.Ltmp7, $2  }
0x97: {  	_ =	sdelay $0x2  }
0x98: {  	s26 =	sadd.s32 $0x20, s26;
	s28 =	sadd.s32 s28, s24  }
0x99: {  	p2 =	sgt.u32 s15, $0x7A  }
0x9a: {  	s20 =	smul.u32 @!p2 $0x50, s20  }
0x9b: {  	[tilespmem:s23], [sflag:$0x2] =	stream.linear.gather [hbm4b:s28+s5], $0x10, $0x38;
	[tilespmem:$0x1EC80] =	vst v63  }
0x9c: {  	s21 =	smul.u32 @!p2 $0x50, s21;
	s20 =	sadd.s32 @!p2 s8, s20  }
.Ltmp8:
0x9d: {  	s20 =	sshrl.u32 @!p2 s20, $0x3;
	(pc) =	sbr.rel .LBB2_10-.Ltmp8, $4  }
0x9e: {  	s23 =	simm.s32 @!p2 $0x0;
	s21 =	sand.u32 @!p2 $0xF0, s21;
	s20 =	sadd.s32 @!p2 s6, s20  }
0x9f: {  	[tilespmem:s21], [sflag:$0x1] =	stream.linear.gather @!p2 [hbm4b:s20+s23], $0x50, $0x38;
	[tilespmem:$0x1EC80] =	vst v63  }
0xa0: {  	s21 =	sadd.s32 @!p2 $0xF0, s21;
	s20 =	sadd.s32 @!p2 $0x9C40, s20  }
0xa1: {  	[tilespmem:s21], [sflag:$0x1] =	stream.linear.gather @!p2 [hbm4b:s20+s23], $0x50, $0x38;
	[tilespmem:$0x1EC80] =	vst v63  }
.LBB2_12:
0xa2: {  	_ =	sfence.sel $0x180000  }
0xa3: {  	[bflag:$0x0] =	sbarrier.arrive $0xFFFF  }
0xa4: {  	_ =	strace $0x90000047  }
0xa5: {  	s0 =	stileid.u32;
	[bflag:$0x2] =	sbarrier.arrive $0xFFFF  }
0xa6: {  	p0 =	sne.s32 s0, $0x0;
	s0 =	rddreg [dreg:$0x4]  }
0xa7: {  	s0 =	sadd.s32 @!p0 $0x100000, s0  }
0xa8: {  	[sflag:s0] =	ssyncadd.tile.s32 @!p0 $0x1;
	_ =	shalt  }
.Lfunc_end2:
_tile_overlayer_lowered:
.L_overlay_start_2:
0xa9: {  	(tag) =	ssettag $0x2  }
0xaa: {  	s0 =	rddreg [dreg:$0x0];
	s2 =	stileid.u32  }
0xab: {  	s1 =	rddreg [dreg:$0x1];
	p0 =	sne.s32 s2, $0x0  }
0xac: {  	s3 =	rddreg [dreg:$0x2];
	[bflag:$0x3] =	sbarrier.arrive $0xFFFF;
	s2 =	simm.s32 @!p0 $0x1C04  }
0xad: {  	[timem:s3], [sflag:s2] =	dma.local @!p0 [hbm:s0], s1  }
0xae: {  	s0 =	simm.s32 @!p0 $0x4  }
0xaf: {  	_ =	swait.ge @!p0 [sflag:s0], s1  }
0xb0: {  	s1 =	ssub.s32 @!p0 $0x0, s1;
	[sflag:s0] =	ssyncset.done @!p0 $0x0  }
0xb1: {  	[sflag:s0] =	ssyncadd.s32 @!p0 s1  }
0xb2: {  	[bflag:$0x3] =	sbarrier.arrive $0xFFFF  }
0xb3: {  	_ =	shalt  }

</sc_bundles>
